<compile_context>
chip_gen: v7x
topology: tpu7x:2x2x1
jax: 0.10.2.dev20260603
libtpu: 0.0.44.dev20260713+nightly
codegen_flags: <defaults>
</compile_context>

<pallas_src>
import functools

import jax
import jax.numpy as jnp
from jax import lax
from jax.experimental import pallas as pl
from jax.experimental.pallas import tpu as pltpu
from jax.experimental.pallas import tpu_sc as plsc

NC = 2
NS = 16
LANES = 16

V = 10000
D = 128
E = 320000
NW = NC * NS
EPW = E // NW
CHUNK = 40
CHUNKS = EPW // CHUNK
NBUF = 4
NIDX = 8
VP = 10240
ROWS_PER_SUB = VP // NS


def _rspmm_body(xs, zs, eitf, zinit, out, acc, *scr):
    xr = scr[0:NBUF]
    zr = scr[NBUF:2 * NBUF]
    dstb = scr[2 * NBUF:2 * NBUF + NIDX]
    relb = scr[2 * NBUF + NIDX:2 * NBUF + 2 * NIDX]
    srcb = scr[2 * NBUF + 2 * NIDX:2 * NBUF + 3 * NIDX]
    base_s = 2 * NBUF + 3 * NIDX
    semg = scr[base_s:base_s + NBUF]
    sems = scr[base_s + NBUF:base_s + 2 * NBUF]
    semi = scr[base_s + 2 * NBUF:base_s + 2 * NBUF + NIDX]

    c = lax.axis_index("c")
    s = lax.axis_index("s")
    wid = c * NS + s
    base = wid * EPW

    pltpu.sync_copy(zinit, acc.at[pl.ds(s * ROWS_PER_SUB, ROWS_PER_SUB)])
    plsc.subcore_barrier()

    def start_idx(j, q):
        off = base + j * CHUNK
        pltpu.async_copy(eitf.at[pl.ds(off, CHUNK)], dstb[q], semi[q])
        pltpu.async_copy(eitf.at[pl.ds(E + off, CHUNK)], relb[q], semi[q])
        pltpu.async_copy(eitf.at[pl.ds(2 * E + off, CHUNK)], srcb[q], semi[q])

    def wait_idx(q):
        pltpu.make_async_copy(eitf.at[pl.ds(0, CHUNK)], dstb[q], semi[q]).wait()
        pltpu.make_async_copy(eitf.at[pl.ds(0, CHUNK)], relb[q], semi[q]).wait()
        pltpu.make_async_copy(eitf.at[pl.ds(0, CHUNK)], srcb[q], semi[q]).wait()

    def start_gather(q, r):
        pltpu.async_copy(xs.at[srcb[q]], xr[r], semg[r])
        pltpu.async_copy(zs.at[relb[q]], zr[r], semg[r])

    def wait_gather(q, r):
        pltpu.make_async_copy(xs.at[srcb[q]], xr[r], semg[r]).wait()
        pltpu.make_async_copy(zs.at[relb[q]], zr[r], semg[r]).wait()

    for j in range(NIDX - 1):
        start_idx(j, j)
    for j in range(NBUF - 1):
        wait_idx(j)
        start_gather(j, j)

    def emit_iter(j, u):
        r = u % NBUF
        q = u % NIDX

        @pl.when(j < CHUNKS)
        def _steady():
            wait_gather(q, r)

            @plsc.parallel_loop(0, CHUNK, unroll=2)
            def mul_row(rr):
                sls = [pl.ds(jj * LANES, LANES) for jj in range(D // LANES)]
                xvs = [xr[r][rr, sl] for sl in sls]
                zvs = [zr[r][rr, sl] for sl in sls]
                prods = [a * b for a, b in zip(xvs, zvs)]
                for sl, p in zip(sls, prods):
                    xr[r][rr, sl] = p
            pltpu.async_copy(xr[r], acc.at[dstb[q]], sems[r], add=True)

        @pl.when(jnp.logical_and(j >= 1, j <= CHUNKS))
        def _drain():
            rp = (u + NBUF - 1) % NBUF
            qp = (u + NIDX - 1) % NIDX
            pltpu.make_async_copy(xr[rp], acc.at[dstb[qp]], sems[rp]).wait()

        @pl.when(j + NIDX - 1 < CHUNKS)
        def _pref_idx():
            start_idx(j + NIDX - 1, (u + NIDX - 1) % NIDX)

        @pl.when(j + NBUF - 1 < CHUNKS)
        def _pref_rows():
            qn = (u + NBUF - 1) % NIDX
            rn = (u + NBUF - 1) % NBUF
            wait_idx(qn)
            start_gather(qn, rn)

    niter = (CHUNKS + 2 * NIDX - 1) // NIDX

    def outer(k, carry):
        for u in range(NIDX):
            emit_iter(k * NIDX + u, u)
        return carry

    lax.fori_loop(0, niter, outer, 0, unroll=False)
    plsc.subcore_barrier()

    pltpu.sync_copy(acc.at[pl.ds(s * ROWS_PER_SUB, ROWS_PER_SUB)],
                    out.at[c, pl.ds(s * ROWS_PER_SUB, ROWS_PER_SUB)])


@functools.cache
def _get_rspmm_sc():
    scratch = (
        [pltpu.VMEM((CHUNK, D), jnp.float32) for _ in range(2 * NBUF)]
        + [pltpu.VMEM((CHUNK,), jnp.int32) for _ in range(3 * NIDX)]
        + [pltpu.SemaphoreType.DMA for _ in range(2 * NBUF + NIDX)]
    )
    return functools.partial(
        pl.kernel,
        out_type=jax.ShapeDtypeStruct((NC, VP, D), jnp.float32),
        mesh=plsc.VectorSubcoreMesh(core_axis_name="c", subcore_axis_name="s",
                                    num_cores=NC, num_subcores=NS),
        scratch_types=[pltpu.VMEM_SHARED((VP, D), jnp.float32)] + scratch,
    )(_rspmm_body)


BLK = 2000


def _dense_body(p0, p1, xb, W1, b1, W2, b2, alpha, lns, lnb, out):
    xv = xb[0]
    h = p0[0] + p1[0] + alpha[...] * xv
    h = lax.dot_general(h, W1[...], (((1,), (1,)), ((), ())),
                        preferred_element_type=jnp.float32) + b1[...]
    h = jnp.maximum(h, 0.0)
    h = lax.dot_general(h, W2[...], (((1,), (1,)), ((), ())),
                        preferred_element_type=jnp.float32) + b2[...]
    mu = jnp.mean(h, axis=-1, keepdims=True)
    hc = h - mu
    var = jnp.mean(hc * hc, axis=-1, keepdims=True)
    hn = hc * lax.rsqrt(var + 1e-5) * lns[...] + lnb[...]
    out[0] = hn + xv


def _dense_tc(partials, x, W1, b1, W2, b2, alpha, lns, lnb):
    full = lambda shape: pl.BlockSpec(shape, lambda i: (0,) * len(shape))
    grid = V // BLK
    return pl.pallas_call(
        _dense_body,
        grid=(grid,),
        in_specs=[
            pl.BlockSpec((1, BLK, D), lambda i: (0, i, 0)),
            pl.BlockSpec((1, BLK, D), lambda i: (1, i, 0)),
            pl.BlockSpec((1, BLK, D), lambda i: (0, i, 0)),
            full((D, D)), full((1, D)), full((D, D)), full((1, D)),
            full((1, D)), full((1, D)), full((1, D)),
        ],
        out_specs=pl.BlockSpec((1, BLK, D), lambda i: (0, i, 0)),
        out_shape=jax.ShapeDtypeStruct((1, V, D), jnp.float32),
    )(partials, partials, x, W1, b1, W2, b2, alpha, lns, lnb)


def kernel(x, z, edge_index, W1, b1, W2, b2, alpha, ln_scale, ln_bias):
    xs = x[0]
    zs = z[0]
    eitf = edge_index.astype(jnp.int32).T.reshape(-1)
    zinit = jnp.zeros((ROWS_PER_SUB, D), jnp.float32)
    partials = _get_rspmm_sc()(xs, zs, eitf, zinit)
    return _dense_tc(partials, x, W1, b1.reshape(1, D), W2, b2.reshape(1, D),
                     alpha, ln_scale.reshape(1, D), ln_bias.reshape(1, D))

# --- scband reference (transcript-rebuilt; emitter-appended) ---
"""Pipeline reference for scband-knowformer-qklayer-15951508537885 (READ-ONLY COPY).

The authoritative reference and input builder live on the scoring server;
editing this copy changes nothing except your own understanding.
"""

import jax, jax.numpy as jnp
import numpy as np

HIDDEN_DIM = 128
N_NODES = 10000
N_REL = 10000
N_EDGES = 320000
BATCH = 1


def setup_inputs(seed: int = 0) -> dict:
    key = jax.random.key(seed)
    ks = jax.random.split(key, 10)
    x = jax.random.normal(ks[0], (BATCH, N_NODES, HIDDEN_DIM), dtype=jnp.float32)
    z = jax.random.normal(ks[1], (BATCH, N_REL, HIDDEN_DIM), dtype=jnp.float32)
    edge_index = jax.random.randint(ks[2], (N_EDGES, 3), 0, N_NODES, dtype=jnp.int64)
    W1 = jax.random.normal(ks[3], (HIDDEN_DIM, HIDDEN_DIM), dtype=jnp.float32) * 0.05
    b1 = jnp.zeros((HIDDEN_DIM,), dtype=jnp.float32)
    W2 = jax.random.normal(ks[4], (HIDDEN_DIM, HIDDEN_DIM), dtype=jnp.float32) * 0.05
    b2 = jnp.zeros((HIDDEN_DIM,), dtype=jnp.float32)
    alpha = jax.random.normal(ks[5], (1, HIDDEN_DIM), dtype=jnp.float32)
    ln_scale = jnp.ones((HIDDEN_DIM,), dtype=jnp.float32)
    ln_bias = jnp.zeros((HIDDEN_DIM,), dtype=jnp.float32)
    return {"x": x, "z": z, "edge_index": edge_index, "W1": W1, "b1": b1,
            "W2": W2, "b2": b2, "alpha": alpha, "ln_scale": ln_scale, "ln_bias": ln_bias}


def _layer_norm(h, scale, bias, eps=1e-5):
    mu = jnp.mean(h, axis=-1, keepdims=True)
    var = jnp.mean((h - mu) ** 2, axis=-1, keepdims=True)
    return (h - mu) / jnp.sqrt(var + eps) * scale + bias


def reference(x, z, edge_index, W1, b1, W2, b2, alpha, ln_scale, ln_bias):
    # x: [b, V, d], z: [b, R, d], edge_index: [E, 3] = (head, relation, tail)
    b, V, d = x.shape
    # split: 'b l d -> l (b d)'
    xs = jnp.transpose(x, (1, 0, 2)).reshape(V, b * d)
    R = z.shape[1]
    zs = jnp.transpose(z, (1, 0, 2)).reshape(R, b * d)
    dst = edge_index[:, 0]
    rel = edge_index[:, 1]
    src = edge_index[:, 2]
    # generalized_rspmm with mul='mul', sum='add', edge_weight = 1:
    # output[dst] += relation[rel] * input[src]
    msg = jnp.take(zs, rel, axis=0) * jnp.take(xs, src, axis=0)  # [E, b*d]
    out = jax.ops.segment_sum(msg, dst, num_segments=V)  # [V, b*d]
    # merge: 'l (b d) -> b l d'
    out = jnp.transpose(out.reshape(V, b, d), (1, 0, 2))
    x_shortcut = x
    h = out + alpha * x
    h = h @ W1.T + b1
    h = jax.nn.relu(h)
    h = h @ W2.T + b2
    h = _layer_norm(h, ln_scale, ln_bias)
    return h + x_shortcut

if __name__ == "__main__":
    import jax
    _d = setup_inputs()
    print(jax.jit(kernel)(*tuple(_d.values())))

</pallas_src>

<mosaic_0001>
#map = affine_map<(d0, d1) -> (0, 0)>
#map1 = affine_map<(d0, d1) -> (0)>
#map2 = affine_map<(d0, d1) -> (0, 0, 0)>
module attributes {stable_mosaic.version = 14 : i64} {
  func.func @_rspmm_body(%arg0: i32, %arg1: i32, %arg2: memref<10000x128xf32, #tpu.memory_space<hbm>>, %arg3: memref<10000x128xf32, #tpu.memory_space<hbm>>, %arg4: memref<960000xi32, #tpu.memory_space<hbm>>, %arg5: memref<640x128xf32, #tpu.memory_space<hbm>>, %arg6: memref<2x10240x128xf32, #tpu.memory_space<hbm>>, %arg7: memref<10240x128xf32, #tpu.memory_space<vmem_shared>>, %arg8: memref<40x128xf32, #tpu.memory_space<vmem>>, %arg9: memref<40x128xf32, #tpu.memory_space<vmem>>, %arg10: memref<40x128xf32, #tpu.memory_space<vmem>>, %arg11: memref<40x128xf32, #tpu.memory_space<vmem>>, %arg12: memref<40x128xf32, #tpu.memory_space<vmem>>, %arg13: memref<40x128xf32, #tpu.memory_space<vmem>>, %arg14: memref<40x128xf32, #tpu.memory_space<vmem>>, %arg15: memref<40x128xf32, #tpu.memory_space<vmem>>, %arg16: memref<40xi32, #tpu.memory_space<vmem>>, %arg17: memref<40xi32, #tpu.memory_space<vmem>>, %arg18: memref<40xi32, #tpu.memory_space<vmem>>, %arg19: memref<40xi32, #tpu.memory_space<vmem>>, %arg20: memref<40xi32, #tpu.memory_space<vmem>>, %arg21: memref<40xi32, #tpu.memory_space<vmem>>, %arg22: memref<40xi32, #tpu.memory_space<vmem>>, %arg23: memref<40xi32, #tpu.memory_space<vmem>>, %arg24: memref<40xi32, #tpu.memory_space<vmem>>, %arg25: memref<40xi32, #tpu.memory_space<vmem>>, %arg26: memref<40xi32, #tpu.memory_space<vmem>>, %arg27: memref<40xi32, #tpu.memory_space<vmem>>, %arg28: memref<40xi32, #tpu.memory_space<vmem>>, %arg29: memref<40xi32, #tpu.memory_space<vmem>>, %arg30: memref<40xi32, #tpu.memory_space<vmem>>, %arg31: memref<40xi32, #tpu.memory_space<vmem>>, %arg32: memref<40xi32, #tpu.memory_space<vmem>>, %arg33: memref<40xi32, #tpu.memory_space<vmem>>, %arg34: memref<40xi32, #tpu.memory_space<vmem>>, %arg35: memref<40xi32, #tpu.memory_space<vmem>>, %arg36: memref<40xi32, #tpu.memory_space<vmem>>, %arg37: memref<40xi32, #tpu.memory_space<vmem>>, %arg38: memref<40xi32, #tpu.memory_space<vmem>>, %arg39: memref<40xi32, #tpu.memory_space<vmem>>, %arg40: memref<!tpu.dma_semaphore, #tpu.memory_space<semaphore_mem>>, %arg41: memref<!tpu.dma_semaphore, #tpu.memory_space<semaphore_mem>>, %arg42: memref<!tpu.dma_semaphore, #tpu.memory_space<semaphore_mem>>, %arg43: memref<!tpu.dma_semaphore, #tpu.memory_space<semaphore_mem>>, %arg44: memref<!tpu.dma_semaphore, #tpu.memory_space<semaphore_mem>>, %arg45: memref<!tpu.dma_semaphore, #tpu.memory_space<semaphore_mem>>, %arg46: memref<!tpu.dma_semaphore, #tpu.memory_space<semaphore_mem>>, %arg47: memref<!tpu.dma_semaphore, #tpu.memory_space<semaphore_mem>>, %arg48: memref<!tpu.dma_semaphore, #tpu.memory_space<semaphore_mem>>, %arg49: memref<!tpu.dma_semaphore, #tpu.memory_space<semaphore_mem>>, %arg50: memref<!tpu.dma_semaphore, #tpu.memory_space<semaphore_mem>>, %arg51: memref<!tpu.dma_semaphore, #tpu.memory_space<semaphore_mem>>, %arg52: memref<!tpu.dma_semaphore, #tpu.memory_space<semaphore_mem>>, %arg53: memref<!tpu.dma_semaphore, #tpu.memory_space<semaphore_mem>>, %arg54: memref<!tpu.dma_semaphore, #tpu.memory_space<semaphore_mem>>, %arg55: memref<!tpu.dma_semaphore, #tpu.memory_space<semaphore_mem>>) attributes {dimension_semantics = [#tpu.dimension_semantics<core_parallel>, #tpu.dimension_semantics<subcore_parallel>], iteration_bounds = array<i64: 2, 16>, scalar_prefetch = 0 : i64, scratch_operands = 49 : i64, tpu.core_type = #tpu.core_type<sc_vector_subcore>, window_params = [{transform_indices = #map}, {transform_indices = #map}, {transform_indices = #map1}, {transform_indices = #map}, {transform_indices = #map2}]} {
    %mul3A = arith.constant 16 : i32
    %mul3A_0 = arith.muli %arg0, %mul3A : i32
    %add3A = arith.addi %mul3A_0, %arg1 : i32
    %mul3A_1 = arith.constant 10000 : i32
    %mul3A_2 = arith.muli %add3A, %mul3A_1 : i32
    %mul3A_3 = arith.constant 640 : i32
    %mul3A_4 = arith.muli %arg1, %mul3A_3 : i32
    "tpu.region"() ({
      %run_scoped3A = tpu.sem_alloc : memref<!tpu.dma_semaphore, #tpu.memory_space<semaphore_mem>>
      %dma_start3A_151 = arith.constant 0 : i32
      %dma_start3A_152 = tpu.memref_slice %arg7[%mul3A_4, %dma_start3A_151] : memref<10240x128xf32, #tpu.memory_space<vmem_shared>> -> memref<640x128xf32, #tpu.memory_space<vmem_shared>>
      tpu.enqueue_dma source(%arg5 : memref<640x128xf32, #tpu.memory_space<hbm>>) target(%dma_start3A_152 : memref<640x128xf32, #tpu.memory_space<vmem_shared>>) target_semaphore(%run_scoped3A : memref<!tpu.dma_semaphore, #tpu.memory_space<semaphore_mem>>)
      %dma_wait3A_153 = arith.constant 0 : i32
      %dma_wait3A_154 = tpu.memref_slice %arg7[%mul3A_4, %dma_wait3A_153] : memref<10240x128xf32, #tpu.memory_space<vmem_shared>> -> memref<640x128xf32, #tpu.memory_space<vmem_shared>>
      tpu.wait_dma2 semaphore(%run_scoped3A : memref<!tpu.dma_semaphore, #tpu.memory_space<semaphore_mem>>) src(%arg5 : memref<640x128xf32, #tpu.memory_space<hbm>>) dst(%dma_wait3A_154 : memref<640x128xf32, #tpu.memory_space<vmem_shared>>)
      tpu.yield
    }) : () -> ()
    %barrier3A = arith.constant 0 : index
    tpu.barrier barrier_id(%barrier3A)
    %add3A_5 = arith.constant 0 : i32
    %add3A_6 = arith.addi %mul3A_2, %add3A_5 : i32
    %dma_start3A = tpu.memref_slice %arg4[%add3A_6] : memref<960000xi32, #tpu.memory_space<hbm>> -> memref<40xi32, #tpu.memory_space<hbm>>
    %dma_start3A_7 = tpu.memref_slice %arg4[%add3A_6] : memref<960000xi32, #tpu.memory_space<hbm>> -> memref<40xi32, #tpu.memory_space<hbm>>
    tpu.enqueue_dma source(%dma_start3A_7 : memref<40xi32, #tpu.memory_space<hbm>>) target(%arg16 : memref<40xi32, #tpu.memory_space<vmem>>) target_semaphore(%arg48 : memref<!tpu.dma_semaphore, #tpu.memory_space<semaphore_mem>>)
    %add3A_8 = arith.constant 320000 : i32
    %add3A_9 = arith.addi %add3A_8, %add3A_6 : i32
    %dma_start3A_10 = tpu.memref_slice %arg4[%add3A_9] : memref<960000xi32, #tpu.memory_space<hbm>> -> memref<40xi32, #tpu.memory_space<hbm>>
    %dma_start3A_11 = tpu.memref_slice %arg4[%add3A_9] : memref<960000xi32, #tpu.memory_space<hbm>> -> memref<40xi32, #tpu.memory_space<hbm>>
    tpu.enqueue_dma source(%dma_start3A_11 : memref<40xi32, #tpu.memory_space<hbm>>) target(%arg24 : memref<40xi32, #tpu.memory_space<vmem>>) target_semaphore(%arg48 : memref<!tpu.dma_semaphore, #tpu.memory_space<semaphore_mem>>)
    %add3A_12 = arith.constant 640000 : i32
    %add3A_13 = arith.addi %add3A_12, %add3A_6 : i32
    %dma_start3A_14 = tpu.memref_slice %arg4[%add3A_13] : memref<960000xi32, #tpu.memory_space<hbm>> -> memref<40xi32, #tpu.memory_space<hbm>>
    %dma_start3A_15 = tpu.memref_slice %arg4[%add3A_13] : memref<960000xi32, #tpu.memory_space<hbm>> -> memref<40xi32, #tpu.memory_space<hbm>>
    tpu.enqueue_dma source(%dma_start3A_15 : memref<40xi32, #tpu.memory_space<hbm>>) target(%arg32 : memref<40xi32, #tpu.memory_space<vmem>>) target_semaphore(%arg48 : memref<!tpu.dma_semaphore, #tpu.memory_space<semaphore_mem>>)
    %add3A_16 = arith.constant 40 : i32
    %add3A_17 = arith.addi %mul3A_2, %add3A_16 : i32
    %dma_start3A_18 = tpu.memref_slice %arg4[%add3A_17] : memref<960000xi32, #tpu.memory_space<hbm>> -> memref<40xi32, #tpu.memory_space<hbm>>
    %dma_start3A_19 = tpu.memref_slice %arg4[%add3A_17] : memref<960000xi32, #tpu.memory_space<hbm>> -> memref<40xi32, #tpu.memory_space<hbm>>
    tpu.enqueue_dma source(%dma_start3A_19 : memref<40xi32, #tpu.memory_space<hbm>>) target(%arg17 : memref<40xi32, #tpu.memory_space<vmem>>) target_semaphore(%arg49 : memref<!tpu.dma_semaphore, #tpu.memory_space<semaphore_mem>>)
    %add3A_20 = arith.constant 320000 : i32
    %add3A_21 = arith.addi %add3A_20, %add3A_17 : i32
    %dma_start3A_22 = tpu.memref_slice %arg4[%add3A_21] : memref<960000xi32, #tpu.memory_space<hbm>> -> memref<40xi32, #tpu.memory_space<hbm>>
    %dma_start3A_23 = tpu.memref_slice %arg4[%add3A_21] : memref<960000xi32, #tpu.memory_space<hbm>> -> memref<40xi32, #tpu.memory_space<hbm>>
    tpu.enqueue_dma source(%dma_start3A_23 : memref<40xi32, #tpu.memory_space<hbm>>) target(%arg25 : memref<40xi32, #tpu.memory_space<vmem>>) target_semaphore(%arg49 : memref<!tpu.dma_semaphore, #tpu.memory_space<semaphore_mem>>)
    %add3A_24 = arith.constant 640000 : i32
    %add3A_25 = arith.addi %add3A_24, %add3A_17 : i32
    %dma_start3A_26 = tpu.memref_slice %arg4[%add3A_25] : memref<960000xi32, #tpu.memory_space<hbm>> -> memref<40xi32, #tpu.memory_space<hbm>>
    %dma_start3A_27 = tpu.memref_slice %arg4[%add3A_25] : memref<960000xi32, #tpu.memory_space<hbm>> -> memref<40xi32, #tpu.memory_space<hbm>>
    tpu.enqueue_dma source(%dma_start3A_27 : memref<40xi32, #tpu.memory_space<hbm>>) target(%arg33 : memref<40xi32, #tpu.memory_space<vmem>>) target_semaphore(%arg49 : memref<!tpu.dma_semaphore, #tpu.memory_space<semaphore_mem>>)
    %add3A_28 = arith.constant 80 : i32
    %add3A_29 = arith.addi %mul3A_2, %add3A_28 : i32
    %dma_start3A_30 = tpu.memref_slice %arg4[%add3A_29] : memref<960000xi32, #tpu.memory_space<hbm>> -> memref<40xi32, #tpu.memory_space<hbm>>
    %dma_start3A_31 = tpu.memref_slice %arg4[%add3A_29] : memref<960000xi32, #tpu.memory_space<hbm>> -> memref<40xi32, #tpu.memory_space<hbm>>
    tpu.enqueue_dma source(%dma_start3A_31 : memref<40xi32, #tpu.memory_space<hbm>>) target(%arg18 : memref<40xi32, #tpu.memory_space<vmem>>) target_semaphore(%arg50 : memref<!tpu.dma_semaphore, #tpu.memory_space<semaphore_mem>>)
    %add3A_32 = arith.constant 320000 : i32
    %add3A_33 = arith.addi %add3A_32, %add3A_29 : i32
    %dma_start3A_34 = tpu.memref_slice %arg4[%add3A_33] : memref<960000xi32, #tpu.memory_space<hbm>> -> memref<40xi32, #tpu.memory_space<hbm>>
    %dma_start3A_35 = tpu.memref_slice %arg4[%add3A_33] : memref<960000xi32, #tpu.memory_space<hbm>> -> memref<40xi32, #tpu.memory_space<hbm>>
    tpu.enqueue_dma source(%dma_start3A_35 : memref<40xi32, #tpu.memory_space<hbm>>) target(%arg26 : memref<40xi32, #tpu.memory_space<vmem>>) target_semaphore(%arg50 : memref<!tpu.dma_semaphore, #tpu.memory_space<semaphore_mem>>)
    %add3A_36 = arith.constant 640000 : i32
    %add3A_37 = arith.addi %add3A_36, %add3A_29 : i32
    %dma_start3A_38 = tpu.memref_slice %arg4[%add3A_37] : memref<960000xi32, #tpu.memory_space<hbm>> -> memref<40xi32, #tpu.memory_space<hbm>>
    %dma_start3A_39 = tpu.memref_slice %arg4[%add3A_37] : memref<960000xi32, #tpu.memory_space<hbm>> -> memref<40xi32, #tpu.memory_space<hbm>>
    tpu.enqueue_dma source(%dma_start3A_39 : memref<40xi32, #tpu.memory_space<hbm>>) target(%arg34 : memref<40xi32, #tpu.memory_space<vmem>>) target_semaphore(%arg50 : memref<!tpu.dma_semaphore, #tpu.memory_space<semaphore_mem>>)
    %add3A_40 = arith.constant 120 : i32
    %add3A_41 = arith.addi %mul3A_2, %add3A_40 : i32
    %dma_start3A_42 = tpu.memref_slice %arg4[%add3A_41] : memref<960000xi32, #tpu.memory_space<hbm>> -> memref<40xi32, #tpu.memory_space<hbm>>
    %dma_start3A_43 = tpu.memref_slice %arg4[%add3A_41] : memref<960000xi32, #tpu.memory_space<hbm>> -> memref<40xi32, #tpu.memory_space<hbm>>
    tpu.enqueue_dma source(%dma_start3A_43 : memref<40xi32, #tpu.memory_space<hbm>>) target(%arg19 : memref<40xi32, #tpu.memory_space<vmem>>) target_semaphore(%arg51 : memref<!tpu.dma_semaphore, #tpu.memory_space<semaphore_mem>>)
    %add3A_44 = arith.constant 320000 : i32
    %add3A_45 = arith.addi %add3A_44, %add3A_41 : i32
    %dma_start3A_46 = tpu.memref_slice %arg4[%add3A_45] : memref<960000xi32, #tpu.memory_space<hbm>> -> memref<40xi32, #tpu.memory_space<hbm>>
    %dma_start3A_47 = tpu.memref_slice %arg4[%add3A_45] : memref<960000xi32, #tpu.memory_space<hbm>> -> memref<40xi32, #tpu.memory_space<hbm>>
    tpu.enqueue_dma source(%dma_start3A_47 : memref<40xi32, #tpu.memory_space<hbm>>) target(%arg27 : memref<40xi32, #tpu.memory_space<vmem>>) target_semaphore(%arg51 : memref<!tpu.dma_semaphore, #tpu.memory_space<semaphore_mem>>)
    %add3A_48 = arith.constant 640000 : i32
    %add3A_49 = arith.addi %add3A_48, %add3A_41 : i32
    %dma_start3A_50 = tpu.memref_slice %arg4[%add3A_49] : memref<960000xi32, #tpu.memory_space<hbm>> -> memref<40xi32, #tpu.memory_space<hbm>>
    %dma_start3A_51 = tpu.memref_slice %arg4[%add3A_49] : memref<960000xi32, #tpu.memory_space<hbm>> -> memref<40xi32, #tpu.memory_space<hbm>>
    tpu.enqueue_dma source(%dma_start3A_51 : memref<40xi32, #tpu.memory_space<hbm>>) target(%arg35 : memref<40xi32, #tpu.memory_space<vmem>>) target_semaphore(%arg51 : memref<!tpu.dma_semaphore, #tpu.memory_space<semaphore_mem>>)
    %add3A_52 = arith.constant 160 : i32
    %add3A_53 = arith.addi %mul3A_2, %add3A_52 : i32
    %dma_start3A_54 = tpu.memref_slice %arg4[%add3A_53] : memref<960000xi32, #tpu.memory_space<hbm>> -> memref<40xi32, #tpu.memory_space<hbm>>
    %dma_start3A_55 = tpu.memref_slice %arg4[%add3A_53] : memref<960000xi32, #tpu.memory_space<hbm>> -> memref<40xi32, #tpu.memory_space<hbm>>
    tpu.enqueue_dma source(%dma_start3A_55 : memref<40xi32, #tpu.memory_space<hbm>>) target(%arg20 : memref<40xi32, #tpu.memory_space<vmem>>) target_semaphore(%arg52 : memref<!tpu.dma_semaphore, #tpu.memory_space<semaphore_mem>>)
    %add3A_56 = arith.constant 320000 : i32
    %add3A_57 = arith.addi %add3A_56, %add3A_53 : i32
    %dma_start3A_58 = tpu.memref_slice %arg4[%add3A_57] : memref<960000xi32, #tpu.memory_space<hbm>> -> memref<40xi32, #tpu.memory_space<hbm>>
    %dma_start3A_59 = tpu.memref_slice %arg4[%add3A_57] : memref<960000xi32, #tpu.memory_space<hbm>> -> memref<40xi32, #tpu.memory_space<hbm>>
    tpu.enqueue_dma source(%dma_start3A_59 : memref<40xi32, #tpu.memory_space<hbm>>) target(%arg28 : memref<40xi32, #tpu.memory_space<vmem>>) target_semaphore(%arg52 : memref<!tpu.dma_semaphore, #tpu.memory_space<semaphore_mem>>)
    %add3A_60 = arith.constant 640000 : i32
    %add3A_61 = arith.addi %add3A_60, %add3A_53 : i32
    %dma_start3A_62 = tpu.memref_slice %arg4[%add3A_61] : memref<960000xi32, #tpu.memory_space<hbm>> -> memref<40xi32, #tpu.memory_space<hbm>>
    %dma_start3A_63 = tpu.memref_slice %arg4[%add3A_61] : memref<960000xi32, #tpu.memory_space<hbm>> -> memref<40xi32, #tpu.memory_space<hbm>>
    tpu.enqueue_dma source(%dma_start3A_63 : memref<40xi32, #tpu.memory_space<hbm>>) target(%arg36 : memref<40xi32, #tpu.memory_space<vmem>>) target_semaphore(%arg52 : memref<!tpu.dma_semaphore, #tpu.memory_space<semaphore_mem>>)
    %add3A_64 = arith.constant 200 : i32
    %add3A_65 = arith.addi %mul3A_2, %add3A_64 : i32
    %dma_start3A_66 = tpu.memref_slice %arg4[%add3A_65] : memref<960000xi32, #tpu.memory_space<hbm>> -> memref<40xi32, #tpu.memory_space<hbm>>
    %dma_start3A_67 = tpu.memref_slice %arg4[%add3A_65] : memref<960000xi32, #tpu.memory_space<hbm>> -> memref<40xi32, #tpu.memory_space<hbm>>
    tpu.enqueue_dma source(%dma_start3A_67 : memref<40xi32, #tpu.memory_space<hbm>>) target(%arg21 : memref<40xi32, #tpu.memory_space<vmem>>) target_semaphore(%arg53 : memref<!tpu.dma_semaphore, #tpu.memory_space<semaphore_mem>>)
    %add3A_68 = arith.constant 320000 : i32
    %add3A_69 = arith.addi %add3A_68, %add3A_65 : i32
    %dma_start3A_70 = tpu.memref_slice %arg4[%add3A_69] : memref<960000xi32, #tpu.memory_space<hbm>> -> memref<40xi32, #tpu.memory_space<hbm>>
    %dma_start3A_71 = tpu.memref_slice %arg4[%add3A_69] : memref<960000xi32, #tpu.memory_space<hbm>> -> memref<40xi32, #tpu.memory_space<hbm>>
    tpu.enqueue_dma source(%dma_start3A_71 : memref<40xi32, #tpu.memory_space<hbm>>) target(%arg29 : memref<40xi32, #tpu.memory_space<vmem>>) target_semaphore(%arg53 : memref<!tpu.dma_semaphore, #tpu.memory_space<semaphore_mem>>)
    %add3A_72 = arith.constant 640000 : i32
    %add3A_73 = arith.addi %add3A_72, %add3A_65 : i32
    %dma_start3A_74 = tpu.memref_slice %arg4[%add3A_73] : memref<960000xi32, #tpu.memory_space<hbm>> -> memref<40xi32, #tpu.memory_space<hbm>>
    %dma_start3A_75 = tpu.memref_slice %arg4[%add3A_73] : memref<960000xi32, #tpu.memory_space<hbm>> -> memref<40xi32, #tpu.memory_space<hbm>>
    tpu.enqueue_dma source(%dma_start3A_75 : memref<40xi32, #tpu.memory_space<hbm>>) target(%arg37 : memref<40xi32, #tpu.memory_space<vmem>>) target_semaphore(%arg53 : memref<!tpu.dma_semaphore, #tpu.memory_space<semaphore_mem>>)
    %add3A_76 = arith.constant 240 : i32
    %add3A_77 = arith.addi %mul3A_2, %add3A_76 : i32
    %dma_start3A_78 = tpu.memref_slice %arg4[%add3A_77] : memref<960000xi32, #tpu.memory_space<hbm>> -> memref<40xi32, #tpu.memory_space<hbm>>
    %dma_start3A_79 = tpu.memref_slice %arg4[%add3A_77] : memref<960000xi32, #tpu.memory_space<hbm>> -> memref<40xi32, #tpu.memory_space<hbm>>
    tpu.enqueue_dma source(%dma_start3A_79 : memref<40xi32, #tpu.memory_space<hbm>>) target(%arg22 : memref<40xi32, #tpu.memory_space<vmem>>) target_semaphore(%arg54 : memref<!tpu.dma_semaphore, #tpu.memory_space<semaphore_mem>>)
    %add3A_80 = arith.constant 320000 : i32
    %add3A_81 = arith.addi %add3A_80, %add3A_77 : i32
    %dma_start3A_82 = tpu.memref_slice %arg4[%add3A_81] : memref<960000xi32, #tpu.memory_space<hbm>> -> memref<40xi32, #tpu.memory_space<hbm>>
    %dma_start3A_83 = tpu.memref_slice %arg4[%add3A_81] : memref<960000xi32, #tpu.memory_space<hbm>> -> memref<40xi32, #tpu.memory_space<hbm>>
    tpu.enqueue_dma source(%dma_start3A_83 : memref<40xi32, #tpu.memory_space<hbm>>) target(%arg30 : memref<40xi32, #tpu.memory_space<vmem>>) target_semaphore(%arg54 : memref<!tpu.dma_semaphore, #tpu.memory_space<semaphore_mem>>)
    %add3A_84 = arith.constant 640000 : i32
    %add3A_85 = arith.addi %add3A_84, %add3A_77 : i32
    %dma_start3A_86 = tpu.memref_slice %arg4[%add3A_85] : memref<960000xi32, #tpu.memory_space<hbm>> -> memref<40xi32, #tpu.memory_space<hbm>>
    %dma_start3A_87 = tpu.memref_slice %arg4[%add3A_85] : memref<960000xi32, #tpu.memory_space<hbm>> -> memref<40xi32, #tpu.memory_space<hbm>>
    tpu.enqueue_dma source(%dma_start3A_87 : memref<40xi32, #tpu.memory_space<hbm>>) target(%arg38 : memref<40xi32, #tpu.memory_space<vmem>>) target_semaphore(%arg54 : memref<!tpu.dma_semaphore, #tpu.memory_space<semaphore_mem>>)
    %dma_wait3A = arith.constant 0 : i32
    %dma_wait3A_88 = tpu.memref_slice %arg4[%dma_wait3A] : memref<960000xi32, #tpu.memory_space<hbm>> -> memref<40xi32, #tpu.memory_space<hbm>>
    %dma_wait3A_89 = arith.constant 0 : i32
    %dma_wait3A_90 = tpu.memref_slice %arg4[%dma_wait3A_89] : memref<960000xi32, #tpu.memory_space<hbm>> -> memref<40xi32, #tpu.memory_space<hbm>>
    tpu.wait_dma2 semaphore(%arg48 : memref<!tpu.dma_semaphore, #tpu.memory_space<semaphore_mem>>) src(%dma_wait3A_90 : memref<40xi32, #tpu.memory_space<hbm>>) dst(%arg16 : memref<40xi32, #tpu.memory_space<vmem>>)
    %dma_wait3A_91 = arith.constant 0 : i32
    %dma_wait3A_92 = tpu.memref_slice %arg4[%dma_wait3A_91] : memref<960000xi32, #tpu.memory_space<hbm>> -> memref<40xi32, #tpu.memory_space<hbm>>
    %dma_wait3A_93 = arith.constant 0 : i32
    %dma_wait3A_94 = tpu.memref_slice %arg4[%dma_wait3A_93] : memref<960000xi32, #tpu.memory_space<hbm>> -> memref<40xi32, #tpu.memory_space<hbm>>
    tpu.wait_dma2 semaphore(%arg48 : memref<!tpu.dma_semaphore, #tpu.memory_space<semaphore_mem>>) src(%dma_wait3A_94 : memref<40xi32, #tpu.memory_space<hbm>>) dst(%arg24 : memref<40xi32, #tpu.memory_space<vmem>>)
    %dma_wait3A_95 = arith.constant 0 : i32
    %dma_wait3A_96 = tpu.memref_slice %arg4[%dma_wait3A_95] : memref<960000xi32, #tpu.memory_space<hbm>> -> memref<40xi32, #tpu.memory_space<hbm>>
    %dma_wait3A_97 = arith.constant 0 : i32
    %dma_wait3A_98 = tpu.memref_slice %arg4[%dma_wait3A_97] : memref<960000xi32, #tpu.memory_space<hbm>> -> memref<40xi32, #tpu.memory_space<hbm>>
    tpu.wait_dma2 semaphore(%arg48 : memref<!tpu.dma_semaphore, #tpu.memory_space<semaphore_mem>>) src(%dma_wait3A_98 : memref<40xi32, #tpu.memory_space<hbm>>) dst(%arg32 : memref<40xi32, #tpu.memory_space<vmem>>)
    %dma_start3A_99 = arith.constant 0 : i32
    %dma_start3A_100 = arith.constant 0 : i32
    %dma_start3A_101 = tpu.memref_slice %arg2[%dma_start3A_99, %dma_start3A_100] : memref<10000x128xf32, #tpu.memory_space<hbm>> -> memref<10000x128xf32, #tpu.memory_space<hbm>>
    tpu.enqueue_indirect_dma source(%dma_start3A_101 : memref<10000x128xf32, #tpu.memory_space<hbm>>) target(%arg8 : memref<40x128xf32, #tpu.memory_space<vmem>>) offsets(%arg32 : memref<40xi32, #tpu.memory_space<vmem>>) semaphore(%arg40 : memref<!tpu.dma_semaphore, #tpu.memory_space<semaphore_mem>>)
    %dma_start3A_102 = arith.constant 0 : i32
    %dma_start3A_103 = arith.constant 0 : i32
    %dma_start3A_104 = tpu.memref_slice %arg3[%dma_start3A_102, %dma_start3A_103] : memref<10000x128xf32, #tpu.memory_space<hbm>> -> memref<10000x128xf32, #tpu.memory_space<hbm>>
    tpu.enqueue_indirect_dma source(%dma_start3A_104 : memref<10000x128xf32, #tpu.memory_space<hbm>>) target(%arg12 : memref<40x128xf32, #tpu.memory_space<vmem>>) offsets(%arg24 : memref<40xi32, #tpu.memory_space<vmem>>) semaphore(%arg40 : memref<!tpu.dma_semaphore, #tpu.memory_space<semaphore_mem>>)
    %dma_wait3A_105 = arith.constant 0 : i32
    %dma_wait3A_106 = tpu.memref_slice %arg4[%dma_wait3A_105] : memref<960000xi32, #tpu.memory_space<hbm>> -> memref<40xi32, #tpu.memory_space<hbm>>
    %dma_wait3A_107 = arith.constant 0 : i32
    %dma_wait3A_108 = tpu.memref_slice %arg4[%dma_wait3A_107] : memref<960000xi32, #tpu.memory_space<hbm>> -> memref<40xi32, #tpu.memory_space<hbm>>
    tpu.wait_dma2 semaphore(%arg49 : memref<!tpu.dma_semaphore, #tpu.memory_space<semaphore_mem>>) src(%dma_wait3A_108 : memref<40xi32, #tpu.memory_space<hbm>>) dst(%arg17 : memref<40xi32, #tpu.memory_space<vmem>>)
    %dma_wait3A_109 = arith.constant 0 : i32
    %dma_wait3A_110 = tpu.memref_slice %arg4[%dma_wait3A_109] : memref<960000xi32, #tpu.memory_space<hbm>> -> memref<40xi32, #tpu.memory_space<hbm>>
    %dma_wait3A_111 = arith.constant 0 : i32
    %dma_wait3A_112 = tpu.memref_slice %arg4[%dma_wait3A_111] : memref<960000xi32, #tpu.memory_space<hbm>> -> memref<40xi32, #tpu.memory_space<hbm>>
    tpu.wait_dma2 semaphore(%arg49 : memref<!tpu.dma_semaphore, #tpu.memory_space<semaphore_mem>>) src(%dma_wait3A_112 : memref<40xi32, #tpu.memory_space<hbm>>) dst(%arg25 : memref<40xi32, #tpu.memory_space<vmem>>)
    %dma_wait3A_113 = arith.constant 0 : i32
    %dma_wait3A_114 = tpu.memref_slice %arg4[%dma_wait3A_113] : memref<960000xi32, #tpu.memory_space<hbm>> -> memref<40xi32, #tpu.memory_space<hbm>>
    %dma_wait3A_115 = arith.constant 0 : i32
    %dma_wait3A_116 = tpu.memref_slice %arg4[%dma_wait3A_115] : memref<960000xi32, #tpu.memory_space<hbm>> -> memref<40xi32, #tpu.memory_space<hbm>>
    tpu.wait_dma2 semaphore(%arg49 : memref<!tpu.dma_semaphore, #tpu.memory_space<semaphore_mem>>) src(%dma_wait3A_116 : memref<40xi32, #tpu.memory_space<hbm>>) dst(%arg33 : memref<40xi32, #tpu.memory_space<vmem>>)
    %dma_start3A_117 = arith.constant 0 : i32
    %dma_start3A_118 = arith.constant 0 : i32
    %dma_start3A_119 = tpu.memref_slice %arg2[%dma_start3A_117, %dma_start3A_118] : memref<10000x128xf32, #tpu.memory_space<hbm>> -> memref<10000x128xf32, #tpu.memory_space<hbm>>
    tpu.enqueue_indirect_dma source(%dma_start3A_119 : memref<10000x128xf32, #tpu.memory_space<hbm>>) target(%arg9 : memref<40x128xf32, #tpu.memory_space<vmem>>) offsets(%arg33 : memref<40xi32, #tpu.memory_space<vmem>>) semaphore(%arg41 : memref<!tpu.dma_semaphore, #tpu.memory_space<semaphore_mem>>)
    %dma_start3A_120 = arith.constant 0 : i32
    %dma_start3A_121 = arith.constant 0 : i32
    %dma_start3A_122 = tpu.memref_slice %arg3[%dma_start3A_120, %dma_start3A_121] : memref<10000x128xf32, #tpu.memory_space<hbm>> -> memref<10000x128xf32, #tpu.memory_space<hbm>>
    tpu.enqueue_indirect_dma source(%dma_start3A_122 : memref<10000x128xf32, #tpu.memory_space<hbm>>) target(%arg13 : memref<40x128xf32, #tpu.memory_space<vmem>>) offsets(%arg25 : memref<40xi32, #tpu.memory_space<vmem>>) semaphore(%arg41 : memref<!tpu.dma_semaphore, #tpu.memory_space<semaphore_mem>>)
    %dma_wait3A_123 = arith.constant 0 : i32
    %dma_wait3A_124 = tpu.memref_slice %arg4[%dma_wait3A_123] : memref<960000xi32, #tpu.memory_space<hbm>> -> memref<40xi32, #tpu.memory_space<hbm>>
    %dma_wait3A_125 = arith.constant 0 : i32
    %dma_wait3A_126 = tpu.memref_slice %arg4[%dma_wait3A_125] : memref<960000xi32, #tpu.memory_space<hbm>> -> memref<40xi32, #tpu.memory_space<hbm>>
    tpu.wait_dma2 semaphore(%arg50 : memref<!tpu.dma_semaphore, #tpu.memory_space<semaphore_mem>>) src(%dma_wait3A_126 : memref<40xi32, #tpu.memory_space<hbm>>) dst(%arg18 : memref<40xi32, #tpu.memory_space<vmem>>)
    %dma_wait3A_127 = arith.constant 0 : i32
    %dma_wait3A_128 = tpu.memref_slice %arg4[%dma_wait3A_127] : memref<960000xi32, #tpu.memory_space<hbm>> -> memref<40xi32, #tpu.memory_space<hbm>>
    %dma_wait3A_129 = arith.constant 0 : i32
    %dma_wait3A_130 = tpu.memref_slice %arg4[%dma_wait3A_129] : memref<960000xi32, #tpu.memory_space<hbm>> -> memref<40xi32, #tpu.memory_space<hbm>>
    tpu.wait_dma2 semaphore(%arg50 : memref<!tpu.dma_semaphore, #tpu.memory_space<semaphore_mem>>) src(%dma_wait3A_130 : memref<40xi32, #tpu.memory_space<hbm>>) dst(%arg26 : memref<40xi32, #tpu.memory_space<vmem>>)
    %dma_wait3A_131 = arith.constant 0 : i32
    %dma_wait3A_132 = tpu.memref_slice %arg4[%dma_wait3A_131] : memref<960000xi32, #tpu.memory_space<hbm>> -> memref<40xi32, #tpu.memory_space<hbm>>
    %dma_wait3A_133 = arith.constant 0 : i32
    %dma_wait3A_134 = tpu.memref_slice %arg4[%dma_wait3A_133] : memref<960000xi32, #tpu.memory_space<hbm>> -> memref<40xi32, #tpu.memory_space<hbm>>
    tpu.wait_dma2 semaphore(%arg50 : memref<!tpu.dma_semaphore, #tpu.memory_space<semaphore_mem>>) src(%dma_wait3A_134 : memref<40xi32, #tpu.memory_space<hbm>>) dst(%arg34 : memref<40xi32, #tpu.memory_space<vmem>>)
    %dma_start3A_135 = arith.constant 0 : i32
    %dma_start3A_136 = arith.constant 0 : i32
    %dma_start3A_137 = tpu.memref_slice %arg2[%dma_start3A_135, %dma_start3A_136] : memref<10000x128xf32, #tpu.memory_space<hbm>> -> memref<10000x128xf32, #tpu.memory_space<hbm>>
    tpu.enqueue_indirect_dma source(%dma_start3A_137 : memref<10000x128xf32, #tpu.memory_space<hbm>>) target(%arg10 : memref<40x128xf32, #tpu.memory_space<vmem>>) offsets(%arg34 : memref<40xi32, #tpu.memory_space<vmem>>) semaphore(%arg42 : memref<!tpu.dma_semaphore, #tpu.memory_space<semaphore_mem>>)
    %dma_start3A_138 = arith.constant 0 : i32
    %dma_start3A_139 = arith.constant 0 : i32
    %dma_start3A_140 = tpu.memref_slice %arg3[%dma_start3A_138, %dma_start3A_139] : memref<10000x128xf32, #tpu.memory_space<hbm>> -> memref<10000x128xf32, #tpu.memory_space<hbm>>
    tpu.enqueue_indirect_dma source(%dma_start3A_140 : memref<10000x128xf32, #tpu.memory_space<hbm>>) target(%arg14 : memref<40x128xf32, #tpu.memory_space<vmem>>) offsets(%arg26 : memref<40xi32, #tpu.memory_space<vmem>>) semaphore(%arg42 : memref<!tpu.dma_semaphore, #tpu.memory_space<semaphore_mem>>)
    %scan3A = arith.constant 0 : i32
    %scan3A_141 = arith.constant 0 : i32
    %scan3A_142 = arith.constant 33 : i32
    %scan3A_143 = arith.addi %scan3A_141, %scan3A_142 : i32
    %scan3A_144 = arith.constant 1 : i32
    scf.for %scan3A_151 = %scan3A_141 to %scan3A_143 step %scan3A_144  : i32 {
      %mul3A_152 = arith.constant 8 : i32
      %mul3A_153 = arith.muli %scan3A_151, %mul3A_152 : i32
      %add3A_154 = arith.constant 0 : i32
      %add3A_155 = arith.addi %mul3A_153, %add3A_154 : i32
      %lt3A = arith.constant 250 : i32
      %lt3A_156 = arith.cmpi slt, %add3A_155, %lt3A : i32
      %convert_element_type3A = arith.extui %lt3A_156 : i1 to i32
      %cond3A = arith.constant 0 : i32
      %cond3A_157 = arith.cmpi ne, %convert_element_type3A, %cond3A : i32
      scf.if %cond3A_157 {
        %dma_wait3A_425 = arith.constant 0 : i32
        %dma_wait3A_426 = arith.constant 0 : i32
        %dma_wait3A_427 = tpu.memref_slice %arg2[%dma_wait3A_425, %dma_wait3A_426] : memref<10000x128xf32, #tpu.memory_space<hbm>> -> memref<10000x128xf32, #tpu.memory_space<hbm>>
        tpu.wait_indirect_dma semaphore(%arg40 : memref<!tpu.dma_semaphore, #tpu.memory_space<semaphore_mem>>) src(%dma_wait3A_427 : memref<10000x128xf32, #tpu.memory_space<hbm>>) dst(%arg8 : memref<40x128xf32, #tpu.memory_space<vmem>>)
        %dma_wait3A_428 = arith.constant 0 : i32
        %dma_wait3A_429 = arith.constant 0 : i32
        %dma_wait3A_430 = tpu.memref_slice %arg3[%dma_wait3A_428, %dma_wait3A_429] : memref<10000x128xf32, #tpu.memory_space<hbm>> -> memref<10000x128xf32, #tpu.memory_space<hbm>>
        tpu.wait_indirect_dma semaphore(%arg40 : memref<!tpu.dma_semaphore, #tpu.memory_space<semaphore_mem>>) src(%dma_wait3A_430 : memref<10000x128xf32, #tpu.memory_space<hbm>>) dst(%arg12 : memref<40x128xf32, #tpu.memory_space<vmem>>)
        %parallel_loop3A = arith.constant 0 : i32
        %parallel_loop3A_431 = arith.constant 40 : i32
        %parallel_loop3A_432 = arith.constant 1 : i32
        scf.for %parallel_loop3A_436 = %parallel_loop3A to %parallel_loop3A_431 step %parallel_loop3A_432  : i32 {
          %parallel_loop3A_437 = arith.index_cast %parallel_loop3A_436 : i32 to index
          %parallel_loop3A_438 = arith.constant 0 : index
          %parallel_loop3A_439 = tpu.vector_load %arg8[%parallel_loop3A_437, %parallel_loop3A_438] {strides = array<i32>} : memref<40x128xf32, #tpu.memory_space<vmem>>, vector<1x16xf32>,
          %parallel_loop3A_440 = vector.shape_cast %parallel_loop3A_439 : vector<1x16xf32> to vector<16xf32>
          %parallel_loop3A_441 = arith.index_cast %parallel_loop3A_436 : i32 to index
          %parallel_loop3A_442 = arith.constant 16 : index
          %parallel_loop3A_443 = tpu.vector_load %arg8[%parallel_loop3A_441, %parallel_loop3A_442] {strides = array<i32>} : memref<40x128xf32, #tpu.memory_space<vmem>>, vector<1x16xf32>,
          %parallel_loop3A_444 = vector.shape_cast %parallel_loop3A_443 : vector<1x16xf32> to vector<16xf32>
          %parallel_loop3A_445 = arith.index_cast %parallel_loop3A_436 : i32 to index
          %parallel_loop3A_446 = arith.constant 32 : index
          %parallel_loop3A_447 = tpu.vector_load %arg8[%parallel_loop3A_445, %parallel_loop3A_446] {strides = array<i32>} : memref<40x128xf32, #tpu.memory_space<vmem>>, vector<1x16xf32>,
          %parallel_loop3A_448 = vector.shape_cast %parallel_loop3A_447 : vector<1x16xf32> to vector<16xf32>
          %parallel_loop3A_449 = arith.index_cast %parallel_loop3A_436 : i32 to index
          %parallel_loop3A_450 = arith.constant 48 : index
          %parallel_loop3A_451 = tpu.vector_load %arg8[%parallel_loop3A_449, %parallel_loop3A_450] {strides = array<i32>} : memref<40x128xf32, #tpu.memory_space<vmem>>, vector<1x16xf32>,
          %parallel_loop3A_452 = vector.shape_cast %parallel_loop3A_451 : vector<1x16xf32> to vector<16xf32>
          %parallel_loop3A_453 = arith.index_cast %parallel_loop3A_436 : i32 to index
          %parallel_loop3A_454 = arith.constant 64 : index
          %parallel_loop3A_455 = tpu.vector_load %arg8[%parallel_loop3A_453, %parallel_loop3A_454] {strides = array<i32>} : memref<40x128xf32, #tpu.memory_space<vmem>>, vector<1x16xf32>,
          %parallel_loop3A_456 = vector.shape_cast %parallel_loop3A_455 : vector<1x16xf32> to vector<16xf32>
          %parallel_loop3A_457 = arith.index_cast %parallel_loop3A_436 : i32 to index
          %parallel_loop3A_458 = arith.constant 80 : index
          %parallel_loop3A_459 = tpu.vector_load %arg8[%parallel_loop3A_457, %parallel_loop3A_458] {strides = array<i32>} : memref<40x128xf32, #tpu.memory_space<vmem>>, vector<1x16xf32>,
          %parallel_loop3A_460 = vector.shape_cast %parallel_loop3A_459 : vector<1x16xf32> to vector<16xf32>
          %parallel_loop3A_461 = arith.index_cast %parallel_loop3A_436 : i32 to index
          %parallel_loop3A_462 = arith.constant 96 : index
          %parallel_loop3A_463 = tpu.vector_load %arg8[%parallel_loop3A_461, %parallel_loop3A_462] {strides = array<i32>} : memref<40x128xf32, #tpu.memory_space<vmem>>, vector<1x16xf32>,
          %parallel_loop3A_464 = vector.shape_cast %parallel_loop3A_463 : vector<1x16xf32> to vector<16xf32>
          %parallel_loop3A_465 = arith.index_cast %parallel_loop3A_436 : i32 to index
          %parallel_loop3A_466 = arith.constant 112 : index
          %parallel_loop3A_467 = tpu.vector_load %arg8[%parallel_loop3A_465, %parallel_loop3A_466] {strides = array<i32>} : memref<40x128xf32, #tpu.memory_space<vmem>>, vector<1x16xf32>,
          %parallel_loop3A_468 = vector.shape_cast %parallel_loop3A_467 : vector<1x16xf32> to vector<16xf32>
          %parallel_loop3A_469 = arith.index_cast %parallel_loop3A_436 : i32 to index
          %parallel_loop3A_470 = arith.constant 0 : index
          %parallel_loop3A_471 = tpu.vector_load %arg12[%parallel_loop3A_469, %parallel_loop3A_470] {strides = array<i32>} : memref<40x128xf32, #tpu.memory_space<vmem>>, vector<1x16xf32>,
          %parallel_loop3A_472 = vector.shape_cast %parallel_loop3A_471 : vector<1x16xf32> to vector<16xf32>
          %parallel_loop3A_473 = arith.index_cast %parallel_loop3A_436 : i32 to index
          %parallel_loop3A_474 = arith.constant 16 : index
          %parallel_loop3A_475 = tpu.vector_load %arg12[%parallel_loop3A_473, %parallel_loop3A_474] {strides = array<i32>} : memref<40x128xf32, #tpu.memory_space<vmem>>, vector<1x16xf32>,
          %parallel_loop3A_476 = vector.shape_cast %parallel_loop3A_475 : vector<1x16xf32> to vector<16xf32>
          %parallel_loop3A_477 = arith.index_cast %parallel_loop3A_436 : i32 to index
          %parallel_loop3A_478 = arith.constant 32 : index
          %parallel_loop3A_479 = tpu.vector_load %arg12[%parallel_loop3A_477, %parallel_loop3A_478] {strides = array<i32>} : memref<40x128xf32, #tpu.memory_space<vmem>>, vector<1x16xf32>,
          %parallel_loop3A_480 = vector.shape_cast %parallel_loop3A_479 : vector<1x16xf32> to vector<16xf32>
          %parallel_loop3A_481 = arith.index_cast %parallel_loop3A_436 : i32 to index
          %parallel_loop3A_482 = arith.constant 48 : index
          %parallel_loop3A_483 = tpu.vector_load %arg12[%parallel_loop3A_481, %parallel_loop3A_482] {strides = array<i32>} : memref<40x128xf32, #tpu.memory_space<vmem>>, vector<1x16xf32>,
          %parallel_loop3A_484 = vector.shape_cast %parallel_loop3A_483 : vector<1x16xf32> to vector<16xf32>
          %parallel_loop3A_485 = arith.index_cast %parallel_loop3A_436 : i32 to index
          %parallel_loop3A_486 = arith.constant 64 : index
          %parallel_loop3A_487 = tpu.vector_load %arg12[%parallel_loop3A_485, %parallel_loop3A_486] {strides = array<i32>} : memref<40x128xf32, #tpu.memory_space<vmem>>, vector<1x16xf32>,
          %parallel_loop3A_488 = vector.shape_cast %parallel_loop3A_487 : vector<1x16xf32> to vector<16xf32>
          %parallel_loop3A_489 = arith.index_cast %parallel_loop3A_436 : i32 to index
          %parallel_loop3A_490 = arith.constant 80 : index
          %parallel_loop3A_491 = tpu.vector_load %arg12[%parallel_loop3A_489, %parallel_loop3A_490] {strides = array<i32>} : memref<40x128xf32, #tpu.memory_space<vmem>>, vector<1x16xf32>,
          %parallel_loop3A_492 = vector.shape_cast %parallel_loop3A_491 : vector<1x16xf32> to vector<16xf32>
          %parallel_loop3A_493 = arith.index_cast %parallel_loop3A_436 : i32 to index
          %parallel_loop3A_494 = arith.constant 96 : index
          %parallel_loop3A_495 = tpu.vector_load %arg12[%parallel_loop3A_493, %parallel_loop3A_494] {strides = array<i32>} : memref<40x128xf32, #tpu.memory_space<vmem>>, vector<1x16xf32>,
          %parallel_loop3A_496 = vector.shape_cast %parallel_loop3A_495 : vector<1x16xf32> to vector<16xf32>
          %parallel_loop3A_497 = arith.index_cast %parallel_loop3A_436 : i32 to index
          %parallel_loop3A_498 = arith.constant 112 : index
          %parallel_loop3A_499 = tpu.vector_load %arg12[%parallel_loop3A_497, %parallel_loop3A_498] {strides = array<i32>} : memref<40x128xf32, #tpu.memory_space<vmem>>, vector<1x16xf32>,
          %parallel_loop3A_500 = vector.shape_cast %parallel_loop3A_499 : vector<1x16xf32> to vector<16xf32>
          %parallel_loop3A_501 = arith.mulf %parallel_loop3A_440, %parallel_loop3A_472 : vector<16xf32>
          %parallel_loop3A_502 = arith.mulf %parallel_loop3A_444, %parallel_loop3A_476 : vector<16xf32>
          %parallel_loop3A_503 = arith.mulf %parallel_loop3A_448, %parallel_loop3A_480 : vector<16xf32>
          %parallel_loop3A_504 = arith.mulf %parallel_loop3A_452, %parallel_loop3A_484 : vector<16xf32>
          %parallel_loop3A_505 = arith.mulf %parallel_loop3A_456, %parallel_loop3A_488 : vector<16xf32>
          %parallel_loop3A_506 = arith.mulf %parallel_loop3A_460, %parallel_loop3A_492 : vector<16xf32>
          %parallel_loop3A_507 = arith.mulf %parallel_loop3A_464, %parallel_loop3A_496 : vector<16xf32>
          %parallel_loop3A_508 = arith.mulf %parallel_loop3A_468, %parallel_loop3A_500 : vector<16xf32>
          %parallel_loop3A_509 = arith.index_cast %parallel_loop3A_436 : i32 to index
          %parallel_loop3A_510 = arith.constant 0 : index
          %parallel_loop3A_511 = tpu.vector_load %arg8[%parallel_loop3A_509, %parallel_loop3A_510] {strides = array<i32>} : memref<40x128xf32, #tpu.memory_space<vmem>>, vector<1x16xf32>,
          %parallel_loop3A_512 = vector.shape_cast %parallel_loop3A_511 : vector<1x16xf32> to vector<16xf32>
          %parallel_loop3A_513 = vector.shape_cast %parallel_loop3A_501 : vector<16xf32> to vector<1x16xf32>
          tpu.vector_store %arg8[%parallel_loop3A_509, %parallel_loop3A_510], %parallel_loop3A_513 {strides = array<i32>} : memref<40x128xf32, #tpu.memory_space<vmem>>, vector<1x16xf32>,
          %parallel_loop3A_514 = arith.index_cast %parallel_loop3A_436 : i32 to index
          %parallel_loop3A_515 = arith.constant 16 : index
          %parallel_loop3A_516 = tpu.vector_load %arg8[%parallel_loop3A_514, %parallel_loop3A_515] {strides = array<i32>} : memref<40x128xf32, #tpu.memory_space<vmem>>, vector<1x16xf32>,
          %parallel_loop3A_517 = vector.shape_cast %parallel_loop3A_516 : vector<1x16xf32> to vector<16xf32>
          %parallel_loop3A_518 = vector.shape_cast %parallel_loop3A_502 : vector<16xf32> to vector<1x16xf32>
          tpu.vector_store %arg8[%parallel_loop3A_514, %parallel_loop3A_515], %parallel_loop3A_518 {strides = array<i32>} : memref<40x128xf32, #tpu.memory_space<vmem>>, vector<1x16xf32>,
          %parallel_loop3A_519 = arith.index_cast %parallel_loop3A_436 : i32 to index
          %parallel_loop3A_520 = arith.constant 32 : index
          %parallel_loop3A_521 = tpu.vector_load %arg8[%parallel_loop3A_519, %parallel_loop3A_520] {strides = array<i32>} : memref<40x128xf32, #tpu.memory_space<vmem>>, vector<1x16xf32>,
          %parallel_loop3A_522 = vector.shape_cast %parallel_loop3A_521 : vector<1x16xf32> to vector<16xf32>
          %parallel_loop3A_523 = vector.shape_cast %parallel_loop3A_503 : vector<16xf32> to vector<1x16xf32>
          tpu.vector_store %arg8[%parallel_loop3A_519, %parallel_loop3A_520], %parallel_loop3A_523 {strides = array<i32>} : memref<40x128xf32, #tpu.memory_space<vmem>>, vector<1x16xf32>,
          %parallel_loop3A_524 = arith.index_cast %parallel_loop3A_436 : i32 to index
          %parallel_loop3A_525 = arith.constant 48 : index
          %parallel_loop3A_526 = tpu.vector_load %arg8[%parallel_loop3A_524, %parallel_loop3A_525] {strides = array<i32>} : memref<40x128xf32, #tpu.memory_space<vmem>>, vector<1x16xf32>,
          %parallel_loop3A_527 = vector.shape_cast %parallel_loop3A_526 : vector<1x16xf32> to vector<16xf32>
          %parallel_loop3A_528 = vector.shape_cast %parallel_loop3A_504 : vector<16xf32> to vector<1x16xf32>
          tpu.vector_store %arg8[%parallel_loop3A_524, %parallel_loop3A_525], %parallel_loop3A_528 {strides = array<i32>} : memref<40x128xf32, #tpu.memory_space<vmem>>, vector<1x16xf32>,
          %parallel_loop3A_529 = arith.index_cast %parallel_loop3A_436 : i32 to index
          %parallel_loop3A_530 = arith.constant 64 : index
          %parallel_loop3A_531 = tpu.vector_load %arg8[%parallel_loop3A_529, %parallel_loop3A_530] {strides = array<i32>} : memref<40x128xf32, #tpu.memory_space<vmem>>, vector<1x16xf32>,
          %parallel_loop3A_532 = vector.shape_cast %parallel_loop3A_531 : vector<1x16xf32> to vector<16xf32>
          %parallel_loop3A_533 = vector.shape_cast %parallel_loop3A_505 : vector<16xf32> to vector<1x16xf32>
          tpu.vector_store %arg8[%parallel_loop3A_529, %parallel_loop3A_530], %parallel_loop3A_533 {strides = array<i32>} : memref<40x128xf32, #tpu.memory_space<vmem>>, vector<1x16xf32>,
          %parallel_loop3A_534 = arith.index_cast %parallel_loop3A_436 : i32 to index
          %parallel_loop3A_535 = arith.constant 80 : index
          %parallel_loop3A_536 = tpu.vector_load %arg8[%parallel_loop3A_534, %parallel_loop3A_535] {strides = array<i32>} : memref<40x128xf32, #tpu.memory_space<vmem>>, vector<1x16xf32>,
          %parallel_loop3A_537 = vector.shape_cast %parallel_loop3A_536 : vector<1x16xf32> to vector<16xf32>
          %parallel_loop3A_538 = vector.shape_cast %parallel_loop3A_506 : vector<16xf32> to vector<1x16xf32>
          tpu.vector_store %arg8[%parallel_loop3A_534, %parallel_loop3A_535], %parallel_loop3A_538 {strides = array<i32>} : memref<40x128xf32, #tpu.memory_space<vmem>>, vector<1x16xf32>,
          %parallel_loop3A_539 = arith.index_cast %parallel_loop3A_436 : i32 to index
          %parallel_loop3A_540 = arith.constant 96 : index
          %parallel_loop3A_541 = tpu.vector_load %arg8[%parallel_loop3A_539, %parallel_loop3A_540] {strides = array<i32>} : memref<40x128xf32, #tpu.memory_space<vmem>>, vector<1x16xf32>,
          %parallel_loop3A_542 = vector.shape_cast %parallel_loop3A_541 : vector<1x16xf32> to vector<16xf32>
          %parallel_loop3A_543 = vector.shape_cast %parallel_loop3A_507 : vector<16xf32> to vector<1x16xf32>
          tpu.vector_store %arg8[%parallel_loop3A_539, %parallel_loop3A_540], %parallel_loop3A_543 {strides = array<i32>} : memref<40x128xf32, #tpu.memory_space<vmem>>, vector<1x16xf32>,
          %parallel_loop3A_544 = arith.index_cast %parallel_loop3A_436 : i32 to index
          %parallel_loop3A_545 = arith.constant 112 : index
          %parallel_loop3A_546 = tpu.vector_load %arg8[%parallel_loop3A_544, %parallel_loop3A_545] {strides = array<i32>} : memref<40x128xf32, #tpu.memory_space<vmem>>, vector<1x16xf32>,
          %parallel_loop3A_547 = vector.shape_cast %parallel_loop3A_546 : vector<1x16xf32> to vector<16xf32>
          %parallel_loop3A_548 = vector.shape_cast %parallel_loop3A_508 : vector<16xf32> to vector<1x16xf32>
          tpu.vector_store %arg8[%parallel_loop3A_544, %parallel_loop3A_545], %parallel_loop3A_548 {strides = array<i32>} : memref<40x128xf32, #tpu.memory_space<vmem>>, vector<1x16xf32>,
        } {sc.loop_unroll_factor = 2 : i64, sc.parallel_access}
        %dma_start3A_433 = arith.constant 0 : i32
        %dma_start3A_434 = arith.constant 0 : i32
        %dma_start3A_435 = tpu.memref_slice %arg7[%dma_start3A_433, %dma_start3A_434] : memref<10240x128xf32, #tpu.memory_space<vmem_shared>> -> memref<10240x128xf32, #tpu.memory_space<vmem_shared>>
        tpu.enqueue_indirect_dma source(%arg8 : memref<40x128xf32, #tpu.memory_space<vmem>>) target(%dma_start3A_435 : memref<10240x128xf32, #tpu.memory_space<vmem_shared>>) offsets(%arg16 : memref<40xi32, #tpu.memory_space<vmem>>) semaphore(%arg44 : memref<!tpu.dma_semaphore, #tpu.memory_space<semaphore_mem>>) {add = true}
      } else {
      }
      %ge3A = arith.constant 1 : i32
      %ge3A_158 = arith.cmpi sge, %add3A_155, %ge3A : i32
      %le3A = arith.constant 250 : i32
      %le3A_159 = arith.cmpi sle, %add3A_155, %le3A : i32
      %and3A = arith.andi %ge3A_158, %le3A_159 : i1
      %convert_element_type3A_160 = arith.extui %and3A : i1 to i32
      %cond3A_161 = arith.constant 0 : i32
      %cond3A_162 = arith.cmpi ne, %convert_element_type3A_160, %cond3A_161 : i32
      scf.if %cond3A_162 {
        %dma_wait3A_425 = arith.constant 0 : i32
        %dma_wait3A_426 = arith.constant 0 : i32
        %dma_wait3A_427 = tpu.memref_slice %arg7[%dma_wait3A_425, %dma_wait3A_426] : memref<10240x128xf32, #tpu.memory_space<vmem_shared>> -> memref<10240x128xf32, #tpu.memory_space<vmem_shared>>
        tpu.wait_indirect_dma semaphore(%arg47 : memref<!tpu.dma_semaphore, #tpu.memory_space<semaphore_mem>>) src(%arg11 : memref<40x128xf32, #tpu.memory_space<vmem>>) dst(%dma_wait3A_427 : memref<10240x128xf32, #tpu.memory_space<vmem_shared>>)
      } else {
      }
      %add3A_163 = arith.constant 8 : i32
      %add3A_164 = arith.addi %add3A_155, %add3A_163 : i32
      %sub3A = arith.constant 1 : i32
      %sub3A_165 = arith.subi %add3A_164, %sub3A : i32
      %lt3A_166 = arith.constant 250 : i32
      %lt3A_167 = arith.cmpi slt, %sub3A_165, %lt3A_166 : i32
      %convert_element_type3A_168 = arith.extui %lt3A_167 : i1 to i32
      %cond3A_169 = arith.constant 0 : i32
      %cond3A_170 = arith.cmpi ne, %convert_element_type3A_168, %cond3A_169 : i32
      scf.if %cond3A_170 {
        %add3A_425 = arith.constant 8 : i32
        %add3A_426 = arith.addi %add3A_155, %add3A_425 : i32
        %sub3A_427 = arith.constant 1 : i32
        %sub3A_428 = arith.subi %add3A_426, %sub3A_427 : i32
        %mul3A_429 = arith.constant 40 : i32
        %mul3A_430 = arith.muli %sub3A_428, %mul3A_429 : i32
        %add3A_431 = arith.addi %mul3A_2, %mul3A_430 : i32
        %dma_start3A_432 = tpu.memref_slice %arg4[%add3A_431] : memref<960000xi32, #tpu.memory_space<hbm>> -> memref<40xi32, #tpu.memory_space<hbm>>
        %dma_start3A_433 = tpu.memref_slice %arg4[%add3A_431] : memref<960000xi32, #tpu.memory_space<hbm>> -> memref<40xi32, #tpu.memory_space<hbm>>
        tpu.enqueue_dma source(%dma_start3A_433 : memref<40xi32, #tpu.memory_space<hbm>>) target(%arg23 : memref<40xi32, #tpu.memory_space<vmem>>) target_semaphore(%arg55 : memref<!tpu.dma_semaphore, #tpu.memory_space<semaphore_mem>>)
        %add3A_434 = arith.constant 320000 : i32
        %add3A_435 = arith.addi %add3A_434, %add3A_431 : i32
        %dma_start3A_436 = tpu.memref_slice %arg4[%add3A_435] : memref<960000xi32, #tpu.memory_space<hbm>> -> memref<40xi32, #tpu.memory_space<hbm>>
        %dma_start3A_437 = tpu.memref_slice %arg4[%add3A_435] : memref<960000xi32, #tpu.memory_space<hbm>> -> memref<40xi32, #tpu.memory_space<hbm>>
        tpu.enqueue_dma source(%dma_start3A_437 : memref<40xi32, #tpu.memory_space<hbm>>) target(%arg31 : memref<40xi32, #tpu.memory_space<vmem>>) target_semaphore(%arg55 : memref<!tpu.dma_semaphore, #tpu.memory_space<semaphore_mem>>)
        %add3A_438 = arith.constant 640000 : i32
        %add3A_439 = arith.addi %add3A_438, %add3A_431 : i32
        %dma_start3A_440 = tpu.memref_slice %arg4[%add3A_439] : memref<960000xi32, #tpu.memory_space<hbm>> -> memref<40xi32, #tpu.memory_space<hbm>>
        %dma_start3A_441 = tpu.memref_slice %arg4[%add3A_439] : memref<960000xi32, #tpu.memory_space<hbm>> -> memref<40xi32, #tpu.memory_space<hbm>>
        tpu.enqueue_dma source(%dma_start3A_441 : memref<40xi32, #tpu.memory_space<hbm>>) target(%arg39 : memref<40xi32, #tpu.memory_space<vmem>>) target_semaphore(%arg55 : memref<!tpu.dma_semaphore, #tpu.memory_space<semaphore_mem>>)
      } else {
      }
      %add3A_171 = arith.constant 4 : i32
      %add3A_172 = arith.addi %add3A_155, %add3A_171 : i32
      %sub3A_173 = arith.constant 1 : i32
      %sub3A_174 = arith.subi %add3A_172, %sub3A_173 : i32
      %lt3A_175 = arith.constant 250 : i32
      %lt3A_176 = arith.cmpi slt, %sub3A_174, %lt3A_175 : i32
      %convert_element_type3A_177 = arith.extui %lt3A_176 : i1 to i32
      %cond3A_178 = arith.constant 0 : i32
      %cond3A_179 = arith.cmpi ne, %convert_element_type3A_177, %cond3A_178 : i32
      scf.if %cond3A_179 {
        %dma_wait3A_425 = arith.constant 0 : i32
        %dma_wait3A_426 = tpu.memref_slice %arg4[%dma_wait3A_425] : memref<960000xi32, #tpu.memory_space<hbm>> -> memref<40xi32, #tpu.memory_space<hbm>>
        %dma_wait3A_427 = arith.constant 0 : i32
        %dma_wait3A_428 = tpu.memref_slice %arg4[%dma_wait3A_427] : memref<960000xi32, #tpu.memory_space<hbm>> -> memref<40xi32, #tpu.memory_space<hbm>>
        tpu.wait_dma2 semaphore(%arg51 : memref<!tpu.dma_semaphore, #tpu.memory_space<semaphore_mem>>) src(%dma_wait3A_428 : memref<40xi32, #tpu.memory_space<hbm>>) dst(%arg19 : memref<40xi32, #tpu.memory_space<vmem>>)
        %dma_wait3A_429 = arith.constant 0 : i32
        %dma_wait3A_430 = tpu.memref_slice %arg4[%dma_wait3A_429] : memref<960000xi32, #tpu.memory_space<hbm>> -> memref<40xi32, #tpu.memory_space<hbm>>
        %dma_wait3A_431 = arith.constant 0 : i32
        %dma_wait3A_432 = tpu.memref_slice %arg4[%dma_wait3A_431] : memref<960000xi32, #tpu.memory_space<hbm>> -> memref<40xi32, #tpu.memory_space<hbm>>
        tpu.wait_dma2 semaphore(%arg51 : memref<!tpu.dma_semaphore, #tpu.memory_space<semaphore_mem>>) src(%dma_wait3A_432 : memref<40xi32, #tpu.memory_space<hbm>>) dst(%arg27 : memref<40xi32, #tpu.memory_space<vmem>>)
        %dma_wait3A_433 = arith.constant 0 : i32
        %dma_wait3A_434 = tpu.memref_slice %arg4[%dma_wait3A_433] : memref<960000xi32, #tpu.memory_space<hbm>> -> memref<40xi32, #tpu.memory_space<hbm>>
        %dma_wait3A_435 = arith.constant 0 : i32
        %dma_wait3A_436 = tpu.memref_slice %arg4[%dma_wait3A_435] : memref<960000xi32, #tpu.memory_space<hbm>> -> memref<40xi32, #tpu.memory_space<hbm>>
        tpu.wait_dma2 semaphore(%arg51 : memref<!tpu.dma_semaphore, #tpu.memory_space<semaphore_mem>>) src(%dma_wait3A_436 : memref<40xi32, #tpu.memory_space<hbm>>) dst(%arg35 : memref<40xi32, #tpu.memory_space<vmem>>)
        %dma_start3A_437 = arith.constant 0 : i32
        %dma_start3A_438 = arith.constant 0 : i32
        %dma_start3A_439 = tpu.memref_slice %arg2[%dma_start3A_437, %dma_start3A_438] : memref<10000x128xf32, #tpu.memory_space<hbm>> -> memref<10000x128xf32, #tpu.memory_space<hbm>>
        tpu.enqueue_indirect_dma source(%dma_start3A_439 : memref<10000x128xf32, #tpu.memory_space<hbm>>) target(%arg11 : memref<40x128xf32, #tpu.memory_space<vmem>>) offsets(%arg35 : memref<40xi32, #tpu.memory_space<vmem>>) semaphore(%arg43 : memref<!tpu.dma_semaphore, #tpu.memory_space<semaphore_mem>>)
        %dma_start3A_440 = arith.constant 0 : i32
        %dma_start3A_441 = arith.constant 0 : i32
        %dma_start3A_442 = tpu.memref_slice %arg3[%dma_start3A_440, %dma_start3A_441] : memref<10000x128xf32, #tpu.memory_space<hbm>> -> memref<10000x128xf32, #tpu.memory_space<hbm>>
        tpu.enqueue_indirect_dma source(%dma_start3A_442 : memref<10000x128xf32, #tpu.memory_space<hbm>>) target(%arg15 : memref<40x128xf32, #tpu.memory_space<vmem>>) offsets(%arg27 : memref<40xi32, #tpu.memory_space<vmem>>) semaphore(%arg43 : memref<!tpu.dma_semaphore, #tpu.memory_space<semaphore_mem>>)
      } else {
      }
      %mul3A_180 = arith.constant 8 : i32
      %mul3A_181 = arith.muli %scan3A_151, %mul3A_180 : i32
      %add3A_182 = arith.constant 1 : i32
      %add3A_183 = arith.addi %mul3A_181, %add3A_182 : i32
      %lt3A_184 = arith.constant 250 : i32
      %lt3A_185 = arith.cmpi slt, %add3A_183, %lt3A_184 : i32
      %convert_element_type3A_186 = arith.extui %lt3A_185 : i1 to i32
      %cond3A_187 = arith.constant 0 : i32
      %cond3A_188 = arith.cmpi ne, %convert_element_type3A_186, %cond3A_187 : i32
      scf.if %cond3A_188 {
        %dma_wait3A_425 = arith.constant 0 : i32
        %dma_wait3A_426 = arith.constant 0 : i32
        %dma_wait3A_427 = tpu.memref_slice %arg2[%dma_wait3A_425, %dma_wait3A_426] : memref<10000x128xf32, #tpu.memory_space<hbm>> -> memref<10000x128xf32, #tpu.memory_space<hbm>>
        tpu.wait_indirect_dma semaphore(%arg41 : memref<!tpu.dma_semaphore, #tpu.memory_space<semaphore_mem>>) src(%dma_wait3A_427 : memref<10000x128xf32, #tpu.memory_space<hbm>>) dst(%arg9 : memref<40x128xf32, #tpu.memory_space<vmem>>)
        %dma_wait3A_428 = arith.constant 0 : i32
        %dma_wait3A_429 = arith.constant 0 : i32
        %dma_wait3A_430 = tpu.memref_slice %arg3[%dma_wait3A_428, %dma_wait3A_429] : memref<10000x128xf32, #tpu.memory_space<hbm>> -> memref<10000x128xf32, #tpu.memory_space<hbm>>
        tpu.wait_indirect_dma semaphore(%arg41 : memref<!tpu.dma_semaphore, #tpu.memory_space<semaphore_mem>>) src(%dma_wait3A_430 : memref<10000x128xf32, #tpu.memory_space<hbm>>) dst(%arg13 : memref<40x128xf32, #tpu.memory_space<vmem>>)
        %parallel_loop3A = arith.constant 0 : i32
        %parallel_loop3A_431 = arith.constant 40 : i32
        %parallel_loop3A_432 = arith.constant 1 : i32
        scf.for %parallel_loop3A_436 = %parallel_loop3A to %parallel_loop3A_431 step %parallel_loop3A_432  : i32 {
          %parallel_loop3A_437 = arith.index_cast %parallel_loop3A_436 : i32 to index
          %parallel_loop3A_438 = arith.constant 0 : index
          %parallel_loop3A_439 = tpu.vector_load %arg9[%parallel_loop3A_437, %parallel_loop3A_438] {strides = array<i32>} : memref<40x128xf32, #tpu.memory_space<vmem>>, vector<1x16xf32>,
          %parallel_loop3A_440 = vector.shape_cast %parallel_loop3A_439 : vector<1x16xf32> to vector<16xf32>
          %parallel_loop3A_441 = arith.index_cast %parallel_loop3A_436 : i32 to index
          %parallel_loop3A_442 = arith.constant 16 : index
          %parallel_loop3A_443 = tpu.vector_load %arg9[%parallel_loop3A_441, %parallel_loop3A_442] {strides = array<i32>} : memref<40x128xf32, #tpu.memory_space<vmem>>, vector<1x16xf32>,
          %parallel_loop3A_444 = vector.shape_cast %parallel_loop3A_443 : vector<1x16xf32> to vector<16xf32>
          %parallel_loop3A_445 = arith.index_cast %parallel_loop3A_436 : i32 to index
          %parallel_loop3A_446 = arith.constant 32 : index
          %parallel_loop3A_447 = tpu.vector_load %arg9[%parallel_loop3A_445, %parallel_loop3A_446] {strides = array<i32>} : memref<40x128xf32, #tpu.memory_space<vmem>>, vector<1x16xf32>,
          %parallel_loop3A_448 = vector.shape_cast %parallel_loop3A_447 : vector<1x16xf32> to vector<16xf32>
          %parallel_loop3A_449 = arith.index_cast %parallel_loop3A_436 : i32 to index
          %parallel_loop3A_450 = arith.constant 48 : index
          %parallel_loop3A_451 = tpu.vector_load %arg9[%parallel_loop3A_449, %parallel_loop3A_450] {strides = array<i32>} : memref<40x128xf32, #tpu.memory_space<vmem>>, vector<1x16xf32>,
          %parallel_loop3A_452 = vector.shape_cast %parallel_loop3A_451 : vector<1x16xf32> to vector<16xf32>
          %parallel_loop3A_453 = arith.index_cast %parallel_loop3A_436 : i32 to index
          %parallel_loop3A_454 = arith.constant 64 : index
          %parallel_loop3A_455 = tpu.vector_load %arg9[%parallel_loop3A_453, %parallel_loop3A_454] {strides = array<i32>} : memref<40x128xf32, #tpu.memory_space<vmem>>, vector<1x16xf32>,
          %parallel_loop3A_456 = vector.shape_cast %parallel_loop3A_455 : vector<1x16xf32> to vector<16xf32>
          %parallel_loop3A_457 = arith.index_cast %parallel_loop3A_436 : i32 to index
          %parallel_loop3A_458 = arith.constant 80 : index
          %parallel_loop3A_459 = tpu.vector_load %arg9[%parallel_loop3A_457, %parallel_loop3A_458] {strides = array<i32>} : memref<40x128xf32, #tpu.memory_space<vmem>>, vector<1x16xf32>,
          %parallel_loop3A_460 = vector.shape_cast %parallel_loop3A_459 : vector<1x16xf32> to vector<16xf32>
          %parallel_loop3A_461 = arith.index_cast %parallel_loop3A_436 : i32 to index
          %parallel_loop3A_462 = arith.constant 96 : index
          %parallel_loop3A_463 = tpu.vector_load %arg9[%parallel_loop3A_461, %parallel_loop3A_462] {strides = array<i32>} : memref<40x128xf32, #tpu.memory_space<vmem>>, vector<1x16xf32>,
          %parallel_loop3A_464 = vector.shape_cast %parallel_loop3A_463 : vector<1x16xf32> to vector<16xf32>
          %parallel_loop3A_465 = arith.index_cast %parallel_loop3A_436 : i32 to index
          %parallel_loop3A_466 = arith.constant 112 : index
          %parallel_loop3A_467 = tpu.vector_load %arg9[%parallel_loop3A_465, %parallel_loop3A_466] {strides = array<i32>} : memref<40x128xf32, #tpu.memory_space<vmem>>, vector<1x16xf32>,
          %parallel_loop3A_468 = vector.shape_cast %parallel_loop3A_467 : vector<1x16xf32> to vector<16xf32>
          %parallel_loop3A_469 = arith.index_cast %parallel_loop3A_436 : i32 to index
          %parallel_loop3A_470 = arith.constant 0 : index
          %parallel_loop3A_471 = tpu.vector_load %arg13[%parallel_loop3A_469, %parallel_loop3A_470] {strides = array<i32>} : memref<40x128xf32, #tpu.memory_space<vmem>>, vector<1x16xf32>,
          %parallel_loop3A_472 = vector.shape_cast %parallel_loop3A_471 : vector<1x16xf32> to vector<16xf32>
          %parallel_loop3A_473 = arith.index_cast %parallel_loop3A_436 : i32 to index
          %parallel_loop3A_474 = arith.constant 16 : index
          %parallel_loop3A_475 = tpu.vector_load %arg13[%parallel_loop3A_473, %parallel_loop3A_474] {strides = array<i32>} : memref<40x128xf32, #tpu.memory_space<vmem>>, vector<1x16xf32>,
          %parallel_loop3A_476 = vector.shape_cast %parallel_loop3A_475 : vector<1x16xf32> to vector<16xf32>
          %parallel_loop3A_477 = arith.index_cast %parallel_loop3A_436 : i32 to index
          %parallel_loop3A_478 = arith.constant 32 : index
          %parallel_loop3A_479 = tpu.vector_load %arg13[%parallel_loop3A_477, %parallel_loop3A_478] {strides = array<i32>} : memref<40x128xf32, #tpu.memory_space<vmem>>, vector<1x16xf32>,
          %parallel_loop3A_480 = vector.shape_cast %parallel_loop3A_479 : vector<1x16xf32> to vector<16xf32>
          %parallel_loop3A_481 = arith.index_cast %parallel_loop3A_436 : i32 to index
          %parallel_loop3A_482 = arith.constant 48 : index
          %parallel_loop3A_483 = tpu.vector_load %arg13[%parallel_loop3A_481, %parallel_loop3A_482] {strides = array<i32>} : memref<40x128xf32, #tpu.memory_space<vmem>>, vector<1x16xf32>,
          %parallel_loop3A_484 = vector.shape_cast %parallel_loop3A_483 : vector<1x16xf32> to vector<16xf32>
          %parallel_loop3A_485 = arith.index_cast %parallel_loop3A_436 : i32 to index
          %parallel_loop3A_486 = arith.constant 64 : index
          %parallel_loop3A_487 = tpu.vector_load %arg13[%parallel_loop3A_485, %parallel_loop3A_486] {strides = array<i32>} : memref<40x128xf32, #tpu.memory_space<vmem>>, vector<1x16xf32>,
          %parallel_loop3A_488 = vector.shape_cast %parallel_loop3A_487 : vector<1x16xf32> to vector<16xf32>
          %parallel_loop3A_489 = arith.index_cast %parallel_loop3A_436 : i32 to index
          %parallel_loop3A_490 = arith.constant 80 : index
          %parallel_loop3A_491 = tpu.vector_load %arg13[%parallel_loop3A_489, %parallel_loop3A_490] {strides = array<i32>} : memref<40x128xf32, #tpu.memory_space<vmem>>, vector<1x16xf32>,
          %parallel_loop3A_492 = vector.shape_cast %parallel_loop3A_491 : vector<1x16xf32> to vector<16xf32>
          %parallel_loop3A_493 = arith.index_cast %parallel_loop3A_436 : i32 to index
          %parallel_loop3A_494 = arith.constant 96 : index
          %parallel_loop3A_495 = tpu.vector_load %arg13[%parallel_loop3A_493, %parallel_loop3A_494] {strides = array<i32>} : memref<40x128xf32, #tpu.memory_space<vmem>>, vector<1x16xf32>,
          %parallel_loop3A_496 = vector.shape_cast %parallel_loop3A_495 : vector<1x16xf32> to vector<16xf32>
          %parallel_loop3A_497 = arith.index_cast %parallel_loop3A_436 : i32 to index
          %parallel_loop3A_498 = arith.constant 112 : index
          %parallel_loop3A_499 = tpu.vector_load %arg13[%parallel_loop3A_497, %parallel_loop3A_498] {strides = array<i32>} : memref<40x128xf32, #tpu.memory_space<vmem>>, vector<1x16xf32>,
          %parallel_loop3A_500 = vector.shape_cast %parallel_loop3A_499 : vector<1x16xf32> to vector<16xf32>
          %parallel_loop3A_501 = arith.mulf %parallel_loop3A_440, %parallel_loop3A_472 : vector<16xf32>
          %parallel_loop3A_502 = arith.mulf %parallel_loop3A_444, %parallel_loop3A_476 : vector<16xf32>
          %parallel_loop3A_503 = arith.mulf %parallel_loop3A_448, %parallel_loop3A_480 : vector<16xf32>
          %parallel_loop3A_504 = arith.mulf %parallel_loop3A_452, %parallel_loop3A_484 : vector<16xf32>
          %parallel_loop3A_505 = arith.mulf %parallel_loop3A_456, %parallel_loop3A_488 : vector<16xf32>
          %parallel_loop3A_506 = arith.mulf %parallel_loop3A_460, %parallel_loop3A_492 : vector<16xf32>
          %parallel_loop3A_507 = arith.mulf %parallel_loop3A_464, %parallel_loop3A_496 : vector<16xf32>
          %parallel_loop3A_508 = arith.mulf %parallel_loop3A_468, %parallel_loop3A_500 : vector<16xf32>
          %parallel_loop3A_509 = arith.index_cast %parallel_loop3A_436 : i32 to index
          %parallel_loop3A_510 = arith.constant 0 : index
          %parallel_loop3A_511 = tpu.vector_load %arg9[%parallel_loop3A_509, %parallel_loop3A_510] {strides = array<i32>} : memref<40x128xf32, #tpu.memory_space<vmem>>, vector<1x16xf32>,
          %parallel_loop3A_512 = vector.shape_cast %parallel_loop3A_511 : vector<1x16xf32> to vector<16xf32>
          %parallel_loop3A_513 = vector.shape_cast %parallel_loop3A_501 : vector<16xf32> to vector<1x16xf32>
          tpu.vector_store %arg9[%parallel_loop3A_509, %parallel_loop3A_510], %parallel_loop3A_513 {strides = array<i32>} : memref<40x128xf32, #tpu.memory_space<vmem>>, vector<1x16xf32>,
          %parallel_loop3A_514 = arith.index_cast %parallel_loop3A_436 : i32 to index
          %parallel_loop3A_515 = arith.constant 16 : index
          %parallel_loop3A_516 = tpu.vector_load %arg9[%parallel_loop3A_514, %parallel_loop3A_515] {strides = array<i32>} : memref<40x128xf32, #tpu.memory_space<vmem>>, vector<1x16xf32>,
          %parallel_loop3A_517 = vector.shape_cast %parallel_loop3A_516 : vector<1x16xf32> to vector<16xf32>
          %parallel_loop3A_518 = vector.shape_cast %parallel_loop3A_502 : vector<16xf32> to vector<1x16xf32>
          tpu.vector_store %arg9[%parallel_loop3A_514, %parallel_loop3A_515], %parallel_loop3A_518 {strides = array<i32>} : memref<40x128xf32, #tpu.memory_space<vmem>>, vector<1x16xf32>,
          %parallel_loop3A_519 = arith.index_cast %parallel_loop3A_436 : i32 to index
          %parallel_loop3A_520 = arith.constant 32 : index
          %parallel_loop3A_521 = tpu.vector_load %arg9[%parallel_loop3A_519, %parallel_loop3A_520] {strides = array<i32>} : memref<40x128xf32, #tpu.memory_space<vmem>>, vector<1x16xf32>,
          %parallel_loop3A_522 = vector.shape_cast %parallel_loop3A_521 : vector<1x16xf32> to vector<16xf32>
          %parallel_loop3A_523 = vector.shape_cast %parallel_loop3A_503 : vector<16xf32> to vector<1x16xf32>
          tpu.vector_store %arg9[%parallel_loop3A_519, %parallel_loop3A_520], %parallel_loop3A_523 {strides = array<i32>} : memref<40x128xf32, #tpu.memory_space<vmem>>, vector<1x16xf32>,
          %parallel_loop3A_524 = arith.index_cast %parallel_loop3A_436 : i32 to index
          %parallel_loop3A_525 = arith.constant 48 : index
          %parallel_loop3A_526 = tpu.vector_load %arg9[%parallel_loop3A_524, %parallel_loop3A_525] {strides = array<i32>} : memref<40x128xf32, #tpu.memory_space<vmem>>, vector<1x16xf32>,
          %parallel_loop3A_527 = vector.shape_cast %parallel_loop3A_526 : vector<1x16xf32> to vector<16xf32>
          %parallel_loop3A_528 = vector.shape_cast %parallel_loop3A_504 : vector<16xf32> to vector<1x16xf32>
          tpu.vector_store %arg9[%parallel_loop3A_524, %parallel_loop3A_525], %parallel_loop3A_528 {strides = array<i32>} : memref<40x128xf32, #tpu.memory_space<vmem>>, vector<1x16xf32>,
          %parallel_loop3A_529 = arith.index_cast %parallel_loop3A_436 : i32 to index
          %parallel_loop3A_530 = arith.constant 64 : index
          %parallel_loop3A_531 = tpu.vector_load %arg9[%parallel_loop3A_529, %parallel_loop3A_530] {strides = array<i32>} : memref<40x128xf32, #tpu.memory_space<vmem>>, vector<1x16xf32>,
          %parallel_loop3A_532 = vector.shape_cast %parallel_loop3A_531 : vector<1x16xf32> to vector<16xf32>
          %parallel_loop3A_533 = vector.shape_cast %parallel_loop3A_505 : vector<16xf32> to vector<1x16xf32>
          tpu.vector_store %arg9[%parallel_loop3A_529, %parallel_loop3A_530], %parallel_loop3A_533 {strides = array<i32>} : memref<40x128xf32, #tpu.memory_space<vmem>>, vector<1x16xf32>,
          %parallel_loop3A_534 = arith.index_cast %parallel_loop3A_436 : i32 to index
          %parallel_loop3A_535 = arith.constant 80 : index
          %parallel_loop3A_536 = tpu.vector_load %arg9[%parallel_loop3A_534, %parallel_loop3A_535] {strides = array<i32>} : memref<40x128xf32, #tpu.memory_space<vmem>>, vector<1x16xf32>,
          %parallel_loop3A_537 = vector.shape_cast %parallel_loop3A_536 : vector<1x16xf32> to vector<16xf32>
          %parallel_loop3A_538 = vector.shape_cast %parallel_loop3A_506 : vector<16xf32> to vector<1x16xf32>
          tpu.vector_store %arg9[%parallel_loop3A_534, %parallel_loop3A_535], %parallel_loop3A_538 {strides = array<i32>} : memref<40x128xf32, #tpu.memory_space<vmem>>, vector<1x16xf32>,
          %parallel_loop3A_539 = arith.index_cast %parallel_loop3A_436 : i32 to index
          %parallel_loop3A_540 = arith.constant 96 : index
          %parallel_loop3A_541 = tpu.vector_load %arg9[%parallel_loop3A_539, %parallel_loop3A_540] {strides = array<i32>} : memref<40x128xf32, #tpu.memory_space<vmem>>, vector<1x16xf32>,
          %parallel_loop3A_542 = vector.shape_cast %parallel_loop3A_541 : vector<1x16xf32> to vector<16xf32>
          %parallel_loop3A_543 = vector.shape_cast %parallel_loop3A_507 : vector<16xf32> to vector<1x16xf32>
          tpu.vector_store %arg9[%parallel_loop3A_539, %parallel_loop3A_540], %parallel_loop3A_543 {strides = array<i32>} : memref<40x128xf32, #tpu.memory_space<vmem>>, vector<1x16xf32>,
          %parallel_loop3A_544 = arith.index_cast %parallel_loop3A_436 : i32 to index
          %parallel_loop3A_545 = arith.constant 112 : index
          %parallel_loop3A_546 = tpu.vector_load %arg9[%parallel_loop3A_544, %parallel_loop3A_545] {strides = array<i32>} : memref<40x128xf32, #tpu.memory_space<vmem>>, vector<1x16xf32>,
          %parallel_loop3A_547 = vector.shape_cast %parallel_loop3A_546 : vector<1x16xf32> to vector<16xf32>
          %parallel_loop3A_548 = vector.shape_cast %parallel_loop3A_508 : vector<16xf32> to vector<1x16xf32>
          tpu.vector_store %arg9[%parallel_loop3A_544, %parallel_loop3A_545], %parallel_loop3A_548 {strides = array<i32>} : memref<40x128xf32, #tpu.memory_space<vmem>>, vector<1x16xf32>,
        } {sc.loop_unroll_factor = 2 : i64, sc.parallel_access}
        %dma_start3A_433 = arith.constant 0 : i32
        %dma_start3A_434 = arith.constant 0 : i32
        %dma_start3A_435 = tpu.memref_slice %arg7[%dma_start3A_433, %dma_start3A_434] : memref<10240x128xf32, #tpu.memory_space<vmem_shared>> -> memref<10240x128xf32, #tpu.memory_space<vmem_shared>>
        tpu.enqueue_indirect_dma source(%arg9 : memref<40x128xf32, #tpu.memory_space<vmem>>) target(%dma_start3A_435 : memref<10240x128xf32, #tpu.memory_space<vmem_shared>>) offsets(%arg17 : memref<40xi32, #tpu.memory_space<vmem>>) semaphore(%arg45 : memref<!tpu.dma_semaphore, #tpu.memory_space<semaphore_mem>>) {add = true}
      } else {
      }
      %ge3A_189 = arith.constant 1 : i32
      %ge3A_190 = arith.cmpi sge, %add3A_183, %ge3A_189 : i32
      %le3A_191 = arith.constant 250 : i32
      %le3A_192 = arith.cmpi sle, %add3A_183, %le3A_191 : i32
      %and3A_193 = arith.andi %ge3A_190, %le3A_192 : i1
      %convert_element_type3A_194 = arith.extui %and3A_193 : i1 to i32
      %cond3A_195 = arith.constant 0 : i32
      %cond3A_196 = arith.cmpi ne, %convert_element_type3A_194, %cond3A_195 : i32
      scf.if %cond3A_196 {
        %dma_wait3A_425 = arith.constant 0 : i32
        %dma_wait3A_426 = arith.constant 0 : i32
        %dma_wait3A_427 = tpu.memref_slice %arg7[%dma_wait3A_425, %dma_wait3A_426] : memref<10240x128xf32, #tpu.memory_space<vmem_shared>> -> memref<10240x128xf32, #tpu.memory_space<vmem_shared>>
        tpu.wait_indirect_dma semaphore(%arg44 : memref<!tpu.dma_semaphore, #tpu.memory_space<semaphore_mem>>) src(%arg8 : memref<40x128xf32, #tpu.memory_space<vmem>>) dst(%dma_wait3A_427 : memref<10240x128xf32, #tpu.memory_space<vmem_shared>>)
      } else {
      }
      %add3A_197 = arith.constant 8 : i32
      %add3A_198 = arith.addi %add3A_183, %add3A_197 : i32
      %sub3A_199 = arith.constant 1 : i32
      %sub3A_200 = arith.subi %add3A_198, %sub3A_199 : i32
      %lt3A_201 = arith.constant 250 : i32
      %lt3A_202 = arith.cmpi slt, %sub3A_200, %lt3A_201 : i32
      %convert_element_type3A_203 = arith.extui %lt3A_202 : i1 to i32
      %cond3A_204 = arith.constant 0 : i32
      %cond3A_205 = arith.cmpi ne, %convert_element_type3A_203, %cond3A_204 : i32
      scf.if %cond3A_205 {
        %add3A_425 = arith.constant 8 : i32
        %add3A_426 = arith.addi %add3A_183, %add3A_425 : i32
        %sub3A_427 = arith.constant 1 : i32
        %sub3A_428 = arith.subi %add3A_426, %sub3A_427 : i32
        %mul3A_429 = arith.constant 40 : i32
        %mul3A_430 = arith.muli %sub3A_428, %mul3A_429 : i32
        %add3A_431 = arith.addi %mul3A_2, %mul3A_430 : i32
        %dma_start3A_432 = tpu.memref_slice %arg4[%add3A_431] : memref<960000xi32, #tpu.memory_space<hbm>> -> memref<40xi32, #tpu.memory_space<hbm>>
        %dma_start3A_433 = tpu.memref_slice %arg4[%add3A_431] : memref<960000xi32, #tpu.memory_space<hbm>> -> memref<40xi32, #tpu.memory_space<hbm>>
        tpu.enqueue_dma source(%dma_start3A_433 : memref<40xi32, #tpu.memory_space<hbm>>) target(%arg16 : memref<40xi32, #tpu.memory_space<vmem>>) target_semaphore(%arg48 : memref<!tpu.dma_semaphore, #tpu.memory_space<semaphore_mem>>)
        %add3A_434 = arith.constant 320000 : i32
        %add3A_435 = arith.addi %add3A_434, %add3A_431 : i32
        %dma_start3A_436 = tpu.memref_slice %arg4[%add3A_435] : memref<960000xi32, #tpu.memory_space<hbm>> -> memref<40xi32, #tpu.memory_space<hbm>>
        %dma_start3A_437 = tpu.memref_slice %arg4[%add3A_435] : memref<960000xi32, #tpu.memory_space<hbm>> -> memref<40xi32, #tpu.memory_space<hbm>>
        tpu.enqueue_dma source(%dma_start3A_437 : memref<40xi32, #tpu.memory_space<hbm>>) target(%arg24 : memref<40xi32, #tpu.memory_space<vmem>>) target_semaphore(%arg48 : memref<!tpu.dma_semaphore, #tpu.memory_space<semaphore_mem>>)
        %add3A_438 = arith.constant 640000 : i32
        %add3A_439 = arith.addi %add3A_438, %add3A_431 : i32
        %dma_start3A_440 = tpu.memref_slice %arg4[%add3A_439] : memref<960000xi32, #tpu.memory_space<hbm>> -> memref<40xi32, #tpu.memory_space<hbm>>
        %dma_start3A_441 = tpu.memref_slice %arg4[%add3A_439] : memref<960000xi32, #tpu.memory_space<hbm>> -> memref<40xi32, #tpu.memory_space<hbm>>
        tpu.enqueue_dma source(%dma_start3A_441 : memref<40xi32, #tpu.memory_space<hbm>>) target(%arg32 : memref<40xi32, #tpu.memory_space<vmem>>) target_semaphore(%arg48 : memref<!tpu.dma_semaphore, #tpu.memory_space<semaphore_mem>>)
      } else {
      }
      %add3A_206 = arith.constant 4 : i32
      %add3A_207 = arith.addi %add3A_183, %add3A_206 : i32
      %sub3A_208 = arith.constant 1 : i32
      %sub3A_209 = arith.subi %add3A_207, %sub3A_208 : i32
      %lt3A_210 = arith.constant 250 : i32
      %lt3A_211 = arith.cmpi slt, %sub3A_209, %lt3A_210 : i32
      %convert_element_type3A_212 = arith.extui %lt3A_211 : i1 to i32
      %cond3A_213 = arith.constant 0 : i32
      %cond3A_214 = arith.cmpi ne, %convert_element_type3A_212, %cond3A_213 : i32
      scf.if %cond3A_214 {
        %dma_wait3A_425 = arith.constant 0 : i32
        %dma_wait3A_426 = tpu.memref_slice %arg4[%dma_wait3A_425] : memref<960000xi32, #tpu.memory_space<hbm>> -> memref<40xi32, #tpu.memory_space<hbm>>
        %dma_wait3A_427 = arith.constant 0 : i32
        %dma_wait3A_428 = tpu.memref_slice %arg4[%dma_wait3A_427] : memref<960000xi32, #tpu.memory_space<hbm>> -> memref<40xi32, #tpu.memory_space<hbm>>
        tpu.wait_dma2 semaphore(%arg52 : memref<!tpu.dma_semaphore, #tpu.memory_space<semaphore_mem>>) src(%dma_wait3A_428 : memref<40xi32, #tpu.memory_space<hbm>>) dst(%arg20 : memref<40xi32, #tpu.memory_space<vmem>>)
        %dma_wait3A_429 = arith.constant 0 : i32
        %dma_wait3A_430 = tpu.memref_slice %arg4[%dma_wait3A_429] : memref<960000xi32, #tpu.memory_space<hbm>> -> memref<40xi32, #tpu.memory_space<hbm>>
        %dma_wait3A_431 = arith.constant 0 : i32
        %dma_wait3A_432 = tpu.memref_slice %arg4[%dma_wait3A_431] : memref<960000xi32, #tpu.memory_space<hbm>> -> memref<40xi32, #tpu.memory_space<hbm>>
        tpu.wait_dma2 semaphore(%arg52 : memref<!tpu.dma_semaphore, #tpu.memory_space<semaphore_mem>>) src(%dma_wait3A_432 : memref<40xi32, #tpu.memory_space<hbm>>) dst(%arg28 : memref<40xi32, #tpu.memory_space<vmem>>)
        %dma_wait3A_433 = arith.constant 0 : i32
        %dma_wait3A_434 = tpu.memref_slice %arg4[%dma_wait3A_433] : memref<960000xi32, #tpu.memory_space<hbm>> -> memref<40xi32, #tpu.memory_space<hbm>>
        %dma_wait3A_435 = arith.constant 0 : i32
        %dma_wait3A_436 = tpu.memref_slice %arg4[%dma_wait3A_435] : memref<960000xi32, #tpu.memory_space<hbm>> -> memref<40xi32, #tpu.memory_space<hbm>>
        tpu.wait_dma2 semaphore(%arg52 : memref<!tpu.dma_semaphore, #tpu.memory_space<semaphore_mem>>) src(%dma_wait3A_436 : memref<40xi32, #tpu.memory_space<hbm>>) dst(%arg36 : memref<40xi32, #tpu.memory_space<vmem>>)
        %dma_start3A_437 = arith.constant 0 : i32
        %dma_start3A_438 = arith.constant 0 : i32
        %dma_start3A_439 = tpu.memref_slice %arg2[%dma_start3A_437, %dma_start3A_438] : memref<10000x128xf32, #tpu.memory_space<hbm>> -> memref<10000x128xf32, #tpu.memory_space<hbm>>
        tpu.enqueue_indirect_dma source(%dma_start3A_439 : memref<10000x128xf32, #tpu.memory_space<hbm>>) target(%arg8 : memref<40x128xf32, #tpu.memory_space<vmem>>) offsets(%arg36 : memref<40xi32, #tpu.memory_space<vmem>>) semaphore(%arg40 : memref<!tpu.dma_semaphore, #tpu.memory_space<semaphore_mem>>)
        %dma_start3A_440 = arith.constant 0 : i32
        %dma_start3A_441 = arith.constant 0 : i32
        %dma_start3A_442 = tpu.memref_slice %arg3[%dma_start3A_440, %dma_start3A_441] : memref<10000x128xf32, #tpu.memory_space<hbm>> -> memref<10000x128xf32, #tpu.memory_space<hbm>>
        tpu.enqueue_indirect_dma source(%dma_start3A_442 : memref<10000x128xf32, #tpu.memory_space<hbm>>) target(%arg12 : memref<40x128xf32, #tpu.memory_space<vmem>>) offsets(%arg28 : memref<40xi32, #tpu.memory_space<vmem>>) semaphore(%arg40 : memref<!tpu.dma_semaphore, #tpu.memory_space<semaphore_mem>>)
      } else {
      }
      %mul3A_215 = arith.constant 8 : i32
      %mul3A_216 = arith.muli %scan3A_151, %mul3A_215 : i32
      %add3A_217 = arith.constant 2 : i32
      %add3A_218 = arith.addi %mul3A_216, %add3A_217 : i32
      %lt3A_219 = arith.constant 250 : i32
      %lt3A_220 = arith.cmpi slt, %add3A_218, %lt3A_219 : i32
      %convert_element_type3A_221 = arith.extui %lt3A_220 : i1 to i32
      %cond3A_222 = arith.constant 0 : i32
      %cond3A_223 = arith.cmpi ne, %convert_element_type3A_221, %cond3A_222 : i32
      scf.if %cond3A_223 {
        %dma_wait3A_425 = arith.constant 0 : i32
        %dma_wait3A_426 = arith.constant 0 : i32
        %dma_wait3A_427 = tpu.memref_slice %arg2[%dma_wait3A_425, %dma_wait3A_426] : memref<10000x128xf32, #tpu.memory_space<hbm>> -> memref<10000x128xf32, #tpu.memory_space<hbm>>
        tpu.wait_indirect_dma semaphore(%arg42 : memref<!tpu.dma_semaphore, #tpu.memory_space<semaphore_mem>>) src(%dma_wait3A_427 : memref<10000x128xf32, #tpu.memory_space<hbm>>) dst(%arg10 : memref<40x128xf32, #tpu.memory_space<vmem>>)
        %dma_wait3A_428 = arith.constant 0 : i32
        %dma_wait3A_429 = arith.constant 0 : i32
        %dma_wait3A_430 = tpu.memref_slice %arg3[%dma_wait3A_428, %dma_wait3A_429] : memref<10000x128xf32, #tpu.memory_space<hbm>> -> memref<10000x128xf32, #tpu.memory_space<hbm>>
        tpu.wait_indirect_dma semaphore(%arg42 : memref<!tpu.dma_semaphore, #tpu.memory_space<semaphore_mem>>) src(%dma_wait3A_430 : memref<10000x128xf32, #tpu.memory_space<hbm>>) dst(%arg14 : memref<40x128xf32, #tpu.memory_space<vmem>>)
        %parallel_loop3A = arith.constant 0 : i32
        %parallel_loop3A_431 = arith.constant 40 : i32
        %parallel_loop3A_432 = arith.constant 1 : i32
        scf.for %parallel_loop3A_436 = %parallel_loop3A to %parallel_loop3A_431 step %parallel_loop3A_432  : i32 {
          %parallel_loop3A_437 = arith.index_cast %parallel_loop3A_436 : i32 to index
          %parallel_loop3A_438 = arith.constant 0 : index
          %parallel_loop3A_439 = tpu.vector_load %arg10[%parallel_loop3A_437, %parallel_loop3A_438] {strides = array<i32>} : memref<40x128xf32, #tpu.memory_space<vmem>>, vector<1x16xf32>,
          %parallel_loop3A_440 = vector.shape_cast %parallel_loop3A_439 : vector<1x16xf32> to vector<16xf32>
          %parallel_loop3A_441 = arith.index_cast %parallel_loop3A_436 : i32 to index
          %parallel_loop3A_442 = arith.constant 16 : index
          %parallel_loop3A_443 = tpu.vector_load %arg10[%parallel_loop3A_441, %parallel_loop3A_442] {strides = array<i32>} : memref<40x128xf32, #tpu.memory_space<vmem>>, vector<1x16xf32>,
          %parallel_loop3A_444 = vector.shape_cast %parallel_loop3A_443 : vector<1x16xf32> to vector<16xf32>
          %parallel_loop3A_445 = arith.index_cast %parallel_loop3A_436 : i32 to index
          %parallel_loop3A_446 = arith.constant 32 : index
          %parallel_loop3A_447 = tpu.vector_load %arg10[%parallel_loop3A_445, %parallel_loop3A_446] {strides = array<i32>} : memref<40x128xf32, #tpu.memory_space<vmem>>, vector<1x16xf32>,
          %parallel_loop3A_448 = vector.shape_cast %parallel_loop3A_447 : vector<1x16xf32> to vector<16xf32>
          %parallel_loop3A_449 = arith.index_cast %parallel_loop3A_436 : i32 to index
          %parallel_loop3A_450 = arith.constant 48 : index
          %parallel_loop3A_451 = tpu.vector_load %arg10[%parallel_loop3A_449, %parallel_loop3A_450] {strides = array<i32>} : memref<40x128xf32, #tpu.memory_space<vmem>>, vector<1x16xf32>,
          %parallel_loop3A_452 = vector.shape_cast %parallel_loop3A_451 : vector<1x16xf32> to vector<16xf32>
          %parallel_loop3A_453 = arith.index_cast %parallel_loop3A_436 : i32 to index
          %parallel_loop3A_454 = arith.constant 64 : index
          %parallel_loop3A_455 = tpu.vector_load %arg10[%parallel_loop3A_453, %parallel_loop3A_454] {strides = array<i32>} : memref<40x128xf32, #tpu.memory_space<vmem>>, vector<1x16xf32>,
          %parallel_loop3A_456 = vector.shape_cast %parallel_loop3A_455 : vector<1x16xf32> to vector<16xf32>
          %parallel_loop3A_457 = arith.index_cast %parallel_loop3A_436 : i32 to index
          %parallel_loop3A_458 = arith.constant 80 : index
          %parallel_loop3A_459 = tpu.vector_load %arg10[%parallel_loop3A_457, %parallel_loop3A_458] {strides = array<i32>} : memref<40x128xf32, #tpu.memory_space<vmem>>, vector<1x16xf32>,
          %parallel_loop3A_460 = vector.shape_cast %parallel_loop3A_459 : vector<1x16xf32> to vector<16xf32>
          %parallel_loop3A_461 = arith.index_cast %parallel_loop3A_436 : i32 to index
          %parallel_loop3A_462 = arith.constant 96 : index
          %parallel_loop3A_463 = tpu.vector_load %arg10[%parallel_loop3A_461, %parallel_loop3A_462] {strides = array<i32>} : memref<40x128xf32, #tpu.memory_space<vmem>>, vector<1x16xf32>,
          %parallel_loop3A_464 = vector.shape_cast %parallel_loop3A_463 : vector<1x16xf32> to vector<16xf32>
          %parallel_loop3A_465 = arith.index_cast %parallel_loop3A_436 : i32 to index
          %parallel_loop3A_466 = arith.constant 112 : index
          %parallel_loop3A_467 = tpu.vector_load %arg10[%parallel_loop3A_465, %parallel_loop3A_466] {strides = array<i32>} : memref<40x128xf32, #tpu.memory_space<vmem>>, vector<1x16xf32>,
          %parallel_loop3A_468 = vector.shape_cast %parallel_loop3A_467 : vector<1x16xf32> to vector<16xf32>
          %parallel_loop3A_469 = arith.index_cast %parallel_loop3A_436 : i32 to index
          %parallel_loop3A_470 = arith.constant 0 : index
          %parallel_loop3A_471 = tpu.vector_load %arg14[%parallel_loop3A_469, %parallel_loop3A_470] {strides = array<i32>} : memref<40x128xf32, #tpu.memory_space<vmem>>, vector<1x16xf32>,
          %parallel_loop3A_472 = vector.shape_cast %parallel_loop3A_471 : vector<1x16xf32> to vector<16xf32>
          %parallel_loop3A_473 = arith.index_cast %parallel_loop3A_436 : i32 to index
          %parallel_loop3A_474 = arith.constant 16 : index
          %parallel_loop3A_475 = tpu.vector_load %arg14[%parallel_loop3A_473, %parallel_loop3A_474] {strides = array<i32>} : memref<40x128xf32, #tpu.memory_space<vmem>>, vector<1x16xf32>,
          %parallel_loop3A_476 = vector.shape_cast %parallel_loop3A_475 : vector<1x16xf32> to vector<16xf32>
          %parallel_loop3A_477 = arith.index_cast %parallel_loop3A_436 : i32 to index
          %parallel_loop3A_478 = arith.constant 32 : index
          %parallel_loop3A_479 = tpu.vector_load %arg14[%parallel_loop3A_477, %parallel_loop3A_478] {strides = array<i32>} : memref<40x128xf32, #tpu.memory_space<vmem>>, vector<1x16xf32>,
          %parallel_loop3A_480 = vector.shape_cast %parallel_loop3A_479 : vector<1x16xf32> to vector<16xf32>
          %parallel_loop3A_481 = arith.index_cast %parallel_loop3A_436 : i32 to index
          %parallel_loop3A_482 = arith.constant 48 : index
          %parallel_loop3A_483 = tpu.vector_load %arg14[%parallel_loop3A_481, %parallel_loop3A_482] {strides = array<i32>} : memref<40x128xf32, #tpu.memory_space<vmem>>, vector<1x16xf32>,
          %parallel_loop3A_484 = vector.shape_cast %parallel_loop3A_483 : vector<1x16xf32> to vector<16xf32>
          %parallel_loop3A_485 = arith.index_cast %parallel_loop3A_436 : i32 to index
          %parallel_loop3A_486 = arith.constant 64 : index
          %parallel_loop3A_487 = tpu.vector_load %arg14[%parallel_loop3A_485, %parallel_loop3A_486] {strides = array<i32>} : memref<40x128xf32, #tpu.memory_space<vmem>>, vector<1x16xf32>,
          %parallel_loop3A_488 = vector.shape_cast %parallel_loop3A_487 : vector<1x16xf32> to vector<16xf32>
          %parallel_loop3A_489 = arith.index_cast %parallel_loop3A_436 : i32 to index
          %parallel_loop3A_490 = arith.constant 80 : index
          %parallel_loop3A_491 = tpu.vector_load %arg14[%parallel_loop3A_489, %parallel_loop3A_490] {strides = array<i32>} : memref<40x128xf32, #tpu.memory_space<vmem>>, vector<1x16xf32>,
          %parallel_loop3A_492 = vector.shape_cast %parallel_loop3A_491 : vector<1x16xf32> to vector<16xf32>
          %parallel_loop3A_493 = arith.index_cast %parallel_loop3A_436 : i32 to index
          %parallel_loop3A_494 = arith.constant 96 : index
          %parallel_loop3A_495 = tpu.vector_load %arg14[%parallel_loop3A_493, %parallel_loop3A_494] {strides = array<i32>} : memref<40x128xf32, #tpu.memory_space<vmem>>, vector<1x16xf32>,
          %parallel_loop3A_496 = vector.shape_cast %parallel_loop3A_495 : vector<1x16xf32> to vector<16xf32>
          %parallel_loop3A_497 = arith.index_cast %parallel_loop3A_436 : i32 to index
          %parallel_loop3A_498 = arith.constant 112 : index
          %parallel_loop3A_499 = tpu.vector_load %arg14[%parallel_loop3A_497, %parallel_loop3A_498] {strides = array<i32>} : memref<40x128xf32, #tpu.memory_space<vmem>>, vector<1x16xf32>,
          %parallel_loop3A_500 = vector.shape_cast %parallel_loop3A_499 : vector<1x16xf32> to vector<16xf32>
          %parallel_loop3A_501 = arith.mulf %parallel_loop3A_440, %parallel_loop3A_472 : vector<16xf32>
          %parallel_loop3A_502 = arith.mulf %parallel_loop3A_444, %parallel_loop3A_476 : vector<16xf32>
          %parallel_loop3A_503 = arith.mulf %parallel_loop3A_448, %parallel_loop3A_480 : vector<16xf32>
          %parallel_loop3A_504 = arith.mulf %parallel_loop3A_452, %parallel_loop3A_484 : vector<16xf32>
          %parallel_loop3A_505 = arith.mulf %parallel_loop3A_456, %parallel_loop3A_488 : vector<16xf32>
          %parallel_loop3A_506 = arith.mulf %parallel_loop3A_460, %parallel_loop3A_492 : vector<16xf32>
          %parallel_loop3A_507 = arith.mulf %parallel_loop3A_464, %parallel_loop3A_496 : vector<16xf32>
          %parallel_loop3A_508 = arith.mulf %parallel_loop3A_468, %parallel_loop3A_500 : vector<16xf32>
          %parallel_loop3A_509 = arith.index_cast %parallel_loop3A_436 : i32 to index
          %parallel_loop3A_510 = arith.constant 0 : index
          %parallel_loop3A_511 = tpu.vector_load %arg10[%parallel_loop3A_509, %parallel_loop3A_510] {strides = array<i32>} : memref<40x128xf32, #tpu.memory_space<vmem>>, vector<1x16xf32>,
          %parallel_loop3A_512 = vector.shape_cast %parallel_loop3A_511 : vector<1x16xf32> to vector<16xf32>
          %parallel_loop3A_513 = vector.shape_cast %parallel_loop3A_501 : vector<16xf32> to vector<1x16xf32>
          tpu.vector_store %arg10[%parallel_loop3A_509, %parallel_loop3A_510], %parallel_loop3A_513 {strides = array<i32>} : memref<40x128xf32, #tpu.memory_space<vmem>>, vector<1x16xf32>,
          %parallel_loop3A_514 = arith.index_cast %parallel_loop3A_436 : i32 to index
          %parallel_loop3A_515 = arith.constant 16 : index
          %parallel_loop3A_516 = tpu.vector_load %arg10[%parallel_loop3A_514, %parallel_loop3A_515] {strides = array<i32>} : memref<40x128xf32, #tpu.memory_space<vmem>>, vector<1x16xf32>,
          %parallel_loop3A_517 = vector.shape_cast %parallel_loop3A_516 : vector<1x16xf32> to vector<16xf32>
          %parallel_loop3A_518 = vector.shape_cast %parallel_loop3A_502 : vector<16xf32> to vector<1x16xf32>
          tpu.vector_store %arg10[%parallel_loop3A_514, %parallel_loop3A_515], %parallel_loop3A_518 {strides = array<i32>} : memref<40x128xf32, #tpu.memory_space<vmem>>, vector<1x16xf32>,
          %parallel_loop3A_519 = arith.index_cast %parallel_loop3A_436 : i32 to index
          %parallel_loop3A_520 = arith.constant 32 : index
          %parallel_loop3A_521 = tpu.vector_load %arg10[%parallel_loop3A_519, %parallel_loop3A_520] {strides = array<i32>} : memref<40x128xf32, #tpu.memory_space<vmem>>, vector<1x16xf32>,
          %parallel_loop3A_522 = vector.shape_cast %parallel_loop3A_521 : vector<1x16xf32> to vector<16xf32>
          %parallel_loop3A_523 = vector.shape_cast %parallel_loop3A_503 : vector<16xf32> to vector<1x16xf32>
          tpu.vector_store %arg10[%parallel_loop3A_519, %parallel_loop3A_520], %parallel_loop3A_523 {strides = array<i32>} : memref<40x128xf32, #tpu.memory_space<vmem>>, vector<1x16xf32>,
          %parallel_loop3A_524 = arith.index_cast %parallel_loop3A_436 : i32 to index
          %parallel_loop3A_525 = arith.constant 48 : index
          %parallel_loop3A_526 = tpu.vector_load %arg10[%parallel_loop3A_524, %parallel_loop3A_525] {strides = array<i32>} : memref<40x128xf32, #tpu.memory_space<vmem>>, vector<1x16xf32>,
          %parallel_loop3A_527 = vector.shape_cast %parallel_loop3A_526 : vector<1x16xf32> to vector<16xf32>
          %parallel_loop3A_528 = vector.shape_cast %parallel_loop3A_504 : vector<16xf32> to vector<1x16xf32>
          tpu.vector_store %arg10[%parallel_loop3A_524, %parallel_loop3A_525], %parallel_loop3A_528 {strides = array<i32>} : memref<40x128xf32, #tpu.memory_space<vmem>>, vector<1x16xf32>,
          %parallel_loop3A_529 = arith.index_cast %parallel_loop3A_436 : i32 to index
          %parallel_loop3A_530 = arith.constant 64 : index
          %parallel_loop3A_531 = tpu.vector_load %arg10[%parallel_loop3A_529, %parallel_loop3A_530] {strides = array<i32>} : memref<40x128xf32, #tpu.memory_space<vmem>>, vector<1x16xf32>,
          %parallel_loop3A_532 = vector.shape_cast %parallel_loop3A_531 : vector<1x16xf32> to vector<16xf32>
          %parallel_loop3A_533 = vector.shape_cast %parallel_loop3A_505 : vector<16xf32> to vector<1x16xf32>
          tpu.vector_store %arg10[%parallel_loop3A_529, %parallel_loop3A_530], %parallel_loop3A_533 {strides = array<i32>} : memref<40x128xf32, #tpu.memory_space<vmem>>, vector<1x16xf32>,
          %parallel_loop3A_534 = arith.index_cast %parallel_loop3A_436 : i32 to index
          %parallel_loop3A_535 = arith.constant 80 : index
          %parallel_loop3A_536 = tpu.vector_load %arg10[%parallel_loop3A_534, %parallel_loop3A_535] {strides = array<i32>} : memref<40x128xf32, #tpu.memory_space<vmem>>, vector<1x16xf32>,
          %parallel_loop3A_537 = vector.shape_cast %parallel_loop3A_536 : vector<1x16xf32> to vector<16xf32>
          %parallel_loop3A_538 = vector.shape_cast %parallel_loop3A_506 : vector<16xf32> to vector<1x16xf32>
          tpu.vector_store %arg10[%parallel_loop3A_534, %parallel_loop3A_535], %parallel_loop3A_538 {strides = array<i32>} : memref<40x128xf32, #tpu.memory_space<vmem>>, vector<1x16xf32>,
          %parallel_loop3A_539 = arith.index_cast %parallel_loop3A_436 : i32 to index
          %parallel_loop3A_540 = arith.constant 96 : index
          %parallel_loop3A_541 = tpu.vector_load %arg10[%parallel_loop3A_539, %parallel_loop3A_540] {strides = array<i32>} : memref<40x128xf32, #tpu.memory_space<vmem>>, vector<1x16xf32>,
          %parallel_loop3A_542 = vector.shape_cast %parallel_loop3A_541 : vector<1x16xf32> to vector<16xf32>
          %parallel_loop3A_543 = vector.shape_cast %parallel_loop3A_507 : vector<16xf32> to vector<1x16xf32>
          tpu.vector_store %arg10[%parallel_loop3A_539, %parallel_loop3A_540], %parallel_loop3A_543 {strides = array<i32>} : memref<40x128xf32, #tpu.memory_space<vmem>>, vector<1x16xf32>,
          %parallel_loop3A_544 = arith.index_cast %parallel_loop3A_436 : i32 to index
          %parallel_loop3A_545 = arith.constant 112 : index
          %parallel_loop3A_546 = tpu.vector_load %arg10[%parallel_loop3A_544, %parallel_loop3A_545] {strides = array<i32>} : memref<40x128xf32, #tpu.memory_space<vmem>>, vector<1x16xf32>,
          %parallel_loop3A_547 = vector.shape_cast %parallel_loop3A_546 : vector<1x16xf32> to vector<16xf32>
          %parallel_loop3A_548 = vector.shape_cast %parallel_loop3A_508 : vector<16xf32> to vector<1x16xf32>
          tpu.vector_store %arg10[%parallel_loop3A_544, %parallel_loop3A_545], %parallel_loop3A_548 {strides = array<i32>} : memref<40x128xf32, #tpu.memory_space<vmem>>, vector<1x16xf32>,
        } {sc.loop_unroll_factor = 2 : i64, sc.parallel_access}
        %dma_start3A_433 = arith.constant 0 : i32
        %dma_start3A_434 = arith.constant 0 : i32
        %dma_start3A_435 = tpu.memref_slice %arg7[%dma_start3A_433, %dma_start3A_434] : memref<10240x128xf32, #tpu.memory_space<vmem_shared>> -> memref<10240x128xf32, #tpu.memory_space<vmem_shared>>
        tpu.enqueue_indirect_dma source(%arg10 : memref<40x128xf32, #tpu.memory_space<vmem>>) target(%dma_start3A_435 : memref<10240x128xf32, #tpu.memory_space<vmem_shared>>) offsets(%arg18 : memref<40xi32, #tpu.memory_space<vmem>>) semaphore(%arg46 : memref<!tpu.dma_semaphore, #tpu.memory_space<semaphore_mem>>) {add = true}
      } else {
      }
      %ge3A_224 = arith.constant 1 : i32
      %ge3A_225 = arith.cmpi sge, %add3A_218, %ge3A_224 : i32
      %le3A_226 = arith.constant 250 : i32
      %le3A_227 = arith.cmpi sle, %add3A_218, %le3A_226 : i32
      %and3A_228 = arith.andi %ge3A_225, %le3A_227 : i1
      %convert_element_type3A_229 = arith.extui %and3A_228 : i1 to i32
      %cond3A_230 = arith.constant 0 : i32
      %cond3A_231 = arith.cmpi ne, %convert_element_type3A_229, %cond3A_230 : i32
      scf.if %cond3A_231 {
        %dma_wait3A_425 = arith.constant 0 : i32
        %dma_wait3A_426 = arith.constant 0 : i32
        %dma_wait3A_427 = tpu.memref_slice %arg7[%dma_wait3A_425, %dma_wait3A_426] : memref<10240x128xf32, #tpu.memory_space<vmem_shared>> -> memref<10240x128xf32, #tpu.memory_space<vmem_shared>>
        tpu.wait_indirect_dma semaphore(%arg45 : memref<!tpu.dma_semaphore, #tpu.memory_space<semaphore_mem>>) src(%arg9 : memref<40x128xf32, #tpu.memory_space<vmem>>) dst(%dma_wait3A_427 : memref<10240x128xf32, #tpu.memory_space<vmem_shared>>)
      } else {
      }
      %add3A_232 = arith.constant 8 : i32
      %add3A_233 = arith.addi %add3A_218, %add3A_232 : i32
      %sub3A_234 = arith.constant 1 : i32
      %sub3A_235 = arith.subi %add3A_233, %sub3A_234 : i32
      %lt3A_236 = arith.constant 250 : i32
      %lt3A_237 = arith.cmpi slt, %sub3A_235, %lt3A_236 : i32
      %convert_element_type3A_238 = arith.extui %lt3A_237 : i1 to i32
      %cond3A_239 = arith.constant 0 : i32
      %cond3A_240 = arith.cmpi ne, %convert_element_type3A_238, %cond3A_239 : i32
      scf.if %cond3A_240 {
        %add3A_425 = arith.constant 8 : i32
        %add3A_426 = arith.addi %add3A_218, %add3A_425 : i32
        %sub3A_427 = arith.constant 1 : i32
        %sub3A_428 = arith.subi %add3A_426, %sub3A_427 : i32
        %mul3A_429 = arith.constant 40 : i32
        %mul3A_430 = arith.muli %sub3A_428, %mul3A_429 : i32
        %add3A_431 = arith.addi %mul3A_2, %mul3A_430 : i32
        %dma_start3A_432 = tpu.memref_slice %arg4[%add3A_431] : memref<960000xi32, #tpu.memory_space<hbm>> -> memref<40xi32, #tpu.memory_space<hbm>>
        %dma_start3A_433 = tpu.memref_slice %arg4[%add3A_431] : memref<960000xi32, #tpu.memory_space<hbm>> -> memref<40xi32, #tpu.memory_space<hbm>>
        tpu.enqueue_dma source(%dma_start3A_433 : memref<40xi32, #tpu.memory_space<hbm>>) target(%arg17 : memref<40xi32, #tpu.memory_space<vmem>>) target_semaphore(%arg49 : memref<!tpu.dma_semaphore, #tpu.memory_space<semaphore_mem>>)
        %add3A_434 = arith.constant 320000 : i32
        %add3A_435 = arith.addi %add3A_434, %add3A_431 : i32
        %dma_start3A_436 = tpu.memref_slice %arg4[%add3A_435] : memref<960000xi32, #tpu.memory_space<hbm>> -> memref<40xi32, #tpu.memory_space<hbm>>
        %dma_start3A_437 = tpu.memref_slice %arg4[%add3A_435] : memref<960000xi32, #tpu.memory_space<hbm>> -> memref<40xi32, #tpu.memory_space<hbm>>
        tpu.enqueue_dma source(%dma_start3A_437 : memref<40xi32, #tpu.memory_space<hbm>>) target(%arg25 : memref<40xi32, #tpu.memory_space<vmem>>) target_semaphore(%arg49 : memref<!tpu.dma_semaphore, #tpu.memory_space<semaphore_mem>>)
        %add3A_438 = arith.constant 640000 : i32
        %add3A_439 = arith.addi %add3A_438, %add3A_431 : i32
        %dma_start3A_440 = tpu.memref_slice %arg4[%add3A_439] : memref<960000xi32, #tpu.memory_space<hbm>> -> memref<40xi32, #tpu.memory_space<hbm>>
        %dma_start3A_441 = tpu.memref_slice %arg4[%add3A_439] : memref<960000xi32, #tpu.memory_space<hbm>> -> memref<40xi32, #tpu.memory_space<hbm>>
        tpu.enqueue_dma source(%dma_start3A_441 : memref<40xi32, #tpu.memory_space<hbm>>) target(%arg33 : memref<40xi32, #tpu.memory_space<vmem>>) target_semaphore(%arg49 : memref<!tpu.dma_semaphore, #tpu.memory_space<semaphore_mem>>)
      } else {
      }
      %add3A_241 = arith.constant 4 : i32
      %add3A_242 = arith.addi %add3A_218, %add3A_241 : i32
      %sub3A_243 = arith.constant 1 : i32
      %sub3A_244 = arith.subi %add3A_242, %sub3A_243 : i32
      %lt3A_245 = arith.constant 250 : i32
      %lt3A_246 = arith.cmpi slt, %sub3A_244, %lt3A_245 : i32
      %convert_element_type3A_247 = arith.extui %lt3A_246 : i1 to i32
      %cond3A_248 = arith.constant 0 : i32
      %cond3A_249 = arith.cmpi ne, %convert_element_type3A_247, %cond3A_248 : i32
      scf.if %cond3A_249 {
        %dma_wait3A_425 = arith.constant 0 : i32
        %dma_wait3A_426 = tpu.memref_slice %arg4[%dma_wait3A_425] : memref<960000xi32, #tpu.memory_space<hbm>> -> memref<40xi32, #tpu.memory_space<hbm>>
        %dma_wait3A_427 = arith.constant 0 : i32
        %dma_wait3A_428 = tpu.memref_slice %arg4[%dma_wait3A_427] : memref<960000xi32, #tpu.memory_space<hbm>> -> memref<40xi32, #tpu.memory_space<hbm>>
        tpu.wait_dma2 semaphore(%arg53 : memref<!tpu.dma_semaphore, #tpu.memory_space<semaphore_mem>>) src(%dma_wait3A_428 : memref<40xi32, #tpu.memory_space<hbm>>) dst(%arg21 : memref<40xi32, #tpu.memory_space<vmem>>)
        %dma_wait3A_429 = arith.constant 0 : i32
        %dma_wait3A_430 = tpu.memref_slice %arg4[%dma_wait3A_429] : memref<960000xi32, #tpu.memory_space<hbm>> -> memref<40xi32, #tpu.memory_space<hbm>>
        %dma_wait3A_431 = arith.constant 0 : i32
        %dma_wait3A_432 = tpu.memref_slice %arg4[%dma_wait3A_431] : memref<960000xi32, #tpu.memory_space<hbm>> -> memref<40xi32, #tpu.memory_space<hbm>>
        tpu.wait_dma2 semaphore(%arg53 : memref<!tpu.dma_semaphore, #tpu.memory_space<semaphore_mem>>) src(%dma_wait3A_432 : memref<40xi32, #tpu.memory_space<hbm>>) dst(%arg29 : memref<40xi32, #tpu.memory_space<vmem>>)
        %dma_wait3A_433 = arith.constant 0 : i32
        %dma_wait3A_434 = tpu.memref_slice %arg4[%dma_wait3A_433] : memref<960000xi32, #tpu.memory_space<hbm>> -> memref<40xi32, #tpu.memory_space<hbm>>
        %dma_wait3A_435 = arith.constant 0 : i32
        %dma_wait3A_436 = tpu.memref_slice %arg4[%dma_wait3A_435] : memref<960000xi32, #tpu.memory_space<hbm>> -> memref<40xi32, #tpu.memory_space<hbm>>
        tpu.wait_dma2 semaphore(%arg53 : memref<!tpu.dma_semaphore, #tpu.memory_space<semaphore_mem>>) src(%dma_wait3A_436 : memref<40xi32, #tpu.memory_space<hbm>>) dst(%arg37 : memref<40xi32, #tpu.memory_space<vmem>>)
        %dma_start3A_437 = arith.constant 0 : i32
        %dma_start3A_438 = arith.constant 0 : i32
        %dma_start3A_439 = tpu.memref_slice %arg2[%dma_start3A_437, %dma_start3A_438] : memref<10000x128xf32, #tpu.memory_space<hbm>> -> memref<10000x128xf32, #tpu.memory_space<hbm>>
        tpu.enqueue_indirect_dma source(%dma_start3A_439 : memref<10000x128xf32, #tpu.memory_space<hbm>>) target(%arg9 : memref<40x128xf32, #tpu.memory_space<vmem>>) offsets(%arg37 : memref<40xi32, #tpu.memory_space<vmem>>) semaphore(%arg41 : memref<!tpu.dma_semaphore, #tpu.memory_space<semaphore_mem>>)
        %dma_start3A_440 = arith.constant 0 : i32
        %dma_start3A_441 = arith.constant 0 : i32
        %dma_start3A_442 = tpu.memref_slice %arg3[%dma_start3A_440, %dma_start3A_441] : memref<10000x128xf32, #tpu.memory_space<hbm>> -> memref<10000x128xf32, #tpu.memory_space<hbm>>
        tpu.enqueue_indirect_dma source(%dma_start3A_442 : memref<10000x128xf32, #tpu.memory_space<hbm>>) target(%arg13 : memref<40x128xf32, #tpu.memory_space<vmem>>) offsets(%arg29 : memref<40xi32, #tpu.memory_space<vmem>>) semaphore(%arg41 : memref<!tpu.dma_semaphore, #tpu.memory_space<semaphore_mem>>)
      } else {
      }
      %mul3A_250 = arith.constant 8 : i32
      %mul3A_251 = arith.muli %scan3A_151, %mul3A_250 : i32
      %add3A_252 = arith.constant 3 : i32
      %add3A_253 = arith.addi %mul3A_251, %add3A_252 : i32
      %lt3A_254 = arith.constant 250 : i32
      %lt3A_255 = arith.cmpi slt, %add3A_253, %lt3A_254 : i32
      %convert_element_type3A_256 = arith.extui %lt3A_255 : i1 to i32
      %cond3A_257 = arith.constant 0 : i32
      %cond3A_258 = arith.cmpi ne, %convert_element_type3A_256, %cond3A_257 : i32
      scf.if %cond3A_258 {
        %dma_wait3A_425 = arith.constant 0 : i32
        %dma_wait3A_426 = arith.constant 0 : i32
        %dma_wait3A_427 = tpu.memref_slice %arg2[%dma_wait3A_425, %dma_wait3A_426] : memref<10000x128xf32, #tpu.memory_space<hbm>> -> memref<10000x128xf32, #tpu.memory_space<hbm>>
        tpu.wait_indirect_dma semaphore(%arg43 : memref<!tpu.dma_semaphore, #tpu.memory_space<semaphore_mem>>) src(%dma_wait3A_427 : memref<10000x128xf32, #tpu.memory_space<hbm>>) dst(%arg11 : memref<40x128xf32, #tpu.memory_space<vmem>>)
        %dma_wait3A_428 = arith.constant 0 : i32
        %dma_wait3A_429 = arith.constant 0 : i32
        %dma_wait3A_430 = tpu.memref_slice %arg3[%dma_wait3A_428, %dma_wait3A_429] : memref<10000x128xf32, #tpu.memory_space<hbm>> -> memref<10000x128xf32, #tpu.memory_space<hbm>>
        tpu.wait_indirect_dma semaphore(%arg43 : memref<!tpu.dma_semaphore, #tpu.memory_space<semaphore_mem>>) src(%dma_wait3A_430 : memref<10000x128xf32, #tpu.memory_space<hbm>>) dst(%arg15 : memref<40x128xf32, #tpu.memory_space<vmem>>)
        %parallel_loop3A = arith.constant 0 : i32
        %parallel_loop3A_431 = arith.constant 40 : i32
        %parallel_loop3A_432 = arith.constant 1 : i32
        scf.for %parallel_loop3A_436 = %parallel_loop3A to %parallel_loop3A_431 step %parallel_loop3A_432  : i32 {
          %parallel_loop3A_437 = arith.index_cast %parallel_loop3A_436 : i32 to index
          %parallel_loop3A_438 = arith.constant 0 : index
          %parallel_loop3A_439 = tpu.vector_load %arg11[%parallel_loop3A_437, %parallel_loop3A_438] {strides = array<i32>} : memref<40x128xf32, #tpu.memory_space<vmem>>, vector<1x16xf32>,
          %parallel_loop3A_440 = vector.shape_cast %parallel_loop3A_439 : vector<1x16xf32> to vector<16xf32>
          %parallel_loop3A_441 = arith.index_cast %parallel_loop3A_436 : i32 to index
          %parallel_loop3A_442 = arith.constant 16 : index
          %parallel_loop3A_443 = tpu.vector_load %arg11[%parallel_loop3A_441, %parallel_loop3A_442] {strides = array<i32>} : memref<40x128xf32, #tpu.memory_space<vmem>>, vector<1x16xf32>,
          %parallel_loop3A_444 = vector.shape_cast %parallel_loop3A_443 : vector<1x16xf32> to vector<16xf32>
          %parallel_loop3A_445 = arith.index_cast %parallel_loop3A_436 : i32 to index
          %parallel_loop3A_446 = arith.constant 32 : index
          %parallel_loop3A_447 = tpu.vector_load %arg11[%parallel_loop3A_445, %parallel_loop3A_446] {strides = array<i32>} : memref<40x128xf32, #tpu.memory_space<vmem>>, vector<1x16xf32>,
          %parallel_loop3A_448 = vector.shape_cast %parallel_loop3A_447 : vector<1x16xf32> to vector<16xf32>
          %parallel_loop3A_449 = arith.index_cast %parallel_loop3A_436 : i32 to index
          %parallel_loop3A_450 = arith.constant 48 : index
          %parallel_loop3A_451 = tpu.vector_load %arg11[%parallel_loop3A_449, %parallel_loop3A_450] {strides = array<i32>} : memref<40x128xf32, #tpu.memory_space<vmem>>, vector<1x16xf32>,
          %parallel_loop3A_452 = vector.shape_cast %parallel_loop3A_451 : vector<1x16xf32> to vector<16xf32>
          %parallel_loop3A_453 = arith.index_cast %parallel_loop3A_436 : i32 to index
          %parallel_loop3A_454 = arith.constant 64 : index
          %parallel_loop3A_455 = tpu.vector_load %arg11[%parallel_loop3A_453, %parallel_loop3A_454] {strides = array<i32>} : memref<40x128xf32, #tpu.memory_space<vmem>>, vector<1x16xf32>,
          %parallel_loop3A_456 = vector.shape_cast %parallel_loop3A_455 : vector<1x16xf32> to vector<16xf32>
          %parallel_loop3A_457 = arith.index_cast %parallel_loop3A_436 : i32 to index
          %parallel_loop3A_458 = arith.constant 80 : index
          %parallel_loop3A_459 = tpu.vector_load %arg11[%parallel_loop3A_457, %parallel_loop3A_458] {strides = array<i32>} : memref<40x128xf32, #tpu.memory_space<vmem>>, vector<1x16xf32>,
          %parallel_loop3A_460 = vector.shape_cast %parallel_loop3A_459 : vector<1x16xf32> to vector<16xf32>
          %parallel_loop3A_461 = arith.index_cast %parallel_loop3A_436 : i32 to index
          %parallel_loop3A_462 = arith.constant 96 : index
          %parallel_loop3A_463 = tpu.vector_load %arg11[%parallel_loop3A_461, %parallel_loop3A_462] {strides = array<i32>} : memref<40x128xf32, #tpu.memory_space<vmem>>, vector<1x16xf32>,
          %parallel_loop3A_464 = vector.shape_cast %parallel_loop3A_463 : vector<1x16xf32> to vector<16xf32>
          %parallel_loop3A_465 = arith.index_cast %parallel_loop3A_436 : i32 to index
          %parallel_loop3A_466 = arith.constant 112 : index
          %parallel_loop3A_467 = tpu.vector_load %arg11[%parallel_loop3A_465, %parallel_loop3A_466] {strides = array<i32>} : memref<40x128xf32, #tpu.memory_space<vmem>>, vector<1x16xf32>,
          %parallel_loop3A_468 = vector.shape_cast %parallel_loop3A_467 : vector<1x16xf32> to vector<16xf32>
          %parallel_loop3A_469 = arith.index_cast %parallel_loop3A_436 : i32 to index
          %parallel_loop3A_470 = arith.constant 0 : index
          %parallel_loop3A_471 = tpu.vector_load %arg15[%parallel_loop3A_469, %parallel_loop3A_470] {strides = array<i32>} : memref<40x128xf32, #tpu.memory_space<vmem>>, vector<1x16xf32>,
          %parallel_loop3A_472 = vector.shape_cast %parallel_loop3A_471 : vector<1x16xf32> to vector<16xf32>
          %parallel_loop3A_473 = arith.index_cast %parallel_loop3A_436 : i32 to index
          %parallel_loop3A_474 = arith.constant 16 : index
          %parallel_loop3A_475 = tpu.vector_load %arg15[%parallel_loop3A_473, %parallel_loop3A_474] {strides = array<i32>} : memref<40x128xf32, #tpu.memory_space<vmem>>, vector<1x16xf32>,
          %parallel_loop3A_476 = vector.shape_cast %parallel_loop3A_475 : vector<1x16xf32> to vector<16xf32>
          %parallel_loop3A_477 = arith.index_cast %parallel_loop3A_436 : i32 to index
          %parallel_loop3A_478 = arith.constant 32 : index
          %parallel_loop3A_479 = tpu.vector_load %arg15[%parallel_loop3A_477, %parallel_loop3A_478] {strides = array<i32>} : memref<40x128xf32, #tpu.memory_space<vmem>>, vector<1x16xf32>,
          %parallel_loop3A_480 = vector.shape_cast %parallel_loop3A_479 : vector<1x16xf32> to vector<16xf32>
          %parallel_loop3A_481 = arith.index_cast %parallel_loop3A_436 : i32 to index
          %parallel_loop3A_482 = arith.constant 48 : index
          %parallel_loop3A_483 = tpu.vector_load %arg15[%parallel_loop3A_481, %parallel_loop3A_482] {strides = array<i32>} : memref<40x128xf32, #tpu.memory_space<vmem>>, vector<1x16xf32>,
          %parallel_loop3A_484 = vector.shape_cast %parallel_loop3A_483 : vector<1x16xf32> to vector<16xf32>
          %parallel_loop3A_485 = arith.index_cast %parallel_loop3A_436 : i32 to index
          %parallel_loop3A_486 = arith.constant 64 : index
          %parallel_loop3A_487 = tpu.vector_load %arg15[%parallel_loop3A_485, %parallel_loop3A_486] {strides = array<i32>} : memref<40x128xf32, #tpu.memory_space<vmem>>, vector<1x16xf32>,
          %parallel_loop3A_488 = vector.shape_cast %parallel_loop3A_487 : vector<1x16xf32> to vector<16xf32>
          %parallel_loop3A_489 = arith.index_cast %parallel_loop3A_436 : i32 to index
          %parallel_loop3A_490 = arith.constant 80 : index
          %parallel_loop3A_491 = tpu.vector_load %arg15[%parallel_loop3A_489, %parallel_loop3A_490] {strides = array<i32>} : memref<40x128xf32, #tpu.memory_space<vmem>>, vector<1x16xf32>,
          %parallel_loop3A_492 = vector.shape_cast %parallel_loop3A_491 : vector<1x16xf32> to vector<16xf32>
          %parallel_loop3A_493 = arith.index_cast %parallel_loop3A_436 : i32 to index
          %parallel_loop3A_494 = arith.constant 96 : index
          %parallel_loop3A_495 = tpu.vector_load %arg15[%parallel_loop3A_493, %parallel_loop3A_494] {strides = array<i32>} : memref<40x128xf32, #tpu.memory_space<vmem>>, vector<1x16xf32>,
          %parallel_loop3A_496 = vector.shape_cast %parallel_loop3A_495 : vector<1x16xf32> to vector<16xf32>
          %parallel_loop3A_497 = arith.index_cast %parallel_loop3A_436 : i32 to index
          %parallel_loop3A_498 = arith.constant 112 : index
          %parallel_loop3A_499 = tpu.vector_load %arg15[%parallel_loop3A_497, %parallel_loop3A_498] {strides = array<i32>} : memref<40x128xf32, #tpu.memory_space<vmem>>, vector<1x16xf32>,
          %parallel_loop3A_500 = vector.shape_cast %parallel_loop3A_499 : vector<1x16xf32> to vector<16xf32>
          %parallel_loop3A_501 = arith.mulf %parallel_loop3A_440, %parallel_loop3A_472 : vector<16xf32>
          %parallel_loop3A_502 = arith.mulf %parallel_loop3A_444, %parallel_loop3A_476 : vector<16xf32>
          %parallel_loop3A_503 = arith.mulf %parallel_loop3A_448, %parallel_loop3A_480 : vector<16xf32>
          %parallel_loop3A_504 = arith.mulf %parallel_loop3A_452, %parallel_loop3A_484 : vector<16xf32>
          %parallel_loop3A_505 = arith.mulf %parallel_loop3A_456, %parallel_loop3A_488 : vector<16xf32>
          %parallel_loop3A_506 = arith.mulf %parallel_loop3A_460, %parallel_loop3A_492 : vector<16xf32>
          %parallel_loop3A_507 = arith.mulf %parallel_loop3A_464, %parallel_loop3A_496 : vector<16xf32>
          %parallel_loop3A_508 = arith.mulf %parallel_loop3A_468, %parallel_loop3A_500 : vector<16xf32>
          %parallel_loop3A_509 = arith.index_cast %parallel_loop3A_436 : i32 to index
          %parallel_loop3A_510 = arith.constant 0 : index
          %parallel_loop3A_511 = tpu.vector_load %arg11[%parallel_loop3A_509, %parallel_loop3A_510] {strides = array<i32>} : memref<40x128xf32, #tpu.memory_space<vmem>>, vector<1x16xf32>,
          %parallel_loop3A_512 = vector.shape_cast %parallel_loop3A_511 : vector<1x16xf32> to vector<16xf32>
          %parallel_loop3A_513 = vector.shape_cast %parallel_loop3A_501 : vector<16xf32> to vector<1x16xf32>
          tpu.vector_store %arg11[%parallel_loop3A_509, %parallel_loop3A_510], %parallel_loop3A_513 {strides = array<i32>} : memref<40x128xf32, #tpu.memory_space<vmem>>, vector<1x16xf32>,
          %parallel_loop3A_514 = arith.index_cast %parallel_loop3A_436 : i32 to index
          %parallel_loop3A_515 = arith.constant 16 : index
          %parallel_loop3A_516 = tpu.vector_load %arg11[%parallel_loop3A_514, %parallel_loop3A_515] {strides = array<i32>} : memref<40x128xf32, #tpu.memory_space<vmem>>, vector<1x16xf32>,
          %parallel_loop3A_517 = vector.shape_cast %parallel_loop3A_516 : vector<1x16xf32> to vector<16xf32>
          %parallel_loop3A_518 = vector.shape_cast %parallel_loop3A_502 : vector<16xf32> to vector<1x16xf32>
          tpu.vector_store %arg11[%parallel_loop3A_514, %parallel_loop3A_515], %parallel_loop3A_518 {strides = array<i32>} : memref<40x128xf32, #tpu.memory_space<vmem>>, vector<1x16xf32>,
          %parallel_loop3A_519 = arith.index_cast %parallel_loop3A_436 : i32 to index
          %parallel_loop3A_520 = arith.constant 32 : index
          %parallel_loop3A_521 = tpu.vector_load %arg11[%parallel_loop3A_519, %parallel_loop3A_520] {strides = array<i32>} : memref<40x128xf32, #tpu.memory_space<vmem>>, vector<1x16xf32>,
          %parallel_loop3A_522 = vector.shape_cast %parallel_loop3A_521 : vector<1x16xf32> to vector<16xf32>
          %parallel_loop3A_523 = vector.shape_cast %parallel_loop3A_503 : vector<16xf32> to vector<1x16xf32>
          tpu.vector_store %arg11[%parallel_loop3A_519, %parallel_loop3A_520], %parallel_loop3A_523 {strides = array<i32>} : memref<40x128xf32, #tpu.memory_space<vmem>>, vector<1x16xf32>,
          %parallel_loop3A_524 = arith.index_cast %parallel_loop3A_436 : i32 to index
          %parallel_loop3A_525 = arith.constant 48 : index
          %parallel_loop3A_526 = tpu.vector_load %arg11[%parallel_loop3A_524, %parallel_loop3A_525] {strides = array<i32>} : memref<40x128xf32, #tpu.memory_space<vmem>>, vector<1x16xf32>,
          %parallel_loop3A_527 = vector.shape_cast %parallel_loop3A_526 : vector<1x16xf32> to vector<16xf32>
          %parallel_loop3A_528 = vector.shape_cast %parallel_loop3A_504 : vector<16xf32> to vector<1x16xf32>
          tpu.vector_store %arg11[%parallel_loop3A_524, %parallel_loop3A_525], %parallel_loop3A_528 {strides = array<i32>} : memref<40x128xf32, #tpu.memory_space<vmem>>, vector<1x16xf32>,
          %parallel_loop3A_529 = arith.index_cast %parallel_loop3A_436 : i32 to index
          %parallel_loop3A_530 = arith.constant 64 : index
          %parallel_loop3A_531 = tpu.vector_load %arg11[%parallel_loop3A_529, %parallel_loop3A_530] {strides = array<i32>} : memref<40x128xf32, #tpu.memory_space<vmem>>, vector<1x16xf32>,
          %parallel_loop3A_532 = vector.shape_cast %parallel_loop3A_531 : vector<1x16xf32> to vector<16xf32>
          %parallel_loop3A_533 = vector.shape_cast %parallel_loop3A_505 : vector<16xf32> to vector<1x16xf32>
          tpu.vector_store %arg11[%parallel_loop3A_529, %parallel_loop3A_530], %parallel_loop3A_533 {strides = array<i32>} : memref<40x128xf32, #tpu.memory_space<vmem>>, vector<1x16xf32>,
          %parallel_loop3A_534 = arith.index_cast %parallel_loop3A_436 : i32 to index
          %parallel_loop3A_535 = arith.constant 80 : index
          %parallel_loop3A_536 = tpu.vector_load %arg11[%parallel_loop3A_534, %parallel_loop3A_535] {strides = array<i32>} : memref<40x128xf32, #tpu.memory_space<vmem>>, vector<1x16xf32>,
          %parallel_loop3A_537 = vector.shape_cast %parallel_loop3A_536 : vector<1x16xf32> to vector<16xf32>
          %parallel_loop3A_538 = vector.shape_cast %parallel_loop3A_506 : vector<16xf32> to vector<1x16xf32>
          tpu.vector_store %arg11[%parallel_loop3A_534, %parallel_loop3A_535], %parallel_loop3A_538 {strides = array<i32>} : memref<40x128xf32, #tpu.memory_space<vmem>>, vector<1x16xf32>,
          %parallel_loop3A_539 = arith.index_cast %parallel_loop3A_436 : i32 to index
          %parallel_loop3A_540 = arith.constant 96 : index
          %parallel_loop3A_541 = tpu.vector_load %arg11[%parallel_loop3A_539, %parallel_loop3A_540] {strides = array<i32>} : memref<40x128xf32, #tpu.memory_space<vmem>>, vector<1x16xf32>,
          %parallel_loop3A_542 = vector.shape_cast %parallel_loop3A_541 : vector<1x16xf32> to vector<16xf32>
          %parallel_loop3A_543 = vector.shape_cast %parallel_loop3A_507 : vector<16xf32> to vector<1x16xf32>
          tpu.vector_store %arg11[%parallel_loop3A_539, %parallel_loop3A_540], %parallel_loop3A_543 {strides = array<i32>} : memref<40x128xf32, #tpu.memory_space<vmem>>, vector<1x16xf32>,
          %parallel_loop3A_544 = arith.index_cast %parallel_loop3A_436 : i32 to index
          %parallel_loop3A_545 = arith.constant 112 : index
          %parallel_loop3A_546 = tpu.vector_load %arg11[%parallel_loop3A_544, %parallel_loop3A_545] {strides = array<i32>} : memref<40x128xf32, #tpu.memory_space<vmem>>, vector<1x16xf32>,
          %parallel_loop3A_547 = vector.shape_cast %parallel_loop3A_546 : vector<1x16xf32> to vector<16xf32>
          %parallel_loop3A_548 = vector.shape_cast %parallel_loop3A_508 : vector<16xf32> to vector<1x16xf32>
          tpu.vector_store %arg11[%parallel_loop3A_544, %parallel_loop3A_545], %parallel_loop3A_548 {strides = array<i32>} : memref<40x128xf32, #tpu.memory_space<vmem>>, vector<1x16xf32>,
        } {sc.loop_unroll_factor = 2 : i64, sc.parallel_access}
        %dma_start3A_433 = arith.constant 0 : i32
        %dma_start3A_434 = arith.constant 0 : i32
        %dma_start3A_435 = tpu.memref_slice %arg7[%dma_start3A_433, %dma_start3A_434] : memref<10240x128xf32, #tpu.memory_space<vmem_shared>> -> memref<10240x128xf32, #tpu.memory_space<vmem_shared>>
        tpu.enqueue_indirect_dma source(%arg11 : memref<40x128xf32, #tpu.memory_space<vmem>>) target(%dma_start3A_435 : memref<10240x128xf32, #tpu.memory_space<vmem_shared>>) offsets(%arg19 : memref<40xi32, #tpu.memory_space<vmem>>) semaphore(%arg47 : memref<!tpu.dma_semaphore, #tpu.memory_space<semaphore_mem>>) {add = true}
      } else {
      }
      %ge3A_259 = arith.constant 1 : i32
      %ge3A_260 = arith.cmpi sge, %add3A_253, %ge3A_259 : i32
      %le3A_261 = arith.constant 250 : i32
      %le3A_262 = arith.cmpi sle, %add3A_253, %le3A_261 : i32
      %and3A_263 = arith.andi %ge3A_260, %le3A_262 : i1
      %convert_element_type3A_264 = arith.extui %and3A_263 : i1 to i32
      %cond3A_265 = arith.constant 0 : i32
      %cond3A_266 = arith.cmpi ne, %convert_element_type3A_264, %cond3A_265 : i32
      scf.if %cond3A_266 {
        %dma_wait3A_425 = arith.constant 0 : i32
        %dma_wait3A_426 = arith.constant 0 : i32
        %dma_wait3A_427 = tpu.memref_slice %arg7[%dma_wait3A_425, %dma_wait3A_426] : memref<10240x128xf32, #tpu.memory_space<vmem_shared>> -> memref<10240x128xf32, #tpu.memory_space<vmem_shared>>
        tpu.wait_indirect_dma semaphore(%arg46 : memref<!tpu.dma_semaphore, #tpu.memory_space<semaphore_mem>>) src(%arg10 : memref<40x128xf32, #tpu.memory_space<vmem>>) dst(%dma_wait3A_427 : memref<10240x128xf32, #tpu.memory_space<vmem_shared>>)
      } else {
      }
      %add3A_267 = arith.constant 8 : i32
      %add3A_268 = arith.addi %add3A_253, %add3A_267 : i32
      %sub3A_269 = arith.constant 1 : i32
      %sub3A_270 = arith.subi %add3A_268, %sub3A_269 : i32
      %lt3A_271 = arith.constant 250 : i32
      %lt3A_272 = arith.cmpi slt, %sub3A_270, %lt3A_271 : i32
      %convert_element_type3A_273 = arith.extui %lt3A_272 : i1 to i32
      %cond3A_274 = arith.constant 0 : i32
      %cond3A_275 = arith.cmpi ne, %convert_element_type3A_273, %cond3A_274 : i32
      scf.if %cond3A_275 {
        %add3A_425 = arith.constant 8 : i32
        %add3A_426 = arith.addi %add3A_253, %add3A_425 : i32
        %sub3A_427 = arith.constant 1 : i32
        %sub3A_428 = arith.subi %add3A_426, %sub3A_427 : i32
        %mul3A_429 = arith.constant 40 : i32
        %mul3A_430 = arith.muli %sub3A_428, %mul3A_429 : i32
        %add3A_431 = arith.addi %mul3A_2, %mul3A_430 : i32
        %dma_start3A_432 = tpu.memref_slice %arg4[%add3A_431] : memref<960000xi32, #tpu.memory_space<hbm>> -> memref<40xi32, #tpu.memory_space<hbm>>
        %dma_start3A_433 = tpu.memref_slice %arg4[%add3A_431] : memref<960000xi32, #tpu.memory_space<hbm>> -> memref<40xi32, #tpu.memory_space<hbm>>
        tpu.enqueue_dma source(%dma_start3A_433 : memref<40xi32, #tpu.memory_space<hbm>>) target(%arg18 : memref<40xi32, #tpu.memory_space<vmem>>) target_semaphore(%arg50 : memref<!tpu.dma_semaphore, #tpu.memory_space<semaphore_mem>>)
        %add3A_434 = arith.constant 320000 : i32
        %add3A_435 = arith.addi %add3A_434, %add3A_431 : i32
        %dma_start3A_436 = tpu.memref_slice %arg4[%add3A_435] : memref<960000xi32, #tpu.memory_space<hbm>> -> memref<40xi32, #tpu.memory_space<hbm>>
        %dma_start3A_437 = tpu.memref_slice %arg4[%add3A_435] : memref<960000xi32, #tpu.memory_space<hbm>> -> memref<40xi32, #tpu.memory_space<hbm>>
        tpu.enqueue_dma source(%dma_start3A_437 : memref<40xi32, #tpu.memory_space<hbm>>) target(%arg26 : memref<40xi32, #tpu.memory_space<vmem>>) target_semaphore(%arg50 : memref<!tpu.dma_semaphore, #tpu.memory_space<semaphore_mem>>)
        %add3A_438 = arith.constant 640000 : i32
        %add3A_439 = arith.addi %add3A_438, %add3A_431 : i32
        %dma_start3A_440 = tpu.memref_slice %arg4[%add3A_439] : memref<960000xi32, #tpu.memory_space<hbm>> -> memref<40xi32, #tpu.memory_space<hbm>>
        %dma_start3A_441 = tpu.memref_slice %arg4[%add3A_439] : memref<960000xi32, #tpu.memory_space<hbm>> -> memref<40xi32, #tpu.memory_space<hbm>>
        tpu.enqueue_dma source(%dma_start3A_441 : memref<40xi32, #tpu.memory_space<hbm>>) target(%arg34 : memref<40xi32, #tpu.memory_space<vmem>>) target_semaphore(%arg50 : memref<!tpu.dma_semaphore, #tpu.memory_space<semaphore_mem>>)
      } else {
      }
      %add3A_276 = arith.constant 4 : i32
      %add3A_277 = arith.addi %add3A_253, %add3A_276 : i32
      %sub3A_278 = arith.constant 1 : i32
      %sub3A_279 = arith.subi %add3A_277, %sub3A_278 : i32
      %lt3A_280 = arith.constant 250 : i32
      %lt3A_281 = arith.cmpi slt, %sub3A_279, %lt3A_280 : i32
      %convert_element_type3A_282 = arith.extui %lt3A_281 : i1 to i32
      %cond3A_283 = arith.constant 0 : i32
      %cond3A_284 = arith.cmpi ne, %convert_element_type3A_282, %cond3A_283 : i32
      scf.if %cond3A_284 {
        %dma_wait3A_425 = arith.constant 0 : i32
        %dma_wait3A_426 = tpu.memref_slice %arg4[%dma_wait3A_425] : memref<960000xi32, #tpu.memory_space<hbm>> -> memref<40xi32, #tpu.memory_space<hbm>>
        %dma_wait3A_427 = arith.constant 0 : i32
        %dma_wait3A_428 = tpu.memref_slice %arg4[%dma_wait3A_427] : memref<960000xi32, #tpu.memory_space<hbm>> -> memref<40xi32, #tpu.memory_space<hbm>>
        tpu.wait_dma2 semaphore(%arg54 : memref<!tpu.dma_semaphore, #tpu.memory_space<semaphore_mem>>) src(%dma_wait3A_428 : memref<40xi32, #tpu.memory_space<hbm>>) dst(%arg22 : memref<40xi32, #tpu.memory_space<vmem>>)
        %dma_wait3A_429 = arith.constant 0 : i32
        %dma_wait3A_430 = tpu.memref_slice %arg4[%dma_wait3A_429] : memref<960000xi32, #tpu.memory_space<hbm>> -> memref<40xi32, #tpu.memory_space<hbm>>
        %dma_wait3A_431 = arith.constant 0 : i32
        %dma_wait3A_432 = tpu.memref_slice %arg4[%dma_wait3A_431] : memref<960000xi32, #tpu.memory_space<hbm>> -> memref<40xi32, #tpu.memory_space<hbm>>
        tpu.wait_dma2 semaphore(%arg54 : memref<!tpu.dma_semaphore, #tpu.memory_space<semaphore_mem>>) src(%dma_wait3A_432 : memref<40xi32, #tpu.memory_space<hbm>>) dst(%arg30 : memref<40xi32, #tpu.memory_space<vmem>>)
        %dma_wait3A_433 = arith.constant 0 : i32
        %dma_wait3A_434 = tpu.memref_slice %arg4[%dma_wait3A_433] : memref<960000xi32, #tpu.memory_space<hbm>> -> memref<40xi32, #tpu.memory_space<hbm>>
        %dma_wait3A_435 = arith.constant 0 : i32
        %dma_wait3A_436 = tpu.memref_slice %arg4[%dma_wait3A_435] : memref<960000xi32, #tpu.memory_space<hbm>> -> memref<40xi32, #tpu.memory_space<hbm>>
        tpu.wait_dma2 semaphore(%arg54 : memref<!tpu.dma_semaphore, #tpu.memory_space<semaphore_mem>>) src(%dma_wait3A_436 : memref<40xi32, #tpu.memory_space<hbm>>) dst(%arg38 : memref<40xi32, #tpu.memory_space<vmem>>)
        %dma_start3A_437 = arith.constant 0 : i32
        %dma_start3A_438 = arith.constant 0 : i32
        %dma_start3A_439 = tpu.memref_slice %arg2[%dma_start3A_437, %dma_start3A_438] : memref<10000x128xf32, #tpu.memory_space<hbm>> -> memref<10000x128xf32, #tpu.memory_space<hbm>>
        tpu.enqueue_indirect_dma source(%dma_start3A_439 : memref<10000x128xf32, #tpu.memory_space<hbm>>) target(%arg10 : memref<40x128xf32, #tpu.memory_space<vmem>>) offsets(%arg38 : memref<40xi32, #tpu.memory_space<vmem>>) semaphore(%arg42 : memref<!tpu.dma_semaphore, #tpu.memory_space<semaphore_mem>>)
        %dma_start3A_440 = arith.constant 0 : i32
        %dma_start3A_441 = arith.constant 0 : i32
        %dma_start3A_442 = tpu.memref_slice %arg3[%dma_start3A_440, %dma_start3A_441] : memref<10000x128xf32, #tpu.memory_space<hbm>> -> memref<10000x128xf32, #tpu.memory_space<hbm>>
        tpu.enqueue_indirect_dma source(%dma_start3A_442 : memref<10000x128xf32, #tpu.memory_space<hbm>>) target(%arg14 : memref<40x128xf32, #tpu.memory_space<vmem>>) offsets(%arg30 : memref<40xi32, #tpu.memory_space<vmem>>) semaphore(%arg42 : memref<!tpu.dma_semaphore, #tpu.memory_space<semaphore_mem>>)
      } else {
      }
      %mul3A_285 = arith.constant 8 : i32
      %mul3A_286 = arith.muli %scan3A_151, %mul3A_285 : i32
      %add3A_287 = arith.constant 4 : i32
      %add3A_288 = arith.addi %mul3A_286, %add3A_287 : i32
      %lt3A_289 = arith.constant 250 : i32
      %lt3A_290 = arith.cmpi slt, %add3A_288, %lt3A_289 : i32
      %convert_element_type3A_291 = arith.extui %lt3A_290 : i1 to i32
      %cond3A_292 = arith.constant 0 : i32
      %cond3A_293 = arith.cmpi ne, %convert_element_type3A_291, %cond3A_292 : i32
      scf.if %cond3A_293 {
        %dma_wait3A_425 = arith.constant 0 : i32
        %dma_wait3A_426 = arith.constant 0 : i32
        %dma_wait3A_427 = tpu.memref_slice %arg2[%dma_wait3A_425, %dma_wait3A_426] : memref<10000x128xf32, #tpu.memory_space<hbm>> -> memref<10000x128xf32, #tpu.memory_space<hbm>>
        tpu.wait_indirect_dma semaphore(%arg40 : memref<!tpu.dma_semaphore, #tpu.memory_space<semaphore_mem>>) src(%dma_wait3A_427 : memref<10000x128xf32, #tpu.memory_space<hbm>>) dst(%arg8 : memref<40x128xf32, #tpu.memory_space<vmem>>)
        %dma_wait3A_428 = arith.constant 0 : i32
        %dma_wait3A_429 = arith.constant 0 : i32
        %dma_wait3A_430 = tpu.memref_slice %arg3[%dma_wait3A_428, %dma_wait3A_429] : memref<10000x128xf32, #tpu.memory_space<hbm>> -> memref<10000x128xf32, #tpu.memory_space<hbm>>
        tpu.wait_indirect_dma semaphore(%arg40 : memref<!tpu.dma_semaphore, #tpu.memory_space<semaphore_mem>>) src(%dma_wait3A_430 : memref<10000x128xf32, #tpu.memory_space<hbm>>) dst(%arg12 : memref<40x128xf32, #tpu.memory_space<vmem>>)
        %parallel_loop3A = arith.constant 0 : i32
        %parallel_loop3A_431 = arith.constant 40 : i32
        %parallel_loop3A_432 = arith.constant 1 : i32
        scf.for %parallel_loop3A_436 = %parallel_loop3A to %parallel_loop3A_431 step %parallel_loop3A_432  : i32 {
          %parallel_loop3A_437 = arith.index_cast %parallel_loop3A_436 : i32 to index
          %parallel_loop3A_438 = arith.constant 0 : index
          %parallel_loop3A_439 = tpu.vector_load %arg8[%parallel_loop3A_437, %parallel_loop3A_438] {strides = array<i32>} : memref<40x128xf32, #tpu.memory_space<vmem>>, vector<1x16xf32>,
          %parallel_loop3A_440 = vector.shape_cast %parallel_loop3A_439 : vector<1x16xf32> to vector<16xf32>
          %parallel_loop3A_441 = arith.index_cast %parallel_loop3A_436 : i32 to index
          %parallel_loop3A_442 = arith.constant 16 : index
          %parallel_loop3A_443 = tpu.vector_load %arg8[%parallel_loop3A_441, %parallel_loop3A_442] {strides = array<i32>} : memref<40x128xf32, #tpu.memory_space<vmem>>, vector<1x16xf32>,
          %parallel_loop3A_444 = vector.shape_cast %parallel_loop3A_443 : vector<1x16xf32> to vector<16xf32>
          %parallel_loop3A_445 = arith.index_cast %parallel_loop3A_436 : i32 to index
          %parallel_loop3A_446 = arith.constant 32 : index
          %parallel_loop3A_447 = tpu.vector_load %arg8[%parallel_loop3A_445, %parallel_loop3A_446] {strides = array<i32>} : memref<40x128xf32, #tpu.memory_space<vmem>>, vector<1x16xf32>,
          %parallel_loop3A_448 = vector.shape_cast %parallel_loop3A_447 : vector<1x16xf32> to vector<16xf32>
          %parallel_loop3A_449 = arith.index_cast %parallel_loop3A_436 : i32 to index
          %parallel_loop3A_450 = arith.constant 48 : index
          %parallel_loop3A_451 = tpu.vector_load %arg8[%parallel_loop3A_449, %parallel_loop3A_450] {strides = array<i32>} : memref<40x128xf32, #tpu.memory_space<vmem>>, vector<1x16xf32>,
          %parallel_loop3A_452 = vector.shape_cast %parallel_loop3A_451 : vector<1x16xf32> to vector<16xf32>
          %parallel_loop3A_453 = arith.index_cast %parallel_loop3A_436 : i32 to index
          %parallel_loop3A_454 = arith.constant 64 : index
          %parallel_loop3A_455 = tpu.vector_load %arg8[%parallel_loop3A_453, %parallel_loop3A_454] {strides = array<i32>} : memref<40x128xf32, #tpu.memory_space<vmem>>, vector<1x16xf32>,
          %parallel_loop3A_456 = vector.shape_cast %parallel_loop3A_455 : vector<1x16xf32> to vector<16xf32>
          %parallel_loop3A_457 = arith.index_cast %parallel_loop3A_436 : i32 to index
          %parallel_loop3A_458 = arith.constant 80 : index
          %parallel_loop3A_459 = tpu.vector_load %arg8[%parallel_loop3A_457, %parallel_loop3A_458] {strides = array<i32>} : memref<40x128xf32, #tpu.memory_space<vmem>>, vector<1x16xf32>,
          %parallel_loop3A_460 = vector.shape_cast %parallel_loop3A_459 : vector<1x16xf32> to vector<16xf32>
          %parallel_loop3A_461 = arith.index_cast %parallel_loop3A_436 : i32 to index
          %parallel_loop3A_462 = arith.constant 96 : index
          %parallel_loop3A_463 = tpu.vector_load %arg8[%parallel_loop3A_461, %parallel_loop3A_462] {strides = array<i32>} : memref<40x128xf32, #tpu.memory_space<vmem>>, vector<1x16xf32>,
          %parallel_loop3A_464 = vector.shape_cast %parallel_loop3A_463 : vector<1x16xf32> to vector<16xf32>
          %parallel_loop3A_465 = arith.index_cast %parallel_loop3A_436 : i32 to index
          %parallel_loop3A_466 = arith.constant 112 : index
          %parallel_loop3A_467 = tpu.vector_load %arg8[%parallel_loop3A_465, %parallel_loop3A_466] {strides = array<i32>} : memref<40x128xf32, #tpu.memory_space<vmem>>, vector<1x16xf32>,
          %parallel_loop3A_468 = vector.shape_cast %parallel_loop3A_467 : vector<1x16xf32> to vector<16xf32>
          %parallel_loop3A_469 = arith.index_cast %parallel_loop3A_436 : i32 to index
          %parallel_loop3A_470 = arith.constant 0 : index
          %parallel_loop3A_471 = tpu.vector_load %arg12[%parallel_loop3A_469, %parallel_loop3A_470] {strides = array<i32>} : memref<40x128xf32, #tpu.memory_space<vmem>>, vector<1x16xf32>,
          %parallel_loop3A_472 = vector.shape_cast %parallel_loop3A_471 : vector<1x16xf32> to vector<16xf32>
          %parallel_loop3A_473 = arith.index_cast %parallel_loop3A_436 : i32 to index
          %parallel_loop3A_474 = arith.constant 16 : index
          %parallel_loop3A_475 = tpu.vector_load %arg12[%parallel_loop3A_473, %parallel_loop3A_474] {strides = array<i32>} : memref<40x128xf32, #tpu.memory_space<vmem>>, vector<1x16xf32>,
          %parallel_loop3A_476 = vector.shape_cast %parallel_loop3A_475 : vector<1x16xf32> to vector<16xf32>
          %parallel_loop3A_477 = arith.index_cast %parallel_loop3A_436 : i32 to index
          %parallel_loop3A_478 = arith.constant 32 : index
          %parallel_loop3A_479 = tpu.vector_load %arg12[%parallel_loop3A_477, %parallel_loop3A_478] {strides = array<i32>} : memref<40x128xf32, #tpu.memory_space<vmem>>, vector<1x16xf32>,
          %parallel_loop3A_480 = vector.shape_cast %parallel_loop3A_479 : vector<1x16xf32> to vector<16xf32>
          %parallel_loop3A_481 = arith.index_cast %parallel_loop3A_436 : i32 to index
          %parallel_loop3A_482 = arith.constant 48 : index
          %parallel_loop3A_483 = tpu.vector_load %arg12[%parallel_loop3A_481, %parallel_loop3A_482] {strides = array<i32>} : memref<40x128xf32, #tpu.memory_space<vmem>>, vector<1x16xf32>,
          %parallel_loop3A_484 = vector.shape_cast %parallel_loop3A_483 : vector<1x16xf32> to vector<16xf32>
          %parallel_loop3A_485 = arith.index_cast %parallel_loop3A_436 : i32 to index
          %parallel_loop3A_486 = arith.constant 64 : index
          %parallel_loop3A_487 = tpu.vector_load %arg12[%parallel_loop3A_485, %parallel_loop3A_486] {strides = array<i32>} : memref<40x128xf32, #tpu.memory_space<vmem>>, vector<1x16xf32>,
          %parallel_loop3A_488 = vector.shape_cast %parallel_loop3A_487 : vector<1x16xf32> to vector<16xf32>
          %parallel_loop3A_489 = arith.index_cast %parallel_loop3A_436 : i32 to index
          %parallel_loop3A_490 = arith.constant 80 : index
          %parallel_loop3A_491 = tpu.vector_load %arg12[%parallel_loop3A_489, %parallel_loop3A_490] {strides = array<i32>} : memref<40x128xf32, #tpu.memory_space<vmem>>, vector<1x16xf32>,
          %parallel_loop3A_492 = vector.shape_cast %parallel_loop3A_491 : vector<1x16xf32> to vector<16xf32>
          %parallel_loop3A_493 = arith.index_cast %parallel_loop3A_436 : i32 to index
          %parallel_loop3A_494 = arith.constant 96 : index
          %parallel_loop3A_495 = tpu.vector_load %arg12[%parallel_loop3A_493, %parallel_loop3A_494] {strides = array<i32>} : memref<40x128xf32, #tpu.memory_space<vmem>>, vector<1x16xf32>,
          %parallel_loop3A_496 = vector.shape_cast %parallel_loop3A_495 : vector<1x16xf32> to vector<16xf32>
          %parallel_loop3A_497 = arith.index_cast %parallel_loop3A_436 : i32 to index
          %parallel_loop3A_498 = arith.constant 112 : index
          %parallel_loop3A_499 = tpu.vector_load %arg12[%parallel_loop3A_497, %parallel_loop3A_498] {strides = array<i32>} : memref<40x128xf32, #tpu.memory_space<vmem>>, vector<1x16xf32>,
          %parallel_loop3A_500 = vector.shape_cast %parallel_loop3A_499 : vector<1x16xf32> to vector<16xf32>
          %parallel_loop3A_501 = arith.mulf %parallel_loop3A_440, %parallel_loop3A_472 : vector<16xf32>
          %parallel_loop3A_502 = arith.mulf %parallel_loop3A_444, %parallel_loop3A_476 : vector<16xf32>
          %parallel_loop3A_503 = arith.mulf %parallel_loop3A_448, %parallel_loop3A_480 : vector<16xf32>
          %parallel_loop3A_504 = arith.mulf %parallel_loop3A_452, %parallel_loop3A_484 : vector<16xf32>
          %parallel_loop3A_505 = arith.mulf %parallel_loop3A_456, %parallel_loop3A_488 : vector<16xf32>
          %parallel_loop3A_506 = arith.mulf %parallel_loop3A_460, %parallel_loop3A_492 : vector<16xf32>
          %parallel_loop3A_507 = arith.mulf %parallel_loop3A_464, %parallel_loop3A_496 : vector<16xf32>
          %parallel_loop3A_508 = arith.mulf %parallel_loop3A_468, %parallel_loop3A_500 : vector<16xf32>
          %parallel_loop3A_509 = arith.index_cast %parallel_loop3A_436 : i32 to index
          %parallel_loop3A_510 = arith.constant 0 : index
          %parallel_loop3A_511 = tpu.vector_load %arg8[%parallel_loop3A_509, %parallel_loop3A_510] {strides = array<i32>} : memref<40x128xf32, #tpu.memory_space<vmem>>, vector<1x16xf32>,
          %parallel_loop3A_512 = vector.shape_cast %parallel_loop3A_511 : vector<1x16xf32> to vector<16xf32>
          %parallel_loop3A_513 = vector.shape_cast %parallel_loop3A_501 : vector<16xf32> to vector<1x16xf32>
          tpu.vector_store %arg8[%parallel_loop3A_509, %parallel_loop3A_510], %parallel_loop3A_513 {strides = array<i32>} : memref<40x128xf32, #tpu.memory_space<vmem>>, vector<1x16xf32>,
          %parallel_loop3A_514 = arith.index_cast %parallel_loop3A_436 : i32 to index
          %parallel_loop3A_515 = arith.constant 16 : index
          %parallel_loop3A_516 = tpu.vector_load %arg8[%parallel_loop3A_514, %parallel_loop3A_515] {strides = array<i32>} : memref<40x128xf32, #tpu.memory_space<vmem>>, vector<1x16xf32>,
          %parallel_loop3A_517 = vector.shape_cast %parallel_loop3A_516 : vector<1x16xf32> to vector<16xf32>
          %parallel_loop3A_518 = vector.shape_cast %parallel_loop3A_502 : vector<16xf32> to vector<1x16xf32>
          tpu.vector_store %arg8[%parallel_loop3A_514, %parallel_loop3A_515], %parallel_loop3A_518 {strides = array<i32>} : memref<40x128xf32, #tpu.memory_space<vmem>>, vector<1x16xf32>,
          %parallel_loop3A_519 = arith.index_cast %parallel_loop3A_436 : i32 to index
          %parallel_loop3A_520 = arith.constant 32 : index
          %parallel_loop3A_521 = tpu.vector_load %arg8[%parallel_loop3A_519, %parallel_loop3A_520] {strides = array<i32>} : memref<40x128xf32, #tpu.memory_space<vmem>>, vector<1x16xf32>,
          %parallel_loop3A_522 = vector.shape_cast %parallel_loop3A_521 : vector<1x16xf32> to vector<16xf32>
          %parallel_loop3A_523 = vector.shape_cast %parallel_loop3A_503 : vector<16xf32> to vector<1x16xf32>
          tpu.vector_store %arg8[%parallel_loop3A_519, %parallel_loop3A_520], %parallel_loop3A_523 {strides = array<i32>} : memref<40x128xf32, #tpu.memory_space<vmem>>, vector<1x16xf32>,
          %parallel_loop3A_524 = arith.index_cast %parallel_loop3A_436 : i32 to index
          %parallel_loop3A_525 = arith.constant 48 : index
          %parallel_loop3A_526 = tpu.vector_load %arg8[%parallel_loop3A_524, %parallel_loop3A_525] {strides = array<i32>} : memref<40x128xf32, #tpu.memory_space<vmem>>, vector<1x16xf32>,
          %parallel_loop3A_527 = vector.shape_cast %parallel_loop3A_526 : vector<1x16xf32> to vector<16xf32>
          %parallel_loop3A_528 = vector.shape_cast %parallel_loop3A_504 : vector<16xf32> to vector<1x16xf32>
          tpu.vector_store %arg8[%parallel_loop3A_524, %parallel_loop3A_525], %parallel_loop3A_528 {strides = array<i32>} : memref<40x128xf32, #tpu.memory_space<vmem>>, vector<1x16xf32>,
          %parallel_loop3A_529 = arith.index_cast %parallel_loop3A_436 : i32 to index
          %parallel_loop3A_530 = arith.constant 64 : index
          %parallel_loop3A_531 = tpu.vector_load %arg8[%parallel_loop3A_529, %parallel_loop3A_530] {strides = array<i32>} : memref<40x128xf32, #tpu.memory_space<vmem>>, vector<1x16xf32>,
          %parallel_loop3A_532 = vector.shape_cast %parallel_loop3A_531 : vector<1x16xf32> to vector<16xf32>
          %parallel_loop3A_533 = vector.shape_cast %parallel_loop3A_505 : vector<16xf32> to vector<1x16xf32>
          tpu.vector_store %arg8[%parallel_loop3A_529, %parallel_loop3A_530], %parallel_loop3A_533 {strides = array<i32>} : memref<40x128xf32, #tpu.memory_space<vmem>>, vector<1x16xf32>,
          %parallel_loop3A_534 = arith.index_cast %parallel_loop3A_436 : i32 to index
          %parallel_loop3A_535 = arith.constant 80 : index
          %parallel_loop3A_536 = tpu.vector_load %arg8[%parallel_loop3A_534, %parallel_loop3A_535] {strides = array<i32>} : memref<40x128xf32, #tpu.memory_space<vmem>>, vector<1x16xf32>,
          %parallel_loop3A_537 = vector.shape_cast %parallel_loop3A_536 : vector<1x16xf32> to vector<16xf32>
          %parallel_loop3A_538 = vector.shape_cast %parallel_loop3A_506 : vector<16xf32> to vector<1x16xf32>
          tpu.vector_store %arg8[%parallel_loop3A_534, %parallel_loop3A_535], %parallel_loop3A_538 {strides = array<i32>} : memref<40x128xf32, #tpu.memory_space<vmem>>, vector<1x16xf32>,
          %parallel_loop3A_539 = arith.index_cast %parallel_loop3A_436 : i32 to index
          %parallel_loop3A_540 = arith.constant 96 : index
          %parallel_loop3A_541 = tpu.vector_load %arg8[%parallel_loop3A_539, %parallel_loop3A_540] {strides = array<i32>} : memref<40x128xf32, #tpu.memory_space<vmem>>, vector<1x16xf32>,
          %parallel_loop3A_542 = vector.shape_cast %parallel_loop3A_541 : vector<1x16xf32> to vector<16xf32>
          %parallel_loop3A_543 = vector.shape_cast %parallel_loop3A_507 : vector<16xf32> to vector<1x16xf32>
          tpu.vector_store %arg8[%parallel_loop3A_539, %parallel_loop3A_540], %parallel_loop3A_543 {strides = array<i32>} : memref<40x128xf32, #tpu.memory_space<vmem>>, vector<1x16xf32>,
          %parallel_loop3A_544 = arith.index_cast %parallel_loop3A_436 : i32 to index
          %parallel_loop3A_545 = arith.constant 112 : index
          %parallel_loop3A_546 = tpu.vector_load %arg8[%parallel_loop3A_544, %parallel_loop3A_545] {strides = array<i32>} : memref<40x128xf32, #tpu.memory_space<vmem>>, vector<1x16xf32>,
          %parallel_loop3A_547 = vector.shape_cast %parallel_loop3A_546 : vector<1x16xf32> to vector<16xf32>
          %parallel_loop3A_548 = vector.shape_cast %parallel_loop3A_508 : vector<16xf32> to vector<1x16xf32>
          tpu.vector_store %arg8[%parallel_loop3A_544, %parallel_loop3A_545], %parallel_loop3A_548 {strides = array<i32>} : memref<40x128xf32, #tpu.memory_space<vmem>>, vector<1x16xf32>,
        } {sc.loop_unroll_factor = 2 : i64, sc.parallel_access}
        %dma_start3A_433 = arith.constant 0 : i32
        %dma_start3A_434 = arith.constant 0 : i32
        %dma_start3A_435 = tpu.memref_slice %arg7[%dma_start3A_433, %dma_start3A_434] : memref<10240x128xf32, #tpu.memory_space<vmem_shared>> -> memref<10240x128xf32, #tpu.memory_space<vmem_shared>>
        tpu.enqueue_indirect_dma source(%arg8 : memref<40x128xf32, #tpu.memory_space<vmem>>) target(%dma_start3A_435 : memref<10240x128xf32, #tpu.memory_space<vmem_shared>>) offsets(%arg20 : memref<40xi32, #tpu.memory_space<vmem>>) semaphore(%arg44 : memref<!tpu.dma_semaphore, #tpu.memory_space<semaphore_mem>>) {add = true}
      } else {
      }
      %ge3A_294 = arith.constant 1 : i32
      %ge3A_295 = arith.cmpi sge, %add3A_288, %ge3A_294 : i32
      %le3A_296 = arith.constant 250 : i32
      %le3A_297 = arith.cmpi sle, %add3A_288, %le3A_296 : i32
      %and3A_298 = arith.andi %ge3A_295, %le3A_297 : i1
      %convert_element_type3A_299 = arith.extui %and3A_298 : i1 to i32
      %cond3A_300 = arith.constant 0 : i32
      %cond3A_301 = arith.cmpi ne, %convert_element_type3A_299, %cond3A_300 : i32
      scf.if %cond3A_301 {
        %dma_wait3A_425 = arith.constant 0 : i32
        %dma_wait3A_426 = arith.constant 0 : i32
        %dma_wait3A_427 = tpu.memref_slice %arg7[%dma_wait3A_425, %dma_wait3A_426] : memref<10240x128xf32, #tpu.memory_space<vmem_shared>> -> memref<10240x128xf32, #tpu.memory_space<vmem_shared>>
        tpu.wait_indirect_dma semaphore(%arg47 : memref<!tpu.dma_semaphore, #tpu.memory_space<semaphore_mem>>) src(%arg11 : memref<40x128xf32, #tpu.memory_space<vmem>>) dst(%dma_wait3A_427 : memref<10240x128xf32, #tpu.memory_space<vmem_shared>>)
      } else {
      }
      %add3A_302 = arith.constant 8 : i32
      %add3A_303 = arith.addi %add3A_288, %add3A_302 : i32
      %sub3A_304 = arith.constant 1 : i32
      %sub3A_305 = arith.subi %add3A_303, %sub3A_304 : i32
      %lt3A_306 = arith.constant 250 : i32
      %lt3A_307 = arith.cmpi slt, %sub3A_305, %lt3A_306 : i32
      %convert_element_type3A_308 = arith.extui %lt3A_307 : i1 to i32
      %cond3A_309 = arith.constant 0 : i32
      %cond3A_310 = arith.cmpi ne, %convert_element_type3A_308, %cond3A_309 : i32
      scf.if %cond3A_310 {
        %add3A_425 = arith.constant 8 : i32
        %add3A_426 = arith.addi %add3A_288, %add3A_425 : i32
        %sub3A_427 = arith.constant 1 : i32
        %sub3A_428 = arith.subi %add3A_426, %sub3A_427 : i32
        %mul3A_429 = arith.constant 40 : i32
        %mul3A_430 = arith.muli %sub3A_428, %mul3A_429 : i32
        %add3A_431 = arith.addi %mul3A_2, %mul3A_430 : i32
        %dma_start3A_432 = tpu.memref_slice %arg4[%add3A_431] : memref<960000xi32, #tpu.memory_space<hbm>> -> memref<40xi32, #tpu.memory_space<hbm>>
        %dma_start3A_433 = tpu.memref_slice %arg4[%add3A_431] : memref<960000xi32, #tpu.memory_space<hbm>> -> memref<40xi32, #tpu.memory_space<hbm>>
        tpu.enqueue_dma source(%dma_start3A_433 : memref<40xi32, #tpu.memory_space<hbm>>) target(%arg19 : memref<40xi32, #tpu.memory_space<vmem>>) target_semaphore(%arg51 : memref<!tpu.dma_semaphore, #tpu.memory_space<semaphore_mem>>)
        %add3A_434 = arith.constant 320000 : i32
        %add3A_435 = arith.addi %add3A_434, %add3A_431 : i32
        %dma_start3A_436 = tpu.memref_slice %arg4[%add3A_435] : memref<960000xi32, #tpu.memory_space<hbm>> -> memref<40xi32, #tpu.memory_space<hbm>>
        %dma_start3A_437 = tpu.memref_slice %arg4[%add3A_435] : memref<960000xi32, #tpu.memory_space<hbm>> -> memref<40xi32, #tpu.memory_space<hbm>>
        tpu.enqueue_dma source(%dma_start3A_437 : memref<40xi32, #tpu.memory_space<hbm>>) target(%arg27 : memref<40xi32, #tpu.memory_space<vmem>>) target_semaphore(%arg51 : memref<!tpu.dma_semaphore, #tpu.memory_space<semaphore_mem>>)
        %add3A_438 = arith.constant 640000 : i32
        %add3A_439 = arith.addi %add3A_438, %add3A_431 : i32
        %dma_start3A_440 = tpu.memref_slice %arg4[%add3A_439] : memref<960000xi32, #tpu.memory_space<hbm>> -> memref<40xi32, #tpu.memory_space<hbm>>
        %dma_start3A_441 = tpu.memref_slice %arg4[%add3A_439] : memref<960000xi32, #tpu.memory_space<hbm>> -> memref<40xi32, #tpu.memory_space<hbm>>
        tpu.enqueue_dma source(%dma_start3A_441 : memref<40xi32, #tpu.memory_space<hbm>>) target(%arg35 : memref<40xi32, #tpu.memory_space<vmem>>) target_semaphore(%arg51 : memref<!tpu.dma_semaphore, #tpu.memory_space<semaphore_mem>>)
      } else {
      }
      %add3A_311 = arith.constant 4 : i32
      %add3A_312 = arith.addi %add3A_288, %add3A_311 : i32
      %sub3A_313 = arith.constant 1 : i32
      %sub3A_314 = arith.subi %add3A_312, %sub3A_313 : i32
      %lt3A_315 = arith.constant 250 : i32
      %lt3A_316 = arith.cmpi slt, %sub3A_314, %lt3A_315 : i32
      %convert_element_type3A_317 = arith.extui %lt3A_316 : i1 to i32
      %cond3A_318 = arith.constant 0 : i32
      %cond3A_319 = arith.cmpi ne, %convert_element_type3A_317, %cond3A_318 : i32
      scf.if %cond3A_319 {
        %dma_wait3A_425 = arith.constant 0 : i32
        %dma_wait3A_426 = tpu.memref_slice %arg4[%dma_wait3A_425] : memref<960000xi32, #tpu.memory_space<hbm>> -> memref<40xi32, #tpu.memory_space<hbm>>
        %dma_wait3A_427 = arith.constant 0 : i32
        %dma_wait3A_428 = tpu.memref_slice %arg4[%dma_wait3A_427] : memref<960000xi32, #tpu.memory_space<hbm>> -> memref<40xi32, #tpu.memory_space<hbm>>
        tpu.wait_dma2 semaphore(%arg55 : memref<!tpu.dma_semaphore, #tpu.memory_space<semaphore_mem>>) src(%dma_wait3A_428 : memref<40xi32, #tpu.memory_space<hbm>>) dst(%arg23 : memref<40xi32, #tpu.memory_space<vmem>>)
        %dma_wait3A_429 = arith.constant 0 : i32
        %dma_wait3A_430 = tpu.memref_slice %arg4[%dma_wait3A_429] : memref<960000xi32, #tpu.memory_space<hbm>> -> memref<40xi32, #tpu.memory_space<hbm>>
        %dma_wait3A_431 = arith.constant 0 : i32
        %dma_wait3A_432 = tpu.memref_slice %arg4[%dma_wait3A_431] : memref<960000xi32, #tpu.memory_space<hbm>> -> memref<40xi32, #tpu.memory_space<hbm>>
        tpu.wait_dma2 semaphore(%arg55 : memref<!tpu.dma_semaphore, #tpu.memory_space<semaphore_mem>>) src(%dma_wait3A_432 : memref<40xi32, #tpu.memory_space<hbm>>) dst(%arg31 : memref<40xi32, #tpu.memory_space<vmem>>)
        %dma_wait3A_433 = arith.constant 0 : i32
        %dma_wait3A_434 = tpu.memref_slice %arg4[%dma_wait3A_433] : memref<960000xi32, #tpu.memory_space<hbm>> -> memref<40xi32, #tpu.memory_space<hbm>>
        %dma_wait3A_435 = arith.constant 0 : i32
        %dma_wait3A_436 = tpu.memref_slice %arg4[%dma_wait3A_435] : memref<960000xi32, #tpu.memory_space<hbm>> -> memref<40xi32, #tpu.memory_space<hbm>>
        tpu.wait_dma2 semaphore(%arg55 : memref<!tpu.dma_semaphore, #tpu.memory_space<semaphore_mem>>) src(%dma_wait3A_436 : memref<40xi32, #tpu.memory_space<hbm>>) dst(%arg39 : memref<40xi32, #tpu.memory_space<vmem>>)
        %dma_start3A_437 = arith.constant 0 : i32
        %dma_start3A_438 = arith.constant 0 : i32
        %dma_start3A_439 = tpu.memref_slice %arg2[%dma_start3A_437, %dma_start3A_438] : memref<10000x128xf32, #tpu.memory_space<hbm>> -> memref<10000x128xf32, #tpu.memory_space<hbm>>
        tpu.enqueue_indirect_dma source(%dma_start3A_439 : memref<10000x128xf32, #tpu.memory_space<hbm>>) target(%arg11 : memref<40x128xf32, #tpu.memory_space<vmem>>) offsets(%arg39 : memref<40xi32, #tpu.memory_space<vmem>>) semaphore(%arg43 : memref<!tpu.dma_semaphore, #tpu.memory_space<semaphore_mem>>)
        %dma_start3A_440 = arith.constant 0 : i32
        %dma_start3A_441 = arith.constant 0 : i32
        %dma_start3A_442 = tpu.memref_slice %arg3[%dma_start3A_440, %dma_start3A_441] : memref<10000x128xf32, #tpu.memory_space<hbm>> -> memref<10000x128xf32, #tpu.memory_space<hbm>>
        tpu.enqueue_indirect_dma source(%dma_start3A_442 : memref<10000x128xf32, #tpu.memory_space<hbm>>) target(%arg15 : memref<40x128xf32, #tpu.memory_space<vmem>>) offsets(%arg31 : memref<40xi32, #tpu.memory_space<vmem>>) semaphore(%arg43 : memref<!tpu.dma_semaphore, #tpu.memory_space<semaphore_mem>>)
      } else {
      }
      %mul3A_320 = arith.constant 8 : i32
      %mul3A_321 = arith.muli %scan3A_151, %mul3A_320 : i32
      %add3A_322 = arith.constant 5 : i32
      %add3A_323 = arith.addi %mul3A_321, %add3A_322 : i32
      %lt3A_324 = arith.constant 250 : i32
      %lt3A_325 = arith.cmpi slt, %add3A_323, %lt3A_324 : i32
      %convert_element_type3A_326 = arith.extui %lt3A_325 : i1 to i32
      %cond3A_327 = arith.constant 0 : i32
      %cond3A_328 = arith.cmpi ne, %convert_element_type3A_326, %cond3A_327 : i32
      scf.if %cond3A_328 {
        %dma_wait3A_425 = arith.constant 0 : i32
        %dma_wait3A_426 = arith.constant 0 : i32
        %dma_wait3A_427 = tpu.memref_slice %arg2[%dma_wait3A_425, %dma_wait3A_426] : memref<10000x128xf32, #tpu.memory_space<hbm>> -> memref<10000x128xf32, #tpu.memory_space<hbm>>
        tpu.wait_indirect_dma semaphore(%arg41 : memref<!tpu.dma_semaphore, #tpu.memory_space<semaphore_mem>>) src(%dma_wait3A_427 : memref<10000x128xf32, #tpu.memory_space<hbm>>) dst(%arg9 : memref<40x128xf32, #tpu.memory_space<vmem>>)
        %dma_wait3A_428 = arith.constant 0 : i32
        %dma_wait3A_429 = arith.constant 0 : i32
        %dma_wait3A_430 = tpu.memref_slice %arg3[%dma_wait3A_428, %dma_wait3A_429] : memref<10000x128xf32, #tpu.memory_space<hbm>> -> memref<10000x128xf32, #tpu.memory_space<hbm>>
        tpu.wait_indirect_dma semaphore(%arg41 : memref<!tpu.dma_semaphore, #tpu.memory_space<semaphore_mem>>) src(%dma_wait3A_430 : memref<10000x128xf32, #tpu.memory_space<hbm>>) dst(%arg13 : memref<40x128xf32, #tpu.memory_space<vmem>>)
        %parallel_loop3A = arith.constant 0 : i32
        %parallel_loop3A_431 = arith.constant 40 : i32
        %parallel_loop3A_432 = arith.constant 1 : i32
        scf.for %parallel_loop3A_436 = %parallel_loop3A to %parallel_loop3A_431 step %parallel_loop3A_432  : i32 {
          %parallel_loop3A_437 = arith.index_cast %parallel_loop3A_436 : i32 to index
          %parallel_loop3A_438 = arith.constant 0 : index
          %parallel_loop3A_439 = tpu.vector_load %arg9[%parallel_loop3A_437, %parallel_loop3A_438] {strides = array<i32>} : memref<40x128xf32, #tpu.memory_space<vmem>>, vector<1x16xf32>,
          %parallel_loop3A_440 = vector.shape_cast %parallel_loop3A_439 : vector<1x16xf32> to vector<16xf32>
          %parallel_loop3A_441 = arith.index_cast %parallel_loop3A_436 : i32 to index
          %parallel_loop3A_442 = arith.constant 16 : index
          %parallel_loop3A_443 = tpu.vector_load %arg9[%parallel_loop3A_441, %parallel_loop3A_442] {strides = array<i32>} : memref<40x128xf32, #tpu.memory_space<vmem>>, vector<1x16xf32>,
          %parallel_loop3A_444 = vector.shape_cast %parallel_loop3A_443 : vector<1x16xf32> to vector<16xf32>
          %parallel_loop3A_445 = arith.index_cast %parallel_loop3A_436 : i32 to index
          %parallel_loop3A_446 = arith.constant 32 : index
          %parallel_loop3A_447 = tpu.vector_load %arg9[%parallel_loop3A_445, %parallel_loop3A_446] {strides = array<i32>} : memref<40x128xf32, #tpu.memory_space<vmem>>, vector<1x16xf32>,
          %parallel_loop3A_448 = vector.shape_cast %parallel_loop3A_447 : vector<1x16xf32> to vector<16xf32>
          %parallel_loop3A_449 = arith.index_cast %parallel_loop3A_436 : i32 to index
          %parallel_loop3A_450 = arith.constant 48 : index
          %parallel_loop3A_451 = tpu.vector_load %arg9[%parallel_loop3A_449, %parallel_loop3A_450] {strides = array<i32>} : memref<40x128xf32, #tpu.memory_space<vmem>>, vector<1x16xf32>,
          %parallel_loop3A_452 = vector.shape_cast %parallel_loop3A_451 : vector<1x16xf32> to vector<16xf32>
          %parallel_loop3A_453 = arith.index_cast %parallel_loop3A_436 : i32 to index
          %parallel_loop3A_454 = arith.constant 64 : index
          %parallel_loop3A_455 = tpu.vector_load %arg9[%parallel_loop3A_453, %parallel_loop3A_454] {strides = array<i32>} : memref<40x128xf32, #tpu.memory_space<vmem>>, vector<1x16xf32>,
          %parallel_loop3A_456 = vector.shape_cast %parallel_loop3A_455 : vector<1x16xf32> to vector<16xf32>
          %parallel_loop3A_457 = arith.index_cast %parallel_loop3A_436 : i32 to index
          %parallel_loop3A_458 = arith.constant 80 : index
          %parallel_loop3A_459 = tpu.vector_load %arg9[%parallel_loop3A_457, %parallel_loop3A_458] {strides = array<i32>} : memref<40x128xf32, #tpu.memory_space<vmem>>, vector<1x16xf32>,
          %parallel_loop3A_460 = vector.shape_cast %parallel_loop3A_459 : vector<1x16xf32> to vector<16xf32>
          %parallel_loop3A_461 = arith.index_cast %parallel_loop3A_436 : i32 to index
          %parallel_loop3A_462 = arith.constant 96 : index
          %parallel_loop3A_463 = tpu.vector_load %arg9[%parallel_loop3A_461, %parallel_loop3A_462] {strides = array<i32>} : memref<40x128xf32, #tpu.memory_space<vmem>>, vector<1x16xf32>,
          %parallel_loop3A_464 = vector.shape_cast %parallel_loop3A_463 : vector<1x16xf32> to vector<16xf32>
          %parallel_loop3A_465 = arith.index_cast %parallel_loop3A_436 : i32 to index
          %parallel_loop3A_466 = arith.constant 112 : index
          %parallel_loop3A_467 = tpu.vector_load %arg9[%parallel_loop3A_465, %parallel_loop3A_466] {strides = array<i32>} : memref<40x128xf32, #tpu.memory_space<vmem>>, vector<1x16xf32>,
          %parallel_loop3A_468 = vector.shape_cast %parallel_loop3A_467 : vector<1x16xf32> to vector<16xf32>
          %parallel_loop3A_469 = arith.index_cast %parallel_loop3A_436 : i32 to index
          %parallel_loop3A_470 = arith.constant 0 : index
          %parallel_loop3A_471 = tpu.vector_load %arg13[%parallel_loop3A_469, %parallel_loop3A_470] {strides = array<i32>} : memref<40x128xf32, #tpu.memory_space<vmem>>, vector<1x16xf32>,
          %parallel_loop3A_472 = vector.shape_cast %parallel_loop3A_471 : vector<1x16xf32> to vector<16xf32>
          %parallel_loop3A_473 = arith.index_cast %parallel_loop3A_436 : i32 to index
          %parallel_loop3A_474 = arith.constant 16 : index
          %parallel_loop3A_475 = tpu.vector_load %arg13[%parallel_loop3A_473, %parallel_loop3A_474] {strides = array<i32>} : memref<40x128xf32, #tpu.memory_space<vmem>>, vector<1x16xf32>,
          %parallel_loop3A_476 = vector.shape_cast %parallel_loop3A_475 : vector<1x16xf32> to vector<16xf32>
          %parallel_loop3A_477 = arith.index_cast %parallel_loop3A_436 : i32 to index
          %parallel_loop3A_478 = arith.constant 32 : index
          %parallel_loop3A_479 = tpu.vector_load %arg13[%parallel_loop3A_477, %parallel_loop3A_478] {strides = array<i32>} : memref<40x128xf32, #tpu.memory_space<vmem>>, vector<1x16xf32>,
          %parallel_loop3A_480 = vector.shape_cast %parallel_loop3A_479 : vector<1x16xf32> to vector<16xf32>
          %parallel_loop3A_481 = arith.index_cast %parallel_loop3A_436 : i32 to index
          %parallel_loop3A_482 = arith.constant 48 : index
          %parallel_loop3A_483 = tpu.vector_load %arg13[%parallel_loop3A_481, %parallel_loop3A_482] {strides = array<i32>} : memref<40x128xf32, #tpu.memory_space<vmem>>, vector<1x16xf32>,
          %parallel_loop3A_484 = vector.shape_cast %parallel_loop3A_483 : vector<1x16xf32> to vector<16xf32>
          %parallel_loop3A_485 = arith.index_cast %parallel_loop3A_436 : i32 to index
          %parallel_loop3A_486 = arith.constant 64 : index
          %parallel_loop3A_487 = tpu.vector_load %arg13[%parallel_loop3A_485, %parallel_loop3A_486] {strides = array<i32>} : memref<40x128xf32, #tpu.memory_space<vmem>>, vector<1x16xf32>,
          %parallel_loop3A_488 = vector.shape_cast %parallel_loop3A_487 : vector<1x16xf32> to vector<16xf32>
          %parallel_loop3A_489 = arith.index_cast %parallel_loop3A_436 : i32 to index
          %parallel_loop3A_490 = arith.constant 80 : index
          %parallel_loop3A_491 = tpu.vector_load %arg13[%parallel_loop3A_489, %parallel_loop3A_490] {strides = array<i32>} : memref<40x128xf32, #tpu.memory_space<vmem>>, vector<1x16xf32>,
          %parallel_loop3A_492 = vector.shape_cast %parallel_loop3A_491 : vector<1x16xf32> to vector<16xf32>
          %parallel_loop3A_493 = arith.index_cast %parallel_loop3A_436 : i32 to index
          %parallel_loop3A_494 = arith.constant 96 : index
          %parallel_loop3A_495 = tpu.vector_load %arg13[%parallel_loop3A_493, %parallel_loop3A_494] {strides = array<i32>} : memref<40x128xf32, #tpu.memory_space<vmem>>, vector<1x16xf32>,
          %parallel_loop3A_496 = vector.shape_cast %parallel_loop3A_495 : vector<1x16xf32> to vector<16xf32>
          %parallel_loop3A_497 = arith.index_cast %parallel_loop3A_436 : i32 to index
          %parallel_loop3A_498 = arith.constant 112 : index
          %parallel_loop3A_499 = tpu.vector_load %arg13[%parallel_loop3A_497, %parallel_loop3A_498] {strides = array<i32>} : memref<40x128xf32, #tpu.memory_space<vmem>>, vector<1x16xf32>,
          %parallel_loop3A_500 = vector.shape_cast %parallel_loop3A_499 : vector<1x16xf32> to vector<16xf32>
          %parallel_loop3A_501 = arith.mulf %parallel_loop3A_440, %parallel_loop3A_472 : vector<16xf32>
          %parallel_loop3A_502 = arith.mulf %parallel_loop3A_444, %parallel_loop3A_476 : vector<16xf32>
          %parallel_loop3A_503 = arith.mulf %parallel_loop3A_448, %parallel_loop3A_480 : vector<16xf32>
          %parallel_loop3A_504 = arith.mulf %parallel_loop3A_452, %parallel_loop3A_484 : vector<16xf32>
          %parallel_loop3A_505 = arith.mulf %parallel_loop3A_456, %parallel_loop3A_488 : vector<16xf32>
          %parallel_loop3A_506 = arith.mulf %parallel_loop3A_460, %parallel_loop3A_492 : vector<16xf32>
          %parallel_loop3A_507 = arith.mulf %parallel_loop3A_464, %parallel_loop3A_496 : vector<16xf32>
          %parallel_loop3A_508 = arith.mulf %parallel_loop3A_468, %parallel_loop3A_500 : vector<16xf32>
          %parallel_loop3A_509 = arith.index_cast %parallel_loop3A_436 : i32 to index
          %parallel_loop3A_510 = arith.constant 0 : index
          %parallel_loop3A_511 = tpu.vector_load %arg9[%parallel_loop3A_509, %parallel_loop3A_510] {strides = array<i32>} : memref<40x128xf32, #tpu.memory_space<vmem>>, vector<1x16xf32>,
          %parallel_loop3A_512 = vector.shape_cast %parallel_loop3A_511 : vector<1x16xf32> to vector<16xf32>
          %parallel_loop3A_513 = vector.shape_cast %parallel_loop3A_501 : vector<16xf32> to vector<1x16xf32>
          tpu.vector_store %arg9[%parallel_loop3A_509, %parallel_loop3A_510], %parallel_loop3A_513 {strides = array<i32>} : memref<40x128xf32, #tpu.memory_space<vmem>>, vector<1x16xf32>,
          %parallel_loop3A_514 = arith.index_cast %parallel_loop3A_436 : i32 to index
          %parallel_loop3A_515 = arith.constant 16 : index
          %parallel_loop3A_516 = tpu.vector_load %arg9[%parallel_loop3A_514, %parallel_loop3A_515] {strides = array<i32>} : memref<40x128xf32, #tpu.memory_space<vmem>>, vector<1x16xf32>,
          %parallel_loop3A_517 = vector.shape_cast %parallel_loop3A_516 : vector<1x16xf32> to vector<16xf32>
          %parallel_loop3A_518 = vector.shape_cast %parallel_loop3A_502 : vector<16xf32> to vector<1x16xf32>
          tpu.vector_store %arg9[%parallel_loop3A_514, %parallel_loop3A_515], %parallel_loop3A_518 {strides = array<i32>} : memref<40x128xf32, #tpu.memory_space<vmem>>, vector<1x16xf32>,
          %parallel_loop3A_519 = arith.index_cast %parallel_loop3A_436 : i32 to index
          %parallel_loop3A_520 = arith.constant 32 : index
          %parallel_loop3A_521 = tpu.vector_load %arg9[%parallel_loop3A_519, %parallel_loop3A_520] {strides = array<i32>} : memref<40x128xf32, #tpu.memory_space<vmem>>, vector<1x16xf32>,
          %parallel_loop3A_522 = vector.shape_cast %parallel_loop3A_521 : vector<1x16xf32> to vector<16xf32>
          %parallel_loop3A_523 = vector.shape_cast %parallel_loop3A_503 : vector<16xf32> to vector<1x16xf32>
          tpu.vector_store %arg9[%parallel_loop3A_519, %parallel_loop3A_520], %parallel_loop3A_523 {strides = array<i32>} : memref<40x128xf32, #tpu.memory_space<vmem>>, vector<1x16xf32>,
          %parallel_loop3A_524 = arith.index_cast %parallel_loop3A_436 : i32 to index
          %parallel_loop3A_525 = arith.constant 48 : index
          %parallel_loop3A_526 = tpu.vector_load %arg9[%parallel_loop3A_524, %parallel_loop3A_525] {strides = array<i32>} : memref<40x128xf32, #tpu.memory_space<vmem>>, vector<1x16xf32>,
          %parallel_loop3A_527 = vector.shape_cast %parallel_loop3A_526 : vector<1x16xf32> to vector<16xf32>
          %parallel_loop3A_528 = vector.shape_cast %parallel_loop3A_504 : vector<16xf32> to vector<1x16xf32>
          tpu.vector_store %arg9[%parallel_loop3A_524, %parallel_loop3A_525], %parallel_loop3A_528 {strides = array<i32>} : memref<40x128xf32, #tpu.memory_space<vmem>>, vector<1x16xf32>,
          %parallel_loop3A_529 = arith.index_cast %parallel_loop3A_436 : i32 to index
          %parallel_loop3A_530 = arith.constant 64 : index
          %parallel_loop3A_531 = tpu.vector_load %arg9[%parallel_loop3A_529, %parallel_loop3A_530] {strides = array<i32>} : memref<40x128xf32, #tpu.memory_space<vmem>>, vector<1x16xf32>,
          %parallel_loop3A_532 = vector.shape_cast %parallel_loop3A_531 : vector<1x16xf32> to vector<16xf32>
          %parallel_loop3A_533 = vector.shape_cast %parallel_loop3A_505 : vector<16xf32> to vector<1x16xf32>
          tpu.vector_store %arg9[%parallel_loop3A_529, %parallel_loop3A_530], %parallel_loop3A_533 {strides = array<i32>} : memref<40x128xf32, #tpu.memory_space<vmem>>, vector<1x16xf32>,
          %parallel_loop3A_534 = arith.index_cast %parallel_loop3A_436 : i32 to index
          %parallel_loop3A_535 = arith.constant 80 : index
          %parallel_loop3A_536 = tpu.vector_load %arg9[%parallel_loop3A_534, %parallel_loop3A_535] {strides = array<i32>} : memref<40x128xf32, #tpu.memory_space<vmem>>, vector<1x16xf32>,
          %parallel_loop3A_537 = vector.shape_cast %parallel_loop3A_536 : vector<1x16xf32> to vector<16xf32>
          %parallel_loop3A_538 = vector.shape_cast %parallel_loop3A_506 : vector<16xf32> to vector<1x16xf32>
          tpu.vector_store %arg9[%parallel_loop3A_534, %parallel_loop3A_535], %parallel_loop3A_538 {strides = array<i32>} : memref<40x128xf32, #tpu.memory_space<vmem>>, vector<1x16xf32>,
          %parallel_loop3A_539 = arith.index_cast %parallel_loop3A_436 : i32 to index
          %parallel_loop3A_540 = arith.constant 96 : index
          %parallel_loop3A_541 = tpu.vector_load %arg9[%parallel_loop3A_539, %parallel_loop3A_540] {strides = array<i32>} : memref<40x128xf32, #tpu.memory_space<vmem>>, vector<1x16xf32>,
          %parallel_loop3A_542 = vector.shape_cast %parallel_loop3A_541 : vector<1x16xf32> to vector<16xf32>
          %parallel_loop3A_543 = vector.shape_cast %parallel_loop3A_507 : vector<16xf32> to vector<1x16xf32>
          tpu.vector_store %arg9[%parallel_loop3A_539, %parallel_loop3A_540], %parallel_loop3A_543 {strides = array<i32>} : memref<40x128xf32, #tpu.memory_space<vmem>>, vector<1x16xf32>,
          %parallel_loop3A_544 = arith.index_cast %parallel_loop3A_436 : i32 to index
          %parallel_loop3A_545 = arith.constant 112 : index
          %parallel_loop3A_546 = tpu.vector_load %arg9[%parallel_loop3A_544, %parallel_loop3A_545] {strides = array<i32>} : memref<40x128xf32, #tpu.memory_space<vmem>>, vector<1x16xf32>,
          %parallel_loop3A_547 = vector.shape_cast %parallel_loop3A_546 : vector<1x16xf32> to vector<16xf32>
          %parallel_loop3A_548 = vector.shape_cast %parallel_loop3A_508 : vector<16xf32> to vector<1x16xf32>
          tpu.vector_store %arg9[%parallel_loop3A_544, %parallel_loop3A_545], %parallel_loop3A_548 {strides = array<i32>} : memref<40x128xf32, #tpu.memory_space<vmem>>, vector<1x16xf32>,
        } {sc.loop_unroll_factor = 2 : i64, sc.parallel_access}
        %dma_start3A_433 = arith.constant 0 : i32
        %dma_start3A_434 = arith.constant 0 : i32
        %dma_start3A_435 = tpu.memref_slice %arg7[%dma_start3A_433, %dma_start3A_434] : memref<10240x128xf32, #tpu.memory_space<vmem_shared>> -> memref<10240x128xf32, #tpu.memory_space<vmem_shared>>
        tpu.enqueue_indirect_dma source(%arg9 : memref<40x128xf32, #tpu.memory_space<vmem>>) target(%dma_start3A_435 : memref<10240x128xf32, #tpu.memory_space<vmem_shared>>) offsets(%arg21 : memref<40xi32, #tpu.memory_space<vmem>>) semaphore(%arg45 : memref<!tpu.dma_semaphore, #tpu.memory_space<semaphore_mem>>) {add = true}
      } else {
      }
      %ge3A_329 = arith.constant 1 : i32
      %ge3A_330 = arith.cmpi sge, %add3A_323, %ge3A_329 : i32
      %le3A_331 = arith.constant 250 : i32
      %le3A_332 = arith.cmpi sle, %add3A_323, %le3A_331 : i32
      %and3A_333 = arith.andi %ge3A_330, %le3A_332 : i1
      %convert_element_type3A_334 = arith.extui %and3A_333 : i1 to i32
      %cond3A_335 = arith.constant 0 : i32
      %cond3A_336 = arith.cmpi ne, %convert_element_type3A_334, %cond3A_335 : i32
      scf.if %cond3A_336 {
        %dma_wait3A_425 = arith.constant 0 : i32
        %dma_wait3A_426 = arith.constant 0 : i32
        %dma_wait3A_427 = tpu.memref_slice %arg7[%dma_wait3A_425, %dma_wait3A_426] : memref<10240x128xf32, #tpu.memory_space<vmem_shared>> -> memref<10240x128xf32, #tpu.memory_space<vmem_shared>>
        tpu.wait_indirect_dma semaphore(%arg44 : memref<!tpu.dma_semaphore, #tpu.memory_space<semaphore_mem>>) src(%arg8 : memref<40x128xf32, #tpu.memory_space<vmem>>) dst(%dma_wait3A_427 : memref<10240x128xf32, #tpu.memory_space<vmem_shared>>)
      } else {
      }
      %add3A_337 = arith.constant 8 : i32
      %add3A_338 = arith.addi %add3A_323, %add3A_337 : i32
      %sub3A_339 = arith.constant 1 : i32
      %sub3A_340 = arith.subi %add3A_338, %sub3A_339 : i32
      %lt3A_341 = arith.constant 250 : i32
      %lt3A_342 = arith.cmpi slt, %sub3A_340, %lt3A_341 : i32
      %convert_element_type3A_343 = arith.extui %lt3A_342 : i1 to i32
      %cond3A_344 = arith.constant 0 : i32
      %cond3A_345 = arith.cmpi ne, %convert_element_type3A_343, %cond3A_344 : i32
      scf.if %cond3A_345 {
        %add3A_425 = arith.constant 8 : i32
        %add3A_426 = arith.addi %add3A_323, %add3A_425 : i32
        %sub3A_427 = arith.constant 1 : i32
        %sub3A_428 = arith.subi %add3A_426, %sub3A_427 : i32
        %mul3A_429 = arith.constant 40 : i32
        %mul3A_430 = arith.muli %sub3A_428, %mul3A_429 : i32
        %add3A_431 = arith.addi %mul3A_2, %mul3A_430 : i32
        %dma_start3A_432 = tpu.memref_slice %arg4[%add3A_431] : memref<960000xi32, #tpu.memory_space<hbm>> -> memref<40xi32, #tpu.memory_space<hbm>>
        %dma_start3A_433 = tpu.memref_slice %arg4[%add3A_431] : memref<960000xi32, #tpu.memory_space<hbm>> -> memref<40xi32, #tpu.memory_space<hbm>>
        tpu.enqueue_dma source(%dma_start3A_433 : memref<40xi32, #tpu.memory_space<hbm>>) target(%arg20 : memref<40xi32, #tpu.memory_space<vmem>>) target_semaphore(%arg52 : memref<!tpu.dma_semaphore, #tpu.memory_space<semaphore_mem>>)
        %add3A_434 = arith.constant 320000 : i32
        %add3A_435 = arith.addi %add3A_434, %add3A_431 : i32
        %dma_start3A_436 = tpu.memref_slice %arg4[%add3A_435] : memref<960000xi32, #tpu.memory_space<hbm>> -> memref<40xi32, #tpu.memory_space<hbm>>
        %dma_start3A_437 = tpu.memref_slice %arg4[%add3A_435] : memref<960000xi32, #tpu.memory_space<hbm>> -> memref<40xi32, #tpu.memory_space<hbm>>
        tpu.enqueue_dma source(%dma_start3A_437 : memref<40xi32, #tpu.memory_space<hbm>>) target(%arg28 : memref<40xi32, #tpu.memory_space<vmem>>) target_semaphore(%arg52 : memref<!tpu.dma_semaphore, #tpu.memory_space<semaphore_mem>>)
        %add3A_438 = arith.constant 640000 : i32
        %add3A_439 = arith.addi %add3A_438, %add3A_431 : i32
        %dma_start3A_440 = tpu.memref_slice %arg4[%add3A_439] : memref<960000xi32, #tpu.memory_space<hbm>> -> memref<40xi32, #tpu.memory_space<hbm>>
        %dma_start3A_441 = tpu.memref_slice %arg4[%add3A_439] : memref<960000xi32, #tpu.memory_space<hbm>> -> memref<40xi32, #tpu.memory_space<hbm>>
        tpu.enqueue_dma source(%dma_start3A_441 : memref<40xi32, #tpu.memory_space<hbm>>) target(%arg36 : memref<40xi32, #tpu.memory_space<vmem>>) target_semaphore(%arg52 : memref<!tpu.dma_semaphore, #tpu.memory_space<semaphore_mem>>)
      } else {
      }
      %add3A_346 = arith.constant 4 : i32
      %add3A_347 = arith.addi %add3A_323, %add3A_346 : i32
      %sub3A_348 = arith.constant 1 : i32
      %sub3A_349 = arith.subi %add3A_347, %sub3A_348 : i32
      %lt3A_350 = arith.constant 250 : i32
      %lt3A_351 = arith.cmpi slt, %sub3A_349, %lt3A_350 : i32
      %convert_element_type3A_352 = arith.extui %lt3A_351 : i1 to i32
      %cond3A_353 = arith.constant 0 : i32
      %cond3A_354 = arith.cmpi ne, %convert_element_type3A_352, %cond3A_353 : i32
      scf.if %cond3A_354 {
        %dma_wait3A_425 = arith.constant 0 : i32
        %dma_wait3A_426 = tpu.memref_slice %arg4[%dma_wait3A_425] : memref<960000xi32, #tpu.memory_space<hbm>> -> memref<40xi32, #tpu.memory_space<hbm>>
        %dma_wait3A_427 = arith.constant 0 : i32
        %dma_wait3A_428 = tpu.memref_slice %arg4[%dma_wait3A_427] : memref<960000xi32, #tpu.memory_space<hbm>> -> memref<40xi32, #tpu.memory_space<hbm>>
        tpu.wait_dma2 semaphore(%arg48 : memref<!tpu.dma_semaphore, #tpu.memory_space<semaphore_mem>>) src(%dma_wait3A_428 : memref<40xi32, #tpu.memory_space<hbm>>) dst(%arg16 : memref<40xi32, #tpu.memory_space<vmem>>)
        %dma_wait3A_429 = arith.constant 0 : i32
        %dma_wait3A_430 = tpu.memref_slice %arg4[%dma_wait3A_429] : memref<960000xi32, #tpu.memory_space<hbm>> -> memref<40xi32, #tpu.memory_space<hbm>>
        %dma_wait3A_431 = arith.constant 0 : i32
        %dma_wait3A_432 = tpu.memref_slice %arg4[%dma_wait3A_431] : memref<960000xi32, #tpu.memory_space<hbm>> -> memref<40xi32, #tpu.memory_space<hbm>>
        tpu.wait_dma2 semaphore(%arg48 : memref<!tpu.dma_semaphore, #tpu.memory_space<semaphore_mem>>) src(%dma_wait3A_432 : memref<40xi32, #tpu.memory_space<hbm>>) dst(%arg24 : memref<40xi32, #tpu.memory_space<vmem>>)
        %dma_wait3A_433 = arith.constant 0 : i32
        %dma_wait3A_434 = tpu.memref_slice %arg4[%dma_wait3A_433] : memref<960000xi32, #tpu.memory_space<hbm>> -> memref<40xi32, #tpu.memory_space<hbm>>
        %dma_wait3A_435 = arith.constant 0 : i32
        %dma_wait3A_436 = tpu.memref_slice %arg4[%dma_wait3A_435] : memref<960000xi32, #tpu.memory_space<hbm>> -> memref<40xi32, #tpu.memory_space<hbm>>
        tpu.wait_dma2 semaphore(%arg48 : memref<!tpu.dma_semaphore, #tpu.memory_space<semaphore_mem>>) src(%dma_wait3A_436 : memref<40xi32, #tpu.memory_space<hbm>>) dst(%arg32 : memref<40xi32, #tpu.memory_space<vmem>>)
        %dma_start3A_437 = arith.constant 0 : i32
        %dma_start3A_438 = arith.constant 0 : i32
        %dma_start3A_439 = tpu.memref_slice %arg2[%dma_start3A_437, %dma_start3A_438] : memref<10000x128xf32, #tpu.memory_space<hbm>> -> memref<10000x128xf32, #tpu.memory_space<hbm>>
        tpu.enqueue_indirect_dma source(%dma_start3A_439 : memref<10000x128xf32, #tpu.memory_space<hbm>>) target(%arg8 : memref<40x128xf32, #tpu.memory_space<vmem>>) offsets(%arg32 : memref<40xi32, #tpu.memory_space<vmem>>) semaphore(%arg40 : memref<!tpu.dma_semaphore, #tpu.memory_space<semaphore_mem>>)
        %dma_start3A_440 = arith.constant 0 : i32
        %dma_start3A_441 = arith.constant 0 : i32
        %dma_start3A_442 = tpu.memref_slice %arg3[%dma_start3A_440, %dma_start3A_441] : memref<10000x128xf32, #tpu.memory_space<hbm>> -> memref<10000x128xf32, #tpu.memory_space<hbm>>
        tpu.enqueue_indirect_dma source(%dma_start3A_442 : memref<10000x128xf32, #tpu.memory_space<hbm>>) target(%arg12 : memref<40x128xf32, #tpu.memory_space<vmem>>) offsets(%arg24 : memref<40xi32, #tpu.memory_space<vmem>>) semaphore(%arg40 : memref<!tpu.dma_semaphore, #tpu.memory_space<semaphore_mem>>)
      } else {
      }
      %mul3A_355 = arith.constant 8 : i32
      %mul3A_356 = arith.muli %scan3A_151, %mul3A_355 : i32
      %add3A_357 = arith.constant 6 : i32
      %add3A_358 = arith.addi %mul3A_356, %add3A_357 : i32
      %lt3A_359 = arith.constant 250 : i32
      %lt3A_360 = arith.cmpi slt, %add3A_358, %lt3A_359 : i32
      %convert_element_type3A_361 = arith.extui %lt3A_360 : i1 to i32
      %cond3A_362 = arith.constant 0 : i32
      %cond3A_363 = arith.cmpi ne, %convert_element_type3A_361, %cond3A_362 : i32
      scf.if %cond3A_363 {
        %dma_wait3A_425 = arith.constant 0 : i32
        %dma_wait3A_426 = arith.constant 0 : i32
        %dma_wait3A_427 = tpu.memref_slice %arg2[%dma_wait3A_425, %dma_wait3A_426] : memref<10000x128xf32, #tpu.memory_space<hbm>> -> memref<10000x128xf32, #tpu.memory_space<hbm>>
        tpu.wait_indirect_dma semaphore(%arg42 : memref<!tpu.dma_semaphore, #tpu.memory_space<semaphore_mem>>) src(%dma_wait3A_427 : memref<10000x128xf32, #tpu.memory_space<hbm>>) dst(%arg10 : memref<40x128xf32, #tpu.memory_space<vmem>>)
        %dma_wait3A_428 = arith.constant 0 : i32
        %dma_wait3A_429 = arith.constant 0 : i32
        %dma_wait3A_430 = tpu.memref_slice %arg3[%dma_wait3A_428, %dma_wait3A_429] : memref<10000x128xf32, #tpu.memory_space<hbm>> -> memref<10000x128xf32, #tpu.memory_space<hbm>>
        tpu.wait_indirect_dma semaphore(%arg42 : memref<!tpu.dma_semaphore, #tpu.memory_space<semaphore_mem>>) src(%dma_wait3A_430 : memref<10000x128xf32, #tpu.memory_space<hbm>>) dst(%arg14 : memref<40x128xf32, #tpu.memory_space<vmem>>)
        %parallel_loop3A = arith.constant 0 : i32
        %parallel_loop3A_431 = arith.constant 40 : i32
        %parallel_loop3A_432 = arith.constant 1 : i32
        scf.for %parallel_loop3A_436 = %parallel_loop3A to %parallel_loop3A_431 step %parallel_loop3A_432  : i32 {
          %parallel_loop3A_437 = arith.index_cast %parallel_loop3A_436 : i32 to index
          %parallel_loop3A_438 = arith.constant 0 : index
          %parallel_loop3A_439 = tpu.vector_load %arg10[%parallel_loop3A_437, %parallel_loop3A_438] {strides = array<i32>} : memref<40x128xf32, #tpu.memory_space<vmem>>, vector<1x16xf32>,
          %parallel_loop3A_440 = vector.shape_cast %parallel_loop3A_439 : vector<1x16xf32> to vector<16xf32>
          %parallel_loop3A_441 = arith.index_cast %parallel_loop3A_436 : i32 to index
          %parallel_loop3A_442 = arith.constant 16 : index
          %parallel_loop3A_443 = tpu.vector_load %arg10[%parallel_loop3A_441, %parallel_loop3A_442] {strides = array<i32>} : memref<40x128xf32, #tpu.memory_space<vmem>>, vector<1x16xf32>,
          %parallel_loop3A_444 = vector.shape_cast %parallel_loop3A_443 : vector<1x16xf32> to vector<16xf32>
          %parallel_loop3A_445 = arith.index_cast %parallel_loop3A_436 : i32 to index
          %parallel_loop3A_446 = arith.constant 32 : index
          %parallel_loop3A_447 = tpu.vector_load %arg10[%parallel_loop3A_445, %parallel_loop3A_446] {strides = array<i32>} : memref<40x128xf32, #tpu.memory_space<vmem>>, vector<1x16xf32>,
          %parallel_loop3A_448 = vector.shape_cast %parallel_loop3A_447 : vector<1x16xf32> to vector<16xf32>
          %parallel_loop3A_449 = arith.index_cast %parallel_loop3A_436 : i32 to index
          %parallel_loop3A_450 = arith.constant 48 : index
          %parallel_loop3A_451 = tpu.vector_load %arg10[%parallel_loop3A_449, %parallel_loop3A_450] {strides = array<i32>} : memref<40x128xf32, #tpu.memory_space<vmem>>, vector<1x16xf32>,
          %parallel_loop3A_452 = vector.shape_cast %parallel_loop3A_451 : vector<1x16xf32> to vector<16xf32>
          %parallel_loop3A_453 = arith.index_cast %parallel_loop3A_436 : i32 to index
          %parallel_loop3A_454 = arith.constant 64 : index
          %parallel_loop3A_455 = tpu.vector_load %arg10[%parallel_loop3A_453, %parallel_loop3A_454] {strides = array<i32>} : memref<40x128xf32, #tpu.memory_space<vmem>>, vector<1x16xf32>,
          %parallel_loop3A_456 = vector.shape_cast %parallel_loop3A_455 : vector<1x16xf32> to vector<16xf32>
          %parallel_loop3A_457 = arith.index_cast %parallel_loop3A_436 : i32 to index
          %parallel_loop3A_458 = arith.constant 80 : index
          %parallel_loop3A_459 = tpu.vector_load %arg10[%parallel_loop3A_457, %parallel_loop3A_458] {strides = array<i32>} : memref<40x128xf32, #tpu.memory_space<vmem>>, vector<1x16xf32>,
          %parallel_loop3A_460 = vector.shape_cast %parallel_loop3A_459 : vector<1x16xf32> to vector<16xf32>
          %parallel_loop3A_461 = arith.index_cast %parallel_loop3A_436 : i32 to index
          %parallel_loop3A_462 = arith.constant 96 : index
          %parallel_loop3A_463 = tpu.vector_load %arg10[%parallel_loop3A_461, %parallel_loop3A_462] {strides = array<i32>} : memref<40x128xf32, #tpu.memory_space<vmem>>, vector<1x16xf32>,
          %parallel_loop3A_464 = vector.shape_cast %parallel_loop3A_463 : vector<1x16xf32> to vector<16xf32>
          %parallel_loop3A_465 = arith.index_cast %parallel_loop3A_436 : i32 to index
          %parallel_loop3A_466 = arith.constant 112 : index
          %parallel_loop3A_467 = tpu.vector_load %arg10[%parallel_loop3A_465, %parallel_loop3A_466] {strides = array<i32>} : memref<40x128xf32, #tpu.memory_space<vmem>>, vector<1x16xf32>,
          %parallel_loop3A_468 = vector.shape_cast %parallel_loop3A_467 : vector<1x16xf32> to vector<16xf32>
          %parallel_loop3A_469 = arith.index_cast %parallel_loop3A_436 : i32 to index
          %parallel_loop3A_470 = arith.constant 0 : index
          %parallel_loop3A_471 = tpu.vector_load %arg14[%parallel_loop3A_469, %parallel_loop3A_470] {strides = array<i32>} : memref<40x128xf32, #tpu.memory_space<vmem>>, vector<1x16xf32>,
          %parallel_loop3A_472 = vector.shape_cast %parallel_loop3A_471 : vector<1x16xf32> to vector<16xf32>
          %parallel_loop3A_473 = arith.index_cast %parallel_loop3A_436 : i32 to index
          %parallel_loop3A_474 = arith.constant 16 : index
          %parallel_loop3A_475 = tpu.vector_load %arg14[%parallel_loop3A_473, %parallel_loop3A_474] {strides = array<i32>} : memref<40x128xf32, #tpu.memory_space<vmem>>, vector<1x16xf32>,
          %parallel_loop3A_476 = vector.shape_cast %parallel_loop3A_475 : vector<1x16xf32> to vector<16xf32>
          %parallel_loop3A_477 = arith.index_cast %parallel_loop3A_436 : i32 to index
          %parallel_loop3A_478 = arith.constant 32 : index
          %parallel_loop3A_479 = tpu.vector_load %arg14[%parallel_loop3A_477, %parallel_loop3A_478] {strides = array<i32>} : memref<40x128xf32, #tpu.memory_space<vmem>>, vector<1x16xf32>,
          %parallel_loop3A_480 = vector.shape_cast %parallel_loop3A_479 : vector<1x16xf32> to vector<16xf32>
          %parallel_loop3A_481 = arith.index_cast %parallel_loop3A_436 : i32 to index
          %parallel_loop3A_482 = arith.constant 48 : index
          %parallel_loop3A_483 = tpu.vector_load %arg14[%parallel_loop3A_481, %parallel_loop3A_482] {strides = array<i32>} : memref<40x128xf32, #tpu.memory_space<vmem>>, vector<1x16xf32>,
          %parallel_loop3A_484 = vector.shape_cast %parallel_loop3A_483 : vector<1x16xf32> to vector<16xf32>
          %parallel_loop3A_485 = arith.index_cast %parallel_loop3A_436 : i32 to index
          %parallel_loop3A_486 = arith.constant 64 : index
          %parallel_loop3A_487 = tpu.vector_load %arg14[%parallel_loop3A_485, %parallel_loop3A_486] {strides = array<i32>} : memref<40x128xf32, #tpu.memory_space<vmem>>, vector<1x16xf32>,
          %parallel_loop3A_488 = vector.shape_cast %parallel_loop3A_487 : vector<1x16xf32> to vector<16xf32>
          %parallel_loop3A_489 = arith.index_cast %parallel_loop3A_436 : i32 to index
          %parallel_loop3A_490 = arith.constant 80 : index
          %parallel_loop3A_491 = tpu.vector_load %arg14[%parallel_loop3A_489, %parallel_loop3A_490] {strides = array<i32>} : memref<40x128xf32, #tpu.memory_space<vmem>>, vector<1x16xf32>,
          %parallel_loop3A_492 = vector.shape_cast %parallel_loop3A_491 : vector<1x16xf32> to vector<16xf32>
          %parallel_loop3A_493 = arith.index_cast %parallel_loop3A_436 : i32 to index
          %parallel_loop3A_494 = arith.constant 96 : index
          %parallel_loop3A_495 = tpu.vector_load %arg14[%parallel_loop3A_493, %parallel_loop3A_494] {strides = array<i32>} : memref<40x128xf32, #tpu.memory_space<vmem>>, vector<1x16xf32>,
          %parallel_loop3A_496 = vector.shape_cast %parallel_loop3A_495 : vector<1x16xf32> to vector<16xf32>
          %parallel_loop3A_497 = arith.index_cast %parallel_loop3A_436 : i32 to index
          %parallel_loop3A_498 = arith.constant 112 : index
          %parallel_loop3A_499 = tpu.vector_load %arg14[%parallel_loop3A_497, %parallel_loop3A_498] {strides = array<i32>} : memref<40x128xf32, #tpu.memory_space<vmem>>, vector<1x16xf32>,
          %parallel_loop3A_500 = vector.shape_cast %parallel_loop3A_499 : vector<1x16xf32> to vector<16xf32>
          %parallel_loop3A_501 = arith.mulf %parallel_loop3A_440, %parallel_loop3A_472 : vector<16xf32>
          %parallel_loop3A_502 = arith.mulf %parallel_loop3A_444, %parallel_loop3A_476 : vector<16xf32>
          %parallel_loop3A_503 = arith.mulf %parallel_loop3A_448, %parallel_loop3A_480 : vector<16xf32>
          %parallel_loop3A_504 = arith.mulf %parallel_loop3A_452, %parallel_loop3A_484 : vector<16xf32>
          %parallel_loop3A_505 = arith.mulf %parallel_loop3A_456, %parallel_loop3A_488 : vector<16xf32>
          %parallel_loop3A_506 = arith.mulf %parallel_loop3A_460, %parallel_loop3A_492 : vector<16xf32>
          %parallel_loop3A_507 = arith.mulf %parallel_loop3A_464, %parallel_loop3A_496 : vector<16xf32>
          %parallel_loop3A_508 = arith.mulf %parallel_loop3A_468, %parallel_loop3A_500 : vector<16xf32>
          %parallel_loop3A_509 = arith.index_cast %parallel_loop3A_436 : i32 to index
          %parallel_loop3A_510 = arith.constant 0 : index
          %parallel_loop3A_511 = tpu.vector_load %arg10[%parallel_loop3A_509, %parallel_loop3A_510] {strides = array<i32>} : memref<40x128xf32, #tpu.memory_space<vmem>>, vector<1x16xf32>,
          %parallel_loop3A_512 = vector.shape_cast %parallel_loop3A_511 : vector<1x16xf32> to vector<16xf32>
          %parallel_loop3A_513 = vector.shape_cast %parallel_loop3A_501 : vector<16xf32> to vector<1x16xf32>
          tpu.vector_store %arg10[%parallel_loop3A_509, %parallel_loop3A_510], %parallel_loop3A_513 {strides = array<i32>} : memref<40x128xf32, #tpu.memory_space<vmem>>, vector<1x16xf32>,
          %parallel_loop3A_514 = arith.index_cast %parallel_loop3A_436 : i32 to index
          %parallel_loop3A_515 = arith.constant 16 : index
          %parallel_loop3A_516 = tpu.vector_load %arg10[%parallel_loop3A_514, %parallel_loop3A_515] {strides = array<i32>} : memref<40x128xf32, #tpu.memory_space<vmem>>, vector<1x16xf32>,
          %parallel_loop3A_517 = vector.shape_cast %parallel_loop3A_516 : vector<1x16xf32> to vector<16xf32>
          %parallel_loop3A_518 = vector.shape_cast %parallel_loop3A_502 : vector<16xf32> to vector<1x16xf32>
          tpu.vector_store %arg10[%parallel_loop3A_514, %parallel_loop3A_515], %parallel_loop3A_518 {strides = array<i32>} : memref<40x128xf32, #tpu.memory_space<vmem>>, vector<1x16xf32>,
          %parallel_loop3A_519 = arith.index_cast %parallel_loop3A_436 : i32 to index
          %parallel_loop3A_520 = arith.constant 32 : index
          %parallel_loop3A_521 = tpu.vector_load %arg10[%parallel_loop3A_519, %parallel_loop3A_520] {strides = array<i32>} : memref<40x128xf32, #tpu.memory_space<vmem>>, vector<1x16xf32>,
          %parallel_loop3A_522 = vector.shape_cast %parallel_loop3A_521 : vector<1x16xf32> to vector<16xf32>
          %parallel_loop3A_523 = vector.shape_cast %parallel_loop3A_503 : vector<16xf32> to vector<1x16xf32>
          tpu.vector_store %arg10[%parallel_loop3A_519, %parallel_loop3A_520], %parallel_loop3A_523 {strides = array<i32>} : memref<40x128xf32, #tpu.memory_space<vmem>>, vector<1x16xf32>,
          %parallel_loop3A_524 = arith.index_cast %parallel_loop3A_436 : i32 to index
          %parallel_loop3A_525 = arith.constant 48 : index
          %parallel_loop3A_526 = tpu.vector_load %arg10[%parallel_loop3A_524, %parallel_loop3A_525] {strides = array<i32>} : memref<40x128xf32, #tpu.memory_space<vmem>>, vector<1x16xf32>,
          %parallel_loop3A_527 = vector.shape_cast %parallel_loop3A_526 : vector<1x16xf32> to vector<16xf32>
          %parallel_loop3A_528 = vector.shape_cast %parallel_loop3A_504 : vector<16xf32> to vector<1x16xf32>
          tpu.vector_store %arg10[%parallel_loop3A_524, %parallel_loop3A_525], %parallel_loop3A_528 {strides = array<i32>} : memref<40x128xf32, #tpu.memory_space<vmem>>, vector<1x16xf32>,
          %parallel_loop3A_529 = arith.index_cast %parallel_loop3A_436 : i32 to index
          %parallel_loop3A_530 = arith.constant 64 : index
          %parallel_loop3A_531 = tpu.vector_load %arg10[%parallel_loop3A_529, %parallel_loop3A_530] {strides = array<i32>} : memref<40x128xf32, #tpu.memory_space<vmem>>, vector<1x16xf32>,
          %parallel_loop3A_532 = vector.shape_cast %parallel_loop3A_531 : vector<1x16xf32> to vector<16xf32>
          %parallel_loop3A_533 = vector.shape_cast %parallel_loop3A_505 : vector<16xf32> to vector<1x16xf32>
          tpu.vector_store %arg10[%parallel_loop3A_529, %parallel_loop3A_530], %parallel_loop3A_533 {strides = array<i32>} : memref<40x128xf32, #tpu.memory_space<vmem>>, vector<1x16xf32>,
          %parallel_loop3A_534 = arith.index_cast %parallel_loop3A_436 : i32 to index
          %parallel_loop3A_535 = arith.constant 80 : index
          %parallel_loop3A_536 = tpu.vector_load %arg10[%parallel_loop3A_534, %parallel_loop3A_535] {strides = array<i32>} : memref<40x128xf32, #tpu.memory_space<vmem>>, vector<1x16xf32>,
          %parallel_loop3A_537 = vector.shape_cast %parallel_loop3A_536 : vector<1x16xf32> to vector<16xf32>
          %parallel_loop3A_538 = vector.shape_cast %parallel_loop3A_506 : vector<16xf32> to vector<1x16xf32>
          tpu.vector_store %arg10[%parallel_loop3A_534, %parallel_loop3A_535], %parallel_loop3A_538 {strides = array<i32>} : memref<40x128xf32, #tpu.memory_space<vmem>>, vector<1x16xf32>,
          %parallel_loop3A_539 = arith.index_cast %parallel_loop3A_436 : i32 to index
          %parallel_loop3A_540 = arith.constant 96 : index
          %parallel_loop3A_541 = tpu.vector_load %arg10[%parallel_loop3A_539, %parallel_loop3A_540] {strides = array<i32>} : memref<40x128xf32, #tpu.memory_space<vmem>>, vector<1x16xf32>,
          %parallel_loop3A_542 = vector.shape_cast %parallel_loop3A_541 : vector<1x16xf32> to vector<16xf32>
          %parallel_loop3A_543 = vector.shape_cast %parallel_loop3A_507 : vector<16xf32> to vector<1x16xf32>
          tpu.vector_store %arg10[%parallel_loop3A_539, %parallel_loop3A_540], %parallel_loop3A_543 {strides = array<i32>} : memref<40x128xf32, #tpu.memory_space<vmem>>, vector<1x16xf32>,
          %parallel_loop3A_544 = arith.index_cast %parallel_loop3A_436 : i32 to index
          %parallel_loop3A_545 = arith.constant 112 : index
          %parallel_loop3A_546 = tpu.vector_load %arg10[%parallel_loop3A_544, %parallel_loop3A_545] {strides = array<i32>} : memref<40x128xf32, #tpu.memory_space<vmem>>, vector<1x16xf32>,
          %parallel_loop3A_547 = vector.shape_cast %parallel_loop3A_546 : vector<1x16xf32> to vector<16xf32>
          %parallel_loop3A_548 = vector.shape_cast %parallel_loop3A_508 : vector<16xf32> to vector<1x16xf32>
          tpu.vector_store %arg10[%parallel_loop3A_544, %parallel_loop3A_545], %parallel_loop3A_548 {strides = array<i32>} : memref<40x128xf32, #tpu.memory_space<vmem>>, vector<1x16xf32>,
        } {sc.loop_unroll_factor = 2 : i64, sc.parallel_access}
        %dma_start3A_433 = arith.constant 0 : i32
        %dma_start3A_434 = arith.constant 0 : i32
        %dma_start3A_435 = tpu.memref_slice %arg7[%dma_start3A_433, %dma_start3A_434] : memref<10240x128xf32, #tpu.memory_space<vmem_shared>> -> memref<10240x128xf32, #tpu.memory_space<vmem_shared>>
        tpu.enqueue_indirect_dma source(%arg10 : memref<40x128xf32, #tpu.memory_space<vmem>>) target(%dma_start3A_435 : memref<10240x128xf32, #tpu.memory_space<vmem_shared>>) offsets(%arg22 : memref<40xi32, #tpu.memory_space<vmem>>) semaphore(%arg46 : memref<!tpu.dma_semaphore, #tpu.memory_space<semaphore_mem>>) {add = true}
      } else {
      }
      %ge3A_364 = arith.constant 1 : i32
      %ge3A_365 = arith.cmpi sge, %add3A_358, %ge3A_364 : i32
      %le3A_366 = arith.constant 250 : i32
      %le3A_367 = arith.cmpi sle, %add3A_358, %le3A_366 : i32
      %and3A_368 = arith.andi %ge3A_365, %le3A_367 : i1
      %convert_element_type3A_369 = arith.extui %and3A_368 : i1 to i32
      %cond3A_370 = arith.constant 0 : i32
      %cond3A_371 = arith.cmpi ne, %convert_element_type3A_369, %cond3A_370 : i32
      scf.if %cond3A_371 {
        %dma_wait3A_425 = arith.constant 0 : i32
        %dma_wait3A_426 = arith.constant 0 : i32
        %dma_wait3A_427 = tpu.memref_slice %arg7[%dma_wait3A_425, %dma_wait3A_426] : memref<10240x128xf32, #tpu.memory_space<vmem_shared>> -> memref<10240x128xf32, #tpu.memory_space<vmem_shared>>
        tpu.wait_indirect_dma semaphore(%arg45 : memref<!tpu.dma_semaphore, #tpu.memory_space<semaphore_mem>>) src(%arg9 : memref<40x128xf32, #tpu.memory_space<vmem>>) dst(%dma_wait3A_427 : memref<10240x128xf32, #tpu.memory_space<vmem_shared>>)
      } else {
      }
      %add3A_372 = arith.constant 8 : i32
      %add3A_373 = arith.addi %add3A_358, %add3A_372 : i32
      %sub3A_374 = arith.constant 1 : i32
      %sub3A_375 = arith.subi %add3A_373, %sub3A_374 : i32
      %lt3A_376 = arith.constant 250 : i32
      %lt3A_377 = arith.cmpi slt, %sub3A_375, %lt3A_376 : i32
      %convert_element_type3A_378 = arith.extui %lt3A_377 : i1 to i32
      %cond3A_379 = arith.constant 0 : i32
      %cond3A_380 = arith.cmpi ne, %convert_element_type3A_378, %cond3A_379 : i32
      scf.if %cond3A_380 {
        %add3A_425 = arith.constant 8 : i32
        %add3A_426 = arith.addi %add3A_358, %add3A_425 : i32
        %sub3A_427 = arith.constant 1 : i32
        %sub3A_428 = arith.subi %add3A_426, %sub3A_427 : i32
        %mul3A_429 = arith.constant 40 : i32
        %mul3A_430 = arith.muli %sub3A_428, %mul3A_429 : i32
        %add3A_431 = arith.addi %mul3A_2, %mul3A_430 : i32
        %dma_start3A_432 = tpu.memref_slice %arg4[%add3A_431] : memref<960000xi32, #tpu.memory_space<hbm>> -> memref<40xi32, #tpu.memory_space<hbm>>
        %dma_start3A_433 = tpu.memref_slice %arg4[%add3A_431] : memref<960000xi32, #tpu.memory_space<hbm>> -> memref<40xi32, #tpu.memory_space<hbm>>
        tpu.enqueue_dma source(%dma_start3A_433 : memref<40xi32, #tpu.memory_space<hbm>>) target(%arg21 : memref<40xi32, #tpu.memory_space<vmem>>) target_semaphore(%arg53 : memref<!tpu.dma_semaphore, #tpu.memory_space<semaphore_mem>>)
        %add3A_434 = arith.constant 320000 : i32
        %add3A_435 = arith.addi %add3A_434, %add3A_431 : i32
        %dma_start3A_436 = tpu.memref_slice %arg4[%add3A_435] : memref<960000xi32, #tpu.memory_space<hbm>> -> memref<40xi32, #tpu.memory_space<hbm>>
        %dma_start3A_437 = tpu.memref_slice %arg4[%add3A_435] : memref<960000xi32, #tpu.memory_space<hbm>> -> memref<40xi32, #tpu.memory_space<hbm>>
        tpu.enqueue_dma source(%dma_start3A_437 : memref<40xi32, #tpu.memory_space<hbm>>) target(%arg29 : memref<40xi32, #tpu.memory_space<vmem>>) target_semaphore(%arg53 : memref<!tpu.dma_semaphore, #tpu.memory_space<semaphore_mem>>)
        %add3A_438 = arith.constant 640000 : i32
        %add3A_439 = arith.addi %add3A_438, %add3A_431 : i32
        %dma_start3A_440 = tpu.memref_slice %arg4[%add3A_439] : memref<960000xi32, #tpu.memory_space<hbm>> -> memref<40xi32, #tpu.memory_space<hbm>>
        %dma_start3A_441 = tpu.memref_slice %arg4[%add3A_439] : memref<960000xi32, #tpu.memory_space<hbm>> -> memref<40xi32, #tpu.memory_space<hbm>>
        tpu.enqueue_dma source(%dma_start3A_441 : memref<40xi32, #tpu.memory_space<hbm>>) target(%arg37 : memref<40xi32, #tpu.memory_space<vmem>>) target_semaphore(%arg53 : memref<!tpu.dma_semaphore, #tpu.memory_space<semaphore_mem>>)
      } else {
      }
      %add3A_381 = arith.constant 4 : i32
      %add3A_382 = arith.addi %add3A_358, %add3A_381 : i32
      %sub3A_383 = arith.constant 1 : i32
      %sub3A_384 = arith.subi %add3A_382, %sub3A_383 : i32
      %lt3A_385 = arith.constant 250 : i32
      %lt3A_386 = arith.cmpi slt, %sub3A_384, %lt3A_385 : i32
      %convert_element_type3A_387 = arith.extui %lt3A_386 : i1 to i32
      %cond3A_388 = arith.constant 0 : i32
      %cond3A_389 = arith.cmpi ne, %convert_element_type3A_387, %cond3A_388 : i32
      scf.if %cond3A_389 {
        %dma_wait3A_425 = arith.constant 0 : i32
        %dma_wait3A_426 = tpu.memref_slice %arg4[%dma_wait3A_425] : memref<960000xi32, #tpu.memory_space<hbm>> -> memref<40xi32, #tpu.memory_space<hbm>>
        %dma_wait3A_427 = arith.constant 0 : i32
        %dma_wait3A_428 = tpu.memref_slice %arg4[%dma_wait3A_427] : memref<960000xi32, #tpu.memory_space<hbm>> -> memref<40xi32, #tpu.memory_space<hbm>>
        tpu.wait_dma2 semaphore(%arg49 : memref<!tpu.dma_semaphore, #tpu.memory_space<semaphore_mem>>) src(%dma_wait3A_428 : memref<40xi32, #tpu.memory_space<hbm>>) dst(%arg17 : memref<40xi32, #tpu.memory_space<vmem>>)
        %dma_wait3A_429 = arith.constant 0 : i32
        %dma_wait3A_430 = tpu.memref_slice %arg4[%dma_wait3A_429] : memref<960000xi32, #tpu.memory_space<hbm>> -> memref<40xi32, #tpu.memory_space<hbm>>
        %dma_wait3A_431 = arith.constant 0 : i32
        %dma_wait3A_432 = tpu.memref_slice %arg4[%dma_wait3A_431] : memref<960000xi32, #tpu.memory_space<hbm>> -> memref<40xi32, #tpu.memory_space<hbm>>
        tpu.wait_dma2 semaphore(%arg49 : memref<!tpu.dma_semaphore, #tpu.memory_space<semaphore_mem>>) src(%dma_wait3A_432 : memref<40xi32, #tpu.memory_space<hbm>>) dst(%arg25 : memref<40xi32, #tpu.memory_space<vmem>>)
        %dma_wait3A_433 = arith.constant 0 : i32
        %dma_wait3A_434 = tpu.memref_slice %arg4[%dma_wait3A_433] : memref<960000xi32, #tpu.memory_space<hbm>> -> memref<40xi32, #tpu.memory_space<hbm>>
        %dma_wait3A_435 = arith.constant 0 : i32
        %dma_wait3A_436 = tpu.memref_slice %arg4[%dma_wait3A_435] : memref<960000xi32, #tpu.memory_space<hbm>> -> memref<40xi32, #tpu.memory_space<hbm>>
        tpu.wait_dma2 semaphore(%arg49 : memref<!tpu.dma_semaphore, #tpu.memory_space<semaphore_mem>>) src(%dma_wait3A_436 : memref<40xi32, #tpu.memory_space<hbm>>) dst(%arg33 : memref<40xi32, #tpu.memory_space<vmem>>)
        %dma_start3A_437 = arith.constant 0 : i32
        %dma_start3A_438 = arith.constant 0 : i32
        %dma_start3A_439 = tpu.memref_slice %arg2[%dma_start3A_437, %dma_start3A_438] : memref<10000x128xf32, #tpu.memory_space<hbm>> -> memref<10000x128xf32, #tpu.memory_space<hbm>>
        tpu.enqueue_indirect_dma source(%dma_start3A_439 : memref<10000x128xf32, #tpu.memory_space<hbm>>) target(%arg9 : memref<40x128xf32, #tpu.memory_space<vmem>>) offsets(%arg33 : memref<40xi32, #tpu.memory_space<vmem>>) semaphore(%arg41 : memref<!tpu.dma_semaphore, #tpu.memory_space<semaphore_mem>>)
        %dma_start3A_440 = arith.constant 0 : i32
        %dma_start3A_441 = arith.constant 0 : i32
        %dma_start3A_442 = tpu.memref_slice %arg3[%dma_start3A_440, %dma_start3A_441] : memref<10000x128xf32, #tpu.memory_space<hbm>> -> memref<10000x128xf32, #tpu.memory_space<hbm>>
        tpu.enqueue_indirect_dma source(%dma_start3A_442 : memref<10000x128xf32, #tpu.memory_space<hbm>>) target(%arg13 : memref<40x128xf32, #tpu.memory_space<vmem>>) offsets(%arg25 : memref<40xi32, #tpu.memory_space<vmem>>) semaphore(%arg41 : memref<!tpu.dma_semaphore, #tpu.memory_space<semaphore_mem>>)
      } else {
      }
      %mul3A_390 = arith.constant 8 : i32
      %mul3A_391 = arith.muli %scan3A_151, %mul3A_390 : i32
      %add3A_392 = arith.constant 7 : i32
      %add3A_393 = arith.addi %mul3A_391, %add3A_392 : i32
      %lt3A_394 = arith.constant 250 : i32
      %lt3A_395 = arith.cmpi slt, %add3A_393, %lt3A_394 : i32
      %convert_element_type3A_396 = arith.extui %lt3A_395 : i1 to i32
      %cond3A_397 = arith.constant 0 : i32
      %cond3A_398 = arith.cmpi ne, %convert_element_type3A_396, %cond3A_397 : i32
      scf.if %cond3A_398 {
        %dma_wait3A_425 = arith.constant 0 : i32
        %dma_wait3A_426 = arith.constant 0 : i32
        %dma_wait3A_427 = tpu.memref_slice %arg2[%dma_wait3A_425, %dma_wait3A_426] : memref<10000x128xf32, #tpu.memory_space<hbm>> -> memref<10000x128xf32, #tpu.memory_space<hbm>>
        tpu.wait_indirect_dma semaphore(%arg43 : memref<!tpu.dma_semaphore, #tpu.memory_space<semaphore_mem>>) src(%dma_wait3A_427 : memref<10000x128xf32, #tpu.memory_space<hbm>>) dst(%arg11 : memref<40x128xf32, #tpu.memory_space<vmem>>)
        %dma_wait3A_428 = arith.constant 0 : i32
        %dma_wait3A_429 = arith.constant 0 : i32
        %dma_wait3A_430 = tpu.memref_slice %arg3[%dma_wait3A_428, %dma_wait3A_429] : memref<10000x128xf32, #tpu.memory_space<hbm>> -> memref<10000x128xf32, #tpu.memory_space<hbm>>
        tpu.wait_indirect_dma semaphore(%arg43 : memref<!tpu.dma_semaphore, #tpu.memory_space<semaphore_mem>>) src(%dma_wait3A_430 : memref<10000x128xf32, #tpu.memory_space<hbm>>) dst(%arg15 : memref<40x128xf32, #tpu.memory_space<vmem>>)
        %parallel_loop3A = arith.constant 0 : i32
        %parallel_loop3A_431 = arith.constant 40 : i32
        %parallel_loop3A_432 = arith.constant 1 : i32
        scf.for %parallel_loop3A_436 = %parallel_loop3A to %parallel_loop3A_431 step %parallel_loop3A_432  : i32 {
          %parallel_loop3A_437 = arith.index_cast %parallel_loop3A_436 : i32 to index
          %parallel_loop3A_438 = arith.constant 0 : index
          %parallel_loop3A_439 = tpu.vector_load %arg11[%parallel_loop3A_437, %parallel_loop3A_438] {strides = array<i32>} : memref<40x128xf32, #tpu.memory_space<vmem>>, vector<1x16xf32>,
          %parallel_loop3A_440 = vector.shape_cast %parallel_loop3A_439 : vector<1x16xf32> to vector<16xf32>
          %parallel_loop3A_441 = arith.index_cast %parallel_loop3A_436 : i32 to index
          %parallel_loop3A_442 = arith.constant 16 : index
          %parallel_loop3A_443 = tpu.vector_load %arg11[%parallel_loop3A_441, %parallel_loop3A_442] {strides = array<i32>} : memref<40x128xf32, #tpu.memory_space<vmem>>, vector<1x16xf32>,
          %parallel_loop3A_444 = vector.shape_cast %parallel_loop3A_443 : vector<1x16xf32> to vector<16xf32>
          %parallel_loop3A_445 = arith.index_cast %parallel_loop3A_436 : i32 to index
          %parallel_loop3A_446 = arith.constant 32 : index
          %parallel_loop3A_447 = tpu.vector_load %arg11[%parallel_loop3A_445, %parallel_loop3A_446] {strides = array<i32>} : memref<40x128xf32, #tpu.memory_space<vmem>>, vector<1x16xf32>,
          %parallel_loop3A_448 = vector.shape_cast %parallel_loop3A_447 : vector<1x16xf32> to vector<16xf32>
          %parallel_loop3A_449 = arith.index_cast %parallel_loop3A_436 : i32 to index
          %parallel_loop3A_450 = arith.constant 48 : index
          %parallel_loop3A_451 = tpu.vector_load %arg11[%parallel_loop3A_449, %parallel_loop3A_450] {strides = array<i32>} : memref<40x128xf32, #tpu.memory_space<vmem>>, vector<1x16xf32>,
          %parallel_loop3A_452 = vector.shape_cast %parallel_loop3A_451 : vector<1x16xf32> to vector<16xf32>
          %parallel_loop3A_453 = arith.index_cast %parallel_loop3A_436 : i32 to index
          %parallel_loop3A_454 = arith.constant 64 : index
          %parallel_loop3A_455 = tpu.vector_load %arg11[%parallel_loop3A_453, %parallel_loop3A_454] {strides = array<i32>} : memref<40x128xf32, #tpu.memory_space<vmem>>, vector<1x16xf32>,
          %parallel_loop3A_456 = vector.shape_cast %parallel_loop3A_455 : vector<1x16xf32> to vector<16xf32>
          %parallel_loop3A_457 = arith.index_cast %parallel_loop3A_436 : i32 to index
          %parallel_loop3A_458 = arith.constant 80 : index
          %parallel_loop3A_459 = tpu.vector_load %arg11[%parallel_loop3A_457, %parallel_loop3A_458] {strides = array<i32>} : memref<40x128xf32, #tpu.memory_space<vmem>>, vector<1x16xf32>,
          %parallel_loop3A_460 = vector.shape_cast %parallel_loop3A_459 : vector<1x16xf32> to vector<16xf32>
          %parallel_loop3A_461 = arith.index_cast %parallel_loop3A_436 : i32 to index
          %parallel_loop3A_462 = arith.constant 96 : index
          %parallel_loop3A_463 = tpu.vector_load %arg11[%parallel_loop3A_461, %parallel_loop3A_462] {strides = array<i32>} : memref<40x128xf32, #tpu.memory_space<vmem>>, vector<1x16xf32>,
          %parallel_loop3A_464 = vector.shape_cast %parallel_loop3A_463 : vector<1x16xf32> to vector<16xf32>
          %parallel_loop3A_465 = arith.index_cast %parallel_loop3A_436 : i32 to index
          %parallel_loop3A_466 = arith.constant 112 : index
          %parallel_loop3A_467 = tpu.vector_load %arg11[%parallel_loop3A_465, %parallel_loop3A_466] {strides = array<i32>} : memref<40x128xf32, #tpu.memory_space<vmem>>, vector<1x16xf32>,
          %parallel_loop3A_468 = vector.shape_cast %parallel_loop3A_467 : vector<1x16xf32> to vector<16xf32>
          %parallel_loop3A_469 = arith.index_cast %parallel_loop3A_436 : i32 to index
          %parallel_loop3A_470 = arith.constant 0 : index
          %parallel_loop3A_471 = tpu.vector_load %arg15[%parallel_loop3A_469, %parallel_loop3A_470] {strides = array<i32>} : memref<40x128xf32, #tpu.memory_space<vmem>>, vector<1x16xf32>,
          %parallel_loop3A_472 = vector.shape_cast %parallel_loop3A_471 : vector<1x16xf32> to vector<16xf32>
          %parallel_loop3A_473 = arith.index_cast %parallel_loop3A_436 : i32 to index
          %parallel_loop3A_474 = arith.constant 16 : index
          %parallel_loop3A_475 = tpu.vector_load %arg15[%parallel_loop3A_473, %parallel_loop3A_474] {strides = array<i32>} : memref<40x128xf32, #tpu.memory_space<vmem>>, vector<1x16xf32>,
          %parallel_loop3A_476 = vector.shape_cast %parallel_loop3A_475 : vector<1x16xf32> to vector<16xf32>
          %parallel_loop3A_477 = arith.index_cast %parallel_loop3A_436 : i32 to index
          %parallel_loop3A_478 = arith.constant 32 : index
          %parallel_loop3A_479 = tpu.vector_load %arg15[%parallel_loop3A_477, %parallel_loop3A_478] {strides = array<i32>} : memref<40x128xf32, #tpu.memory_space<vmem>>, vector<1x16xf32>,
          %parallel_loop3A_480 = vector.shape_cast %parallel_loop3A_479 : vector<1x16xf32> to vector<16xf32>
          %parallel_loop3A_481 = arith.index_cast %parallel_loop3A_436 : i32 to index
          %parallel_loop3A_482 = arith.constant 48 : index
          %parallel_loop3A_483 = tpu.vector_load %arg15[%parallel_loop3A_481, %parallel_loop3A_482] {strides = array<i32>} : memref<40x128xf32, #tpu.memory_space<vmem>>, vector<1x16xf32>,
          %parallel_loop3A_484 = vector.shape_cast %parallel_loop3A_483 : vector<1x16xf32> to vector<16xf32>
          %parallel_loop3A_485 = arith.index_cast %parallel_loop3A_436 : i32 to index
          %parallel_loop3A_486 = arith.constant 64 : index
          %parallel_loop3A_487 = tpu.vector_load %arg15[%parallel_loop3A_485, %parallel_loop3A_486] {strides = array<i32>} : memref<40x128xf32, #tpu.memory_space<vmem>>, vector<1x16xf32>,
          %parallel_loop3A_488 = vector.shape_cast %parallel_loop3A_487 : vector<1x16xf32> to vector<16xf32>
          %parallel_loop3A_489 = arith.index_cast %parallel_loop3A_436 : i32 to index
          %parallel_loop3A_490 = arith.constant 80 : index
          %parallel_loop3A_491 = tpu.vector_load %arg15[%parallel_loop3A_489, %parallel_loop3A_490] {strides = array<i32>} : memref<40x128xf32, #tpu.memory_space<vmem>>, vector<1x16xf32>,
          %parallel_loop3A_492 = vector.shape_cast %parallel_loop3A_491 : vector<1x16xf32> to vector<16xf32>
          %parallel_loop3A_493 = arith.index_cast %parallel_loop3A_436 : i32 to index
          %parallel_loop3A_494 = arith.constant 96 : index
          %parallel_loop3A_495 = tpu.vector_load %arg15[%parallel_loop3A_493, %parallel_loop3A_494] {strides = array<i32>} : memref<40x128xf32, #tpu.memory_space<vmem>>, vector<1x16xf32>,
          %parallel_loop3A_496 = vector.shape_cast %parallel_loop3A_495 : vector<1x16xf32> to vector<16xf32>
          %parallel_loop3A_497 = arith.index_cast %parallel_loop3A_436 : i32 to index
          %parallel_loop3A_498 = arith.constant 112 : index
          %parallel_loop3A_499 = tpu.vector_load %arg15[%parallel_loop3A_497, %parallel_loop3A_498] {strides = array<i32>} : memref<40x128xf32, #tpu.memory_space<vmem>>, vector<1x16xf32>,
          %parallel_loop3A_500 = vector.shape_cast %parallel_loop3A_499 : vector<1x16xf32> to vector<16xf32>
          %parallel_loop3A_501 = arith.mulf %parallel_loop3A_440, %parallel_loop3A_472 : vector<16xf32>
          %parallel_loop3A_502 = arith.mulf %parallel_loop3A_444, %parallel_loop3A_476 : vector<16xf32>
          %parallel_loop3A_503 = arith.mulf %parallel_loop3A_448, %parallel_loop3A_480 : vector<16xf32>
          %parallel_loop3A_504 = arith.mulf %parallel_loop3A_452, %parallel_loop3A_484 : vector<16xf32>
          %parallel_loop3A_505 = arith.mulf %parallel_loop3A_456, %parallel_loop3A_488 : vector<16xf32>
          %parallel_loop3A_506 = arith.mulf %parallel_loop3A_460, %parallel_loop3A_492 : vector<16xf32>
          %parallel_loop3A_507 = arith.mulf %parallel_loop3A_464, %parallel_loop3A_496 : vector<16xf32>
          %parallel_loop3A_508 = arith.mulf %parallel_loop3A_468, %parallel_loop3A_500 : vector<16xf32>
          %parallel_loop3A_509 = arith.index_cast %parallel_loop3A_436 : i32 to index
          %parallel_loop3A_510 = arith.constant 0 : index
          %parallel_loop3A_511 = tpu.vector_load %arg11[%parallel_loop3A_509, %parallel_loop3A_510] {strides = array<i32>} : memref<40x128xf32, #tpu.memory_space<vmem>>, vector<1x16xf32>,
          %parallel_loop3A_512 = vector.shape_cast %parallel_loop3A_511 : vector<1x16xf32> to vector<16xf32>
          %parallel_loop3A_513 = vector.shape_cast %parallel_loop3A_501 : vector<16xf32> to vector<1x16xf32>
          tpu.vector_store %arg11[%parallel_loop3A_509, %parallel_loop3A_510], %parallel_loop3A_513 {strides = array<i32>} : memref<40x128xf32, #tpu.memory_space<vmem>>, vector<1x16xf32>,
          %parallel_loop3A_514 = arith.index_cast %parallel_loop3A_436 : i32 to index
          %parallel_loop3A_515 = arith.constant 16 : index
          %parallel_loop3A_516 = tpu.vector_load %arg11[%parallel_loop3A_514, %parallel_loop3A_515] {strides = array<i32>} : memref<40x128xf32, #tpu.memory_space<vmem>>, vector<1x16xf32>,
          %parallel_loop3A_517 = vector.shape_cast %parallel_loop3A_516 : vector<1x16xf32> to vector<16xf32>
          %parallel_loop3A_518 = vector.shape_cast %parallel_loop3A_502 : vector<16xf32> to vector<1x16xf32>
          tpu.vector_store %arg11[%parallel_loop3A_514, %parallel_loop3A_515], %parallel_loop3A_518 {strides = array<i32>} : memref<40x128xf32, #tpu.memory_space<vmem>>, vector<1x16xf32>,
          %parallel_loop3A_519 = arith.index_cast %parallel_loop3A_436 : i32 to index
          %parallel_loop3A_520 = arith.constant 32 : index
          %parallel_loop3A_521 = tpu.vector_load %arg11[%parallel_loop3A_519, %parallel_loop3A_520] {strides = array<i32>} : memref<40x128xf32, #tpu.memory_space<vmem>>, vector<1x16xf32>,
          %parallel_loop3A_522 = vector.shape_cast %parallel_loop3A_521 : vector<1x16xf32> to vector<16xf32>
          %parallel_loop3A_523 = vector.shape_cast %parallel_loop3A_503 : vector<16xf32> to vector<1x16xf32>
          tpu.vector_store %arg11[%parallel_loop3A_519, %parallel_loop3A_520], %parallel_loop3A_523 {strides = array<i32>} : memref<40x128xf32, #tpu.memory_space<vmem>>, vector<1x16xf32>,
          %parallel_loop3A_524 = arith.index_cast %parallel_loop3A_436 : i32 to index
          %parallel_loop3A_525 = arith.constant 48 : index
          %parallel_loop3A_526 = tpu.vector_load %arg11[%parallel_loop3A_524, %parallel_loop3A_525] {strides = array<i32>} : memref<40x128xf32, #tpu.memory_space<vmem>>, vector<1x16xf32>,
          %parallel_loop3A_527 = vector.shape_cast %parallel_loop3A_526 : vector<1x16xf32> to vector<16xf32>
          %parallel_loop3A_528 = vector.shape_cast %parallel_loop3A_504 : vector<16xf32> to vector<1x16xf32>
          tpu.vector_store %arg11[%parallel_loop3A_524, %parallel_loop3A_525], %parallel_loop3A_528 {strides = array<i32>} : memref<40x128xf32, #tpu.memory_space<vmem>>, vector<1x16xf32>,
          %parallel_loop3A_529 = arith.index_cast %parallel_loop3A_436 : i32 to index
          %parallel_loop3A_530 = arith.constant 64 : index
          %parallel_loop3A_531 = tpu.vector_load %arg11[%parallel_loop3A_529, %parallel_loop3A_530] {strides = array<i32>} : memref<40x128xf32, #tpu.memory_space<vmem>>, vector<1x16xf32>,
          %parallel_loop3A_532 = vector.shape_cast %parallel_loop3A_531 : vector<1x16xf32> to vector<16xf32>
          %parallel_loop3A_533 = vector.shape_cast %parallel_loop3A_505 : vector<16xf32> to vector<1x16xf32>
          tpu.vector_store %arg11[%parallel_loop3A_529, %parallel_loop3A_530], %parallel_loop3A_533 {strides = array<i32>} : memref<40x128xf32, #tpu.memory_space<vmem>>, vector<1x16xf32>,
          %parallel_loop3A_534 = arith.index_cast %parallel_loop3A_436 : i32 to index
          %parallel_loop3A_535 = arith.constant 80 : index
          %parallel_loop3A_536 = tpu.vector_load %arg11[%parallel_loop3A_534, %parallel_loop3A_535] {strides = array<i32>} : memref<40x128xf32, #tpu.memory_space<vmem>>, vector<1x16xf32>,
          %parallel_loop3A_537 = vector.shape_cast %parallel_loop3A_536 : vector<1x16xf32> to vector<16xf32>
          %parallel_loop3A_538 = vector.shape_cast %parallel_loop3A_506 : vector<16xf32> to vector<1x16xf32>
          tpu.vector_store %arg11[%parallel_loop3A_534, %parallel_loop3A_535], %parallel_loop3A_538 {strides = array<i32>} : memref<40x128xf32, #tpu.memory_space<vmem>>, vector<1x16xf32>,
          %parallel_loop3A_539 = arith.index_cast %parallel_loop3A_436 : i32 to index
          %parallel_loop3A_540 = arith.constant 96 : index
          %parallel_loop3A_541 = tpu.vector_load %arg11[%parallel_loop3A_539, %parallel_loop3A_540] {strides = array<i32>} : memref<40x128xf32, #tpu.memory_space<vmem>>, vector<1x16xf32>,
          %parallel_loop3A_542 = vector.shape_cast %parallel_loop3A_541 : vector<1x16xf32> to vector<16xf32>
          %parallel_loop3A_543 = vector.shape_cast %parallel_loop3A_507 : vector<16xf32> to vector<1x16xf32>
          tpu.vector_store %arg11[%parallel_loop3A_539, %parallel_loop3A_540], %parallel_loop3A_543 {strides = array<i32>} : memref<40x128xf32, #tpu.memory_space<vmem>>, vector<1x16xf32>,
          %parallel_loop3A_544 = arith.index_cast %parallel_loop3A_436 : i32 to index
          %parallel_loop3A_545 = arith.constant 112 : index
          %parallel_loop3A_546 = tpu.vector_load %arg11[%parallel_loop3A_544, %parallel_loop3A_545] {strides = array<i32>} : memref<40x128xf32, #tpu.memory_space<vmem>>, vector<1x16xf32>,
          %parallel_loop3A_547 = vector.shape_cast %parallel_loop3A_546 : vector<1x16xf32> to vector<16xf32>
          %parallel_loop3A_548 = vector.shape_cast %parallel_loop3A_508 : vector<16xf32> to vector<1x16xf32>
          tpu.vector_store %arg11[%parallel_loop3A_544, %parallel_loop3A_545], %parallel_loop3A_548 {strides = array<i32>} : memref<40x128xf32, #tpu.memory_space<vmem>>, vector<1x16xf32>,
        } {sc.loop_unroll_factor = 2 : i64, sc.parallel_access}
        %dma_start3A_433 = arith.constant 0 : i32
        %dma_start3A_434 = arith.constant 0 : i32
        %dma_start3A_435 = tpu.memref_slice %arg7[%dma_start3A_433, %dma_start3A_434] : memref<10240x128xf32, #tpu.memory_space<vmem_shared>> -> memref<10240x128xf32, #tpu.memory_space<vmem_shared>>
        tpu.enqueue_indirect_dma source(%arg11 : memref<40x128xf32, #tpu.memory_space<vmem>>) target(%dma_start3A_435 : memref<10240x128xf32, #tpu.memory_space<vmem_shared>>) offsets(%arg23 : memref<40xi32, #tpu.memory_space<vmem>>) semaphore(%arg47 : memref<!tpu.dma_semaphore, #tpu.memory_space<semaphore_mem>>) {add = true}
      } else {
      }
      %ge3A_399 = arith.constant 1 : i32
      %ge3A_400 = arith.cmpi sge, %add3A_393, %ge3A_399 : i32
      %le3A_401 = arith.constant 250 : i32
      %le3A_402 = arith.cmpi sle, %add3A_393, %le3A_401 : i32
      %and3A_403 = arith.andi %ge3A_400, %le3A_402 : i1
      %convert_element_type3A_404 = arith.extui %and3A_403 : i1 to i32
      %cond3A_405 = arith.constant 0 : i32
      %cond3A_406 = arith.cmpi ne, %convert_element_type3A_404, %cond3A_405 : i32
      scf.if %cond3A_406 {
        %dma_wait3A_425 = arith.constant 0 : i32
        %dma_wait3A_426 = arith.constant 0 : i32
        %dma_wait3A_427 = tpu.memref_slice %arg7[%dma_wait3A_425, %dma_wait3A_426] : memref<10240x128xf32, #tpu.memory_space<vmem_shared>> -> memref<10240x128xf32, #tpu.memory_space<vmem_shared>>
        tpu.wait_indirect_dma semaphore(%arg46 : memref<!tpu.dma_semaphore, #tpu.memory_space<semaphore_mem>>) src(%arg10 : memref<40x128xf32, #tpu.memory_space<vmem>>) dst(%dma_wait3A_427 : memref<10240x128xf32, #tpu.memory_space<vmem_shared>>)
      } else {
      }
      %add3A_407 = arith.constant 8 : i32
      %add3A_408 = arith.addi %add3A_393, %add3A_407 : i32
      %sub3A_409 = arith.constant 1 : i32
      %sub3A_410 = arith.subi %add3A_408, %sub3A_409 : i32
      %lt3A_411 = arith.constant 250 : i32
      %lt3A_412 = arith.cmpi slt, %sub3A_410, %lt3A_411 : i32
      %convert_element_type3A_413 = arith.extui %lt3A_412 : i1 to i32
      %cond3A_414 = arith.constant 0 : i32
      %cond3A_415 = arith.cmpi ne, %convert_element_type3A_413, %cond3A_414 : i32
      scf.if %cond3A_415 {
        %add3A_425 = arith.constant 8 : i32
        %add3A_426 = arith.addi %add3A_393, %add3A_425 : i32
        %sub3A_427 = arith.constant 1 : i32
        %sub3A_428 = arith.subi %add3A_426, %sub3A_427 : i32
        %mul3A_429 = arith.constant 40 : i32
        %mul3A_430 = arith.muli %sub3A_428, %mul3A_429 : i32
        %add3A_431 = arith.addi %mul3A_2, %mul3A_430 : i32
        %dma_start3A_432 = tpu.memref_slice %arg4[%add3A_431] : memref<960000xi32, #tpu.memory_space<hbm>> -> memref<40xi32, #tpu.memory_space<hbm>>
        %dma_start3A_433 = tpu.memref_slice %arg4[%add3A_431] : memref<960000xi32, #tpu.memory_space<hbm>> -> memref<40xi32, #tpu.memory_space<hbm>>
        tpu.enqueue_dma source(%dma_start3A_433 : memref<40xi32, #tpu.memory_space<hbm>>) target(%arg22 : memref<40xi32, #tpu.memory_space<vmem>>) target_semaphore(%arg54 : memref<!tpu.dma_semaphore, #tpu.memory_space<semaphore_mem>>)
        %add3A_434 = arith.constant 320000 : i32
        %add3A_435 = arith.addi %add3A_434, %add3A_431 : i32
        %dma_start3A_436 = tpu.memref_slice %arg4[%add3A_435] : memref<960000xi32, #tpu.memory_space<hbm>> -> memref<40xi32, #tpu.memory_space<hbm>>
        %dma_start3A_437 = tpu.memref_slice %arg4[%add3A_435] : memref<960000xi32, #tpu.memory_space<hbm>> -> memref<40xi32, #tpu.memory_space<hbm>>
        tpu.enqueue_dma source(%dma_start3A_437 : memref<40xi32, #tpu.memory_space<hbm>>) target(%arg30 : memref<40xi32, #tpu.memory_space<vmem>>) target_semaphore(%arg54 : memref<!tpu.dma_semaphore, #tpu.memory_space<semaphore_mem>>)
        %add3A_438 = arith.constant 640000 : i32
        %add3A_439 = arith.addi %add3A_438, %add3A_431 : i32
        %dma_start3A_440 = tpu.memref_slice %arg4[%add3A_439] : memref<960000xi32, #tpu.memory_space<hbm>> -> memref<40xi32, #tpu.memory_space<hbm>>
        %dma_start3A_441 = tpu.memref_slice %arg4[%add3A_439] : memref<960000xi32, #tpu.memory_space<hbm>> -> memref<40xi32, #tpu.memory_space<hbm>>
        tpu.enqueue_dma source(%dma_start3A_441 : memref<40xi32, #tpu.memory_space<hbm>>) target(%arg38 : memref<40xi32, #tpu.memory_space<vmem>>) target_semaphore(%arg54 : memref<!tpu.dma_semaphore, #tpu.memory_space<semaphore_mem>>)
      } else {
      }
      %add3A_416 = arith.constant 4 : i32
      %add3A_417 = arith.addi %add3A_393, %add3A_416 : i32
      %sub3A_418 = arith.constant 1 : i32
      %sub3A_419 = arith.subi %add3A_417, %sub3A_418 : i32
      %lt3A_420 = arith.constant 250 : i32
      %lt3A_421 = arith.cmpi slt, %sub3A_419, %lt3A_420 : i32
      %convert_element_type3A_422 = arith.extui %lt3A_421 : i1 to i32
      %cond3A_423 = arith.constant 0 : i32
      %cond3A_424 = arith.cmpi ne, %convert_element_type3A_422, %cond3A_423 : i32
      scf.if %cond3A_424 {
        %dma_wait3A_425 = arith.constant 0 : i32
        %dma_wait3A_426 = tpu.memref_slice %arg4[%dma_wait3A_425] : memref<960000xi32, #tpu.memory_space<hbm>> -> memref<40xi32, #tpu.memory_space<hbm>>
        %dma_wait3A_427 = arith.constant 0 : i32
        %dma_wait3A_428 = tpu.memref_slice %arg4[%dma_wait3A_427] : memref<960000xi32, #tpu.memory_space<hbm>> -> memref<40xi32, #tpu.memory_space<hbm>>
        tpu.wait_dma2 semaphore(%arg50 : memref<!tpu.dma_semaphore, #tpu.memory_space<semaphore_mem>>) src(%dma_wait3A_428 : memref<40xi32, #tpu.memory_space<hbm>>) dst(%arg18 : memref<40xi32, #tpu.memory_space<vmem>>)
        %dma_wait3A_429 = arith.constant 0 : i32
        %dma_wait3A_430 = tpu.memref_slice %arg4[%dma_wait3A_429] : memref<960000xi32, #tpu.memory_space<hbm>> -> memref<40xi32, #tpu.memory_space<hbm>>
        %dma_wait3A_431 = arith.constant 0 : i32
        %dma_wait3A_432 = tpu.memref_slice %arg4[%dma_wait3A_431] : memref<960000xi32, #tpu.memory_space<hbm>> -> memref<40xi32, #tpu.memory_space<hbm>>
        tpu.wait_dma2 semaphore(%arg50 : memref<!tpu.dma_semaphore, #tpu.memory_space<semaphore_mem>>) src(%dma_wait3A_432 : memref<40xi32, #tpu.memory_space<hbm>>) dst(%arg26 : memref<40xi32, #tpu.memory_space<vmem>>)
        %dma_wait3A_433 = arith.constant 0 : i32
        %dma_wait3A_434 = tpu.memref_slice %arg4[%dma_wait3A_433] : memref<960000xi32, #tpu.memory_space<hbm>> -> memref<40xi32, #tpu.memory_space<hbm>>
        %dma_wait3A_435 = arith.constant 0 : i32
        %dma_wait3A_436 = tpu.memref_slice %arg4[%dma_wait3A_435] : memref<960000xi32, #tpu.memory_space<hbm>> -> memref<40xi32, #tpu.memory_space<hbm>>
        tpu.wait_dma2 semaphore(%arg50 : memref<!tpu.dma_semaphore, #tpu.memory_space<semaphore_mem>>) src(%dma_wait3A_436 : memref<40xi32, #tpu.memory_space<hbm>>) dst(%arg34 : memref<40xi32, #tpu.memory_space<vmem>>)
        %dma_start3A_437 = arith.constant 0 : i32
        %dma_start3A_438 = arith.constant 0 : i32
        %dma_start3A_439 = tpu.memref_slice %arg2[%dma_start3A_437, %dma_start3A_438] : memref<10000x128xf32, #tpu.memory_space<hbm>> -> memref<10000x128xf32, #tpu.memory_space<hbm>>
        tpu.enqueue_indirect_dma source(%dma_start3A_439 : memref<10000x128xf32, #tpu.memory_space<hbm>>) target(%arg10 : memref<40x128xf32, #tpu.memory_space<vmem>>) offsets(%arg34 : memref<40xi32, #tpu.memory_space<vmem>>) semaphore(%arg42 : memref<!tpu.dma_semaphore, #tpu.memory_space<semaphore_mem>>)
        %dma_start3A_440 = arith.constant 0 : i32
        %dma_start3A_441 = arith.constant 0 : i32
        %dma_start3A_442 = tpu.memref_slice %arg3[%dma_start3A_440, %dma_start3A_441] : memref<10000x128xf32, #tpu.memory_space<hbm>> -> memref<10000x128xf32, #tpu.memory_space<hbm>>
        tpu.enqueue_indirect_dma source(%dma_start3A_442 : memref<10000x128xf32, #tpu.memory_space<hbm>>) target(%arg14 : memref<40x128xf32, #tpu.memory_space<vmem>>) offsets(%arg26 : memref<40xi32, #tpu.memory_space<vmem>>) semaphore(%arg42 : memref<!tpu.dma_semaphore, #tpu.memory_space<semaphore_mem>>)
      } else {
      }
    }
    %scan3A_145 = arith.constant 33 : i32
    %barrier3A_146 = arith.constant 0 : index
    tpu.barrier barrier_id(%barrier3A_146)
    %mul3A_147 = arith.constant 640 : i32
    %mul3A_148 = arith.muli %arg1, %mul3A_147 : i32
    %mul3A_149 = arith.constant 640 : i32
    %mul3A_150 = arith.muli %arg1, %mul3A_149 : i32
    "tpu.region"() ({
      %run_scoped3A = tpu.sem_alloc : memref<!tpu.dma_semaphore, #tpu.memory_space<semaphore_mem>>
      %dma_start3A_151 = arith.constant 0 : i32
      %dma_start3A_152 = tpu.memref_slice %arg6[%arg0, %mul3A_150, %dma_start3A_151] : memref<2x10240x128xf32, #tpu.memory_space<hbm>> -> memref<1x640x128xf32, #tpu.memory_space<hbm>>
      %dma_start3A_153 = tpu.memref_squeeze %dma_start3A_152 : memref<1x640x128xf32, #tpu.memory_space<hbm>> -> memref<640x128xf32, #tpu.memory_space<hbm>>
      %dma_start3A_154 = arith.constant 0 : i32
      %dma_start3A_155 = tpu.memref_slice %arg7[%mul3A_148, %dma_start3A_154] : memref<10240x128xf32, #tpu.memory_space<vmem_shared>> -> memref<640x128xf32, #tpu.memory_space<vmem_shared>>
      tpu.enqueue_dma source(%dma_start3A_155 : memref<640x128xf32, #tpu.memory_space<vmem_shared>>) target(%dma_start3A_153 : memref<640x128xf32, #tpu.memory_space<hbm>>) target_semaphore(%run_scoped3A : memref<!tpu.dma_semaphore, #tpu.memory_space<semaphore_mem>>)
      %dma_wait3A_156 = arith.constant 0 : i32
      %dma_wait3A_157 = tpu.memref_slice %arg6[%arg0, %mul3A_150, %dma_wait3A_156] : memref<2x10240x128xf32, #tpu.memory_space<hbm>> -> memref<1x640x128xf32, #tpu.memory_space<hbm>>
      %dma_wait3A_158 = tpu.memref_squeeze %dma_wait3A_157 : memref<1x640x128xf32, #tpu.memory_space<hbm>> -> memref<640x128xf32, #tpu.memory_space<hbm>>
      %dma_wait3A_159 = arith.constant 0 : i32
      %dma_wait3A_160 = tpu.memref_slice %arg7[%mul3A_148, %dma_wait3A_159] : memref<10240x128xf32, #tpu.memory_space<vmem_shared>> -> memref<640x128xf32, #tpu.memory_space<vmem_shared>>
      tpu.wait_dma2 semaphore(%run_scoped3A : memref<!tpu.dma_semaphore, #tpu.memory_space<semaphore_mem>>) src(%dma_wait3A_160 : memref<640x128xf32, #tpu.memory_space<vmem_shared>>) dst(%dma_wait3A_158 : memref<640x128xf32, #tpu.memory_space<hbm>>)
      tpu.yield
    }) : () -> ()
    return
  }
}

module attributes {stable_mosaic.version = 14 : i64} {
  func.func @_dense_body(%arg0: i32, %arg1: memref<1x2000x128xf32, #tpu.memory_space<vmem>>, %arg2: memref<1x2000x128xf32, #tpu.memory_space<vmem>>, %arg3: memref<1x2000x128xf32, #tpu.memory_space<vmem>>, %arg4: memref<128x128xf32, #tpu.memory_space<vmem>>, %arg5: memref<1x128xf32, #tpu.memory_space<vmem>>, %arg6: memref<128x128xf32, #tpu.memory_space<vmem>>, %arg7: memref<1x128xf32, #tpu.memory_space<vmem>>, %arg8: memref<1x128xf32, #tpu.memory_space<vmem>>, %arg9: memref<1x128xf32, #tpu.memory_space<vmem>>, %arg10: memref<1x128xf32, #tpu.memory_space<vmem>>, %arg11: memref<1x2000x128xf32, #tpu.memory_space<vmem>>) attributes {dimension_semantics = [#tpu.dimension_semantics<arbitrary>], iteration_bounds = array<i64: 5>, scalar_prefetch = 0 : i64, scratch_operands = 0 : i64, tpu.core_type = #tpu.core_type<tc>, window_params = [{transform_indices = @transform_0, window_bounds = array<i64: 1, 2000, 128>}, {transform_indices = @transform_1, window_bounds = array<i64: 1, 2000, 128>}, {transform_indices = @transform_2, window_bounds = array<i64: 1, 2000, 128>}, {pipeline_mode = #tpu.pipeline_mode<synchronous>, transform_indices = @transform_3, window_bounds = array<i64: 128, 128>}, {pipeline_mode = #tpu.pipeline_mode<synchronous>, transform_indices = @transform_4, window_bounds = array<i64: 1, 128>}, {pipeline_mode = #tpu.pipeline_mode<synchronous>, transform_indices = @transform_5, window_bounds = array<i64: 128, 128>}, {pipeline_mode = #tpu.pipeline_mode<synchronous>, transform_indices = @transform_6, window_bounds = array<i64: 1, 128>}, {pipeline_mode = #tpu.pipeline_mode<synchronous>, transform_indices = @transform_7, window_bounds = array<i64: 1, 128>}, {pipeline_mode = #tpu.pipeline_mode<synchronous>, transform_indices = @transform_8, window_bounds = array<i64: 1, 128>}, {pipeline_mode = #tpu.pipeline_mode<synchronous>, transform_indices = @transform_9, window_bounds = array<i64: 1, 128>}, {transform_indices = @transform_10, window_bounds = array<i64: 1, 2000, 128>}]} {
    %get3A = arith.constant 0 : index
    %get3A_0 = arith.constant 0 : index
    %get3A_1 = arith.constant 0 : index
    %get3A_2 = vector.load %arg3[%get3A, %get3A_0, %get3A_1] : memref<1x2000x128xf32, #tpu.memory_space<vmem>>, vector<1x2000x128xf32>
    %get3A_3 = vector.shape_cast %get3A_2 : vector<1x2000x128xf32> to vector<2000x128xf32>
    %get3A_4 = arith.constant 0 : index
    %get3A_5 = arith.constant 0 : index
    %get3A_6 = arith.constant 0 : index
    %get3A_7 = vector.load %arg1[%get3A_4, %get3A_5, %get3A_6] : memref<1x2000x128xf32, #tpu.memory_space<vmem>>, vector<1x2000x128xf32>
    %get3A_8 = vector.shape_cast %get3A_7 : vector<1x2000x128xf32> to vector<2000x128xf32>
    %get3A_9 = arith.constant 0 : index
    %get3A_10 = arith.constant 0 : index
    %get3A_11 = arith.constant 0 : index
    %get3A_12 = vector.load %arg2[%get3A_9, %get3A_10, %get3A_11] : memref<1x2000x128xf32, #tpu.memory_space<vmem>>, vector<1x2000x128xf32>
    %get3A_13 = vector.shape_cast %get3A_12 : vector<1x2000x128xf32> to vector<2000x128xf32>
    %add3A = arith.addf %get3A_8, %get3A_13 : vector<2000x128xf32>
    %get3A_14 = arith.constant 0 : index
    %get3A_15 = arith.constant 0 : index
    %get3A_16 = vector.load %arg8[%get3A_14, %get3A_15] : memref<1x128xf32, #tpu.memory_space<vmem>>, vector<1x128xf32>
    %mul3A = vector.broadcast %get3A_16 : vector<1x128xf32> to vector<2000x128xf32>
    %mul3A_17 = arith.mulf %mul3A, %get3A_3 : vector<2000x128xf32>
    %add3A_18 = arith.addf %add3A, %mul3A_17 : vector<2000x128xf32>
    %get3A_19 = arith.constant 0 : index
    %get3A_20 = arith.constant 0 : index
    %get3A_21 = vector.load %arg4[%get3A_19, %get3A_20] : memref<128x128xf32, #tpu.memory_space<vmem>>, vector<128x128xf32>
    %dot_general3A = arith.constant dense<0.000000e+00> : vector<2000x128xf32>
    %dot_general3A_22 = tpu.matmul %add3A_18, %get3A_21, %dot_general3A {dimension_numbers = #tpu.dot_dimension_numbers<[1], [1], [0], [0], [0, 0, 1, 0], [], []>, transpose_lhs_hint = false} : vector<2000x128xf32>, vector<128x128xf32>, vector<2000x128xf32> -> vector<2000x128xf32>
    %get3A_23 = arith.constant 0 : index
    %get3A_24 = arith.constant 0 : index
    %get3A_25 = vector.load %arg5[%get3A_23, %get3A_24] : memref<1x128xf32, #tpu.memory_space<vmem>>, vector<1x128xf32>
    %add3A_26 = vector.broadcast %get3A_25 : vector<1x128xf32> to vector<2000x128xf32>
    %add3A_27 = arith.addf %dot_general3A_22, %add3A_26 : vector<2000x128xf32>
    %max3A = arith.constant 0.000000e+00 : f32
    %max3A_28 = vector.broadcast %max3A : f32 to vector<2000x128xf32>
    %max3A_29 = arith.maximumf %add3A_27, %max3A_28 : vector<2000x128xf32>
    %get3A_30 = arith.constant 0 : index
    %get3A_31 = arith.constant 0 : index
    %get3A_32 = vector.load %arg6[%get3A_30, %get3A_31] : memref<128x128xf32, #tpu.memory_space<vmem>>, vector<128x128xf32>
    %dot_general3A_33 = arith.constant dense<0.000000e+00> : vector<2000x128xf32>
    %dot_general3A_34 = tpu.matmul %max3A_29, %get3A_32, %dot_general3A_33 {dimension_numbers = #tpu.dot_dimension_numbers<[1], [1], [0], [0], [0, 0, 1, 0], [], []>, transpose_lhs_hint = false} : vector<2000x128xf32>, vector<128x128xf32>, vector<2000x128xf32> -> vector<2000x128xf32>
    %get3A_35 = arith.constant 0 : index
    %get3A_36 = arith.constant 0 : index
    %get3A_37 = vector.load %arg7[%get3A_35, %get3A_36] : memref<1x128xf32, #tpu.memory_space<vmem>>, vector<1x128xf32>
    %add3A_38 = vector.broadcast %get3A_37 : vector<1x128xf32> to vector<2000x128xf32>
    %add3A_39 = arith.addf %dot_general3A_34, %add3A_38 : vector<2000x128xf32>
    %reduce_sum3A = arith.constant dense<0.000000e+00> : vector<2000xf32>
    %reduce_sum3A_40 = vector.multi_reduction <add>, %add3A_39, %reduce_sum3A [1] : vector<2000x128xf32> to vector<2000xf32>
    %broadcast_in_dim3A = vector.shape_cast %reduce_sum3A_40 : vector<2000xf32> to vector<2000x1xf32>
    %div3A = arith.constant 1.280000e+02 : f32
    %div3A_41 = vector.broadcast %div3A : f32 to vector<2000x1xf32>
    %div3A_42 = arith.divf %broadcast_in_dim3A, %div3A_41 : vector<2000x1xf32>
    %sub3A = vector.broadcast %div3A_42 : vector<2000x1xf32> to vector<2000x128xf32>
    %sub3A_43 = arith.subf %add3A_39, %sub3A : vector<2000x128xf32>
    %mul3A_44 = arith.mulf %sub3A_43, %sub3A_43 : vector<2000x128xf32>
    %reduce_sum3A_45 = arith.constant dense<0.000000e+00> : vector<2000xf32>
    %reduce_sum3A_46 = vector.multi_reduction <add>, %mul3A_44, %reduce_sum3A_45 [1] : vector<2000x128xf32> to vector<2000xf32>
    %broadcast_in_dim3A_47 = vector.shape_cast %reduce_sum3A_46 : vector<2000xf32> to vector<2000x1xf32>
    %div3A_48 = arith.constant 1.280000e+02 : f32
    %div3A_49 = vector.broadcast %div3A_48 : f32 to vector<2000x1xf32>
    %div3A_50 = arith.divf %broadcast_in_dim3A_47, %div3A_49 : vector<2000x1xf32>
    %add3A_51 = arith.constant 9.99999974E-6 : f32
    %add3A_52 = vector.broadcast %add3A_51 : f32 to vector<2000x1xf32>
    %add3A_53 = arith.addf %div3A_50, %add3A_52 : vector<2000x1xf32>
    %rsqrt3A = math.rsqrt %add3A_53 : vector<2000x1xf32>
    %mul3A_54 = vector.broadcast %rsqrt3A : vector<2000x1xf32> to vector<2000x128xf32>
    %mul3A_55 = arith.mulf %sub3A_43, %mul3A_54 : vector<2000x128xf32>
    %get3A_56 = arith.constant 0 : index
    %get3A_57 = arith.constant 0 : index
    %get3A_58 = vector.load %arg9[%get3A_56, %get3A_57] : memref<1x128xf32, #tpu.memory_space<vmem>>, vector<1x128xf32>
    %mul3A_59 = vector.broadcast %get3A_58 : vector<1x128xf32> to vector<2000x128xf32>
    %mul3A_60 = arith.mulf %mul3A_55, %mul3A_59 : vector<2000x128xf32>
    %get3A_61 = arith.constant 0 : index
    %get3A_62 = arith.constant 0 : index
    %get3A_63 = vector.load %arg10[%get3A_61, %get3A_62] : memref<1x128xf32, #tpu.memory_space<vmem>>, vector<1x128xf32>
    %add3A_64 = vector.broadcast %get3A_63 : vector<1x128xf32> to vector<2000x128xf32>
    %add3A_65 = arith.addf %mul3A_60, %add3A_64 : vector<2000x128xf32>
    %add3A_66 = arith.addf %add3A_65, %get3A_3 : vector<2000x128xf32>
    %swap3A = arith.constant 0 : index
    %swap3A_67 = arith.constant 0 : index
    %swap3A_68 = arith.constant 0 : index
    %swap3A_69 = vector.load %arg11[%swap3A, %swap3A_67, %swap3A_68] : memref<1x2000x128xf32, #tpu.memory_space<vmem>>, vector<1x2000x128xf32>
    %swap3A_70 = vector.shape_cast %swap3A_69 : vector<1x2000x128xf32> to vector<2000x128xf32>
    %swap3A_71 = vector.shape_cast %add3A_66 : vector<2000x128xf32> to vector<1x2000x128xf32>
    tpu.vector_store %arg11[%swap3A, %swap3A_67, %swap3A_68], %swap3A_71 {strides = array<i32>} : memref<1x2000x128xf32, #tpu.memory_space<vmem>>, vector<1x2000x128xf32>,
    return
  }
  func.func @transform_0(%arg0: i32) -> (i32, i32, i32) {
    %c0_i32 = arith.constant 0 : i32
    %c0_i32_0 = arith.constant 0 : i32
    %c0_i32_1 = arith.constant 0 : i32
    return %c0_i32, %arg0, %c0_i32_0 : i32, i32, i32
  }
  func.func @transform_1(%arg0: i32) -> (i32, i32, i32) {
    %c1_i32 = arith.constant 1 : i32
    %c0_i32 = arith.constant 0 : i32
    %c0_i32_0 = arith.constant 0 : i32
    return %c1_i32, %arg0, %c0_i32 : i32, i32, i32
  }
  func.func @transform_2(%arg0: i32) -> (i32, i32, i32) {
    %c0_i32 = arith.constant 0 : i32
    %c0_i32_0 = arith.constant 0 : i32
    %c0_i32_1 = arith.constant 0 : i32
    return %c0_i32, %arg0, %c0_i32_0 : i32, i32, i32
  }
  func.func @transform_3(%arg0: i32) -> (i32, i32) {
    %c0_i32 = arith.constant 0 : i32
    %c0_i32_0 = arith.constant 0 : i32
    %c0_i32_1 = arith.constant 0 : i32
    return %c0_i32, %c0_i32_0 : i32, i32
  }
  func.func @transform_4(%arg0: i32) -> (i32, i32) {
    %c0_i32 = arith.constant 0 : i32
    %c0_i32_0 = arith.constant 0 : i32
    %c0_i32_1 = arith.constant 0 : i32
    return %c0_i32, %c0_i32_0 : i32, i32
  }
  func.func @transform_5(%arg0: i32) -> (i32, i32) {
    %c0_i32 = arith.constant 0 : i32
    %c0_i32_0 = arith.constant 0 : i32
    %c0_i32_1 = arith.constant 0 : i32
    return %c0_i32, %c0_i32_0 : i32, i32
  }
  func.func @transform_6(%arg0: i32) -> (i32, i32) {
    %c0_i32 = arith.constant 0 : i32
    %c0_i32_0 = arith.constant 0 : i32
    %c0_i32_1 = arith.constant 0 : i32
    return %c0_i32, %c0_i32_0 : i32, i32
  }
  func.func @transform_7(%arg0: i32) -> (i32, i32) {
    %c0_i32 = arith.constant 0 : i32
    %c0_i32_0 = arith.constant 0 : i32
    %c0_i32_1 = arith.constant 0 : i32
    return %c0_i32, %c0_i32_0 : i32, i32
  }
  func.func @transform_8(%arg0: i32) -> (i32, i32) {
    %c0_i32 = arith.constant 0 : i32
    %c0_i32_0 = arith.constant 0 : i32
    %c0_i32_1 = arith.constant 0 : i32
    return %c0_i32, %c0_i32_0 : i32, i32
  }
  func.func @transform_9(%arg0: i32) -> (i32, i32) {
    %c0_i32 = arith.constant 0 : i32
    %c0_i32_0 = arith.constant 0 : i32
    %c0_i32_1 = arith.constant 0 : i32
    return %c0_i32, %c0_i32_0 : i32, i32
  }
  func.func @transform_10(%arg0: i32) -> (i32, i32, i32) {
    %c0_i32 = arith.constant 0 : i32
    %c0_i32_0 = arith.constant 0 : i32
    %c0_i32_1 = arith.constant 0 : i32
    return %c0_i32, %arg0, %c0_i32_0 : i32, i32, i32
  }
}

</mosaic_0001>

<sc_bundles>
// kernel: kernel.4.cloned.1.call-start
scs
__scs_entry_jumppad:
0x0: {  	(pc) =	sbr.rel $0x88, $3  }
0x1: {  	(tag) =	ssettag $0x0;
	lr =	simm.s32 $0x1  }
0x2: {  	[smem:$0x3F97] =	sst lr;
	_ =	strace $0xD0000000  }
0x3: {  	_ = 	snop  }
0x4: {  	_ = 	snop  }
0x5: {  	_ = 	snop  }
0x6: {  	_ = 	snop  }
0x7: {  	_ = 	snop  }
__scs_overlays_trampoline_lowered:
0x8: {  	[smem:$0x3FA6] =	sst s0  }
0x9: {  	[smem:$0x3FA7] =	sst s1  }
0xa: {  	[smem:$0x3FA8] =	sst s2  }
0xb: {  	[smem:$0x3FA9] =	sst s3  }
0xc: {  	[smem:$0x3FAA] =	sst s4  }
0xd: {  	[smem:$0x3FAB] =	sst s5  }
0xe: {  	[smem:$0x3FAC] =	sst s6  }
0xf: {  	[smem:$0x3FAD] =	sst s7  }
0x10: {  	[smem:$0x3FAE] =	sst s8  }
0x11: {  	[smem:$0x3FAF] =	sst s9;
	s0 =	simm.s32 @!p0 $0x0  }
0x12: {  	s1 =	sld [smem:$0x3F95];
	s0 =	simm.s32 @p0 $0x1  }
0x13: {  	[smem:$0x3FB0] =	sst s0;
	s0 =	simm.s32 @!p1 $0x0  }
0x14: {  	s2 =	sld [smem:$0x3F94];
	s0 =	simm.s32 @p1 $0x1  }
0x15: {  	[smem:$0x3FB1] =	sst s0;
	s0 =	simm.s32 @!p2 $0x0  }
0x16: {  	s3 =	sld [smem:$0x3FDB];
	s0 =	simm.s32 @p2 $0x1  }
0x17: {  	s4 =	simm.s32 $0x1BF5;
	[smem:$0x3FB3] =	sst s0  }
0x18: {  	s0 =	sld [smem:$0x3F96];
	_ =	swait.ge [sflag:s4], $0x0  }
0x19: {  	s7 =	sld [smem:$0x3F97]  }
0x1a: {  	s8 =	sadd.s32 $0xFFFFE003, lr  }
0x1b: {  	s9 =	sadd.s32 $0xFFFFFEF7, lr;
	s5 =	simm.s32 $0xFFFFFFFF;
	p2 =	slt.u32 s8, $0xFFFFF086  }
0x1c: {  	p1 =	slt.u32 s9, $0xF7A;
	s5 =	simm.s32 @!p2 $0x0  }
0x1d: {  	s5 =	simm.s32 @p1 $0x1;
	p0 =	seq.s32 s7, s2  }
0x1e: {  	s7 =	smul.u32 @!p0 $0xF7A, s2;
	p2 =	seq.s32 @!p0 s5, $0x0  }
0x1f: {  	s9 =	smul.u32 $0xF7A, s1;
	s8 =	simm.s32 @!p0 $0x1BF5;
	p2 =	por !p2, p0  }
0x20: {  	[sflag:s8] =	ssyncset.s32 @!p0 $0xFFFFF086;
	s6 =	sadd.s32 @!p0 s3, s7;
	s7 =	simm.s32 @!p0 $0x108  }
0x21: {  	s3 =	sadd.s32 s3, s9;
	s6 =	sadd.s32 @!p0 $0x88, s6;
	s7 =	simm.s32 @p2 $0x1082  }
0x22: {  	[simem:s7], [sflag:s8] =	dma.local @!p0 [hbm:s6], $0xF7A  }
0x23: {  	s9 =	sor.u32 $0xD0000000, s2;
	s6 =	simm.s32 $0x108;
	_ =	swait.ge @!p0 [sflag:s8], $0x0  }
0x24: {  	s3 =	sadd.s32 $0x88, s3;
	s6 =	simm.s32 @!p1 $0x1082;
	[sflag:s4] =	ssyncset.s32 $0xFFFFF086  }
0x25: {  	[simem:s6], [sflag:s4] =	dma.local [hbm:s3], $0xF7A  }
0x26: {  	[smem:$0x3F97] =	sst s1;
	(tag) =	ssettag s2;
	_ =	strace s9  }
0x27: {  	s1 =	sld [smem:$0x3FA7]  }
0x28: {  	s2 =	sld [smem:$0x3FA8]  }
0x29: {  	s4 =	sld [smem:$0x3FAA]  }
0x2a: {  	p0 =	seq.s32 s5, $0x0;
	s5 =	sld [smem:$0x3FAB]  }
0x2b: {  	s6 =	sld [smem:$0x3FAC]  }
0x2c: {  	s7 =	sld [smem:$0x3FAD]  }
0x2d: {  	s3 =	simm.s32 $0x108;
	s8 =	sld [smem:$0x3FAE]  }
0x2e: {  	s3 =	simm.s32 @!p0 $0x1082;
	s9 =	sld [smem:$0x3FAF]  }
0x2f: {  	lr =	sadd.s32 s0, s3;
	s0 =	sld [smem:$0x3FA6]  }
0x30: {  	s3 =	sld [smem:$0x3FA9]  }
0x31: {  	[smem:$0x3FB2] =	sst s10  }
0x32: {  	s10 =	sld [smem:$0x3FB0];
	_ =	sdelay $0x3  }
0x33: {  	p0 =	seq.s32 s10, $0x1;
	s10 =	sld [smem:$0x3FB2];
	_ =	sdelay $0x3  }
0x34: {  	[smem:$0x3FB2] =	sst s10  }
0x35: {  	s10 =	sld [smem:$0x3FB1];
	_ =	sdelay $0x3  }
0x36: {  	p1 =	seq.s32 s10, $0x1;
	s10 =	sld [smem:$0x3FB2];
	_ =	sdelay $0x3  }
0x37: {  	[smem:$0x3FB2] =	sst s10  }
0x38: {  	s10 =	sld [smem:$0x3FB3]  }
0x39: {  	_ = 	snop;
	(pc) =	sbr.ind lr, $3  }
0x3a: {  	_ = 	snop  }
0x3b: {  	_ = 	snop  }
0x3c: {  	p2 =	seq.s32 s10, $0x1;
	s10 =	sld [smem:$0x3FB2]  }
0x3d: {  	_ =	shalt  }
0x3e: {  	_ =	shalt  }
0x3f: {  	_ =	shalt  }
0x40: {  	_ =	shalt  }
0x41: {  	_ =	shalt  }
0x42: {  	_ =	shalt  }
0x43: {  	_ =	shalt  }
0x44: {  	_ =	shalt  }
0x45: {  	_ =	shalt  }
0x46: {  	_ =	shalt  }
0x47: {  	_ =	shalt  }
0x48: {  	_ =	shalt  }
0x49: {  	_ =	shalt  }
0x4a: {  	_ =	shalt  }
0x4b: {  	_ =	shalt  }
0x4c: {  	_ =	shalt  }
0x4d: {  	_ =	shalt  }
0x4e: {  	_ =	shalt  }
0x4f: {  	_ =	shalt  }
0x50: {  	_ =	shalt  }
0x51: {  	_ =	shalt  }
0x52: {  	_ =	shalt  }
0x53: {  	_ =	shalt  }
0x54: {  	_ =	shalt  }
0x55: {  	_ =	shalt  }
0x56: {  	_ =	shalt  }
0x57: {  	_ =	shalt  }
0x58: {  	_ =	shalt  }
0x59: {  	_ =	shalt  }
0x5a: {  	_ =	shalt  }
0x5b: {  	_ =	shalt  }
0x5c: {  	_ =	shalt  }
0x5d: {  	_ =	shalt  }
0x5e: {  	_ =	shalt  }
0x5f: {  	_ =	shalt  }
0x60: {  	_ =	shalt  }
0x61: {  	_ =	shalt  }
0x62: {  	_ =	shalt  }
0x63: {  	_ =	shalt  }
0x64: {  	_ =	shalt  }
0x65: {  	_ =	shalt  }
0x66: {  	_ =	shalt  }
0x67: {  	_ =	shalt  }
0x68: {  	_ =	shalt  }
0x69: {  	_ =	shalt  }
0x6a: {  	_ =	shalt  }
0x6b: {  	_ =	shalt  }
0x6c: {  	_ =	shalt  }
0x6d: {  	_ =	shalt  }
0x6e: {  	_ =	shalt  }
0x6f: {  	_ =	shalt  }
0x70: {  	_ =	shalt  }
0x71: {  	_ =	shalt  }
0x72: {  	_ =	shalt  }
0x73: {  	_ =	shalt  }
0x74: {  	_ =	shalt  }
0x75: {  	_ =	shalt  }
0x76: {  	_ =	shalt  }
0x77: {  	_ =	shalt  }
0x78: {  	_ =	shalt  }
0x79: {  	_ =	shalt  }
0x7a: {  	_ =	shalt  }
0x7b: {  	_ =	shalt  }
0x7c: {  	_ =	shalt  }
0x7d: {  	_ =	shalt  }
0x7e: {  	_ =	shalt  }
0x7f: {  	_ =	shalt  }
0x80: {  	_ =	shalt  }
0x81: {  	_ =	shalt  }
0x82: {  	_ =	shalt  }
0x83: {  	_ =	shalt  }
0x84: {  	_ =	shalt  }
0x85: {  	_ =	shalt  }
0x86: {  	_ =	shalt  }
0x87: {  	_ =	shalt  }
.Lfunc_end0:
.L_simem_size_0:
called_computation_lowered:
.L_overlay_start_0:
0x88: {  	s2 =	sld [smem:$0x3FD9]  }
0x89: {  	s3 =	sld [smem:$0x3FFE];
	_ =	sdelay $0x1  }
0x8a: {  	s1 =	srdreg.scid  }
0x8b: {  	s0 =	sand.u32 $0x1, s1  }
0x8c: {  	s17 =	sshll.u32 s0, $0xA;
	s2 =	sadd.s32 s3, s2  }
0x8d: {  	s2 =	sadd.s32 s2, s17  }
0x8e: {  	[smem:$0x3FBE] =	sst s2  }
0x8f: {  	_ = 	snop  }
0x90: {  	s2 =	sld [smem:$0x3FC9]  }
0x91: {  	s18 =	sld [smem:$0x3FC8]  }
0x92: {  	s4 =	sld [smem:$0x3FD0];
	(tm) =	ssettm $0x1  }
0x93: {  	s5 =	sld [smem:$0x3FFB];
	_ =	sdelay $0x3  }
0x94: {  	_ =	strace s5  }
0x95: {  	s5 =	sld [smem:$0x3FFC];
	_ =	sdelay $0x3  }
0x96: {  	_ =	strace s5  }
0x97: {  	s5 =	sld [smem:$0x3FFD];
	_ =	sdelay $0x3  }
0x98: {  	_ =	strace s5  }
0x99: {  	_ =	strace $0x8FFFFFFF  }
0x9a: {  	s19 =	sld [smem:$0x3FDB];
	_ =	sdelay $0x1  }
0x9b: {  	s6 =	simm.s32 $_scs_section_size  }
0x9c: {  	s7 =	simm.s32 $_size__tile_overlayer_lowered;
	s8 =	simm.s32 $_tile_overlayer_lowered  }
0x9d: {  	s22 =	simm.s32 $0x1BFF;
	s21 =	sshll.u32 s8, $0x1;
	s5 =	sadd.s32 s6, s19  }
0x9e: {  	s9 =	simm.s32 $0x0;
	s20 =	sshll.u32 s7, $0x1;
	s7 =	sadd.s32 s21, s5  }
0x9f: {  	[timem:s9], [sflag:s22] =	dma.local [hbm:s7], s20  }
0xa0: {  	_ =	swait.ge [sflag:s22], s20  }
0xa1: {  	s6 =	ssub.s32 $0x0, s20;
	[sflag:s22] =	ssyncset.done $0x0  }
0xa2: {  	[sflag:s22] =	ssyncadd.s32 s6;
	_ =	sdelay $0x1  }
0xa3: {  	s23 =	simm.s32 $0x1B8B  }
0xa4: {  	_ =	swait.ge [sflag:s23], $0x1  }
0xa5: {  	[sflag:s23] =	ssyncset.done $0x0  }
0xa6: {  	s25 =	simm.s32 $0x1B8E;
	s24 =	sld [smem:$0x3FFE];
	[sflag:s23] =	ssyncadd.s32 $0xFFFFFFFF  }
0xa7: {  	s26 =	simm.s32 $execute0_lowered;
	[smem:$0x3FD2] =	sst s25  }
0xa8: {  	s7 =	sshll.u32 s26, $0x1;
	_ =	strace $0x80000046;
	[dreg:$0x1] =	wrdreg $0xFFFFFFFF  }
0xa9: {  	s28 =	simm.s32 $_size_execute0_lowered;
	s5 =	sadd.s32 s5, s7;
	[dreg:$0x0] =	wrdreg $0x0  }
0xaa: {  	s7 =	sshll.u32 s28, $0x1;
	[dreg:$0x2] =	wrdreg s5  }
0xab: {  	[dreg:$0x3] =	wrdreg s7  }
0xac: {  	[dreg:$0x4] =	wrdreg $0xC0  }
0xad: {  	_ =	task [dreg:s9], $0x5FFFF  }
0xae: {  	[dreg:$0x1] =	wrdreg $0xFFFFFFFF  }
0xaf: {  	[dreg:$0x0] =	wrdreg $0x60  }
0xb0: {  	[dreg:$0x2] =	wrdreg s2  }
0xb1: {  	[dreg:$0x3] =	wrdreg s18  }
0xb2: {  	[dreg:$0x4] =	wrdreg s4  }
0xb3: {  	[dreg:$0x5] =	wrdreg s24  }
0xb4: {  	[dreg:$0x6] =	wrdreg $0x0  }
0xb5: {  	[dreg:$0x7] =	wrdreg $0x9  }
0xb6: {  	_ =	task.clear_ibuf [dreg:s9], $0x8FFFF;
	_ =	strace $0x90000046  }
0xb7: {  	s29 =	simm.s32 $0x9;
	_ =	strace $0x80000048  }
0xb8: {  	_ =	swait.ge [sflag:s29], $0x1  }
0xb9: {  	[sflag:s29] =	ssyncadd.s32 $0xFFFFFFFF  }
0xba: {  	_ =	strace $0x90000048  }
0xbb: {  	_ =	sfence  }
0xbc: {  	s30 =	sld [smem:$0x0];
	_ =	sdelay $0x2  }
0xbd: {  	s31 =	sshll.u32 s1, $0xD;
	s1 =	sshrl.u32 s1, $0x2  }
0xbe: {  	s3 =	sand.u32 $0x4000, s31;
	s1 =	sadd.s32 s1, s30  }
0xbf: {  	s0 =	sor.u32 s3, s0;
	s1 =	sshll.u32 s1, $0x11  }
0xc0: {  	s0 =	sor.u32 s1, s0  }
0xc1: {  	s0 =	sadd.s32 $0x8F2B, s0  }
0xc2: {  	[sflag:s0] =	ssyncadd.remote.s32 $0x1  }
0xc3: {  	_ =	sfence.sel $0xFFFF  }
0xc4: {  	[dreg:$0x0] =	wrdreg $0xFFFFFFFF;
	(pc) =	sbr.abs _section_cstart, $3  }
0xc5: {  	[dreg:$0x1] =	wrdreg $0xFFFFFFFF  }
0xc6: {  	_ =	task.clear_ibuf [dreg:s9], $0x2FFFF;
	_ =	strace $0x9FFFFFFF  }
0xc7: {  	(tm) =	ssettm $0x7FFFFFFF  }
tec
execute0_lowered:
.L_overlay_start_1:
0x0: {  	(tag) =	ssettag $0x1  }
0x1: {  	s1 =	rddreg [dreg:$0x0]  }
0x2: {  	s2 =	rddreg [dreg:$0x1]  }
0x3: {  	s3 =	rddreg [dreg:$0x2]  }
0x4: {  	s0 =	rddreg [dreg:$0x3]  }
0x5: {  	s4 =	rddreg [dreg:$0x4];
	s11 =	stileid.u32  }
0x6: {  	s5 =	srdreg.scid;
	s8 =	smul.u32 $0x14000, s11  }
0x7: {  	s6 =	simm.s32 $0x0;
	s5 =	sand.u32 $0x1, s5;
	s10 =	smul.u32 $0x50000, s11  }
0x8: {  	[smem:$0x7FF] =	sst s6;
	s7 =	smul.u32 $0x140000, s5;
	s9 =	sshll.u32 s5, $0x4  }
0x9: {  	s12 =	sadd.s32 $0x1C00, s0;
	_ =	strace $0x80000047;
	s9 =	sor.u32 s11, s9  }
0xa: {  	[dreg:$0x6] =	wrdreg s12;
	s8 =	sadd.s32 s8, s7;
	s7 =	smul.u32 $0x2710, s9  }
0xb: {  	s9 =	sshrl.u32 s10, $0x2;
	s10 =	sshll.u32 s11, $0x6;
	s8 =	sshrl.u32 s8, $0x3  }
0xc: {  	s12 =	sor.u32 $0x1C11, s10;
	s0 =	sadd.s32 s8, s0;
	s11 =	sshrl.u32 s7, $0x3  }
0xd: {  	s8 =	sadd.s32 s9, s4;
	s15 =	sadd.s32 $0x28, s7;
	[dreg:$0x8] =	wrdreg s12  }
0xe: {  	s23 =	sadd.s32 $0x4E278, s7;
	[dreg:$0x7] =	wrdreg s8;
	s0 =	sadd.s32 $0x4400, s0  }
0xf: {  	s24 =	sadd.s32 $0x9C478, s7;
	s11 =	sadd.s32 s3, s11;
	[dreg:$0x16] =	wrdreg s0  }
0x10: {  	s9 =	sshrl.u32 s23, $0x3;
	s23 =	sadd.s32 $0x140, s7;
	[dreg:$0x9] =	wrdreg s11  }
0x11: {  	s10 =	sshrl.u32 s24, $0x3;
	s24 =	sadd.s32 $0x168, s7;
	[smem:$0x7F7] =	sst s23  }
0x12: {  	s17 =	sadd.s32 $0x9C428, s7;
	s13 =	sadd.s32 $0x9C40, s11;
	[smem:$0x7F8] =	sst s24  }
0x13: {  	s8 =	sshrl.u32 s15, $0x3;
	s14 =	sadd.s32 $0x13880, s11;
	[dreg:$0xa] =	wrdreg s13  }
0x14: {  	s19 =	sshrl.u32 s17, $0x3;
	s8 =	sadd.s32 s3, s8;
	[dreg:$0xb] =	wrdreg s14  }
0x15: {  	s28 =	simm.s32 $0x16800;
	s20 =	sadd.s32 s3, s19;
	[dreg:$0xc] =	wrdreg s8  }
0x16: {  	s5 =	ssub.s32 $0x2, s5;
	s21 =	sadd.s32 $0xA, s11;
	[dreg:$0xe] =	wrdreg s20  }
0x17: {  	s31 =	sshrl.u32 s5, $0x1;
	s25 =	sadd.s32 s3, s9;
	[dreg:$0xf] =	wrdreg s21  }
0x18: {  	s5 =	ssub.s32 s5, s31;
	s26 =	sadd.s32 s3, s10;
	[dreg:$0x11] =	wrdreg s25  }
0x19: {  	s16 =	sadd.s32 $0x4E228, s7;
	s15 =	sadd.s32 $0x9C4A, s11;
	[dreg:$0x12] =	wrdreg s26  }
0x1a: {  	s18 =	sshrl.u32 s16, $0x3;
	s16 =	sadd.s32 $0x1388A, s11;
	[dreg:$0x18] =	wrdreg s15  }
0x1b: {  	s30 =	sadd.s32 $0x4E2C8, s7;
	s17 =	sadd.s32 $0x14, s11;
	[dreg:$0x19] =	wrdreg s16  }
0x1c: {  	s31 =	sadd.s32 $0x9C4C8, s7;
	s19 =	sadd.s32 $0x13894, s11;
	[dreg:$0x1a] =	wrdreg s17  }
0x1d: {  	s9 =	sshrl.u32 s30, $0x3;
	s30 =	sadd.s32 $0x208, s7;
	[dreg:$0x1c] =	wrdreg s19  }
0x1e: {  	s10 =	sshrl.u32 s31, $0x3;
	s31 =	sadd.s32 $0x230, s7;
	[smem:$0x7FC] =	sst s30  }
0x1f: {  	s22 =	sadd.s32 $0x78, s7;
	s8 =	sadd.s32 s3, s18;
	[smem:$0x7FD] =	sst s31  }
0x20: {  	s29 =	sadd.s32 $0xC8, s7;
	s9 =	sadd.s32 s3, s9;
	[dreg:$0xd] =	wrdreg s8  }
0x21: {  	s23 =	simm.s32 $0x15400;
	s13 =	sadd.s32 s3, s10;
	[dreg:$0x14] =	wrdreg s9  }
0x22: {  	s14 =	smax.u32 s5, $0x1;
	s18 =	sadd.s32 $0x9C54, s11;
	[dreg:$0x15] =	wrdreg s13  }
0x23: {  	s20 =	sadd.s32 $0x1E, s11;
	s21 =	sadd.s32 $0x9C5E, s11;
	[dreg:$0x17] =	wrdreg s14  }
0x24: {  	s25 =	sadd.s32 $0x190, s7;
	s26 =	sadd.s32 $0x1B8, s7;
	[dreg:$0x1b] =	wrdreg s18  }
0x25: {  	s5 =	simm.s32 $0x9;
	s15 =	simm.s32 $0x1;
	[dreg:$0x1d] =	wrdreg s20  }
0x26: {  	s16 =	simm.s32 $0x2;
	s17 =	simm.s32 $0x3;
	[dreg:$0x1e] =	wrdreg s21  }
0x27: {  	s19 =	simm.s32 $0x6;
	s10 =	simm.s32 $0x0;
	[smem:$0x7F9] =	sst s25  }
0x28: {  	s8 =	sshrl.u32 s22, $0x3;
	s22 =	sadd.s32 $0x1389E, s11;
	[smem:$0x7FA] =	sst s26  }
0x29: {  	s9 =	simm.s32 $0x11;
	s20 =	simm.s32 $0x14000;
	s21 =	simm.s32 $0xA  }
.Ltmp0:
0x2a: {  	s26 =	simm.s32 $0xB;
	s11 =	simm.s32 $0x4;
	(pc) =	sbr.rel .LBB2_1-.Ltmp0, $4  }
0x2b: {  	s18 =	simm.s32 $0xF;
	s8 =	sadd.s32 s3, s8;
	[dreg:$0x1f] =	wrdreg s22  }
0x2c: {  	[dreg:$0x10] =	wrdreg s8;
	s8 =	sshrl.u32 s29, $0x3;
	s29 =	sadd.s32 $0x1E0, s7  }
0x2d: {  	s25 =	simm.s32 $0x10;
	s8 =	sadd.s32 s3, s8;
	[smem:$0x7FB] =	sst s29  }
0x2e: {  	s22 =	simm.s32 $0xE;
	[dreg:$0x13] =	wrdreg s8;
	s8 =	simm.s32 $0x28  }
.LBB2_58:
0x2f: {  	[bflag:$0x0] =	sbarrier.arrive $0xFFFF  }
0x30: {  	s9 =	sld [smem:$0x7F6]  }
0x31: {  	s12 =	rddreg [dreg:$0x8]  }
0x32: {  	s0 =	rddreg [dreg:$0x16]  }
0x33: {  	[hbm:s0], [sflag:s12] =	dma.local [spmem:s9], $0x2800  }
0x34: {  	s9 =	simm.s32 $0x11  }
0x35: {  	_ =	swait.ge [sflag:s9], $0x2800  }
0x36: {  	s10 =	sld [smem:$0x7F5];
	_ =	sdelay $0x2  }
0x37: {  	s31 =	rddreg [dreg:$0x17];
	s10 =	sadd.s32 $0x1, s10  }
0x38: {  	p0 =	sne.s32 s10, s31  }
.Ltmp1:
0x39: {  	_ = 	snop;
	(pc) =	sbr.rel @!p0 .LBB2_59-.Ltmp1, $3  }
0x3a: {  	_ =	sdelay $0x1  }
0x3b: {  	[sflag:s9] =	ssyncset.done $0x0  }
0x3c: {  	[sflag:s9] =	ssyncadd.s32 $0xFFFFD800  }
.LBB2_1:
0x3d: {  	[smem:$0x7F5] =	sst s10  }
0x3e: {  	s0 =	rddreg [dreg:$0x7]  }
0x3f: {  	s31 =	rddreg [dreg:$0x6];
	s30 =	sshrl.u32 s0, $0x3  }
0x40: {  	[smem:$0x7F6] =	sst s30  }
0x41: {  	[spmem:s30], [sflag:s12] =	dma.local [hbm:s31], $0x2800  }
0x42: {  	_ =	swait.ge [sflag:s9], $0x2800  }
0x43: {  	[sflag:s9] =	ssyncset.done $0x0  }
0x44: {  	[sflag:s9] =	ssyncadd.s32 $0xFFFFD800  }
0x45: {  	[bflag:$0x0] =	sbarrier.arrive $0xFFFF  }
0x46: {  	s14 =	simm.s32 $0x1E000;
	s13 =	rddreg [dreg:$0x9]  }
0x47: {  	[tilespmem:s14], [sflag:$0x9] =	stream.linear.gather [hbm4b:s13+s6], $0x28, $0x38;
	[tilespmem:$0x1EC00] =	vst v63  }
0x48: {  	s9 =	simm.s32 $0x1E400;
	s24 =	rddreg [dreg:$0xa]  }
0x49: {  	[tilespmem:s9], [sflag:$0x9] =	stream.linear.gather [hbm4b:s24+s6], $0x28, $0x38;
	[tilespmem:$0x1EC00] =	vst v63  }
0x4a: {  	s10 =	simm.s32 $0x1E800;
	s29 =	rddreg [dreg:$0xb]  }
0x4b: {  	[tilespmem:s10], [sflag:$0x9] =	stream.linear.gather [hbm4b:s29+s6], $0x28, $0x38;
	[tilespmem:$0x1EC00] =	vst v63  }
0x4c: {  	s31 =	simm.s32 $0x1E080;
	s30 =	rddreg [dreg:$0xc]  }
0x4d: {  	[tilespmem:s31], [sflag:$0xA] =	stream.linear.gather [hbm4b:s30+s6], $0x28, $0x38;
	[tilespmem:$0x1EC00] =	vst v63  }
0x4e: {  	s12 =	simm.s32 $0x1E480;
	s13 =	rddreg [dreg:$0xd]  }
0x4f: {  	[tilespmem:s12], [sflag:$0xA] =	stream.linear.gather [hbm4b:s13+s6], $0x28, $0x38;
	[tilespmem:$0x1EC00] =	vst v63  }
0x50: {  	s14 =	rddreg [dreg:$0xe];
	s13 =	simm.s32 $0x1E880  }
0x51: {  	[tilespmem:s13], [sflag:$0xA] =	stream.linear.gather [hbm4b:s14+s6], $0x28, $0x38;
	[tilespmem:$0x1EC00] =	vst v63  }
0x52: {  	s24 =	rddreg [dreg:$0xf];
	s14 =	simm.s32 $0x1E100  }
0x53: {  	[tilespmem:s14], [sflag:$0xB] =	stream.linear.gather [hbm4b:s24+s6], $0x28, $0x38;
	[tilespmem:$0x1EC00] =	vst v63  }
0x54: {  	s29 =	rddreg [dreg:$0x18];
	s14 =	simm.s32 $0x1E500  }
0x55: {  	[tilespmem:s14], [sflag:$0xB] =	stream.linear.gather [hbm4b:s29+s6], $0x28, $0x38;
	[tilespmem:$0x1EC00] =	vst v63  }
0x56: {  	s30 =	rddreg [dreg:$0x19];
	s24 =	simm.s32 $0x1E900  }
0x57: {  	[tilespmem:s24], [sflag:$0xB] =	stream.linear.gather [hbm4b:s30+s6], $0x28, $0x38;
	[tilespmem:$0x1EC00] =	vst v63  }
0x58: {  	s31 =	rddreg [dreg:$0x10];
	s29 =	simm.s32 $0x1E180  }
0x59: {  	[tilespmem:s29], [sflag:$0xC] =	stream.linear.gather [hbm4b:s31+s6], $0x28, $0x38;
	[tilespmem:$0x1EC00] =	vst v63  }
0x5a: {  	s30 =	rddreg [dreg:$0x11];
	s31 =	simm.s32 $0x1E580  }
0x5b: {  	[tilespmem:s31], [sflag:$0xC] =	stream.linear.gather [hbm4b:s30+s6], $0x28, $0x38;
	[tilespmem:$0x1EC00] =	vst v63  }
0x5c: {  	s30 =	rddreg [dreg:$0x12];
	s31 =	simm.s32 $0x1E980  }
0x5d: {  	[tilespmem:s31], [sflag:$0xC] =	stream.linear.gather [hbm4b:s30+s6], $0x28, $0x38;
	[tilespmem:$0x1EC00] =	vst v63  }
0x5e: {  	s30 =	rddreg [dreg:$0x1a];
	s31 =	simm.s32 $0x1E200  }
0x5f: {  	[tilespmem:s31], [sflag:$0xD] =	stream.linear.gather [hbm4b:s30+s6], $0x28, $0x38;
	[tilespmem:$0x1EC00] =	vst v63  }
0x60: {  	s30 =	rddreg [dreg:$0x1b];
	s31 =	simm.s32 $0x1E600  }
0x61: {  	[tilespmem:s31], [sflag:$0xD] =	stream.linear.gather [hbm4b:s30+s6], $0x28, $0x38;
	[tilespmem:$0x1EC00] =	vst v63  }
0x62: {  	s30 =	rddreg [dreg:$0x1c];
	s31 =	simm.s32 $0x1EA00  }
0x63: {  	[tilespmem:s31], [sflag:$0xD] =	stream.linear.gather [hbm4b:s30+s6], $0x28, $0x38;
	[tilespmem:$0x1EC00] =	vst v63  }
0x64: {  	s30 =	rddreg [dreg:$0x13];
	s31 =	simm.s32 $0x1E280  }
0x65: {  	[tilespmem:s31], [sflag:$0xE] =	stream.linear.gather [hbm4b:s30+s6], $0x28, $0x38;
	[tilespmem:$0x1EC00] =	vst v63  }
0x66: {  	s30 =	rddreg [dreg:$0x14];
	s31 =	simm.s32 $0x1E680  }
0x67: {  	[tilespmem:s31], [sflag:$0xE] =	stream.linear.gather [hbm4b:s30+s6], $0x28, $0x38;
	[tilespmem:$0x1EC00] =	vst v63  }
0x68: {  	s30 =	rddreg [dreg:$0x15];
	s31 =	simm.s32 $0x1EA80  }
0x69: {  	[tilespmem:s31], [sflag:$0xE] =	stream.linear.gather [hbm4b:s30+s6], $0x28, $0x38;
	[tilespmem:$0x1EC00] =	vst v63  }
0x6a: {  	s30 =	rddreg [dreg:$0x1d];
	s31 =	simm.s32 $0x1E300  }
0x6b: {  	[tilespmem:s31], [sflag:$0xF] =	stream.linear.gather [hbm4b:s30+s6], $0x28, $0x38;
	[tilespmem:$0x1EC00] =	vst v63  }
0x6c: {  	s30 =	rddreg [dreg:$0x1e];
	s31 =	simm.s32 $0x1E700  }
0x6d: {  	[tilespmem:s31], [sflag:$0xF] =	stream.linear.gather [hbm4b:s30+s6], $0x28, $0x38;
	[tilespmem:$0x1EC00] =	vst v63  }
0x6e: {  	s30 =	rddreg [dreg:$0x1f];
	s31 =	simm.s32 $0x1EB00  }
0x6f: {  	[tilespmem:s31], [sflag:$0xF] =	stream.linear.gather [hbm4b:s30+s6], $0x28, $0x38;
	[tilespmem:$0x1EC00] =	vst v63  }
0x70: {  	_ =	swait.ge [sflag:s5], $0x28  }
0x71: {  	[sflag:s5] =	ssyncset.done $0x0  }
0x72: {  	[sflag:s5] =	ssyncadd.s32 $0xFFFFFFD8  }
0x73: {  	_ =	swait.ge [sflag:s5], $0x28  }
0x74: {  	[sflag:s5] =	ssyncset.done $0x0  }
0x75: {  	[sflag:s5] =	ssyncadd.s32 $0xFFFFFFD8  }
0x76: {  	_ =	swait.ge [sflag:s5], $0x28  }
0x77: {  	[sflag:s5] =	ssyncset.done $0x0  }
0x78: {  	[sflag:s5] =	ssyncadd.s32 $0xFFFFFFD8  }
0x79: {  	[tilespmem:s20], [sflag:$0x1] =	stream.indirect.gather [hbm4b:s1+s8], $0x80, s10, s8, $0xb8;
	[tilespmem:$0x1EC00] =	vst v63  }
0x7a: {  	s29 =	simm.s32 $0x19000  }
0x7b: {  	[tilespmem:s29], [sflag:$0x1] =	stream.indirect.gather [hbm4b:s2+s8], $0x80, s9, s8, $0xb8;
	[tilespmem:$0x1EC00] =	vst v63  }
0x7c: {  	_ =	swait.ge [sflag:s21], $0x28  }
0x7d: {  	[sflag:s21] =	ssyncset.done $0x0  }
0x7e: {  	[sflag:s21] =	ssyncadd.s32 $0xFFFFFFD8  }
0x7f: {  	_ =	swait.ge [sflag:s21], $0x28  }
0x80: {  	[sflag:s21] =	ssyncset.done $0x0  }
0x81: {  	[sflag:s21] =	ssyncadd.s32 $0xFFFFFFD8  }
0x82: {  	_ =	swait.ge [sflag:s21], $0x28  }
0x83: {  	[sflag:s21] =	ssyncset.done $0x0  }
0x84: {  	[sflag:s21] =	ssyncadd.s32 $0xFFFFFFD8  }
0x85: {  	[tilespmem:s23], [sflag:$0x2] =	stream.indirect.gather [hbm4b:s1+s8], $0x80, s13, s8, $0xb8;
	[tilespmem:$0x1EC00] =	vst v63  }
0x86: {  	s30 =	simm.s32 $0x1A400  }
0x87: {  	[tilespmem:s30], [sflag:$0x2] =	stream.indirect.gather [hbm4b:s2+s8], $0x80, s12, s8, $0xb8;
	[tilespmem:$0x1EC00] =	vst v63  }
0x88: {  	_ =	swait.ge [sflag:s26], $0x28  }
0x89: {  	[sflag:s26] =	ssyncset.done $0x0  }
0x8a: {  	[sflag:s26] =	ssyncadd.s32 $0xFFFFFFD8  }
0x8b: {  	_ =	swait.ge [sflag:s26], $0x28  }
0x8c: {  	[sflag:s26] =	ssyncset.done $0x0  }
0x8d: {  	[sflag:s26] =	ssyncadd.s32 $0xFFFFFFD8  }
0x8e: {  	_ =	swait.ge [sflag:s26], $0x28  }
.Ltmp2:
0x8f: {  	[sflag:s26] =	ssyncset.done $0x0;
	(pc) =	sbr.rel .LBB2_2-.Ltmp2, $4  }
0x90: {  	[sflag:s26] =	ssyncadd.s32 $0xFFFFFFD8  }
0x91: {  	[tilespmem:s28], [sflag:$0x3] =	stream.indirect.gather [hbm4b:s1+s8], $0x80, s24, s8, $0xb8;
	[tilespmem:$0x1EC00] =	vst v63  }
0x92: {  	s31 =	simm.s32 $0x1B800;
	s24 =	simm.s32 $0x0  }
0x93: {  	[tilespmem:s31], [sflag:$0x3] =	stream.indirect.gather [hbm4b:s2+s8], $0x80, s14, s8, $0xb8;
	[tilespmem:$0x1EC00] =	vst v63  }
.LBB2_56:
0x94: {  	s0 =	sld [smem:$0x7FD];
	_ =	sdelay $0x2  }
0x95: {  	s0 =	sadd.s32 s29, s0  }
0x96: {  	s0 =	sshrl.u32 s0, $0x3  }
0x97: {  	s9 =	simm.s32 $0x1E300;
	s0 =	sadd.s32 s3, s0  }
0x98: {  	[tilespmem:s9], [sflag:$0xF] =	stream.linear.gather [hbm4b:s0+s6], $0x28, $0x38;
	[tilespmem:$0x1EC00] =	vst v63  }
0x99: {  	s10 =	simm.s32 $0x1E700;
	s13 =	sadd.s32 $0x9C40, s0  }
0x9a: {  	[tilespmem:s10], [sflag:$0xF] =	stream.linear.gather [hbm4b:s13+s6], $0x28, $0x38;
	[tilespmem:$0x1EC00] =	vst v63  }
0x9b: {  	s14 =	simm.s32 $0x1EB00;
	s0 =	sadd.s32 $0x13880, s0  }
0x9c: {  	[tilespmem:s14], [sflag:$0xF] =	stream.linear.gather [hbm4b:s0+s6], $0x28, $0x38;
	[tilespmem:$0x1EC00] =	vst v63  }
0x9d: {  	_ =	swait.ge [sflag:s26], $0x28  }
0x9e: {  	[sflag:s26] =	ssyncset.done $0x0  }
0x9f: {  	[sflag:s26] =	ssyncadd.s32 $0xFFFFFFD8  }
0xa0: {  	_ =	swait.ge [sflag:s26], $0x28  }
0xa1: {  	[sflag:s26] =	ssyncset.done $0x0  }
0xa2: {  	[sflag:s26] =	ssyncadd.s32 $0xFFFFFFD8  }
0xa3: {  	_ =	swait.ge [sflag:s26], $0x28  }
0xa4: {  	[sflag:s26] =	ssyncset.done $0x0  }
0xa5: {  	s29 =	simm.s32 $0x1E900;
	[sflag:s26] =	ssyncadd.s32 $0xFFFFFFD8  }
0xa6: {  	[tilespmem:s28], [sflag:$0x3] =	stream.indirect.gather [hbm4b:s1+s8], $0x80, s29, s8, $0xb8;
	[tilespmem:$0x1EC00] =	vst v63  }
0xa7: {  	s30 =	simm.s32 $0x1E500;
	s31 =	simm.s32 $0x1B800  }
0xa8: {  	[tilespmem:s31], [sflag:$0x3] =	stream.indirect.gather [hbm4b:s2+s8], $0x80, s30, s8, $0xb8;
	[tilespmem:$0x1EC00] =	vst v63  }
.LBB2_57:
0xa9: {  	s24 =	sadd.s32 $0x1, s24  }
0xaa: {  	p0 =	sne.s32 s24, $0x21  }
.Ltmp3:
0xab: {  	_ = 	snop;
	(pc) =	sbr.rel @!p0 .LBB2_58-.Ltmp3, $1  }
0xac: {  	_ =	sdelay $0x3  }
.LBB2_2:
0xad: {  	p0 =	seq.s32 s24, $0x20  }
.Ltmp4:
0xae: {  	_ = 	snop;
	(pc) =	sbr.rel @p0 .LBB2_58-.Ltmp4, $1  }
0xaf: {  	_ =	sdelay $0x3  }
0xb0: {  	_ =	swait.ge [sflag:s15], $0x1400  }
0xb1: {  	[sflag:s15] =	ssyncset.done $0x0  }
0xb2: {  	[sflag:s15] =	ssyncadd.s32 $0xFFFFEC00  }
0xb3: {  	_ =	swait.ge [sflag:s15], $0x1400  }
0xb4: {  	[sflag:s15] =	ssyncset.done $0x0  }
0xb5: {  	s0 =	simm.s32 $0x14080;
	[sflag:s15] =	ssyncadd.s32 $0xFFFFEC00  }
0xb6: {  	s12 =	simm.s32 $0x19080;
	v5 =	vld [tilespmem:s0+$0x70]  }
0xb7: {  	v6 =	vld [tilespmem:s12+$0x70]  }
0xb8: {  	v8 =	vld [tilespmem:s12+$0x0]  }
0xb9: {  	v10 =	vld [tilespmem:s12+$0x10]  }
0xba: {  	v12 =	vld [tilespmem:s12+$0x20]  }
0xbb: {  	v3 =	vld [tilespmem:s12+$0x30]  }
0xbc: {  	v2 =	vld [tilespmem:s12+$0x40]  }
0xbd: {  	v1 =	vld [tilespmem:s12+$0x50]  }
0xbe: {  	v0 =	vld [tilespmem:s12+$0x60]  }
0xbf: {  	v7 =	vld [tilespmem:s0+$0xFFFFFF90]  }
0xc0: {  	v9 =	vld [tilespmem:s0+$0xFFFFFFA0]  }
0xc1: {  	v11 =	vld [tilespmem:s0+$0xFFFFFFB0]  }
0xc2: {  	v13 =	vld [tilespmem:s0+$0xFFFFFFC0]  }
0xc3: {  	v14 =	vld [tilespmem:s0+$0xFFFFFFD0]  }
0xc4: {  	v15 =	vld [tilespmem:s0+$0xFFFFFFE0]  }
0xc5: {  	v16 =	vld [tilespmem:s0+$0xFFFFFFF0]  }
0xc6: {  	v4 =	vld [tilespmem:s12+$0xFFFFFF80]  }
0xc7: {  	v17 =	vld [tilespmem:s12+$0xFFFFFF90]  }
0xc8: {  	v18 =	vld [tilespmem:s12+$0xFFFFFFA0]  }
0xc9: {  	v19 =	vld [tilespmem:s12+$0xFFFFFFB0]  }
0xca: {  	v59 =	vld [tilespmem:s0+$0x0]  }
0xcb: {  	v20 =	vld [tilespmem:s12+$0xFFFFFFC0];
	v5 =	vmul.f32 v6, v5  }
0xcc: {  	v58 =	vld [tilespmem:s12+$0xFFFFFFE0];
	v7 =	vmul.f32 v17, v7  }
0xcd: {  	v6 =	vld [tilespmem:s12+$0xFFFFFFD0];
	v9 =	vmul.f32 v18, v9;
	[tilespmem:s0+$0x70] =	vst v5  }
0xce: {  	v11 =	vmul.f32 v19, v11;
	v5 =	vld [tilespmem:s12+$0xFFFFFFF0];
	[tilespmem:s0+$0xFFFFFF90] =	vst v7  }
0xcf: {  	v60 =	vld [tilespmem:s0+$0x10];
	v63 =	vmul.f32 v8, v59;
	[tilespmem:s0+$0xFFFFFFA0] =	vst v9  }
0xd0: {  	v61 =	vld [tilespmem:s0+$0x20];
	v7 =	vmul.f32 v20, v13;
	[tilespmem:s0+$0xFFFFFFB0] =	vst v11  }
0xd1: {  	v11 =	vmul.f32 v58, v15;
	v9 =	vld [tilespmem:s0+$0x30];
	[tilespmem:s0+$0x0] =	vst v63  }
0xd2: {  	[tilespmem:s0+$0xFFFFFFC0] =	vst v7;
	v7 =	vld [tilespmem:s0+$0x40];
	v6 =	vmul.f32 v6, v14  }
0xd3: {  	[tilespmem:s0+$0xFFFFFFE0] =	vst v11;
	v62 =	vmul.f32 v5, v16;
	v5 =	vld [tilespmem:s0+$0x50]  }
0xd4: {  	v11 =	vmul.f32 v10, v60;
	[tilespmem:s0+$0xFFFFFFD0] =	vst v6;
	v6 =	vld [tilespmem:s0+$0x60]  }
0xd5: {  	s29 =	sshll.u32 s24, $0x3;
	s10 =	simm.s32 $0x0;
	s9 =	simm.s32 $0x14180;
	v8 =	vld [tilespmem:s0+$0xFFFFFF80];
	v10 =	vmul.f32 v12, v61;
	[tilespmem:s0+$0xFFFFFFF0] =	vst v62  }
.LBB2_4:
0xd6: {  	v12 =	vld [tilespmem:s9+$0x70];
	v3 =	vmul.f32 v3, v9;
	[tilespmem:s0+$0x10] =	vst v11;
	s12 =	sadd.s32 $0x100, s12  }
0xd7: {  	s10 =	sadd.s32 $0x2, s10;
	v9 =	vld [tilespmem:s12+$0x70];
	v2 =	vmul.f32 v2, v7;
	[tilespmem:s0+$0x20] =	vst v10  }
0xd8: {  	p0 =	slt.u32 s10, $0x26;
	v10 =	vld [tilespmem:s12+$0x0];
	v1 =	vmul.f32 v1, v5;
	[tilespmem:s0+$0x30] =	vst v3  }
0xd9: {  	v11 =	vld [tilespmem:s12+$0x10];
	v0 =	vmul.f32 v0, v6;
	[tilespmem:s0+$0x40] =	vst v2  }
0xda: {  	v13 =	vld [tilespmem:s12+$0x20];
	v4 =	vmul.f32 v4, v8;
	[tilespmem:s0+$0x50] =	vst v1  }
0xdb: {  	v3 =	vld [tilespmem:s12+$0x30];
	[tilespmem:s0+$0x60] =	vst v0  }
0xdc: {  	v2 =	vld [tilespmem:s12+$0x40];
	v5 =	vmul.f32 v9, v12;
	[tilespmem:s0+$0xFFFFFF80] =	vst v4;
	s0 =	smov.u32 s9  }
0xdd: {  	v1 =	vld [tilespmem:s12+$0x50]  }
0xde: {  	v0 =	vld [tilespmem:s12+$0x60];
	[tilespmem:s9+$0x70] =	vst v5  }
0xdf: {  	v5 =	vld [tilespmem:s9+$0xFFFFFF90]  }
0xe0: {  	v6 =	vld [tilespmem:s9+$0xFFFFFFA0]  }
0xe1: {  	v7 =	vld [tilespmem:s9+$0xFFFFFFB0]  }
0xe2: {  	v8 =	vld [tilespmem:s9+$0xFFFFFFC0]  }
0xe3: {  	v9 =	vld [tilespmem:s9+$0xFFFFFFD0]  }
0xe4: {  	v12 =	vld [tilespmem:s9+$0xFFFFFFE0]  }
0xe5: {  	v14 =	vld [tilespmem:s9+$0xFFFFFFF0]  }
0xe6: {  	v4 =	vld [tilespmem:s12+$0xFFFFFF80]  }
0xe7: {  	v15 =	vld [tilespmem:s12+$0xFFFFFF90]  }
0xe8: {  	v16 =	vld [tilespmem:s12+$0xFFFFFFA0]  }
0xe9: {  	v17 =	vld [tilespmem:s12+$0xFFFFFFB0]  }
0xea: {  	v18 =	vld [tilespmem:s12+$0xFFFFFFC0]  }
0xeb: {  	v19 =	vld [tilespmem:s12+$0xFFFFFFD0]  }
0xec: {  	v20 =	vld [tilespmem:s12+$0xFFFFFFE0];
	v5 =	vmul.f32 v15, v5  }
0xed: {  	v15 =	vld [tilespmem:s12+$0xFFFFFFF0];
	v6 =	vmul.f32 v16, v6  }
0xee: {  	v7 =	vmul.f32 v17, v7;
	[tilespmem:s9+$0xFFFFFF90] =	vst v5;
	v16 =	vld [tilespmem:s9+$0x0]  }
0xef: {  	v5 =	vmul.f32 v18, v8;
	[tilespmem:s9+$0xFFFFFFA0] =	vst v6;
	v8 =	vld [tilespmem:s9+$0x10]  }
0xf0: {  	v6 =	vmul.f32 v19, v9;
	[tilespmem:s9+$0xFFFFFFB0] =	vst v7;
	v17 =	vld [tilespmem:s9+$0x20]  }
.Ltmp5:
0xf1: {  	v12 =	vmul.f32 v20, v12;
	[tilespmem:s9+$0xFFFFFFC0] =	vst v5;
	v9 =	vld [tilespmem:s9+$0x30];
	(pc) =	sbr.rel @p0 .LBB2_4-.Ltmp5, $4  }
0xf2: {  	v14 =	vmul.f32 v15, v14;
	[tilespmem:s9+$0xFFFFFFD0] =	vst v6;
	v7 =	vld [tilespmem:s9+$0x40]  }
0xf3: {  	[tilespmem:s9+$0xFFFFFFE0] =	vst v12;
	v5 =	vld [tilespmem:s9+$0x50];
	v12 =	vmul.f32 v10, v16  }
0xf4: {  	[tilespmem:s9+$0xFFFFFFF0] =	vst v14;
	v6 =	vld [tilespmem:s9+$0x60];
	v11 =	vmul.f32 v11, v8  }
0xf5: {  	s9 =	sadd.s32 $0x100, s9;
	v8 =	vld [tilespmem:s0+$0xFFFFFF80];
	v10 =	vmul.f32 v13, v17;
	[tilespmem:s0+$0x0] =	vst v12  }
0xf6: {  	v3 =	vmul.f32 v3, v9;
	[tilespmem:s0+$0x10] =	vst v11  }
0xf7: {  	v2 =	vmul.f32 v2, v7;
	[tilespmem:s0+$0x20] =	vst v10  }
0xf8: {  	v1 =	vmul.f32 v1, v5;
	[tilespmem:s0+$0x30] =	vst v3  }
0xf9: {  	v0 =	vmul.f32 v0, v6;
	[tilespmem:s0+$0x40] =	vst v2  }
0xfa: {  	v2 =	vmul.f32 v4, v8;
	[tilespmem:s0+$0x50] =	vst v1  }
0xfb: {  	[tilespmem:s0+$0x60] =	vst v0  }
0xfc: {  	s14 =	simm.s32 $0x1E000;
	[tilespmem:s0+$0xFFFFFF80] =	vst v2  }
0xfd: {  	[spmem:s4] =	stream.indirect.scatter.add.f32 [tilespmem:s20], [sflag:$0x5], $0x80, s14, s8, $0xb8;
	[tilespmem:$0x1EC00] =	vst v63  }
0xfe: {  	s31 =	sadd.s32 $0xFFFFFFFE, s29;
	s14 =	sor.u32 $0x7, s29  }
0xff: {  	p0 =	sgt.u32 s31, $0xF9;
	p1 =	sgt.u32 s14, $0xF9  }
0x100: {  	s0 =	simm.s32 @!p0 $0x8;
	s9 =	smul.u32 @!p1 $0x28, s14  }
0x101: {  	_ =	swait.ge @!p0 [sflag:s0], $0x1400  }
0x102: {  	[sflag:s0] =	ssyncset.done @!p0 $0x0;
	s9 =	sadd.s32 @!p1 s7, s9  }
0x103: {  	[sflag:s0] =	ssyncadd.s32 @!p0 $0xFFFFEC00;
	s0 =	sshrl.u32 @!p1 s9, $0x3  }
0x104: {  	s10 =	simm.s32 @!p1 $0x1E380;
	s9 =	simm.s32 @!p1 $0x0;
	s0 =	sadd.s32 @!p1 s3, s0  }
0x105: {  	[tilespmem:s10], [sflag:$0x10] =	stream.linear.gather @!p1 [hbm4b:s0+s9], $0x28, $0x38;
	[tilespmem:$0x1EC00] =	vst v63  }
0x106: {  	s12 =	simm.s32 @!p1 $0x1E780;
	s10 =	sadd.s32 @!p1 $0x9C40, s0  }
0x107: {  	[tilespmem:s12], [sflag:$0x10] =	stream.linear.gather @!p1 [hbm4b:s10+s9], $0x28, $0x38;
	[tilespmem:$0x1EC00] =	vst v63  }
0x108: {  	s0 =	sadd.s32 @!p1 $0x13880, s0;
	s10 =	simm.s32 @!p1 $0x1EB80  }
0x109: {  	[tilespmem:s10], [sflag:$0x10] =	stream.linear.gather @!p1 [hbm4b:s0+s9], $0x28, $0x38;
	[tilespmem:$0x1EC00] =	vst v63  }
0x10a: {  	s0 =	sor.u32 $0x3, s29  }
0x10b: {  	p4 =	sgt.u32 s0, $0xF9  }
0x10c: {  	s9 =	simm.s32 @!p4 $0xC  }
0x10d: {  	_ =	swait.ge @!p4 [sflag:s9], $0x28  }
0x10e: {  	[sflag:s9] =	ssyncset.done @!p4 $0x0  }
0x10f: {  	[sflag:s9] =	ssyncadd.s32 @!p4 $0xFFFFFFD8  }
0x110: {  	_ =	swait.ge @!p4 [sflag:s9], $0x28  }
0x111: {  	[sflag:s9] =	ssyncset.done @!p4 $0x0  }
0x112: {  	[sflag:s9] =	ssyncadd.s32 @!p4 $0xFFFFFFD8  }
0x113: {  	_ =	swait.ge @!p4 [sflag:s9], $0x28  }
0x114: {  	s10 =	simm.s32 @!p4 $0x1E980;
	[sflag:s9] =	ssyncset.done @!p4 $0x0  }
0x115: {  	s12 =	simm.s32 @!p4 $0x17C00;
	[sflag:s9] =	ssyncadd.s32 @!p4 $0xFFFFFFD8;
	s9 =	simm.s32 @!p4 $0x28  }
0x116: {  	[tilespmem:s12], [sflag:$0x4] =	stream.indirect.gather @!p4 [hbm4b:s1+s9], $0x80, s10, s9, $0xb8;
	[tilespmem:$0x1EC00] =	vst v63  }
0x117: {  	s10 =	simm.s32 @!p4 $0x1E580;
	s12 =	simm.s32 @!p4 $0x1CC00  }
0x118: {  	[tilespmem:s12], [sflag:$0x4] =	stream.indirect.gather @!p4 [hbm4b:s2+s9], $0x80, s10, s9, $0xb8;
	[tilespmem:$0x1EC00] =	vst v63  }
0x119: {  	_ =	swait.ge [sflag:s16], $0x1400  }
0x11a: {  	[sflag:s16] =	ssyncset.done $0x0  }
0x11b: {  	[sflag:s16] =	ssyncadd.s32 $0xFFFFEC00  }
0x11c: {  	_ =	swait.ge [sflag:s16], $0x1400  }
0x11d: {  	[sflag:s16] =	ssyncset.done $0x0  }
0x11e: {  	s12 =	simm.s32 $0x15480;
	[sflag:s16] =	ssyncadd.s32 $0xFFFFEC00  }
0x11f: {  	s30 =	simm.s32 $0x1A480;
	v5 =	vld [tilespmem:s12+$0x70]  }
0x120: {  	v6 =	vld [tilespmem:s30+$0x70]  }
0x121: {  	v7 =	vld [tilespmem:s30+$0x0]  }
0x122: {  	v10 =	vld [tilespmem:s30+$0x10]  }
0x123: {  	v12 =	vld [tilespmem:s30+$0x20]  }
0x124: {  	v3 =	vld [tilespmem:s30+$0x30]  }
0x125: {  	v2 =	vld [tilespmem:s30+$0x40]  }
0x126: {  	v1 =	vld [tilespmem:s30+$0x50]  }
0x127: {  	v0 =	vld [tilespmem:s30+$0x60]  }
0x128: {  	v8 =	vld [tilespmem:s12+$0xFFFFFF90]  }
0x129: {  	v9 =	vld [tilespmem:s12+$0xFFFFFFA0]  }
0x12a: {  	v11 =	vld [tilespmem:s12+$0xFFFFFFB0]  }
0x12b: {  	v13 =	vld [tilespmem:s12+$0xFFFFFFC0]  }
0x12c: {  	v14 =	vld [tilespmem:s12+$0xFFFFFFD0]  }
0x12d: {  	v15 =	vld [tilespmem:s12+$0xFFFFFFE0]  }
0x12e: {  	v16 =	vld [tilespmem:s12+$0xFFFFFFF0]  }
0x12f: {  	v4 =	vld [tilespmem:s30+$0xFFFFFF80]  }
0x130: {  	v17 =	vld [tilespmem:s30+$0xFFFFFF90]  }
0x131: {  	v18 =	vld [tilespmem:s30+$0xFFFFFFA0]  }
0x132: {  	v19 =	vld [tilespmem:s30+$0xFFFFFFB0]  }
0x133: {  	v59 =	vld [tilespmem:s12+$0x0]  }
0x134: {  	v20 =	vld [tilespmem:s30+$0xFFFFFFC0];
	v5 =	vmul.f32 v6, v5  }
0x135: {  	v58 =	vld [tilespmem:s30+$0xFFFFFFE0];
	v8 =	vmul.f32 v17, v8  }
0x136: {  	v6 =	vld [tilespmem:s30+$0xFFFFFFD0];
	v9 =	vmul.f32 v18, v9;
	[tilespmem:s12+$0x70] =	vst v5  }
0x137: {  	v11 =	vmul.f32 v19, v11;
	v5 =	vld [tilespmem:s30+$0xFFFFFFF0];
	[tilespmem:s12+$0xFFFFFF90] =	vst v8  }
0x138: {  	v60 =	vld [tilespmem:s12+$0x10];
	v63 =	vmul.f32 v7, v59;
	[tilespmem:s12+$0xFFFFFFA0] =	vst v9  }
0x139: {  	v61 =	vld [tilespmem:s12+$0x20];
	v8 =	vmul.f32 v20, v13;
	[tilespmem:s12+$0xFFFFFFB0] =	vst v11  }
0x13a: {  	v11 =	vmul.f32 v58, v15;
	v9 =	vld [tilespmem:s12+$0x30];
	[tilespmem:s12+$0x0] =	vst v63  }
0x13b: {  	[tilespmem:s12+$0xFFFFFFC0] =	vst v8;
	v8 =	vld [tilespmem:s12+$0x40];
	v6 =	vmul.f32 v6, v14  }
0x13c: {  	[tilespmem:s12+$0xFFFFFFE0] =	vst v11;
	v62 =	vmul.f32 v5, v16;
	v5 =	vld [tilespmem:s12+$0x50]  }
0x13d: {  	v11 =	vmul.f32 v10, v60;
	[tilespmem:s12+$0xFFFFFFD0] =	vst v6;
	v6 =	vld [tilespmem:s12+$0x60]  }
0x13e: {  	s10 =	simm.s32 $0x0;
	s9 =	simm.s32 $0x15580;
	v7 =	vld [tilespmem:s12+$0xFFFFFF80];
	v10 =	vmul.f32 v12, v61;
	[tilespmem:s12+$0xFFFFFFF0] =	vst v62  }
.LBB2_6:
0x13f: {  	v12 =	vld [tilespmem:s9+$0x70];
	v3 =	vmul.f32 v3, v9;
	[tilespmem:s12+$0x10] =	vst v11;
	s30 =	sadd.s32 $0x100, s30  }
0x140: {  	s10 =	sadd.s32 $0x2, s10;
	v9 =	vld [tilespmem:s30+$0x70];
	v2 =	vmul.f32 v2, v8;
	[tilespmem:s12+$0x20] =	vst v10  }
0x141: {  	p0 =	slt.u32 s10, $0x26;
	v10 =	vld [tilespmem:s30+$0x0];
	v1 =	vmul.f32 v1, v5;
	[tilespmem:s12+$0x30] =	vst v3  }
0x142: {  	v11 =	vld [tilespmem:s30+$0x10];
	v0 =	vmul.f32 v0, v6;
	[tilespmem:s12+$0x40] =	vst v2  }
0x143: {  	v13 =	vld [tilespmem:s30+$0x20];
	v4 =	vmul.f32 v4, v7;
	[tilespmem:s12+$0x50] =	vst v1  }
0x144: {  	v3 =	vld [tilespmem:s30+$0x30];
	[tilespmem:s12+$0x60] =	vst v0  }
0x145: {  	v2 =	vld [tilespmem:s30+$0x40];
	v5 =	vmul.f32 v9, v12;
	[tilespmem:s12+$0xFFFFFF80] =	vst v4;
	s12 =	smov.u32 s9  }
0x146: {  	v1 =	vld [tilespmem:s30+$0x50]  }
0x147: {  	v0 =	vld [tilespmem:s30+$0x60];
	[tilespmem:s9+$0x70] =	vst v5  }
0x148: {  	v5 =	vld [tilespmem:s9+$0xFFFFFF90]  }
0x149: {  	v6 =	vld [tilespmem:s9+$0xFFFFFFA0]  }
0x14a: {  	v7 =	vld [tilespmem:s9+$0xFFFFFFB0]  }
0x14b: {  	v8 =	vld [tilespmem:s9+$0xFFFFFFC0]  }
0x14c: {  	v9 =	vld [tilespmem:s9+$0xFFFFFFD0]  }
0x14d: {  	v12 =	vld [tilespmem:s9+$0xFFFFFFE0]  }
0x14e: {  	v14 =	vld [tilespmem:s9+$0xFFFFFFF0]  }
0x14f: {  	v4 =	vld [tilespmem:s30+$0xFFFFFF80]  }
0x150: {  	v15 =	vld [tilespmem:s30+$0xFFFFFF90]  }
0x151: {  	v16 =	vld [tilespmem:s30+$0xFFFFFFA0]  }
0x152: {  	v17 =	vld [tilespmem:s30+$0xFFFFFFB0]  }
0x153: {  	v18 =	vld [tilespmem:s30+$0xFFFFFFC0]  }
0x154: {  	v19 =	vld [tilespmem:s30+$0xFFFFFFD0]  }
0x155: {  	v20 =	vld [tilespmem:s30+$0xFFFFFFE0];
	v5 =	vmul.f32 v15, v5  }
0x156: {  	v15 =	vld [tilespmem:s30+$0xFFFFFFF0];
	v6 =	vmul.f32 v16, v6  }
0x157: {  	v7 =	vmul.f32 v17, v7;
	[tilespmem:s9+$0xFFFFFF90] =	vst v5;
	v16 =	vld [tilespmem:s9+$0x0]  }
0x158: {  	v5 =	vmul.f32 v18, v8;
	[tilespmem:s9+$0xFFFFFFA0] =	vst v6;
	v17 =	vld [tilespmem:s9+$0x10]  }
0x159: {  	v6 =	vmul.f32 v19, v9;
	[tilespmem:s9+$0xFFFFFFB0] =	vst v7;
	v18 =	vld [tilespmem:s9+$0x20]  }
.Ltmp6:
0x15a: {  	v7 =	vmul.f32 v20, v12;
	[tilespmem:s9+$0xFFFFFFC0] =	vst v5;
	v9 =	vld [tilespmem:s9+$0x30];
	(pc) =	sbr.rel @p0 .LBB2_6-.Ltmp6, $4  }
0x15b: {  	v12 =	vmul.f32 v15, v14;
	[tilespmem:s9+$0xFFFFFFD0] =	vst v6;
	v8 =	vld [tilespmem:s9+$0x40]  }
0x15c: {  	[tilespmem:s9+$0xFFFFFFE0] =	vst v7;
	v5 =	vld [tilespmem:s9+$0x50];
	v14 =	vmul.f32 v10, v16  }
0x15d: {  	[tilespmem:s9+$0xFFFFFFF0] =	vst v12;
	v6 =	vld [tilespmem:s9+$0x60];
	v11 =	vmul.f32 v11, v17  }
0x15e: {  	s9 =	sadd.s32 $0x100, s9;
	v7 =	vld [tilespmem:s12+$0xFFFFFF80];
	v10 =	vmul.f32 v13, v18;
	[tilespmem:s12+$0x0] =	vst v14  }
0x15f: {  	v3 =	vmul.f32 v3, v9;
	[tilespmem:s12+$0x10] =	vst v11  }
0x160: {  	v2 =	vmul.f32 v2, v8;
	[tilespmem:s12+$0x20] =	vst v10  }
0x161: {  	v1 =	vmul.f32 v1, v5;
	[tilespmem:s12+$0x30] =	vst v3  }
0x162: {  	v0 =	vmul.f32 v0, v6;
	[tilespmem:s12+$0x40] =	vst v2  }
0x163: {  	v63 =	vmul.f32 v4, v7;
	[tilespmem:s12+$0x50] =	vst v1  }
0x164: {  	p5 =	sgt.u32 s24, $0x1F;
	[tilespmem:s12+$0x60] =	vst v0  }
0x165: {  	s9 =	simm.s32 $0x1E080;
	p0 =	seq.s32 @!p5 s24, $0x1F;
	[tilespmem:s12+$0xFFFFFF80] =	vst v63  }
0x166: {  	[spmem:s4] =	stream.indirect.scatter.add.f32 [tilespmem:s23], [sflag:$0x6], $0x80, s9, s8, $0xb8;
	[tilespmem:$0x1EC00] =	vst v63  }
0x167: {  	s9 =	simm.s32 @!p0 $0x0  }
0x168: {  	s9 =	simm.s32 @p0 $0x1  }
0x169: {  	[smem:$0x7F4] =	sst s9;
	s9 =	simm.s32 @!p5 $0x5  }
0x16a: {  	_ =	swait.ge @!p5 [sflag:s9], $0x1400  }
0x16b: {  	p0 =	por p0, p5;
	s12 =	sld [smem:$0x7F7]  }
0x16c: {  	s10 =	smul.u32 @!p0 $0x140, s24;
	_ =	sdelay $0x1  }
0x16d: {  	[sflag:s9] =	ssyncset.done @!p5 $0x0;
	s10 =	sadd.s32 @!p0 s10, s12  }
0x16e: {  	[sflag:s9] =	ssyncadd.s32 @!p5 $0xFFFFEC00;
	s9 =	sshrl.u32 @!p0 s10, $0x3  }
0x16f: {  	s12 =	simm.s32 @!p0 $0x1E000;
	s10 =	simm.s32 @!p0 $0x0;
	s9 =	sadd.s32 @!p0 s3, s9  }
0x170: {  	[tilespmem:s12], [sflag:$0x9] =	stream.linear.gather @!p0 [hbm4b:s9+s10], $0x28, $0x38;
	[tilespmem:$0x1EC00] =	vst v63  }
0x171: {  	s13 =	simm.s32 @!p0 $0x1E400;
	s12 =	sadd.s32 @!p0 $0x9C40, s9  }
0x172: {  	[tilespmem:s13], [sflag:$0x9] =	stream.linear.gather @!p0 [hbm4b:s12+s10], $0x28, $0x38;
	[tilespmem:$0x1EC00] =	vst v63  }
0x173: {  	s9 =	sadd.s32 @!p0 $0x13880, s9;
	s12 =	simm.s32 @!p0 $0x1E800  }
0x174: {  	[tilespmem:s12], [sflag:$0x9] =	stream.linear.gather @!p0 [hbm4b:s9+s10], $0x28, $0x38;
	[tilespmem:$0x1EC00] =	vst v63  }
0x175: {  	s12 =	sor.u32 $0x4, s29  }
0x176: {  	p3 =	sgt.u32 s12, $0xF9  }
0x177: {  	s9 =	simm.s32 @!p3 $0xD  }
0x178: {  	_ =	swait.ge @!p3 [sflag:s9], $0x28  }
0x179: {  	[sflag:s9] =	ssyncset.done @!p3 $0x0  }
0x17a: {  	[sflag:s9] =	ssyncadd.s32 @!p3 $0xFFFFFFD8  }
0x17b: {  	_ =	swait.ge @!p3 [sflag:s9], $0x28  }
0x17c: {  	[sflag:s9] =	ssyncset.done @!p3 $0x0  }
0x17d: {  	[sflag:s9] =	ssyncadd.s32 @!p3 $0xFFFFFFD8  }
0x17e: {  	p2 =	sgt.u32 s24, $0x1E;
	_ =	swait.ge @!p3 [sflag:s9], $0x28  }
.Ltmp7:
0x17f: {  	s10 =	simm.s32 @!p3 $0x1EA00;
	[sflag:s9] =	ssyncset.done @!p3 $0x0;
	(pc) =	sbr.rel @p2 .LBB2_11-.Ltmp7, $4  }
0x180: {  	s13 =	simm.s32 @!p3 $0x14000;
	[sflag:s9] =	ssyncadd.s32 @!p3 $0xFFFFFFD8;
	s9 =	simm.s32 @!p3 $0x28  }
0x181: {  	[tilespmem:s13], [sflag:$0x1] =	stream.indirect.gather @!p3 [hbm4b:s1+s9], $0x80, s10, s9, $0xb8;
	[tilespmem:$0x1EC00] =	vst v63  }
0x182: {  	s10 =	simm.s32 @!p3 $0x1E600;
	s13 =	simm.s32 @!p3 $0x19000  }
0x183: {  	[tilespmem:s13], [sflag:$0x1] =	stream.indirect.gather @!p3 [hbm4b:s2+s9], $0x80, s10, s9, $0xb8;
	[tilespmem:$0x1EC00] =	vst v63  }
0x184: {  	_ =	swait.ge [sflag:s17], $0x1400  }
0x185: {  	[sflag:s17] =	ssyncset.done $0x0  }
0x186: {  	[sflag:s17] =	ssyncadd.s32 $0xFFFFEC00  }
0x187: {  	_ =	swait.ge [sflag:s17], $0x1400  }
0x188: {  	[sflag:s17] =	ssyncset.done $0x0  }
0x189: {  	s30 =	simm.s32 $0x16880;
	[sflag:s17] =	ssyncadd.s32 $0xFFFFEC00  }
0x18a: {  	s31 =	simm.s32 $0x1B880;
	v5 =	vld [tilespmem:s30+$0x70]  }
0x18b: {  	v6 =	vld [tilespmem:s31+$0x70]  }
0x18c: {  	v7 =	vld [tilespmem:s31+$0x0]  }
0x18d: {  	v10 =	vld [tilespmem:s31+$0x10]  }
0x18e: {  	v12 =	vld [tilespmem:s31+$0x20]  }
0x18f: {  	v3 =	vld [tilespmem:s31+$0x30]  }
0x190: {  	v2 =	vld [tilespmem:s31+$0x40]  }
0x191: {  	v1 =	vld [tilespmem:s31+$0x50]  }
0x192: {  	v0 =	vld [tilespmem:s31+$0x60]  }
0x193: {  	v8 =	vld [tilespmem:s30+$0xFFFFFF90]  }
0x194: {  	v9 =	vld [tilespmem:s30+$0xFFFFFFA0]  }
0x195: {  	v11 =	vld [tilespmem:s30+$0xFFFFFFB0]  }
0x196: {  	v13 =	vld [tilespmem:s30+$0xFFFFFFC0]  }
0x197: {  	v14 =	vld [tilespmem:s30+$0xFFFFFFD0]  }
0x198: {  	v15 =	vld [tilespmem:s30+$0xFFFFFFE0]  }
0x199: {  	v16 =	vld [tilespmem:s30+$0xFFFFFFF0]  }
0x19a: {  	v4 =	vld [tilespmem:s31+$0xFFFFFF80]  }
0x19b: {  	v17 =	vld [tilespmem:s31+$0xFFFFFF90]  }
0x19c: {  	v18 =	vld [tilespmem:s31+$0xFFFFFFA0]  }
0x19d: {  	v19 =	vld [tilespmem:s31+$0xFFFFFFB0]  }
0x19e: {  	v59 =	vld [tilespmem:s30+$0x0]  }
0x19f: {  	v20 =	vld [tilespmem:s31+$0xFFFFFFC0];
	v5 =	vmul.f32 v6, v5  }
0x1a0: {  	v58 =	vld [tilespmem:s31+$0xFFFFFFE0];
	v8 =	vmul.f32 v17, v8  }
0x1a1: {  	v6 =	vld [tilespmem:s31+$0xFFFFFFD0];
	v9 =	vmul.f32 v18, v9;
	[tilespmem:s30+$0x70] =	vst v5  }
0x1a2: {  	v11 =	vmul.f32 v19, v11;
	v5 =	vld [tilespmem:s31+$0xFFFFFFF0];
	[tilespmem:s30+$0xFFFFFF90] =	vst v8  }
0x1a3: {  	v60 =	vld [tilespmem:s30+$0x10];
	v63 =	vmul.f32 v7, v59;
	[tilespmem:s30+$0xFFFFFFA0] =	vst v9  }
0x1a4: {  	v61 =	vld [tilespmem:s30+$0x20];
	v8 =	vmul.f32 v20, v13;
	[tilespmem:s30+$0xFFFFFFB0] =	vst v11  }
0x1a5: {  	v11 =	vmul.f32 v58, v15;
	v9 =	vld [tilespmem:s30+$0x30];
	[tilespmem:s30+$0x0] =	vst v63  }
0x1a6: {  	[tilespmem:s30+$0xFFFFFFC0] =	vst v8;
	v8 =	vld [tilespmem:s30+$0x40];
	v6 =	vmul.f32 v6, v14  }
0x1a7: {  	[tilespmem:s30+$0xFFFFFFE0] =	vst v11;
	v62 =	vmul.f32 v5, v16;
	v5 =	vld [tilespmem:s30+$0x50]  }
0x1a8: {  	v11 =	vmul.f32 v10, v60;
	[tilespmem:s30+$0xFFFFFFD0] =	vst v6;
	v6 =	vld [tilespmem:s30+$0x60]  }
0x1a9: {  	s10 =	simm.s32 $0x0;
	s9 =	simm.s32 $0x16980;
	v7 =	vld [tilespmem:s30+$0xFFFFFF80];
	v10 =	vmul.f32 v12, v61;
	[tilespmem:s30+$0xFFFFFFF0] =	vst v62  }
.LBB2_9:
0x1aa: {  	v12 =	vld [tilespmem:s9+$0x70];
	v3 =	vmul.f32 v3, v9;
	[tilespmem:s30+$0x10] =	vst v11;
	s31 =	sadd.s32 $0x100, s31  }
0x1ab: {  	s10 =	sadd.s32 $0x2, s10;
	v9 =	vld [tilespmem:s31+$0x70];
	v2 =	vmul.f32 v2, v8;
	[tilespmem:s30+$0x20] =	vst v10  }
0x1ac: {  	p2 =	slt.u32 s10, $0x26;
	v10 =	vld [tilespmem:s31+$0x0];
	v1 =	vmul.f32 v1, v5;
	[tilespmem:s30+$0x30] =	vst v3  }
0x1ad: {  	v11 =	vld [tilespmem:s31+$0x10];
	v0 =	vmul.f32 v0, v6;
	[tilespmem:s30+$0x40] =	vst v2  }
0x1ae: {  	v13 =	vld [tilespmem:s31+$0x20];
	v4 =	vmul.f32 v4, v7;
	[tilespmem:s30+$0x50] =	vst v1  }
0x1af: {  	v3 =	vld [tilespmem:s31+$0x30];
	[tilespmem:s30+$0x60] =	vst v0  }
0x1b0: {  	v2 =	vld [tilespmem:s31+$0x40];
	v5 =	vmul.f32 v9, v12;
	[tilespmem:s30+$0xFFFFFF80] =	vst v4;
	s30 =	smov.u32 s9  }
0x1b1: {  	v1 =	vld [tilespmem:s31+$0x50]  }
0x1b2: {  	v0 =	vld [tilespmem:s31+$0x60];
	[tilespmem:s9+$0x70] =	vst v5  }
0x1b3: {  	v5 =	vld [tilespmem:s9+$0xFFFFFF90]  }
0x1b4: {  	v6 =	vld [tilespmem:s9+$0xFFFFFFA0]  }
0x1b5: {  	v7 =	vld [tilespmem:s9+$0xFFFFFFB0]  }
0x1b6: {  	v8 =	vld [tilespmem:s9+$0xFFFFFFC0]  }
0x1b7: {  	v9 =	vld [tilespmem:s9+$0xFFFFFFD0]  }
0x1b8: {  	v12 =	vld [tilespmem:s9+$0xFFFFFFE0]  }
0x1b9: {  	v14 =	vld [tilespmem:s9+$0xFFFFFFF0]  }
0x1ba: {  	v4 =	vld [tilespmem:s31+$0xFFFFFF80]  }
0x1bb: {  	v15 =	vld [tilespmem:s31+$0xFFFFFF90]  }
0x1bc: {  	v16 =	vld [tilespmem:s31+$0xFFFFFFA0]  }
0x1bd: {  	v17 =	vld [tilespmem:s31+$0xFFFFFFB0]  }
0x1be: {  	v18 =	vld [tilespmem:s31+$0xFFFFFFC0]  }
0x1bf: {  	v19 =	vld [tilespmem:s31+$0xFFFFFFD0]  }
0x1c0: {  	v20 =	vld [tilespmem:s31+$0xFFFFFFE0];
	v5 =	vmul.f32 v15, v5  }
0x1c1: {  	v15 =	vld [tilespmem:s31+$0xFFFFFFF0];
	v6 =	vmul.f32 v16, v6  }
0x1c2: {  	v7 =	vmul.f32 v17, v7;
	[tilespmem:s9+$0xFFFFFF90] =	vst v5;
	v16 =	vld [tilespmem:s9+$0x0]  }
0x1c3: {  	v5 =	vmul.f32 v18, v8;
	[tilespmem:s9+$0xFFFFFFA0] =	vst v6;
	v17 =	vld [tilespmem:s9+$0x10]  }
0x1c4: {  	v6 =	vmul.f32 v19, v9;
	[tilespmem:s9+$0xFFFFFFB0] =	vst v7;
	v18 =	vld [tilespmem:s9+$0x20]  }
.Ltmp8:
0x1c5: {  	v7 =	vmul.f32 v20, v12;
	[tilespmem:s9+$0xFFFFFFC0] =	vst v5;
	v9 =	vld [tilespmem:s9+$0x30];
	(pc) =	sbr.rel @p2 .LBB2_9-.Ltmp8, $4  }
0x1c6: {  	v12 =	vmul.f32 v15, v14;
	[tilespmem:s9+$0xFFFFFFD0] =	vst v6;
	v8 =	vld [tilespmem:s9+$0x40]  }
0x1c7: {  	[tilespmem:s9+$0xFFFFFFE0] =	vst v7;
	v5 =	vld [tilespmem:s9+$0x50];
	v14 =	vmul.f32 v10, v16  }
0x1c8: {  	[tilespmem:s9+$0xFFFFFFF0] =	vst v12;
	v6 =	vld [tilespmem:s9+$0x60];
	v11 =	vmul.f32 v11, v17  }
0x1c9: {  	s9 =	sadd.s32 $0x100, s9;
	v7 =	vld [tilespmem:s30+$0xFFFFFF80];
	v10 =	vmul.f32 v13, v18;
	[tilespmem:s30+$0x0] =	vst v14  }
0x1ca: {  	v3 =	vmul.f32 v3, v9;
	[tilespmem:s30+$0x10] =	vst v11  }
0x1cb: {  	v2 =	vmul.f32 v2, v8;
	[tilespmem:s30+$0x20] =	vst v10  }
0x1cc: {  	v1 =	vmul.f32 v1, v5;
	[tilespmem:s30+$0x30] =	vst v3  }
.Ltmp9:
0x1cd: {  	v0 =	vmul.f32 v0, v6;
	[tilespmem:s30+$0x40] =	vst v2;
	(pc) =	sbr.rel .LBB2_12-.Ltmp9, $4  }
0x1ce: {  	v63 =	vmul.f32 v4, v7;
	[tilespmem:s30+$0x50] =	vst v1  }
0x1cf: {  	[tilespmem:s30+$0x60] =	vst v0  }
0x1d0: {  	s9 =	simm.s32 $0x1E100;
	[tilespmem:s30+$0xFFFFFF80] =	vst v63  }
0x1d1: {  	[spmem:s4] =	stream.indirect.scatter.add.f32 [tilespmem:s28], [sflag:$0x7], $0x80, s9, s8, $0xb8;
	[tilespmem:$0x1EC00] =	vst v63  }
.LBB2_11:
0x1d2: {  	p2 =	sne.s32 s24, $0x1F  }
.Ltmp10:
0x1d3: {  	_ = 	snop;
	(pc) =	sbr.rel @p2 .LBB2_13-.Ltmp10, $2  }
0x1d4: {  	_ =	sdelay $0x2  }
0x1d5: {  	p6 =	por $0x0, $0x0  }
.LBB2_12:
0x1d6: {  	s9 =	sld [smem:$0x7F4];
	_ =	sdelay $0x2  }
0x1d7: {  	p6 =	por @!p0 $0x1, $0x1;
	p0 =	seq.s32 s9, $0x1  }
0x1d8: {  	p2 =	por @!p5 $0x0, $0x0;
	p0 =	por !p0, p5  }
0x1d9: {  	_ =	swait.ge [sflag:s19], $0x1400;
	p6 =	por @!p0 p2, p2;
	p0 =	por $0x0, $0x0  }
0x1da: {  	s10 =	sld [smem:$0x7F8];
	p0 =	por @!p5 p6, p6  }
0x1db: {  	s9 =	smul.u32 @p0 $0x140, s24;
	_ =	sdelay $0x1  }
0x1dc: {  	[sflag:s19] =	ssyncset.done $0x0;
	s9 =	sadd.s32 @p0 s9, s10  }
0x1dd: {  	[sflag:s19] =	ssyncadd.s32 $0xFFFFEC00;
	p2 =	por $0x0, $0x0;
	s9 =	sshrl.u32 @p0 s9, $0x3  }
0x1de: {  	s13 =	simm.s32 @p0 $0x1E080;
	s10 =	simm.s32 @p0 $0x0;
	s9 =	sadd.s32 @p0 s3, s9  }
0x1df: {  	[tilespmem:s13], [sflag:$0xA] =	stream.linear.gather @p0 [hbm4b:s9+s10], $0x28, $0x38;
	[tilespmem:$0x1EC00] =	vst v63  }
0x1e0: {  	s30 =	simm.s32 @p0 $0x1E480;
	p6 =	por @p0 $0x1, $0x1;
	s13 =	sadd.s32 @p0 $0x9C40, s9  }
0x1e1: {  	[tilespmem:s30], [sflag:$0xA] =	stream.linear.gather @p0 [hbm4b:s13+s10], $0x28, $0x38;
	[tilespmem:$0x1EC00] =	vst v63  }
0x1e2: {  	p6 =	por @!p0 p2, p2;
	s9 =	sadd.s32 @p0 $0x13880, s9;
	s13 =	simm.s32 @p0 $0x1E880  }
0x1e3: {  	[tilespmem:s13], [sflag:$0xA] =	stream.linear.gather @p0 [hbm4b:s9+s10], $0x28, $0x38;
	[tilespmem:$0x1EC00] =	vst v63  }
.LBB2_13:
0x1e4: {  	s30 =	sor.u32 $0x5, s29  }
0x1e5: {  	p5 =	sgt.u32 s30, $0xF9  }
.Ltmp11:
0x1e6: {  	_ = 	snop;
	(pc) =	sbr.rel @p5 .LBB2_15-.Ltmp11, $1  }
0x1e7: {  	_ =	sdelay $0x3  }
0x1e8: {  	_ =	swait.ge [sflag:s22], $0x28  }
0x1e9: {  	[sflag:s22] =	ssyncset.done $0x0  }
0x1ea: {  	[sflag:s22] =	ssyncadd.s32 $0xFFFFFFD8  }
0x1eb: {  	_ =	swait.ge [sflag:s22], $0x28  }
0x1ec: {  	[sflag:s22] =	ssyncset.done $0x0  }
0x1ed: {  	[sflag:s22] =	ssyncadd.s32 $0xFFFFFFD8  }
0x1ee: {  	_ =	swait.ge [sflag:s22], $0x28  }
.Ltmp12:
0x1ef: {  	[sflag:s22] =	ssyncset.done $0x0;
	(pc) =	sbr.rel .LBB2_16-.Ltmp12, $4  }
0x1f0: {  	s9 =	simm.s32 $0x1EA80;
	[sflag:s22] =	ssyncadd.s32 $0xFFFFFFD8  }
0x1f1: {  	[tilespmem:s23], [sflag:$0x2] =	stream.indirect.gather [hbm4b:s1+s8], $0x80, s9, s8, $0xb8;
	[tilespmem:$0x1EC00] =	vst v63  }
0x1f2: {  	s31 =	simm.s32 $0x1E680;
	s10 =	simm.s32 $0x1A400  }
0x1f3: {  	[tilespmem:s10], [sflag:$0x2] =	stream.indirect.gather [hbm4b:s2+s8], $0x80, s31, s8, $0xb8;
	[tilespmem:$0x1EC00] =	vst v63  }
.LBB2_15:
.Ltmp13:
0x1f4: {  	(pc) =	sbr.rel @p4 .LBB2_19-.Ltmp13, $1  }
0x1f5: {  	_ =	sdelay $0x3  }
.LBB2_16:
0x1f6: {  	_ =	swait.ge [sflag:s11], $0x1400  }
0x1f7: {  	[sflag:s11] =	ssyncset.done $0x0  }
0x1f8: {  	[sflag:s11] =	ssyncadd.s32 $0xFFFFEC00  }
0x1f9: {  	_ =	swait.ge [sflag:s11], $0x1400  }
0x1fa: {  	[sflag:s11] =	ssyncset.done $0x0  }
0x1fb: {  	s31 =	simm.s32 $0x17C80;
	[sflag:s11] =	ssyncadd.s32 $0xFFFFEC00  }
0x1fc: {  	s10 =	simm.s32 $0x1CC80;
	v5 =	vld [tilespmem:s31+$0x70]  }
0x1fd: {  	v6 =	vld [tilespmem:s10+$0x70]  }
0x1fe: {  	v7 =	vld [tilespmem:s10+$0x0]  }
0x1ff: {  	v10 =	vld [tilespmem:s10+$0x10]  }
0x200: {  	v12 =	vld [tilespmem:s10+$0x20]  }
0x201: {  	v3 =	vld [tilespmem:s10+$0x30]  }
0x202: {  	v2 =	vld [tilespmem:s10+$0x40]  }
0x203: {  	v1 =	vld [tilespmem:s10+$0x50]  }
0x204: {  	v0 =	vld [tilespmem:s10+$0x60]  }
0x205: {  	v8 =	vld [tilespmem:s31+$0xFFFFFF90]  }
0x206: {  	v9 =	vld [tilespmem:s31+$0xFFFFFFA0]  }
0x207: {  	v11 =	vld [tilespmem:s31+$0xFFFFFFB0]  }
0x208: {  	v13 =	vld [tilespmem:s31+$0xFFFFFFC0]  }
0x209: {  	v14 =	vld [tilespmem:s31+$0xFFFFFFD0]  }
0x20a: {  	v15 =	vld [tilespmem:s31+$0xFFFFFFE0]  }
0x20b: {  	v16 =	vld [tilespmem:s31+$0xFFFFFFF0]  }
0x20c: {  	v4 =	vld [tilespmem:s10+$0xFFFFFF80]  }
0x20d: {  	v17 =	vld [tilespmem:s10+$0xFFFFFF90]  }
0x20e: {  	v18 =	vld [tilespmem:s10+$0xFFFFFFA0]  }
0x20f: {  	v19 =	vld [tilespmem:s10+$0xFFFFFFB0]  }
0x210: {  	v59 =	vld [tilespmem:s31+$0x0]  }
0x211: {  	v20 =	vld [tilespmem:s10+$0xFFFFFFC0];
	v5 =	vmul.f32 v6, v5  }
0x212: {  	v58 =	vld [tilespmem:s10+$0xFFFFFFE0];
	v8 =	vmul.f32 v17, v8  }
0x213: {  	v6 =	vld [tilespmem:s10+$0xFFFFFFD0];
	v9 =	vmul.f32 v18, v9;
	[tilespmem:s31+$0x70] =	vst v5  }
0x214: {  	v11 =	vmul.f32 v19, v11;
	v5 =	vld [tilespmem:s10+$0xFFFFFFF0];
	[tilespmem:s31+$0xFFFFFF90] =	vst v8  }
0x215: {  	v60 =	vld [tilespmem:s31+$0x10];
	v63 =	vmul.f32 v7, v59;
	[tilespmem:s31+$0xFFFFFFA0] =	vst v9  }
0x216: {  	v61 =	vld [tilespmem:s31+$0x20];
	v8 =	vmul.f32 v20, v13;
	[tilespmem:s31+$0xFFFFFFB0] =	vst v11  }
0x217: {  	v11 =	vmul.f32 v58, v15;
	v9 =	vld [tilespmem:s31+$0x30];
	[tilespmem:s31+$0x0] =	vst v63  }
0x218: {  	[tilespmem:s31+$0xFFFFFFC0] =	vst v8;
	v8 =	vld [tilespmem:s31+$0x40];
	v6 =	vmul.f32 v6, v14  }
0x219: {  	[tilespmem:s31+$0xFFFFFFE0] =	vst v11;
	v62 =	vmul.f32 v5, v16;
	v5 =	vld [tilespmem:s31+$0x50]  }
0x21a: {  	v11 =	vmul.f32 v10, v60;
	[tilespmem:s31+$0xFFFFFFD0] =	vst v6;
	v6 =	vld [tilespmem:s31+$0x60]  }
0x21b: {  	s9 =	simm.s32 $0x0;
	s13 =	simm.s32 $0x17D80;
	v7 =	vld [tilespmem:s31+$0xFFFFFF80];
	v10 =	vmul.f32 v12, v61;
	[tilespmem:s31+$0xFFFFFFF0] =	vst v62  }
.LBB2_17:
0x21c: {  	v12 =	vld [tilespmem:s13+$0x70];
	v3 =	vmul.f32 v3, v9;
	[tilespmem:s31+$0x10] =	vst v11;
	s10 =	sadd.s32 $0x100, s10  }
0x21d: {  	s9 =	sadd.s32 $0x2, s9;
	v9 =	vld [tilespmem:s10+$0x70];
	v2 =	vmul.f32 v2, v8;
	[tilespmem:s31+$0x20] =	vst v10  }
0x21e: {  	p0 =	slt.u32 s9, $0x26;
	v10 =	vld [tilespmem:s10+$0x0];
	v1 =	vmul.f32 v1, v5;
	[tilespmem:s31+$0x30] =	vst v3  }
0x21f: {  	v11 =	vld [tilespmem:s10+$0x10];
	v0 =	vmul.f32 v0, v6;
	[tilespmem:s31+$0x40] =	vst v2  }
0x220: {  	v13 =	vld [tilespmem:s10+$0x20];
	v4 =	vmul.f32 v4, v7;
	[tilespmem:s31+$0x50] =	vst v1  }
0x221: {  	v3 =	vld [tilespmem:s10+$0x30];
	[tilespmem:s31+$0x60] =	vst v0  }
0x222: {  	v2 =	vld [tilespmem:s10+$0x40];
	v5 =	vmul.f32 v9, v12;
	[tilespmem:s31+$0xFFFFFF80] =	vst v4;
	s31 =	smov.u32 s13  }
0x223: {  	v1 =	vld [tilespmem:s10+$0x50]  }
0x224: {  	v0 =	vld [tilespmem:s10+$0x60];
	[tilespmem:s13+$0x70] =	vst v5  }
0x225: {  	v5 =	vld [tilespmem:s13+$0xFFFFFF90]  }
0x226: {  	v6 =	vld [tilespmem:s13+$0xFFFFFFA0]  }
0x227: {  	v7 =	vld [tilespmem:s13+$0xFFFFFFB0]  }
0x228: {  	v8 =	vld [tilespmem:s13+$0xFFFFFFC0]  }
0x229: {  	v9 =	vld [tilespmem:s13+$0xFFFFFFD0]  }
0x22a: {  	v12 =	vld [tilespmem:s13+$0xFFFFFFE0]  }
0x22b: {  	v14 =	vld [tilespmem:s13+$0xFFFFFFF0]  }
0x22c: {  	v4 =	vld [tilespmem:s10+$0xFFFFFF80]  }
0x22d: {  	v15 =	vld [tilespmem:s10+$0xFFFFFF90]  }
0x22e: {  	v16 =	vld [tilespmem:s10+$0xFFFFFFA0]  }
0x22f: {  	v17 =	vld [tilespmem:s10+$0xFFFFFFB0]  }
0x230: {  	v18 =	vld [tilespmem:s10+$0xFFFFFFC0]  }
0x231: {  	v19 =	vld [tilespmem:s10+$0xFFFFFFD0]  }
0x232: {  	v20 =	vld [tilespmem:s10+$0xFFFFFFE0];
	v5 =	vmul.f32 v15, v5  }
0x233: {  	v15 =	vld [tilespmem:s10+$0xFFFFFFF0];
	v6 =	vmul.f32 v16, v6  }
0x234: {  	v7 =	vmul.f32 v17, v7;
	[tilespmem:s13+$0xFFFFFF90] =	vst v5;
	v16 =	vld [tilespmem:s13+$0x0]  }
0x235: {  	v5 =	vmul.f32 v18, v8;
	[tilespmem:s13+$0xFFFFFFA0] =	vst v6;
	v17 =	vld [tilespmem:s13+$0x10]  }
0x236: {  	v6 =	vmul.f32 v19, v9;
	[tilespmem:s13+$0xFFFFFFB0] =	vst v7;
	v18 =	vld [tilespmem:s13+$0x20]  }
.Ltmp14:
0x237: {  	v7 =	vmul.f32 v20, v12;
	[tilespmem:s13+$0xFFFFFFC0] =	vst v5;
	v9 =	vld [tilespmem:s13+$0x30];
	(pc) =	sbr.rel @p0 .LBB2_17-.Ltmp14, $4  }
0x238: {  	v12 =	vmul.f32 v15, v14;
	[tilespmem:s13+$0xFFFFFFD0] =	vst v6;
	v8 =	vld [tilespmem:s13+$0x40]  }
0x239: {  	[tilespmem:s13+$0xFFFFFFE0] =	vst v7;
	v5 =	vld [tilespmem:s13+$0x50];
	v14 =	vmul.f32 v10, v16  }
0x23a: {  	[tilespmem:s13+$0xFFFFFFF0] =	vst v12;
	v6 =	vld [tilespmem:s13+$0x60];
	v11 =	vmul.f32 v11, v17  }
0x23b: {  	s13 =	sadd.s32 $0x100, s13;
	v7 =	vld [tilespmem:s31+$0xFFFFFF80];
	v10 =	vmul.f32 v13, v18;
	[tilespmem:s31+$0x0] =	vst v14  }
0x23c: {  	v3 =	vmul.f32 v3, v9;
	[tilespmem:s31+$0x10] =	vst v11  }
0x23d: {  	v2 =	vmul.f32 v2, v8;
	[tilespmem:s31+$0x20] =	vst v10  }
0x23e: {  	v1 =	vmul.f32 v1, v5;
	[tilespmem:s31+$0x30] =	vst v3  }
0x23f: {  	v0 =	vmul.f32 v0, v6;
	[tilespmem:s31+$0x40] =	vst v2  }
0x240: {  	v63 =	vmul.f32 v4, v7;
	[tilespmem:s31+$0x50] =	vst v1  }
0x241: {  	[tilespmem:s31+$0x60] =	vst v0  }
0x242: {  	s9 =	simm.s32 $0x1E180;
	s10 =	simm.s32 $0x17C00;
	[tilespmem:s31+$0xFFFFFF80] =	vst v63  }
0x243: {  	[spmem:s4] =	stream.indirect.scatter.add.f32 [tilespmem:s10], [sflag:$0x8], $0x80, s9, s8, $0xb8;
	[tilespmem:$0x1EC00] =	vst v63  }
.LBB2_19:
0x244: {  	p2 =	sgt.u32 s0, $0xFA  }
0x245: {  	s0 =	simm.s32 @!p2 $0x7  }
0x246: {  	_ =	swait.ge @!p2 [sflag:s0], $0x1400  }
0x247: {  	p0 =	sgt.u32 s24, $0x1D;
	s10 =	sld [smem:$0x7F9]  }
0x248: {  	s9 =	smul.u32 @!p0 $0x140, s24;
	_ =	sdelay $0x1  }
0x249: {  	[sflag:s0] =	ssyncset.done @!p2 $0x0;
	s9 =	sadd.s32 @!p0 s9, s10  }
0x24a: {  	[sflag:s0] =	ssyncadd.s32 @!p2 $0xFFFFEC00;
	s0 =	sshrl.u32 @!p0 s9, $0x3  }
0x24b: {  	s10 =	simm.s32 @!p0 $0x1E100;
	s9 =	simm.s32 @!p0 $0x0;
	s0 =	sadd.s32 @!p0 s3, s0  }
0x24c: {  	[tilespmem:s10], [sflag:$0xB] =	stream.linear.gather @!p0 [hbm4b:s0+s9], $0x28, $0x38;
	[tilespmem:$0x1EC00] =	vst v63  }
0x24d: {  	s13 =	simm.s32 @!p0 $0x1E500;
	s10 =	sadd.s32 @!p0 $0x9C40, s0  }
0x24e: {  	[tilespmem:s13], [sflag:$0xB] =	stream.linear.gather @!p0 [hbm4b:s10+s9], $0x28, $0x38;
	[tilespmem:$0x1EC00] =	vst v63  }
0x24f: {  	s0 =	sadd.s32 @!p0 $0x13880, s0;
	s10 =	simm.s32 @!p0 $0x1E900  }
0x250: {  	[tilespmem:s10], [sflag:$0xB] =	stream.linear.gather @!p0 [hbm4b:s0+s9], $0x28, $0x38;
	[tilespmem:$0x1EC00] =	vst v63  }
0x251: {  	s0 =	sor.u32 $0x6, s29  }
0x252: {  	p4 =	sgt.u32 s0, $0xF9  }
.Ltmp15:
0x253: {  	_ = 	snop;
	(pc) =	sbr.rel @p4 .LBB2_21-.Ltmp15, $1  }
0x254: {  	_ =	sdelay $0x3  }
0x255: {  	_ =	swait.ge [sflag:s18], $0x28  }
0x256: {  	[sflag:s18] =	ssyncset.done $0x0  }
0x257: {  	[sflag:s18] =	ssyncadd.s32 $0xFFFFFFD8  }
0x258: {  	_ =	swait.ge [sflag:s18], $0x28  }
0x259: {  	[sflag:s18] =	ssyncset.done $0x0  }
0x25a: {  	[sflag:s18] =	ssyncadd.s32 $0xFFFFFFD8  }
0x25b: {  	_ =	swait.ge [sflag:s18], $0x28  }
.Ltmp16:
0x25c: {  	[sflag:s18] =	ssyncset.done $0x0;
	(pc) =	sbr.rel .LBB2_22-.Ltmp16, $4  }
0x25d: {  	s9 =	simm.s32 $0x1EB00;
	[sflag:s18] =	ssyncadd.s32 $0xFFFFFFD8  }
0x25e: {  	[tilespmem:s28], [sflag:$0x3] =	stream.indirect.gather [hbm4b:s1+s8], $0x80, s9, s8, $0xb8;
	[tilespmem:$0x1EC00] =	vst v63  }
0x25f: {  	s31 =	simm.s32 $0x1E700;
	s10 =	simm.s32 $0x1B800  }
0x260: {  	[tilespmem:s10], [sflag:$0x3] =	stream.indirect.gather [hbm4b:s2+s8], $0x80, s31, s8, $0xb8;
	[tilespmem:$0x1EC00] =	vst v63  }
.LBB2_21:
.Ltmp17:
0x261: {  	(pc) =	sbr.rel @p3 .LBB2_25-.Ltmp17, $1  }
0x262: {  	_ =	sdelay $0x3  }
.LBB2_22:
0x263: {  	_ =	swait.ge [sflag:s15], $0x1400  }
0x264: {  	[sflag:s15] =	ssyncset.done $0x0  }
0x265: {  	[sflag:s15] =	ssyncadd.s32 $0xFFFFEC00  }
0x266: {  	_ =	swait.ge [sflag:s15], $0x1400  }
0x267: {  	[sflag:s15] =	ssyncset.done $0x0  }
0x268: {  	s29 =	simm.s32 $0x14080;
	[sflag:s15] =	ssyncadd.s32 $0xFFFFEC00  }
0x269: {  	s10 =	simm.s32 $0x19080;
	v5 =	vld [tilespmem:s29+$0x70]  }
0x26a: {  	v6 =	vld [tilespmem:s10+$0x70]  }
0x26b: {  	v7 =	vld [tilespmem:s10+$0x0]  }
0x26c: {  	v10 =	vld [tilespmem:s10+$0x10]  }
0x26d: {  	v12 =	vld [tilespmem:s10+$0x20]  }
0x26e: {  	v3 =	vld [tilespmem:s10+$0x30]  }
0x26f: {  	v2 =	vld [tilespmem:s10+$0x40]  }
0x270: {  	v1 =	vld [tilespmem:s10+$0x50]  }
0x271: {  	v0 =	vld [tilespmem:s10+$0x60]  }
0x272: {  	v8 =	vld [tilespmem:s29+$0xFFFFFF90]  }
0x273: {  	v9 =	vld [tilespmem:s29+$0xFFFFFFA0]  }
0x274: {  	v11 =	vld [tilespmem:s29+$0xFFFFFFB0]  }
0x275: {  	v13 =	vld [tilespmem:s29+$0xFFFFFFC0]  }
0x276: {  	v14 =	vld [tilespmem:s29+$0xFFFFFFD0]  }
0x277: {  	v15 =	vld [tilespmem:s29+$0xFFFFFFE0]  }
0x278: {  	v16 =	vld [tilespmem:s29+$0xFFFFFFF0]  }
0x279: {  	v4 =	vld [tilespmem:s10+$0xFFFFFF80]  }
0x27a: {  	v17 =	vld [tilespmem:s10+$0xFFFFFF90]  }
0x27b: {  	v18 =	vld [tilespmem:s10+$0xFFFFFFA0]  }
0x27c: {  	v19 =	vld [tilespmem:s10+$0xFFFFFFB0]  }
0x27d: {  	v59 =	vld [tilespmem:s29+$0x0]  }
0x27e: {  	v20 =	vld [tilespmem:s10+$0xFFFFFFC0];
	v5 =	vmul.f32 v6, v5  }
0x27f: {  	v58 =	vld [tilespmem:s10+$0xFFFFFFE0];
	v8 =	vmul.f32 v17, v8  }
0x280: {  	v6 =	vld [tilespmem:s10+$0xFFFFFFD0];
	v9 =	vmul.f32 v18, v9;
	[tilespmem:s29+$0x70] =	vst v5  }
0x281: {  	v11 =	vmul.f32 v19, v11;
	v5 =	vld [tilespmem:s10+$0xFFFFFFF0];
	[tilespmem:s29+$0xFFFFFF90] =	vst v8  }
0x282: {  	v60 =	vld [tilespmem:s29+$0x10];
	v63 =	vmul.f32 v7, v59;
	[tilespmem:s29+$0xFFFFFFA0] =	vst v9  }
0x283: {  	v61 =	vld [tilespmem:s29+$0x20];
	v8 =	vmul.f32 v20, v13;
	[tilespmem:s29+$0xFFFFFFB0] =	vst v11  }
0x284: {  	v11 =	vmul.f32 v58, v15;
	v9 =	vld [tilespmem:s29+$0x30];
	[tilespmem:s29+$0x0] =	vst v63  }
0x285: {  	[tilespmem:s29+$0xFFFFFFC0] =	vst v8;
	v8 =	vld [tilespmem:s29+$0x40];
	v6 =	vmul.f32 v6, v14  }
0x286: {  	[tilespmem:s29+$0xFFFFFFE0] =	vst v11;
	v62 =	vmul.f32 v5, v16;
	v5 =	vld [tilespmem:s29+$0x50]  }
0x287: {  	v11 =	vmul.f32 v10, v60;
	[tilespmem:s29+$0xFFFFFFD0] =	vst v6;
	v6 =	vld [tilespmem:s29+$0x60]  }
0x288: {  	s9 =	simm.s32 $0x0;
	s13 =	simm.s32 $0x14180;
	v7 =	vld [tilespmem:s29+$0xFFFFFF80];
	v10 =	vmul.f32 v12, v61;
	[tilespmem:s29+$0xFFFFFFF0] =	vst v62  }
.LBB2_23:
0x289: {  	v12 =	vld [tilespmem:s13+$0x70];
	v3 =	vmul.f32 v3, v9;
	[tilespmem:s29+$0x10] =	vst v11;
	s10 =	sadd.s32 $0x100, s10  }
0x28a: {  	s9 =	sadd.s32 $0x2, s9;
	v9 =	vld [tilespmem:s10+$0x70];
	v2 =	vmul.f32 v2, v8;
	[tilespmem:s29+$0x20] =	vst v10  }
0x28b: {  	p0 =	slt.u32 s9, $0x26;
	v10 =	vld [tilespmem:s10+$0x0];
	v1 =	vmul.f32 v1, v5;
	[tilespmem:s29+$0x30] =	vst v3  }
0x28c: {  	v11 =	vld [tilespmem:s10+$0x10];
	v0 =	vmul.f32 v0, v6;
	[tilespmem:s29+$0x40] =	vst v2  }
0x28d: {  	v13 =	vld [tilespmem:s10+$0x20];
	v4 =	vmul.f32 v4, v7;
	[tilespmem:s29+$0x50] =	vst v1  }
0x28e: {  	v3 =	vld [tilespmem:s10+$0x30];
	[tilespmem:s29+$0x60] =	vst v0  }
0x28f: {  	v2 =	vld [tilespmem:s10+$0x40];
	v5 =	vmul.f32 v9, v12;
	[tilespmem:s29+$0xFFFFFF80] =	vst v4;
	s29 =	smov.u32 s13  }
0x290: {  	v1 =	vld [tilespmem:s10+$0x50]  }
0x291: {  	v0 =	vld [tilespmem:s10+$0x60];
	[tilespmem:s13+$0x70] =	vst v5  }
0x292: {  	v5 =	vld [tilespmem:s13+$0xFFFFFF90]  }
0x293: {  	v6 =	vld [tilespmem:s13+$0xFFFFFFA0]  }
0x294: {  	v7 =	vld [tilespmem:s13+$0xFFFFFFB0]  }
0x295: {  	v8 =	vld [tilespmem:s13+$0xFFFFFFC0]  }
0x296: {  	v9 =	vld [tilespmem:s13+$0xFFFFFFD0]  }
0x297: {  	v12 =	vld [tilespmem:s13+$0xFFFFFFE0]  }
0x298: {  	v14 =	vld [tilespmem:s13+$0xFFFFFFF0]  }
0x299: {  	v4 =	vld [tilespmem:s10+$0xFFFFFF80]  }
0x29a: {  	v15 =	vld [tilespmem:s10+$0xFFFFFF90]  }
0x29b: {  	v16 =	vld [tilespmem:s10+$0xFFFFFFA0]  }
0x29c: {  	v17 =	vld [tilespmem:s10+$0xFFFFFFB0]  }
0x29d: {  	v18 =	vld [tilespmem:s10+$0xFFFFFFC0]  }
0x29e: {  	v19 =	vld [tilespmem:s10+$0xFFFFFFD0]  }
0x29f: {  	v20 =	vld [tilespmem:s10+$0xFFFFFFE0];
	v5 =	vmul.f32 v15, v5  }
0x2a0: {  	v15 =	vld [tilespmem:s10+$0xFFFFFFF0];
	v6 =	vmul.f32 v16, v6  }
0x2a1: {  	v7 =	vmul.f32 v17, v7;
	[tilespmem:s13+$0xFFFFFF90] =	vst v5;
	v16 =	vld [tilespmem:s13+$0x0]  }
0x2a2: {  	v5 =	vmul.f32 v18, v8;
	[tilespmem:s13+$0xFFFFFFA0] =	vst v6;
	v17 =	vld [tilespmem:s13+$0x10]  }
0x2a3: {  	v6 =	vmul.f32 v19, v9;
	[tilespmem:s13+$0xFFFFFFB0] =	vst v7;
	v18 =	vld [tilespmem:s13+$0x20]  }
.Ltmp18:
0x2a4: {  	v7 =	vmul.f32 v20, v12;
	[tilespmem:s13+$0xFFFFFFC0] =	vst v5;
	v9 =	vld [tilespmem:s13+$0x30];
	(pc) =	sbr.rel @p0 .LBB2_23-.Ltmp18, $4  }
0x2a5: {  	v12 =	vmul.f32 v15, v14;
	[tilespmem:s13+$0xFFFFFFD0] =	vst v6;
	v8 =	vld [tilespmem:s13+$0x40]  }
0x2a6: {  	[tilespmem:s13+$0xFFFFFFE0] =	vst v7;
	v5 =	vld [tilespmem:s13+$0x50];
	v14 =	vmul.f32 v10, v16  }
0x2a7: {  	[tilespmem:s13+$0xFFFFFFF0] =	vst v12;
	v6 =	vld [tilespmem:s13+$0x60];
	v11 =	vmul.f32 v11, v17  }
0x2a8: {  	s13 =	sadd.s32 $0x100, s13;
	v7 =	vld [tilespmem:s29+$0xFFFFFF80];
	v10 =	vmul.f32 v13, v18;
	[tilespmem:s29+$0x0] =	vst v14  }
0x2a9: {  	v3 =	vmul.f32 v3, v9;
	[tilespmem:s29+$0x10] =	vst v11  }
0x2aa: {  	v2 =	vmul.f32 v2, v8;
	[tilespmem:s29+$0x20] =	vst v10  }
0x2ab: {  	v1 =	vmul.f32 v1, v5;
	[tilespmem:s29+$0x30] =	vst v3  }
0x2ac: {  	v0 =	vmul.f32 v0, v6;
	[tilespmem:s29+$0x40] =	vst v2  }
0x2ad: {  	v63 =	vmul.f32 v4, v7;
	[tilespmem:s29+$0x50] =	vst v1  }
0x2ae: {  	[tilespmem:s29+$0x60] =	vst v0  }
0x2af: {  	s9 =	simm.s32 $0x1E200;
	[tilespmem:s29+$0xFFFFFF80] =	vst v63  }
0x2b0: {  	[spmem:s4] =	stream.indirect.scatter.add.f32 [tilespmem:s20], [sflag:$0x5], $0x80, s9, s8, $0xb8;
	[tilespmem:$0x1EC00] =	vst v63  }
.LBB2_25:
0x2b1: {  	p0 =	sgt.u32 s12, $0xFA  }
0x2b2: {  	p2 =	sgt.u32 @!p0 s24, $0x1D  }
0x2b3: {  	p2 =	por p0, p2  }
.Ltmp19:
0x2b4: {  	_ = 	snop;
	(pc) =	sbr.rel @p2 .LBB2_28-.Ltmp19, $4  }
0x2b5: {  	s9 =	simm.s32 @!p0 $0x8  }
0x2b6: {  	_ =	swait.ge @!p0 [sflag:s9], $0x1400  }
0x2b7: {  	[sflag:s9] =	ssyncset.done @!p0 $0x0  }
0x2b8: {  	s29 =	smul.u32 $0x140, s24;
	[sflag:s9] =	ssyncadd.s32 @!p0 $0xFFFFEC00  }
0x2b9: {  	s9 =	sld [smem:$0x7FA];
	_ =	sdelay $0x2  }
0x2ba: {  	s9 =	sadd.s32 s29, s9  }
0x2bb: {  	s9 =	sshrl.u32 s9, $0x3  }
0x2bc: {  	s10 =	simm.s32 $0x1E180;
	p1 =	slt.u32 s14, $0xFA;
	s9 =	sadd.s32 s3, s9  }
0x2bd: {  	[tilespmem:s10], [sflag:$0xC] =	stream.linear.gather [hbm4b:s9+s6], $0x28, $0x38;
	[tilespmem:$0x1EC00] =	vst v63  }
.Ltmp20:
0x2be: {  	_ = 	snop;
	(pc) =	sbr.rel @p1 .LBB2_29-.Ltmp20, $4  }
0x2bf: {  	s12 =	simm.s32 $0x1E580;
	s13 =	sadd.s32 $0x9C40, s9  }
0x2c0: {  	[tilespmem:s12], [sflag:$0xC] =	stream.linear.gather [hbm4b:s13+s6], $0x28, $0x38;
	[tilespmem:$0x1EC00] =	vst v63  }
0x2c1: {  	s31 =	simm.s32 $0x1E980;
	p0 =	por $0x1, $0x1;
	s9 =	sadd.s32 $0x13880, s9  }
0x2c2: {  	[tilespmem:s31], [sflag:$0xC] =	stream.linear.gather [hbm4b:s9+s6], $0x28, $0x38;
	[tilespmem:$0x1EC00] =	vst v63  }
.LBB2_27:
.Ltmp21:
0x2c3: {  	(pc) =	sbr.rel @p5 .LBB2_33-.Ltmp21, $4  }
.Ltmp22:
0x2c4: {  	(pc) =	sbr.rel @!p5 .LBB2_30-.Ltmp22, $4  }
0x2c5: {  	_ = 	snop  }
0x2c6: {  	_ = 	snop  }
0x2c7: {  	p1 =	por $0x0, $0x0  }
0x2c8: {  	_ = 	snop  }
.LBB2_28:
.Ltmp23:
0x2c9: {  	(pc) =	sbr.rel @p1 .LBB2_27-.Ltmp23, $2  }
0x2ca: {  	_ =	sdelay $0x2  }
0x2cb: {  	p0 =	por $0x0, $0x0  }
.LBB2_29:
0x2cc: {  	_ =	swait.ge [sflag:s25], $0x28  }
0x2cd: {  	[sflag:s25] =	ssyncset.done $0x0  }
0x2ce: {  	[sflag:s25] =	ssyncadd.s32 $0xFFFFFFD8  }
0x2cf: {  	_ =	swait.ge [sflag:s25], $0x28  }
0x2d0: {  	[sflag:s25] =	ssyncset.done $0x0  }
0x2d1: {  	[sflag:s25] =	ssyncadd.s32 $0xFFFFFFD8  }
0x2d2: {  	p2 =	slt.u32 s30, $0xFA;
	_ =	swait.ge [sflag:s25], $0x28  }
.Ltmp24:
0x2d3: {  	[sflag:s25] =	ssyncset.done $0x0;
	(pc) =	sbr.rel @!p2 .LBB2_33-.Ltmp24, $4  }
0x2d4: {  	s9 =	simm.s32 $0x17C00;
	s10 =	simm.s32 $0x1EB80;
	[sflag:s25] =	ssyncadd.s32 $0xFFFFFFD8  }
0x2d5: {  	[tilespmem:s9], [sflag:$0x4] =	stream.indirect.gather [hbm4b:s1+s8], $0x80, s10, s8, $0xb8;
	[tilespmem:$0x1EC00] =	vst v63  }
0x2d6: {  	s13 =	simm.s32 $0x1E780;
	s31 =	simm.s32 $0x1CC00;
	p1 =	por $0x1, $0x1  }
0x2d7: {  	[tilespmem:s31], [sflag:$0x4] =	stream.indirect.gather [hbm4b:s2+s8], $0x80, s13, s8, $0xb8;
	[tilespmem:$0x1EC00] =	vst v63  }
.LBB2_30:
0x2d8: {  	_ =	swait.ge [sflag:s16], $0x1400  }
0x2d9: {  	[sflag:s16] =	ssyncset.done $0x0  }
0x2da: {  	[sflag:s16] =	ssyncadd.s32 $0xFFFFEC00  }
0x2db: {  	_ =	swait.ge [sflag:s16], $0x1400  }
0x2dc: {  	[sflag:s16] =	ssyncset.done $0x0  }
0x2dd: {  	s12 =	simm.s32 $0x15480;
	[sflag:s16] =	ssyncadd.s32 $0xFFFFEC00  }
0x2de: {  	s10 =	simm.s32 $0x1A480;
	v5 =	vld [tilespmem:s12+$0x70]  }
0x2df: {  	v6 =	vld [tilespmem:s10+$0x70]  }
0x2e0: {  	v7 =	vld [tilespmem:s10+$0x0]  }
0x2e1: {  	v10 =	vld [tilespmem:s10+$0x10]  }
0x2e2: {  	v12 =	vld [tilespmem:s10+$0x20]  }
0x2e3: {  	v3 =	vld [tilespmem:s10+$0x30]  }
0x2e4: {  	v2 =	vld [tilespmem:s10+$0x40]  }
0x2e5: {  	v1 =	vld [tilespmem:s10+$0x50]  }
0x2e6: {  	v0 =	vld [tilespmem:s10+$0x60]  }
0x2e7: {  	v8 =	vld [tilespmem:s12+$0xFFFFFF90]  }
0x2e8: {  	v9 =	vld [tilespmem:s12+$0xFFFFFFA0]  }
0x2e9: {  	v11 =	vld [tilespmem:s12+$0xFFFFFFB0]  }
0x2ea: {  	v13 =	vld [tilespmem:s12+$0xFFFFFFC0]  }
0x2eb: {  	v14 =	vld [tilespmem:s12+$0xFFFFFFD0]  }
0x2ec: {  	v15 =	vld [tilespmem:s12+$0xFFFFFFE0]  }
0x2ed: {  	v16 =	vld [tilespmem:s12+$0xFFFFFFF0]  }
0x2ee: {  	v4 =	vld [tilespmem:s10+$0xFFFFFF80]  }
0x2ef: {  	v17 =	vld [tilespmem:s10+$0xFFFFFF90]  }
0x2f0: {  	v18 =	vld [tilespmem:s10+$0xFFFFFFA0]  }
0x2f1: {  	v19 =	vld [tilespmem:s10+$0xFFFFFFB0]  }
0x2f2: {  	v59 =	vld [tilespmem:s12+$0x0]  }
0x2f3: {  	v20 =	vld [tilespmem:s10+$0xFFFFFFC0];
	v5 =	vmul.f32 v6, v5  }
0x2f4: {  	v58 =	vld [tilespmem:s10+$0xFFFFFFE0];
	v8 =	vmul.f32 v17, v8  }
0x2f5: {  	v6 =	vld [tilespmem:s10+$0xFFFFFFD0];
	v9 =	vmul.f32 v18, v9;
	[tilespmem:s12+$0x70] =	vst v5  }
0x2f6: {  	v11 =	vmul.f32 v19, v11;
	v5 =	vld [tilespmem:s10+$0xFFFFFFF0];
	[tilespmem:s12+$0xFFFFFF90] =	vst v8  }
0x2f7: {  	v60 =	vld [tilespmem:s12+$0x10];
	v63 =	vmul.f32 v7, v59;
	[tilespmem:s12+$0xFFFFFFA0] =	vst v9  }
0x2f8: {  	v61 =	vld [tilespmem:s12+$0x20];
	v8 =	vmul.f32 v20, v13;
	[tilespmem:s12+$0xFFFFFFB0] =	vst v11  }
0x2f9: {  	v11 =	vmul.f32 v58, v15;
	v9 =	vld [tilespmem:s12+$0x30];
	[tilespmem:s12+$0x0] =	vst v63  }
0x2fa: {  	[tilespmem:s12+$0xFFFFFFC0] =	vst v8;
	v8 =	vld [tilespmem:s12+$0x40];
	v6 =	vmul.f32 v6, v14  }
0x2fb: {  	[tilespmem:s12+$0xFFFFFFE0] =	vst v11;
	v62 =	vmul.f32 v5, v16;
	v5 =	vld [tilespmem:s12+$0x50]  }
0x2fc: {  	v11 =	vmul.f32 v10, v60;
	[tilespmem:s12+$0xFFFFFFD0] =	vst v6;
	v6 =	vld [tilespmem:s12+$0x60]  }
0x2fd: {  	s9 =	simm.s32 $0x0;
	s13 =	simm.s32 $0x15580;
	v7 =	vld [tilespmem:s12+$0xFFFFFF80];
	v10 =	vmul.f32 v12, v61;
	[tilespmem:s12+$0xFFFFFFF0] =	vst v62  }
.LBB2_31:
0x2fe: {  	v12 =	vld [tilespmem:s13+$0x70];
	v3 =	vmul.f32 v3, v9;
	[tilespmem:s12+$0x10] =	vst v11;
	s10 =	sadd.s32 $0x100, s10  }
0x2ff: {  	s9 =	sadd.s32 $0x2, s9;
	v9 =	vld [tilespmem:s10+$0x70];
	v2 =	vmul.f32 v2, v8;
	[tilespmem:s12+$0x20] =	vst v10  }
0x300: {  	p3 =	slt.u32 s9, $0x26;
	v10 =	vld [tilespmem:s10+$0x0];
	v1 =	vmul.f32 v1, v5;
	[tilespmem:s12+$0x30] =	vst v3  }
0x301: {  	v11 =	vld [tilespmem:s10+$0x10];
	v0 =	vmul.f32 v0, v6;
	[tilespmem:s12+$0x40] =	vst v2  }
0x302: {  	v13 =	vld [tilespmem:s10+$0x20];
	v4 =	vmul.f32 v4, v7;
	[tilespmem:s12+$0x50] =	vst v1  }
0x303: {  	v3 =	vld [tilespmem:s10+$0x30];
	[tilespmem:s12+$0x60] =	vst v0  }
0x304: {  	v2 =	vld [tilespmem:s10+$0x40];
	v5 =	vmul.f32 v9, v12;
	[tilespmem:s12+$0xFFFFFF80] =	vst v4;
	s12 =	smov.u32 s13  }
0x305: {  	v1 =	vld [tilespmem:s10+$0x50]  }
0x306: {  	v0 =	vld [tilespmem:s10+$0x60];
	[tilespmem:s13+$0x70] =	vst v5  }
0x307: {  	v5 =	vld [tilespmem:s13+$0xFFFFFF90]  }
0x308: {  	v6 =	vld [tilespmem:s13+$0xFFFFFFA0]  }
0x309: {  	v7 =	vld [tilespmem:s13+$0xFFFFFFB0]  }
0x30a: {  	v8 =	vld [tilespmem:s13+$0xFFFFFFC0]  }
0x30b: {  	v9 =	vld [tilespmem:s13+$0xFFFFFFD0]  }
0x30c: {  	v12 =	vld [tilespmem:s13+$0xFFFFFFE0]  }
0x30d: {  	v14 =	vld [tilespmem:s13+$0xFFFFFFF0]  }
0x30e: {  	v4 =	vld [tilespmem:s10+$0xFFFFFF80]  }
0x30f: {  	v15 =	vld [tilespmem:s10+$0xFFFFFF90]  }
0x310: {  	v16 =	vld [tilespmem:s10+$0xFFFFFFA0]  }
0x311: {  	v17 =	vld [tilespmem:s10+$0xFFFFFFB0]  }
0x312: {  	v18 =	vld [tilespmem:s10+$0xFFFFFFC0]  }
0x313: {  	v19 =	vld [tilespmem:s10+$0xFFFFFFD0]  }
0x314: {  	v20 =	vld [tilespmem:s10+$0xFFFFFFE0];
	v5 =	vmul.f32 v15, v5  }
0x315: {  	v15 =	vld [tilespmem:s10+$0xFFFFFFF0];
	v6 =	vmul.f32 v16, v6  }
0x316: {  	v7 =	vmul.f32 v17, v7;
	[tilespmem:s13+$0xFFFFFF90] =	vst v5;
	v16 =	vld [tilespmem:s13+$0x0]  }
0x317: {  	v5 =	vmul.f32 v18, v8;
	[tilespmem:s13+$0xFFFFFFA0] =	vst v6;
	v17 =	vld [tilespmem:s13+$0x10]  }
0x318: {  	v6 =	vmul.f32 v19, v9;
	[tilespmem:s13+$0xFFFFFFB0] =	vst v7;
	v18 =	vld [tilespmem:s13+$0x20]  }
.Ltmp25:
0x319: {  	v7 =	vmul.f32 v20, v12;
	[tilespmem:s13+$0xFFFFFFC0] =	vst v5;
	v9 =	vld [tilespmem:s13+$0x30];
	(pc) =	sbr.rel @p3 .LBB2_31-.Ltmp25, $4  }
0x31a: {  	v12 =	vmul.f32 v15, v14;
	[tilespmem:s13+$0xFFFFFFD0] =	vst v6;
	v8 =	vld [tilespmem:s13+$0x40]  }
0x31b: {  	[tilespmem:s13+$0xFFFFFFE0] =	vst v7;
	v5 =	vld [tilespmem:s13+$0x50];
	v14 =	vmul.f32 v10, v16  }
0x31c: {  	[tilespmem:s13+$0xFFFFFFF0] =	vst v12;
	v6 =	vld [tilespmem:s13+$0x60];
	v11 =	vmul.f32 v11, v17  }
0x31d: {  	s13 =	sadd.s32 $0x100, s13;
	v7 =	vld [tilespmem:s12+$0xFFFFFF80];
	v10 =	vmul.f32 v13, v18;
	[tilespmem:s12+$0x0] =	vst v14  }
0x31e: {  	v3 =	vmul.f32 v3, v9;
	[tilespmem:s12+$0x10] =	vst v11  }
0x31f: {  	v2 =	vmul.f32 v2, v8;
	[tilespmem:s12+$0x20] =	vst v10  }
0x320: {  	v1 =	vmul.f32 v1, v5;
	[tilespmem:s12+$0x30] =	vst v3  }
0x321: {  	v0 =	vmul.f32 v0, v6;
	[tilespmem:s12+$0x40] =	vst v2  }
0x322: {  	v63 =	vmul.f32 v4, v7;
	[tilespmem:s12+$0x50] =	vst v1  }
0x323: {  	[tilespmem:s12+$0x60] =	vst v0  }
0x324: {  	s9 =	simm.s32 $0x1E280;
	[tilespmem:s12+$0xFFFFFF80] =	vst v63  }
0x325: {  	[spmem:s4] =	stream.indirect.scatter.add.f32 [tilespmem:s23], [sflag:$0x6], $0x80, s9, s8, $0xb8;
	[tilespmem:$0x1EC00] =	vst v63  }
.LBB2_33:
0x326: {  	p2 =	sgt.u32 s30, $0xFA  }
.Ltmp26:
0x327: {  	_ = 	snop;
	(pc) =	sbr.rel @p2 .LBB2_37-.Ltmp26, $1  }
0x328: {  	_ =	sdelay $0x3  }
.Ltmp27:
0x329: {  	(pc) =	sbr.rel @p0 .LBB2_38-.Ltmp27, $4  }
0x32a: {  	s9 =	simm.s32 $0x5  }
0x32b: {  	_ =	swait.ge [sflag:s9], $0x1400  }
0x32c: {  	[sflag:s9] =	ssyncset.done $0x0  }
0x32d: {  	[sflag:s9] =	ssyncadd.s32 $0xFFFFEC00  }
.LBB2_35:
.Ltmp28:
0x32e: {  	(pc) =	sbr.rel @!p6 .LBB2_36-.Ltmp28, $2  }
0x32f: {  	_ =	sdelay $0x2  }
0x330: {  	p0 =	por $0x0, $0x0  }
.LBB2_39:
0x331: {  	_ =	swait.ge [sflag:s5], $0x28  }
0x332: {  	[sflag:s5] =	ssyncset.done $0x0  }
0x333: {  	[sflag:s5] =	ssyncadd.s32 $0xFFFFFFD8  }
0x334: {  	_ =	swait.ge [sflag:s5], $0x28  }
0x335: {  	[sflag:s5] =	ssyncset.done $0x0  }
0x336: {  	[sflag:s5] =	ssyncadd.s32 $0xFFFFFFD8  }
0x337: {  	p3 =	slt.u32 s0, $0xFA;
	_ =	swait.ge [sflag:s5], $0x28  }
.Ltmp29:
0x338: {  	[sflag:s5] =	ssyncset.done $0x0;
	(pc) =	sbr.rel @!p3 .LBB2_43-.Ltmp29, $4  }
.Ltmp30:
0x339: {  	s9 =	simm.s32 $0x1E800;
	[sflag:s5] =	ssyncadd.s32 $0xFFFFFFD8;
	(pc) =	sbr.rel @p3 .LBB2_40-.Ltmp30, $4  }
0x33a: {  	[tilespmem:s20], [sflag:$0x1] =	stream.indirect.gather [hbm4b:s1+s8], $0x80, s9, s8, $0xb8;
	[tilespmem:$0x1EC00] =	vst v63  }
0x33b: {  	s31 =	simm.s32 $0x1E400;
	s10 =	simm.s32 $0x19000;
	p2 =	por $0x1, $0x1  }
0x33c: {  	[tilespmem:s10], [sflag:$0x1] =	stream.indirect.gather [hbm4b:s2+s8], $0x80, s31, s8, $0xb8;
	[tilespmem:$0x1EC00] =	vst v63  }
0x33d: {  	_ = 	snop  }
.LBB2_37:
.Ltmp31:
0x33e: {  	(pc) =	sbr.rel @!p0 .LBB2_35-.Ltmp31, $1  }
0x33f: {  	_ =	sdelay $0x3  }
.LBB2_38:
0x340: {  	s9 =	sld [smem:$0x7FB];
	_ =	sdelay $0x2  }
0x341: {  	s9 =	sadd.s32 s29, s9  }
0x342: {  	s9 =	sshrl.u32 s9, $0x3  }
0x343: {  	s10 =	simm.s32 $0x1E200;
	s9 =	sadd.s32 s3, s9  }
0x344: {  	[tilespmem:s10], [sflag:$0xD] =	stream.linear.gather [hbm4b:s9+s6], $0x28, $0x38;
	[tilespmem:$0x1EC00] =	vst v63  }
.Ltmp32:
0x345: {  	_ = 	snop;
	(pc) =	sbr.rel @p6 .LBB2_39-.Ltmp32, $4  }
0x346: {  	s12 =	simm.s32 $0x1E600;
	s30 =	sadd.s32 $0x9C40, s9  }
0x347: {  	[tilespmem:s12], [sflag:$0xD] =	stream.linear.gather [hbm4b:s30+s6], $0x28, $0x38;
	[tilespmem:$0x1EC00] =	vst v63  }
0x348: {  	s31 =	simm.s32 $0x1EA00;
	p0 =	por $0x1, $0x1;
	s9 =	sadd.s32 $0x13880, s9  }
0x349: {  	[tilespmem:s31], [sflag:$0xD] =	stream.linear.gather [hbm4b:s9+s6], $0x28, $0x38;
	[tilespmem:$0x1EC00] =	vst v63  }
.LBB2_36:
.Ltmp33:
0x34a: {  	(pc) =	sbr.rel @p4 .LBB2_43-.Ltmp33, $2  }
0x34b: {  	_ =	sdelay $0x2  }
0x34c: {  	p2 =	por $0x0, $0x0  }
.LBB2_40:
0x34d: {  	_ =	swait.ge [sflag:s17], $0x1400  }
0x34e: {  	[sflag:s17] =	ssyncset.done $0x0  }
0x34f: {  	[sflag:s17] =	ssyncadd.s32 $0xFFFFEC00  }
0x350: {  	_ =	swait.ge [sflag:s17], $0x1400  }
0x351: {  	[sflag:s17] =	ssyncset.done $0x0  }
0x352: {  	s12 =	simm.s32 $0x16880;
	[sflag:s17] =	ssyncadd.s32 $0xFFFFEC00  }
0x353: {  	s10 =	simm.s32 $0x1B880;
	v5 =	vld [tilespmem:s12+$0x70]  }
0x354: {  	v6 =	vld [tilespmem:s10+$0x70]  }
0x355: {  	v7 =	vld [tilespmem:s10+$0x0]  }
0x356: {  	v10 =	vld [tilespmem:s10+$0x10]  }
0x357: {  	v12 =	vld [tilespmem:s10+$0x20]  }
0x358: {  	v3 =	vld [tilespmem:s10+$0x30]  }
0x359: {  	v2 =	vld [tilespmem:s10+$0x40]  }
0x35a: {  	v1 =	vld [tilespmem:s10+$0x50]  }
0x35b: {  	v0 =	vld [tilespmem:s10+$0x60]  }
0x35c: {  	v8 =	vld [tilespmem:s12+$0xFFFFFF90]  }
0x35d: {  	v9 =	vld [tilespmem:s12+$0xFFFFFFA0]  }
0x35e: {  	v11 =	vld [tilespmem:s12+$0xFFFFFFB0]  }
0x35f: {  	v13 =	vld [tilespmem:s12+$0xFFFFFFC0]  }
0x360: {  	v14 =	vld [tilespmem:s12+$0xFFFFFFD0]  }
0x361: {  	v15 =	vld [tilespmem:s12+$0xFFFFFFE0]  }
0x362: {  	v16 =	vld [tilespmem:s12+$0xFFFFFFF0]  }
0x363: {  	v4 =	vld [tilespmem:s10+$0xFFFFFF80]  }
0x364: {  	v17 =	vld [tilespmem:s10+$0xFFFFFF90]  }
0x365: {  	v18 =	vld [tilespmem:s10+$0xFFFFFFA0]  }
0x366: {  	v19 =	vld [tilespmem:s10+$0xFFFFFFB0]  }
0x367: {  	v59 =	vld [tilespmem:s12+$0x0]  }
0x368: {  	v20 =	vld [tilespmem:s10+$0xFFFFFFC0];
	v5 =	vmul.f32 v6, v5  }
0x369: {  	v58 =	vld [tilespmem:s10+$0xFFFFFFE0];
	v8 =	vmul.f32 v17, v8  }
0x36a: {  	v6 =	vld [tilespmem:s10+$0xFFFFFFD0];
	v9 =	vmul.f32 v18, v9;
	[tilespmem:s12+$0x70] =	vst v5  }
0x36b: {  	v11 =	vmul.f32 v19, v11;
	v5 =	vld [tilespmem:s10+$0xFFFFFFF0];
	[tilespmem:s12+$0xFFFFFF90] =	vst v8  }
0x36c: {  	v60 =	vld [tilespmem:s12+$0x10];
	v63 =	vmul.f32 v7, v59;
	[tilespmem:s12+$0xFFFFFFA0] =	vst v9  }
0x36d: {  	v61 =	vld [tilespmem:s12+$0x20];
	v8 =	vmul.f32 v20, v13;
	[tilespmem:s12+$0xFFFFFFB0] =	vst v11  }
0x36e: {  	v11 =	vmul.f32 v58, v15;
	v9 =	vld [tilespmem:s12+$0x30];
	[tilespmem:s12+$0x0] =	vst v63  }
0x36f: {  	[tilespmem:s12+$0xFFFFFFC0] =	vst v8;
	v8 =	vld [tilespmem:s12+$0x40];
	v6 =	vmul.f32 v6, v14  }
0x370: {  	[tilespmem:s12+$0xFFFFFFE0] =	vst v11;
	v62 =	vmul.f32 v5, v16;
	v5 =	vld [tilespmem:s12+$0x50]  }
0x371: {  	v11 =	vmul.f32 v10, v60;
	[tilespmem:s12+$0xFFFFFFD0] =	vst v6;
	v6 =	vld [tilespmem:s12+$0x60]  }
0x372: {  	s9 =	simm.s32 $0x0;
	s13 =	simm.s32 $0x16980;
	v7 =	vld [tilespmem:s12+$0xFFFFFF80];
	v10 =	vmul.f32 v12, v61;
	[tilespmem:s12+$0xFFFFFFF0] =	vst v62  }
.LBB2_41:
0x373: {  	v12 =	vld [tilespmem:s13+$0x70];
	v3 =	vmul.f32 v3, v9;
	[tilespmem:s12+$0x10] =	vst v11;
	s10 =	sadd.s32 $0x100, s10  }
0x374: {  	s9 =	sadd.s32 $0x2, s9;
	v9 =	vld [tilespmem:s10+$0x70];
	v2 =	vmul.f32 v2, v8;
	[tilespmem:s12+$0x20] =	vst v10  }
0x375: {  	p3 =	slt.u32 s9, $0x26;
	v10 =	vld [tilespmem:s10+$0x0];
	v1 =	vmul.f32 v1, v5;
	[tilespmem:s12+$0x30] =	vst v3  }
0x376: {  	v11 =	vld [tilespmem:s10+$0x10];
	v0 =	vmul.f32 v0, v6;
	[tilespmem:s12+$0x40] =	vst v2  }
0x377: {  	v13 =	vld [tilespmem:s10+$0x20];
	v4 =	vmul.f32 v4, v7;
	[tilespmem:s12+$0x50] =	vst v1  }
0x378: {  	v3 =	vld [tilespmem:s10+$0x30];
	[tilespmem:s12+$0x60] =	vst v0  }
0x379: {  	v2 =	vld [tilespmem:s10+$0x40];
	v5 =	vmul.f32 v9, v12;
	[tilespmem:s12+$0xFFFFFF80] =	vst v4;
	s12 =	smov.u32 s13  }
0x37a: {  	v1 =	vld [tilespmem:s10+$0x50]  }
0x37b: {  	v0 =	vld [tilespmem:s10+$0x60];
	[tilespmem:s13+$0x70] =	vst v5  }
0x37c: {  	v5 =	vld [tilespmem:s13+$0xFFFFFF90]  }
0x37d: {  	v6 =	vld [tilespmem:s13+$0xFFFFFFA0]  }
0x37e: {  	v7 =	vld [tilespmem:s13+$0xFFFFFFB0]  }
0x37f: {  	v8 =	vld [tilespmem:s13+$0xFFFFFFC0]  }
0x380: {  	v9 =	vld [tilespmem:s13+$0xFFFFFFD0]  }
0x381: {  	v12 =	vld [tilespmem:s13+$0xFFFFFFE0]  }
0x382: {  	v14 =	vld [tilespmem:s13+$0xFFFFFFF0]  }
0x383: {  	v4 =	vld [tilespmem:s10+$0xFFFFFF80]  }
0x384: {  	v15 =	vld [tilespmem:s10+$0xFFFFFF90]  }
0x385: {  	v16 =	vld [tilespmem:s10+$0xFFFFFFA0]  }
0x386: {  	v17 =	vld [tilespmem:s10+$0xFFFFFFB0]  }
0x387: {  	v18 =	vld [tilespmem:s10+$0xFFFFFFC0]  }
0x388: {  	v19 =	vld [tilespmem:s10+$0xFFFFFFD0]  }
0x389: {  	v20 =	vld [tilespmem:s10+$0xFFFFFFE0];
	v5 =	vmul.f32 v15, v5  }
0x38a: {  	v15 =	vld [tilespmem:s10+$0xFFFFFFF0];
	v6 =	vmul.f32 v16, v6  }
0x38b: {  	v7 =	vmul.f32 v17, v7;
	[tilespmem:s13+$0xFFFFFF90] =	vst v5;
	v16 =	vld [tilespmem:s13+$0x0]  }
0x38c: {  	v5 =	vmul.f32 v18, v8;
	[tilespmem:s13+$0xFFFFFFA0] =	vst v6;
	v17 =	vld [tilespmem:s13+$0x10]  }
0x38d: {  	v6 =	vmul.f32 v19, v9;
	[tilespmem:s13+$0xFFFFFFB0] =	vst v7;
	v18 =	vld [tilespmem:s13+$0x20]  }
.Ltmp34:
0x38e: {  	v7 =	vmul.f32 v20, v12;
	[tilespmem:s13+$0xFFFFFFC0] =	vst v5;
	v9 =	vld [tilespmem:s13+$0x30];
	(pc) =	sbr.rel @p3 .LBB2_41-.Ltmp34, $4  }
0x38f: {  	v12 =	vmul.f32 v15, v14;
	[tilespmem:s13+$0xFFFFFFD0] =	vst v6;
	v8 =	vld [tilespmem:s13+$0x40]  }
0x390: {  	[tilespmem:s13+$0xFFFFFFE0] =	vst v7;
	v5 =	vld [tilespmem:s13+$0x50];
	v14 =	vmul.f32 v10, v16  }
0x391: {  	[tilespmem:s13+$0xFFFFFFF0] =	vst v12;
	v6 =	vld [tilespmem:s13+$0x60];
	v11 =	vmul.f32 v11, v17  }
0x392: {  	s13 =	sadd.s32 $0x100, s13;
	v7 =	vld [tilespmem:s12+$0xFFFFFF80];
	v10 =	vmul.f32 v13, v18;
	[tilespmem:s12+$0x0] =	vst v14  }
0x393: {  	v3 =	vmul.f32 v3, v9;
	[tilespmem:s12+$0x10] =	vst v11  }
0x394: {  	v2 =	vmul.f32 v2, v8;
	[tilespmem:s12+$0x20] =	vst v10  }
0x395: {  	v1 =	vmul.f32 v1, v5;
	[tilespmem:s12+$0x30] =	vst v3  }
0x396: {  	v0 =	vmul.f32 v0, v6;
	[tilespmem:s12+$0x40] =	vst v2  }
0x397: {  	v63 =	vmul.f32 v4, v7;
	[tilespmem:s12+$0x50] =	vst v1  }
0x398: {  	[tilespmem:s12+$0x60] =	vst v0  }
0x399: {  	s9 =	simm.s32 $0x1E300;
	[tilespmem:s12+$0xFFFFFF80] =	vst v63  }
0x39a: {  	[spmem:s4] =	stream.indirect.scatter.add.f32 [tilespmem:s28], [sflag:$0x7], $0x80, s9, s8, $0xb8;
	[tilespmem:$0x1EC00] =	vst v63  }
.LBB2_43:
0x39b: {  	p3 =	sgt.u32 s0, $0xFA  }
.Ltmp35:
0x39c: {  	_ = 	snop;
	(pc) =	sbr.rel @p3 .LBB2_47-.Ltmp35, $1  }
0x39d: {  	_ =	sdelay $0x3  }
.Ltmp36:
0x39e: {  	(pc) =	sbr.rel @p0 .LBB2_48-.Ltmp36, $4  }
0x39f: {  	_ = 	snop  }
0x3a0: {  	_ =	swait.ge [sflag:s19], $0x1400  }
0x3a1: {  	[sflag:s19] =	ssyncset.done $0x0  }
0x3a2: {  	[sflag:s19] =	ssyncadd.s32 $0xFFFFEC00  }
.LBB2_45:
.Ltmp37:
0x3a3: {  	(pc) =	sbr.rel @!p2 .LBB2_46-.Ltmp37, $2  }
0x3a4: {  	_ =	sdelay $0x2  }
0x3a5: {  	p0 =	por $0x0, $0x0  }
.LBB2_49:
0x3a6: {  	_ =	swait.ge [sflag:s21], $0x28  }
0x3a7: {  	[sflag:s21] =	ssyncset.done $0x0  }
0x3a8: {  	[sflag:s21] =	ssyncadd.s32 $0xFFFFFFD8  }
0x3a9: {  	_ =	swait.ge [sflag:s21], $0x28  }
0x3aa: {  	[sflag:s21] =	ssyncset.done $0x0  }
0x3ab: {  	[sflag:s21] =	ssyncadd.s32 $0xFFFFFFD8  }
0x3ac: {  	_ =	swait.ge [sflag:s21], $0x28  }
.Ltmp38:
0x3ad: {  	[sflag:s21] =	ssyncset.done $0x0;
	(pc) =	sbr.rel @!p1 .LBB2_53-.Ltmp38, $4  }
.Ltmp39:
0x3ae: {  	s0 =	simm.s32 $0x1E880;
	[sflag:s21] =	ssyncadd.s32 $0xFFFFFFD8;
	(pc) =	sbr.rel @p1 .LBB2_50-.Ltmp39, $4  }
0x3af: {  	[tilespmem:s23], [sflag:$0x2] =	stream.indirect.gather [hbm4b:s1+s8], $0x80, s0, s8, $0xb8;
	[tilespmem:$0x1EC00] =	vst v63  }
0x3b0: {  	s31 =	simm.s32 $0x1E480;
	s9 =	simm.s32 $0x1A400  }
0x3b1: {  	[tilespmem:s9], [sflag:$0x2] =	stream.indirect.gather [hbm4b:s2+s8], $0x80, s31, s8, $0xb8;
	[tilespmem:$0x1EC00] =	vst v63  }
0x3b2: {  	_ = 	snop  }
.LBB2_47:
.Ltmp40:
0x3b3: {  	(pc) =	sbr.rel @!p0 .LBB2_45-.Ltmp40, $1  }
0x3b4: {  	_ =	sdelay $0x3  }
.LBB2_48:
0x3b5: {  	s0 =	sld [smem:$0x7FC];
	_ =	sdelay $0x2  }
0x3b6: {  	s0 =	sadd.s32 s29, s0  }
0x3b7: {  	s0 =	sshrl.u32 s0, $0x3  }
0x3b8: {  	s9 =	simm.s32 $0x1E280;
	s0 =	sadd.s32 s3, s0  }
0x3b9: {  	[tilespmem:s9], [sflag:$0xE] =	stream.linear.gather [hbm4b:s0+s6], $0x28, $0x38;
	[tilespmem:$0x1EC00] =	vst v63  }
.Ltmp41:
0x3ba: {  	_ = 	snop;
	(pc) =	sbr.rel @p2 .LBB2_49-.Ltmp41, $4  }
0x3bb: {  	s10 =	simm.s32 $0x1E680;
	s30 =	sadd.s32 $0x9C40, s0  }
0x3bc: {  	[tilespmem:s10], [sflag:$0xE] =	stream.linear.gather [hbm4b:s30+s6], $0x28, $0x38;
	[tilespmem:$0x1EC00] =	vst v63  }
0x3bd: {  	s31 =	simm.s32 $0x1EA80;
	p0 =	por $0x1, $0x1;
	s0 =	sadd.s32 $0x13880, s0  }
0x3be: {  	[tilespmem:s31], [sflag:$0xE] =	stream.linear.gather [hbm4b:s0+s6], $0x28, $0x38;
	[tilespmem:$0x1EC00] =	vst v63  }
.LBB2_46:
.Ltmp42:
0x3bf: {  	(pc) =	sbr.rel @!p1 .LBB2_53-.Ltmp42, $1  }
0x3c0: {  	_ =	sdelay $0x3  }
.LBB2_50:
0x3c1: {  	_ =	swait.ge [sflag:s11], $0x1400  }
0x3c2: {  	[sflag:s11] =	ssyncset.done $0x0  }
0x3c3: {  	[sflag:s11] =	ssyncadd.s32 $0xFFFFEC00  }
0x3c4: {  	_ =	swait.ge [sflag:s11], $0x1400  }
0x3c5: {  	[sflag:s11] =	ssyncset.done $0x0  }
0x3c6: {  	s0 =	simm.s32 $0x17C80;
	[sflag:s11] =	ssyncadd.s32 $0xFFFFEC00  }
0x3c7: {  	s10 =	simm.s32 $0x1CC80;
	v5 =	vld [tilespmem:s0+$0x70]  }
0x3c8: {  	v6 =	vld [tilespmem:s10+$0x70]  }
0x3c9: {  	v7 =	vld [tilespmem:s10+$0x0]  }
0x3ca: {  	v10 =	vld [tilespmem:s10+$0x10]  }
0x3cb: {  	v12 =	vld [tilespmem:s10+$0x20]  }
0x3cc: {  	v3 =	vld [tilespmem:s10+$0x30]  }
0x3cd: {  	v2 =	vld [tilespmem:s10+$0x40]  }
0x3ce: {  	v1 =	vld [tilespmem:s10+$0x50]  }
0x3cf: {  	v0 =	vld [tilespmem:s10+$0x60]  }
0x3d0: {  	v8 =	vld [tilespmem:s0+$0xFFFFFF90]  }
0x3d1: {  	v9 =	vld [tilespmem:s0+$0xFFFFFFA0]  }
0x3d2: {  	v11 =	vld [tilespmem:s0+$0xFFFFFFB0]  }
0x3d3: {  	v13 =	vld [tilespmem:s0+$0xFFFFFFC0]  }
0x3d4: {  	v14 =	vld [tilespmem:s0+$0xFFFFFFD0]  }
0x3d5: {  	v15 =	vld [tilespmem:s0+$0xFFFFFFE0]  }
0x3d6: {  	v16 =	vld [tilespmem:s0+$0xFFFFFFF0]  }
0x3d7: {  	v4 =	vld [tilespmem:s10+$0xFFFFFF80]  }
0x3d8: {  	v17 =	vld [tilespmem:s10+$0xFFFFFF90]  }
0x3d9: {  	v18 =	vld [tilespmem:s10+$0xFFFFFFA0]  }
0x3da: {  	v19 =	vld [tilespmem:s10+$0xFFFFFFB0]  }
0x3db: {  	v59 =	vld [tilespmem:s0+$0x0]  }
0x3dc: {  	v20 =	vld [tilespmem:s10+$0xFFFFFFC0];
	v5 =	vmul.f32 v6, v5  }
0x3dd: {  	v58 =	vld [tilespmem:s10+$0xFFFFFFE0];
	v8 =	vmul.f32 v17, v8  }
0x3de: {  	v6 =	vld [tilespmem:s10+$0xFFFFFFD0];
	v9 =	vmul.f32 v18, v9;
	[tilespmem:s0+$0x70] =	vst v5  }
0x3df: {  	v11 =	vmul.f32 v19, v11;
	v5 =	vld [tilespmem:s10+$0xFFFFFFF0];
	[tilespmem:s0+$0xFFFFFF90] =	vst v8  }
0x3e0: {  	v60 =	vld [tilespmem:s0+$0x10];
	v63 =	vmul.f32 v7, v59;
	[tilespmem:s0+$0xFFFFFFA0] =	vst v9  }
0x3e1: {  	v61 =	vld [tilespmem:s0+$0x20];
	v8 =	vmul.f32 v20, v13;
	[tilespmem:s0+$0xFFFFFFB0] =	vst v11  }
0x3e2: {  	v11 =	vmul.f32 v58, v15;
	v9 =	vld [tilespmem:s0+$0x30];
	[tilespmem:s0+$0x0] =	vst v63  }
0x3e3: {  	[tilespmem:s0+$0xFFFFFFC0] =	vst v8;
	v8 =	vld [tilespmem:s0+$0x40];
	v6 =	vmul.f32 v6, v14  }
0x3e4: {  	[tilespmem:s0+$0xFFFFFFE0] =	vst v11;
	v62 =	vmul.f32 v5, v16;
	v5 =	vld [tilespmem:s0+$0x50]  }
0x3e5: {  	v11 =	vmul.f32 v10, v60;
	[tilespmem:s0+$0xFFFFFFD0] =	vst v6;
	v6 =	vld [tilespmem:s0+$0x60]  }
0x3e6: {  	s9 =	simm.s32 $0x0;
	s12 =	simm.s32 $0x17D80;
	v7 =	vld [tilespmem:s0+$0xFFFFFF80];
	v10 =	vmul.f32 v12, v61;
	[tilespmem:s0+$0xFFFFFFF0] =	vst v62  }
.LBB2_51:
0x3e7: {  	v12 =	vld [tilespmem:s12+$0x70];
	v3 =	vmul.f32 v3, v9;
	[tilespmem:s0+$0x10] =	vst v11;
	s10 =	sadd.s32 $0x100, s10  }
0x3e8: {  	s9 =	sadd.s32 $0x2, s9;
	v9 =	vld [tilespmem:s10+$0x70];
	v2 =	vmul.f32 v2, v8;
	[tilespmem:s0+$0x20] =	vst v10  }
0x3e9: {  	p1 =	slt.u32 s9, $0x26;
	v10 =	vld [tilespmem:s10+$0x0];
	v1 =	vmul.f32 v1, v5;
	[tilespmem:s0+$0x30] =	vst v3  }
0x3ea: {  	v11 =	vld [tilespmem:s10+$0x10];
	v0 =	vmul.f32 v0, v6;
	[tilespmem:s0+$0x40] =	vst v2  }
0x3eb: {  	v13 =	vld [tilespmem:s10+$0x20];
	v4 =	vmul.f32 v4, v7;
	[tilespmem:s0+$0x50] =	vst v1  }
0x3ec: {  	v3 =	vld [tilespmem:s10+$0x30];
	[tilespmem:s0+$0x60] =	vst v0  }
0x3ed: {  	v2 =	vld [tilespmem:s10+$0x40];
	v5 =	vmul.f32 v9, v12;
	[tilespmem:s0+$0xFFFFFF80] =	vst v4;
	s0 =	smov.u32 s12  }
0x3ee: {  	v1 =	vld [tilespmem:s10+$0x50]  }
0x3ef: {  	v0 =	vld [tilespmem:s10+$0x60];
	[tilespmem:s12+$0x70] =	vst v5  }
0x3f0: {  	v5 =	vld [tilespmem:s12+$0xFFFFFF90]  }
0x3f1: {  	v6 =	vld [tilespmem:s12+$0xFFFFFFA0]  }
0x3f2: {  	v7 =	vld [tilespmem:s12+$0xFFFFFFB0]  }
0x3f3: {  	v8 =	vld [tilespmem:s12+$0xFFFFFFC0]  }
0x3f4: {  	v9 =	vld [tilespmem:s12+$0xFFFFFFD0]  }
0x3f5: {  	v12 =	vld [tilespmem:s12+$0xFFFFFFE0]  }
0x3f6: {  	v14 =	vld [tilespmem:s12+$0xFFFFFFF0]  }
0x3f7: {  	v4 =	vld [tilespmem:s10+$0xFFFFFF80]  }
0x3f8: {  	v15 =	vld [tilespmem:s10+$0xFFFFFF90]  }
0x3f9: {  	v16 =	vld [tilespmem:s10+$0xFFFFFFA0]  }
0x3fa: {  	v17 =	vld [tilespmem:s10+$0xFFFFFFB0]  }
0x3fb: {  	v18 =	vld [tilespmem:s10+$0xFFFFFFC0]  }
0x3fc: {  	v19 =	vld [tilespmem:s10+$0xFFFFFFD0]  }
0x3fd: {  	v20 =	vld [tilespmem:s10+$0xFFFFFFE0];
	v5 =	vmul.f32 v15, v5  }
0x3fe: {  	v15 =	vld [tilespmem:s10+$0xFFFFFFF0];
	v6 =	vmul.f32 v16, v6  }
0x3ff: {  	v7 =	vmul.f32 v17, v7;
	[tilespmem:s12+$0xFFFFFF90] =	vst v5;
	v16 =	vld [tilespmem:s12+$0x0]  }
0x400: {  	v5 =	vmul.f32 v18, v8;
	[tilespmem:s12+$0xFFFFFFA0] =	vst v6;
	v17 =	vld [tilespmem:s12+$0x10]  }
0x401: {  	v6 =	vmul.f32 v19, v9;
	[tilespmem:s12+$0xFFFFFFB0] =	vst v7;
	v18 =	vld [tilespmem:s12+$0x20]  }
.Ltmp43:
0x402: {  	v7 =	vmul.f32 v20, v12;
	[tilespmem:s12+$0xFFFFFFC0] =	vst v5;
	v9 =	vld [tilespmem:s12+$0x30];
	(pc) =	sbr.rel @p1 .LBB2_51-.Ltmp43, $4  }
0x403: {  	v12 =	vmul.f32 v15, v14;
	[tilespmem:s12+$0xFFFFFFD0] =	vst v6;
	v8 =	vld [tilespmem:s12+$0x40]  }
0x404: {  	[tilespmem:s12+$0xFFFFFFE0] =	vst v7;
	v5 =	vld [tilespmem:s12+$0x50];
	v14 =	vmul.f32 v10, v16  }
0x405: {  	[tilespmem:s12+$0xFFFFFFF0] =	vst v12;
	v6 =	vld [tilespmem:s12+$0x60];
	v11 =	vmul.f32 v11, v17  }
0x406: {  	s12 =	sadd.s32 $0x100, s12;
	v7 =	vld [tilespmem:s0+$0xFFFFFF80];
	v10 =	vmul.f32 v13, v18;
	[tilespmem:s0+$0x0] =	vst v14  }
0x407: {  	v3 =	vmul.f32 v3, v9;
	[tilespmem:s0+$0x10] =	vst v11  }
0x408: {  	v2 =	vmul.f32 v2, v8;
	[tilespmem:s0+$0x20] =	vst v10  }
0x409: {  	v1 =	vmul.f32 v1, v5;
	[tilespmem:s0+$0x30] =	vst v3  }
0x40a: {  	v0 =	vmul.f32 v0, v6;
	[tilespmem:s0+$0x40] =	vst v2  }
0x40b: {  	v63 =	vmul.f32 v4, v7;
	[tilespmem:s0+$0x50] =	vst v1  }
0x40c: {  	[tilespmem:s0+$0x60] =	vst v0  }
0x40d: {  	s31 =	simm.s32 $0x17C00;
	s9 =	simm.s32 $0x1E380;
	[tilespmem:s0+$0xFFFFFF80] =	vst v63  }
0x40e: {  	[spmem:s4] =	stream.indirect.scatter.add.f32 [tilespmem:s31], [sflag:$0x8], $0x80, s9, s8, $0xb8;
	[tilespmem:$0x1EC00] =	vst v63  }
.LBB2_53:
0x40f: {  	p1 =	sgt.u32 s14, $0xFA  }
.Ltmp44:
0x410: {  	_ = 	snop;
	(pc) =	sbr.rel @p1 .LBB2_55-.Ltmp44, $1  }
0x411: {  	_ =	sdelay $0x3  }
.Ltmp45:
0x412: {  	(pc) =	sbr.rel @p0 .LBB2_56-.Ltmp45, $4  }
.Ltmp46:
0x413: {  	s0 =	simm.s32 $0x7;
	(pc) =	sbr.rel @!p0 .LBB2_57-.Ltmp46, $4  }
0x414: {  	_ =	swait.ge [sflag:s0], $0x1400  }
0x415: {  	[sflag:s0] =	ssyncset.done $0x0  }
0x416: {  	[sflag:s0] =	ssyncadd.s32 $0xFFFFEC00  }
0x417: {  	_ = 	snop  }
.LBB2_55:
.Ltmp47:
0x418: {  	(pc) =	sbr.rel @!p0 .LBB2_57-.Ltmp47, $4  }
.Ltmp48:
0x419: {  	(pc) =	sbr.rel @p0 .LBB2_56-.Ltmp48, $4  }
0x41a: {  	_ = 	snop  }
0x41b: {  	_ = 	snop  }
0x41c: {  	_ = 	snop  }
0x41d: {  	_ = 	snop  }
.LBB2_59:
0x41e: {  	_ =	sfence.sel $0x180000  }
0x41f: {  	[bflag:$0x0] =	sbarrier.arrive $0xFFFF  }
0x420: {  	_ =	strace $0x90000047  }
0x421: {  	s0 =	stileid.u32;
	[bflag:$0x2] =	sbarrier.arrive $0xFFFF  }
0x422: {  	p0 =	sne.s32 s0, $0x0;
	s0 =	rddreg [dreg:$0x5]  }
0x423: {  	s0 =	sadd.s32 @!p0 $0x100000, s0  }
0x424: {  	[sflag:s0] =	ssyncadd.tile.s32 @!p0 $0x1;
	_ =	shalt  }
.Lfunc_end2:
_tile_overlayer_lowered:
.L_overlay_start_2:
0x425: {  	(tag) =	ssettag $0x2  }
0x426: {  	s0 =	rddreg [dreg:$0x0];
	s2 =	stileid.u32  }
0x427: {  	s1 =	rddreg [dreg:$0x1];
	p0 =	sne.s32 s2, $0x0  }
0x428: {  	s3 =	rddreg [dreg:$0x2];
	[bflag:$0x3] =	sbarrier.arrive $0xFFFF;
	s2 =	simm.s32 @!p0 $0x1C11  }
0x429: {  	[timem:s3], [sflag:s2] =	dma.local @!p0 [hbm:s0], s1  }
0x42a: {  	s0 =	simm.s32 @!p0 $0x11  }
0x42b: {  	_ =	swait.ge @!p0 [sflag:s0], s1  }
0x42c: {  	s1 =	ssub.s32 @!p0 $0x0, s1;
	[sflag:s0] =	ssyncset.done @!p0 $0x0  }
0x42d: {  	[sflag:s0] =	ssyncadd.s32 @!p0 s1  }
0x42e: {  	[bflag:$0x3] =	sbarrier.arrive $0xFFFF  }
0x42f: {  	_ =	shalt  }

</sc_bundles>
